<compile_context>
chip_gen: v7x
topology: tpu7x:2x2x1
jax: 0.10.2.dev20260603
libtpu: 0.0.44.dev20260713+nightly
codegen_flags: <defaults>
</compile_context>

<pallas_src>
import functools

import jax
import jax.numpy as jnp
from jax import lax
from jax.experimental import pallas as pl
from jax.experimental.pallas import tpu as pltpu
from jax.experimental.pallas import tpu_sc as plsc

_NUM_USERS = 25000
_N_NODES = 50000
_N_EDGES = 800000
_D = 64
_LAYERS = 3
_GAMMA = 0.4
_C1 = (1.0 - _GAMMA) / 3.0
_REG = 1e-4
_BATCH = 4096

_NC = 2
_NS = 16
_HALF_E = _N_EDGES // 2
_HALF_N = _N_NODES // 2
_K = 128
_CHUNKS = _HALF_E // _K
_WB = 1560
_WREM = _HALF_N - _NS * _WB
_ZN = _WB // _K
_ZREM = _WB - _ZN * _K

_M = 25
_ME = _M * _K
_BLKS = _CHUNKS // _M
_BPTS = _BLKS // _NS
_BREM = _BLKS % _NS

_NB = 3 * _BATCH
_BPT = _NB // (_NC * _NS)
_BK = 128
_BC = _BPT // _BK


def _mesh():
    return plsc.VectorSubcoreMesh(
        core_axis_name="c", subcore_axis_name="s",
        num_cores=_NC, num_subcores=_NS)


def _normalize_body(x_ref, o_ref):
    x = x_ref[...]
    ss = jnp.sum(x * x, axis=1, keepdims=True)
    xn = x * (1.0 / (jnp.sqrt(ss) + 1e-12))
    parts = []
    for g in range(_D // 32):
        a = xn[:, g * 32:g * 32 + 16].astype(jnp.bfloat16)
        b = xn[:, g * 32 + 16:g * 32 + 32].astype(jnp.bfloat16)
        a32 = lax.bitcast_convert_type(a, jnp.uint16).astype(jnp.uint32)
        b32 = lax.bitcast_convert_type(b, jnp.uint16).astype(jnp.uint32)
        parts.append(a32 | (b32 << 16))
    o_ref[...] = jnp.concatenate(parts, axis=1)


def _normalize(emb):
    rows = 2000
    return pl.pallas_call(
        _normalize_body,
        grid=(_N_NODES // rows,),
        in_specs=[pl.BlockSpec((rows, _D), lambda i: (i, 0))],
        out_specs=pl.BlockSpec((rows, _D // 2), lambda i: (i, 0)),
        out_shape=jax.ShapeDtypeStruct((_N_NODES, _D // 2), jnp.uint32),
    )(emb)


def _spmm_body(pk_h, row_h, col_h, val_h, out_h,
               acc, colm_v, rowm_v, valm_v,
               col0_v, col1_v, row0_v, row1_v,
               gat0_v, gat1_v, sca_v,
               semg0, semg1):
    c = lax.axis_index("c")
    s = lax.axis_index("s")
    col_b = (col0_v, col1_v)
    row_b = (row0_v, row1_v)
    gat_b = (gat0_v, gat1_v)
    semg = (semg0, semg1)

    def zrow(i, carry):
        for d in range(_D // 16):
            sca_v[i, pl.ds(d * 16, 16)] = jnp.zeros((16,), jnp.float32)
        return carry
    lax.fori_loop(0, _K, zrow, 0)
    r0 = s * _WB

    def zcopy(jz, carry):
        pltpu.sync_copy(sca_v, acc.at[pl.ds(r0 + jz * _K, _K)])
        return carry
    lax.fori_loop(0, _ZN, zcopy, 0)
    pltpu.sync_copy(sca_v.at[pl.ds(0, _ZREM)],
                    acc.at[pl.ds(r0 + _ZN * _K, _ZREM)])

    @pl.when(s == 0)
    def _():
        pltpu.sync_copy(sca_v.at[pl.ds(0, _WREM)],
                        acc.at[pl.ds(_NS * _WB, _WREM)])
    plsc.subcore_barrier()

    base_n = c * _HALF_N
    start = s * _BPTS + jnp.minimum(s, _BREM)
    cnt = _BPTS + jnp.where(s < _BREM, 1, 0)

    def build_col(j, b):
        @plsc.parallel_loop(0, _K // 16, unroll=4)
        def _(g):
            sl = pl.ds(g * 16, 16)
            col_b[b][sl] = colm_v[pl.ds(j * _K + g * 16, 16)]

    def block(bi, carry):
        e0 = c * _HALF_E + bi * _ME
        pltpu.sync_copy(col_h.at[pl.ds(e0, _ME)], colm_v)
        pltpu.sync_copy(row_h.at[pl.ds(e0, _ME)], rowm_v)
        pltpu.sync_copy(val_h.at[pl.ds(e0, _ME)], valm_v)
        build_col(0, 0)
        pltpu.async_copy(pk_h.at[col0_v], gat0_v, semg0)

        def chunk(j, carry2):
            def step(b):
                nb = 1 - b

                @pl.when(j < _M - 1)
                def _():
                    build_col(jnp.int32(j) + 1, nb)
                    pltpu.async_copy(
                        pk_h.at[col_b[nb]], gat_b[nb], semg[nb])
                pltpu.make_async_copy(
                    pk_h.at[col_b[b]], gat_b[b], semg[b]).wait()

                @plsc.parallel_loop(0, _K // 16, unroll=4)
                def _(g):
                    sl = pl.ds(g * 16, 16)
                    row_b[b][sl] = rowm_v[pl.ds(j * _K + g * 16, 16)] - base_n

                @plsc.parallel_loop(0, _K, unroll=8)
                def _(k):
                    sc = plsc.load_gather(
                        valm_v, [jnp.full((16,), j * _K + k, jnp.int32)])
                    for g in range(_D // 32):
                        w = gat_b[b][k, pl.ds(g * 16, 16)]
                        lo = plsc.bitcast(w << 16, jnp.float32)
                        hi = plsc.bitcast(w & jnp.uint32(0xFFFF0000),
                                          jnp.float32)
                        sca_v[k, pl.ds(g * 32, 16)] = lo * sc
                        sca_v[k, pl.ds(g * 32 + 16, 16)] = hi * sc
                pltpu.sync_copy(sca_v, acc.at[row_b[b]], add=True)

            @pl.when(j % 2 == 0)
            def _():
                step(0)

            @pl.when(j % 2 == 1)
            def _():
                step(1)
            return carry2
        lax.fori_loop(0, _M, chunk, 0)
        return carry
    lax.fori_loop(start, start + cnt, block, 0)
    plsc.subcore_barrier()

    pltpu.sync_copy(acc.at[pl.ds(r0, _WB)],
                    out_h.at[pl.ds(base_n + r0, _WB)])

    @pl.when(s == 0)
    def _():
        pltpu.sync_copy(acc.at[pl.ds(_NS * _WB, _WREM)],
                        out_h.at[pl.ds(base_n + _NS * _WB, _WREM)])


def _spmm(pk, rows, cols, vals):
    f = pl.kernel(
        _spmm_body,
        out_type=jax.ShapeDtypeStruct((_N_NODES, _D), jnp.float32),
        mesh=_mesh(),
        scratch_types=[
            pltpu.VMEM_SHARED((_HALF_N, _D), jnp.float32),
            pltpu.VMEM((_ME,), jnp.int32),
            pltpu.VMEM((_ME,), jnp.int32),
            pltpu.VMEM((_ME,), jnp.float32),
            pltpu.VMEM((_K,), jnp.int32),
            pltpu.VMEM((_K,), jnp.int32),
            pltpu.VMEM((_K,), jnp.int32),
            pltpu.VMEM((_K,), jnp.int32),
            pltpu.VMEM((_K, _D // 2), jnp.uint32),
            pltpu.VMEM((_K, _D // 2), jnp.uint32),
            pltpu.VMEM((_K, _D), jnp.float32),
            pltpu.SemaphoreType.DMA,
            pltpu.SemaphoreType.DMA,
        ],
        compiler_params=pltpu.CompilerParams(
            needs_layout_passes=False, use_tc_tiling_on_sc=False),
    )
    return f(pk, rows, cols, vals)


def _combine_body(e0_h, e1_h, e2_h, e3_h, idx_h, fin_h, ego_h,
                  idx_v, g0, g1, g2, g3, fin_v, sem):
    c = lax.axis_index("c")
    s = lax.axis_index("s")
    wid = s * _NC + c

    def chunk(ci, carry):
        b0 = wid * _BPT + ci * _BK
        pltpu.sync_copy(idx_h.at[pl.ds(b0, _BK)], idx_v)
        pltpu.async_copy(e0_h.at[idx_v], g0, sem).wait()
        pltpu.async_copy(e1_h.at[idx_v], g1, sem).wait()
        pltpu.async_copy(e2_h.at[idx_v], g2, sem).wait()
        pltpu.async_copy(e3_h.at[idx_v], g3, sem).wait()

        def comb(k, carry2):
            for d in range(_D // 16):
                sl = pl.ds(d * 16, 16)
                fin_v[k, sl] = (_GAMMA * g0[k, sl]
                                + _C1 * (g1[k, sl] + g2[k, sl] + g3[k, sl]))
            return carry2
        lax.fori_loop(0, _BK, comb, 0)
        pltpu.sync_copy(fin_v, fin_h.at[pl.ds(b0, _BK)])
        pltpu.sync_copy(g0, ego_h.at[pl.ds(b0, _BK)])
        return carry
    lax.fori_loop(0, _BC, chunk, 0)


def _gather_combine(e0, e1, e2, e3, idx):
    f = pl.kernel(
        _combine_body,
        out_type=(jax.ShapeDtypeStruct((_NB, _D), jnp.float32),
                  jax.ShapeDtypeStruct((_NB, _D), jnp.float32)),
        mesh=_mesh(),
        scratch_types=[
            pltpu.VMEM((_BK,), jnp.int32),
            pltpu.VMEM((_BK, _D), jnp.float32),
            pltpu.VMEM((_BK, _D), jnp.float32),
            pltpu.VMEM((_BK, _D), jnp.float32),
            pltpu.VMEM((_BK, _D), jnp.float32),
            pltpu.VMEM((_BK, _D), jnp.float32),
            pltpu.SemaphoreType.DMA,
        ],
        compiler_params=pltpu.CompilerParams(
            needs_layout_passes=False, use_tc_tiling_on_sc=False),
    )
    return f(e0, e1, e2, e3, idx)


def _loss_body(fin_ref, ego_ref, bpr_ref, reg_ref):
    f = fin_ref[...]
    u = f[0:_BATCH]
    p = f[_BATCH:2 * _BATCH]
    n = f[2 * _BATCH:3 * _BATCH]
    pos = jnp.sum(u * p, axis=1)
    neg = jnp.sum(u * n, axis=1)
    bpr = jnp.mean(jax.nn.softplus(neg - pos))
    e = ego_ref[...]
    reg = (0.5 * _REG / _BATCH) * jnp.sum(e * e)
    bpr_ref[...] = jnp.reshape(bpr, (1, 1))
    reg_ref[...] = jnp.reshape(reg, (1, 1))


def _loss(fin, ego):
    return pl.pallas_call(
        _loss_body,
        out_shape=(jax.ShapeDtypeStruct((1, 1), jnp.float32),
                   jax.ShapeDtypeStruct((1, 1), jnp.float32)),
    )(fin, ego)


def kernel(user, positive, negative, user_table, item_table,
           graph_row, graph_col, graph_val):
    emb = jnp.concatenate([user_table, item_table], axis=0)
    embs = [emb]
    for _ in range(_LAYERS):
        emb_n = _normalize(embs[-1])
        embs.append(_spmm(emb_n, graph_row, graph_col, graph_val))
    idx = jnp.concatenate(
        [user, positive + _NUM_USERS, negative + _NUM_USERS])
    fin, ego = _gather_combine(embs[0], embs[1], embs[2], embs[3], idx)
    bpr, reg = _loss(fin, ego)
    return (bpr[0, 0], reg[0, 0])

# --- scband reference (transcript-rebuilt; emitter-appended) ---
"""Pipeline reference for scband-light-gcn-pp-64871186039167 (READ-ONLY COPY).

The authoritative reference and input builder live on the scoring server;
editing this copy changes nothing except your own understanding.
"""

import jax, jax.numpy as jnp
import numpy as np

NUM_USERS = 25000
NUM_ITEMS = 25000
N_NODES = NUM_USERS + NUM_ITEMS
N_EDGES = 800000
EMBED_DIM = 64
GCN_LAYERS = 3
GAMMA = 0.4
REG_LAMBDA = 1e-4
BATCH = 4096


def setup_inputs(seed: int = 0) -> dict:
    key = jax.random.key(seed)
    ks = jax.random.split(key, 8)
    user = jax.random.randint(ks[0], (BATCH,), 0, NUM_USERS, dtype=jnp.int32)
    positive = jax.random.randint(ks[1], (BATCH,), 0, NUM_ITEMS, dtype=jnp.int32)
    negative = jax.random.randint(ks[2], (BATCH,), 0, NUM_ITEMS, dtype=jnp.int32)
    # Xavier-uniform embedding tables
    limit = float(np.sqrt(6.0 / (N_NODES + EMBED_DIM)))
    user_table = jax.random.uniform(ks[3], (NUM_USERS, EMBED_DIM), dtype=jnp.float32, minval=-limit, maxval=limit)
    item_table = jax.random.uniform(ks[4], (NUM_ITEMS, EMBED_DIM), dtype=jnp.float32, minval=-limit, maxval=limit)
    # Symmetric bipartite normalized adjacency in COO form: D^-a A D^-b
    half = N_EDGES // 2
    src_u = jax.random.randint(ks[5], (half,), 0, NUM_USERS, dtype=jnp.int32)
    dst_i = jax.random.randint(ks[6], (half,), NUM_USERS, N_NODES, dtype=jnp.int32)
    graph_row = jnp.concatenate([src_u, dst_i])
    graph_col = jnp.concatenate([dst_i, src_u])
    graph_val = jax.random.uniform(ks[7], (N_EDGES,), dtype=jnp.float32, minval=0.001, maxval=0.05)
    return {
        "user": user,
        "positive": positive,
        "negative": negative,
        "user_table": user_table,
        "item_table": item_table,
        "graph_row": graph_row,
        "graph_col": graph_col,
        "graph_val": graph_val,
    }


def reference(user, positive, negative, user_table, item_table, graph_row, graph_col, graph_val):
    # aggregate(): L2-normalize then sparse propagate, GCN_LAYERS times
    all_emb = jnp.concatenate([user_table, item_table], axis=0)
    embeddings = [all_emb]
    for _ in range(GCN_LAYERS):
        norm = jnp.linalg.norm(all_emb, axis=1) + 1e-12
        all_emb = all_emb / norm[:, None]
        # sparse.mm(Graph, all_emb): gather by col, scale by value, scatter-add to row
        msgs = all_emb[graph_col] * graph_val[:, None]
        all_emb = jax.ops.segment_sum(msgs, graph_row, num_segments=N_NODES)
        embeddings.append(all_emb)
    zero_emb = embeddings[0]
    prop_emb = jnp.mean(jnp.stack(embeddings[1:], axis=1), axis=1)
    final = GAMMA * zero_emb + (1.0 - GAMMA) * prop_emb
    users_emb = final[:NUM_USERS]
    items_emb = final[NUM_USERS:]
    # forward(): BPR + reg losses
    u = users_emb[user]
    p = items_emb[positive]
    n = items_emb[negative]
    ego_u = user_table[user]
    ego_p = item_table[positive]
    ego_n = item_table[negative]
    pos_scores = jnp.sum(u * p, axis=1)
    neg_scores = jnp.sum(u * n, axis=1)
    bpr_loss = jnp.mean(jax.nn.softplus(neg_scores - pos_scores))
    reg_loss = 0.5 * (jnp.sum(ego_u ** 2) + jnp.sum(ego_p ** 2) + jnp.sum(ego_n ** 2)) / user.shape[0]
    reg_loss = REG_LAMBDA * reg_loss
    return (bpr_loss, reg_loss)

if __name__ == "__main__":
    import jax
    _d = setup_inputs()
    print(jax.jit(kernel)(*tuple(_d.values())))

</pallas_src>

<mosaic_0001>
#map = affine_map<(d0, d1) -> (0, 0)>
#map1 = affine_map<(d0, d1) -> (0)>
module attributes {stable_mosaic.version = 14 : i64} {
  func.func @_spmm_body(%arg0: i32, %arg1: i32, %arg2: memref<50000x32xi32, #tpu.memory_space<hbm>>, %arg3: memref<800000xi32, #tpu.memory_space<hbm>>, %arg4: memref<800000xi32, #tpu.memory_space<hbm>>, %arg5: memref<800000xf32, #tpu.memory_space<hbm>>, %arg6: memref<50000x64xf32, #tpu.memory_space<hbm>>, %arg7: memref<25000x64xf32, #tpu.memory_space<vmem_shared>>, %arg8: memref<3200xi32, #tpu.memory_space<vmem>>, %arg9: memref<3200xi32, #tpu.memory_space<vmem>>, %arg10: memref<3200xf32, #tpu.memory_space<vmem>>, %arg11: memref<128xi32, #tpu.memory_space<vmem>>, %arg12: memref<128xi32, #tpu.memory_space<vmem>>, %arg13: memref<128xi32, #tpu.memory_space<vmem>>, %arg14: memref<128xi32, #tpu.memory_space<vmem>>, %arg15: memref<128x32xi32, #tpu.memory_space<vmem>>, %arg16: memref<128x32xi32, #tpu.memory_space<vmem>>, %arg17: memref<128x64xf32, #tpu.memory_space<vmem>>, %arg18: memref<!tpu.dma_semaphore, #tpu.memory_space<semaphore_mem>>, %arg19: memref<!tpu.dma_semaphore, #tpu.memory_space<semaphore_mem>>) attributes {dimension_semantics = [#tpu.dimension_semantics<core_parallel>, #tpu.dimension_semantics<subcore_parallel>], iteration_bounds = array<i64: 2, 16>, scalar_prefetch = 0 : i64, scratch_operands = 13 : i64, tpu.core_type = #tpu.core_type<sc_vector_subcore>, window_params = [{transform_indices = #map}, {transform_indices = #map1}, {transform_indices = #map1}, {transform_indices = #map1}, {transform_indices = #map}]} {
    %scan3A = arith.constant 0 : i32
    %scan3A_0 = arith.constant 0 : i32
    %scan3A_1 = arith.constant 128 : i32
    %scan3A_2 = arith.addi %scan3A_0, %scan3A_1 : i32
    %scan3A_3 = arith.constant 1 : i32
    scf.for %scan3A_41 = %scan3A_0 to %scan3A_2 step %scan3A_3  : i32 {
      %broadcast_in_dim3A = arith.constant 0.000000e+00 : f32
      %broadcast_in_dim3A_42 = vector.broadcast %broadcast_in_dim3A : f32 to vector<16xf32>
      %swap3A = arith.index_cast %scan3A_41 : i32 to index
      %swap3A_43 = arith.constant 0 : index
      %swap3A_44 = tpu.vector_load %arg17[%swap3A, %swap3A_43] {strides = array<i32>} : memref<128x64xf32, #tpu.memory_space<vmem>>, vector<16xf32>,
      tpu.vector_store %arg17[%swap3A, %swap3A_43], %broadcast_in_dim3A_42 {strides = array<i32>} : memref<128x64xf32, #tpu.memory_space<vmem>>, vector<16xf32>,
      %broadcast_in_dim3A_45 = arith.constant 0.000000e+00 : f32
      %broadcast_in_dim3A_46 = vector.broadcast %broadcast_in_dim3A_45 : f32 to vector<16xf32>
      %swap3A_47 = arith.index_cast %scan3A_41 : i32 to index
      %swap3A_48 = arith.constant 16 : index
      %swap3A_49 = tpu.vector_load %arg17[%swap3A_47, %swap3A_48] {strides = array<i32>} : memref<128x64xf32, #tpu.memory_space<vmem>>, vector<16xf32>,
      tpu.vector_store %arg17[%swap3A_47, %swap3A_48], %broadcast_in_dim3A_46 {strides = array<i32>} : memref<128x64xf32, #tpu.memory_space<vmem>>, vector<16xf32>,
      %broadcast_in_dim3A_50 = arith.constant 0.000000e+00 : f32
      %broadcast_in_dim3A_51 = vector.broadcast %broadcast_in_dim3A_50 : f32 to vector<16xf32>
      %swap3A_52 = arith.index_cast %scan3A_41 : i32 to index
      %swap3A_53 = arith.constant 32 : index
      %swap3A_54 = tpu.vector_load %arg17[%swap3A_52, %swap3A_53] {strides = array<i32>} : memref<128x64xf32, #tpu.memory_space<vmem>>, vector<16xf32>,
      tpu.vector_store %arg17[%swap3A_52, %swap3A_53], %broadcast_in_dim3A_51 {strides = array<i32>} : memref<128x64xf32, #tpu.memory_space<vmem>>, vector<16xf32>,
      %broadcast_in_dim3A_55 = arith.constant 0.000000e+00 : f32
      %broadcast_in_dim3A_56 = vector.broadcast %broadcast_in_dim3A_55 : f32 to vector<16xf32>
      %swap3A_57 = arith.index_cast %scan3A_41 : i32 to index
      %swap3A_58 = arith.constant 48 : index
      %swap3A_59 = tpu.vector_load %arg17[%swap3A_57, %swap3A_58] {strides = array<i32>} : memref<128x64xf32, #tpu.memory_space<vmem>>, vector<16xf32>,
      tpu.vector_store %arg17[%swap3A_57, %swap3A_58], %broadcast_in_dim3A_56 {strides = array<i32>} : memref<128x64xf32, #tpu.memory_space<vmem>>, vector<16xf32>,
    }
    %scan3A_4 = arith.constant 128 : i32
    %mul3A = arith.constant 1560 : i32
    %mul3A_5 = arith.muli %arg1, %mul3A : i32
    %scan3A_6 = arith.constant 0 : i32
    %scan3A_7 = arith.constant 0 : i32
    %scan3A_8 = arith.constant 12 : i32
    %scan3A_9 = arith.addi %scan3A_7, %scan3A_8 : i32
    %scan3A_10 = arith.constant 1 : i32
    scf.for %scan3A_41 = %scan3A_7 to %scan3A_9 step %scan3A_10  : i32 {
      %mul3A_42 = arith.constant 128 : i32
      %mul3A_43 = arith.muli %scan3A_41, %mul3A_42 : i32
      %add3A_44 = arith.addi %mul3A_5, %mul3A_43 : i32
      "tpu.region"() ({
        %run_scoped3A = tpu.sem_alloc : memref<!tpu.dma_semaphore, #tpu.memory_space<semaphore_mem>>
        %dma_start3A = arith.constant 0 : i32
        %dma_start3A_45 = tpu.memref_slice %arg7[%add3A_44, %dma_start3A] : memref<25000x64xf32, #tpu.memory_space<vmem_shared>> -> memref<128x64xf32, #tpu.memory_space<vmem_shared>>
        %dma_start3A_46 = arith.constant 0 : i32
        %dma_start3A_47 = tpu.memref_slice %arg7[%add3A_44, %dma_start3A_46] : memref<25000x64xf32, #tpu.memory_space<vmem_shared>> -> memref<128x64xf32, #tpu.memory_space<vmem_shared>>
        tpu.enqueue_dma source(%arg17 : memref<128x64xf32, #tpu.memory_space<vmem>>) target(%dma_start3A_47 : memref<128x64xf32, #tpu.memory_space<vmem_shared>>) target_semaphore(%run_scoped3A : memref<!tpu.dma_semaphore, #tpu.memory_space<semaphore_mem>>)
        %dma_wait3A = arith.constant 0 : i32
        %dma_wait3A_48 = tpu.memref_slice %arg7[%add3A_44, %dma_wait3A] : memref<25000x64xf32, #tpu.memory_space<vmem_shared>> -> memref<128x64xf32, #tpu.memory_space<vmem_shared>>
        %dma_wait3A_49 = arith.constant 0 : i32
        %dma_wait3A_50 = tpu.memref_slice %arg7[%add3A_44, %dma_wait3A_49] : memref<25000x64xf32, #tpu.memory_space<vmem_shared>> -> memref<128x64xf32, #tpu.memory_space<vmem_shared>>
        tpu.wait_dma2 semaphore(%run_scoped3A : memref<!tpu.dma_semaphore, #tpu.memory_space<semaphore_mem>>) src(%arg17 : memref<128x64xf32, #tpu.memory_space<vmem>>) dst(%dma_wait3A_50 : memref<128x64xf32, #tpu.memory_space<vmem_shared>>)
        tpu.yield
      }) : () -> ()
    }
    %scan3A_11 = arith.constant 12 : i32
    %add3A = arith.constant 1536 : i32
    %add3A_12 = arith.addi %mul3A_5, %add3A : i32
    "tpu.region"() ({
      %run_scoped3A = tpu.sem_alloc : memref<!tpu.dma_semaphore, #tpu.memory_space<semaphore_mem>>
      %dma_start3A = arith.constant 0 : i32
      %dma_start3A_41 = arith.constant 0 : i32
      %dma_start3A_42 = tpu.memref_slice %arg17[%dma_start3A, %dma_start3A_41] : memref<128x64xf32, #tpu.memory_space<vmem>> -> memref<24x64xf32, #tpu.memory_space<vmem>>
      %dma_start3A_43 = arith.constant 0 : i32
      %dma_start3A_44 = tpu.memref_slice %arg7[%add3A_12, %dma_start3A_43] : memref<25000x64xf32, #tpu.memory_space<vmem_shared>> -> memref<24x64xf32, #tpu.memory_space<vmem_shared>>
      %dma_start3A_45 = arith.constant 0 : i32
      %dma_start3A_46 = tpu.memref_slice %arg7[%add3A_12, %dma_start3A_45] : memref<25000x64xf32, #tpu.memory_space<vmem_shared>> -> memref<24x64xf32, #tpu.memory_space<vmem_shared>>
      %dma_start3A_47 = arith.constant 0 : i32
      %dma_start3A_48 = arith.constant 0 : i32
      %dma_start3A_49 = tpu.memref_slice %arg17[%dma_start3A_47, %dma_start3A_48] : memref<128x64xf32, #tpu.memory_space<vmem>> -> memref<24x64xf32, #tpu.memory_space<vmem>>
      tpu.enqueue_dma source(%dma_start3A_49 : memref<24x64xf32, #tpu.memory_space<vmem>>) target(%dma_start3A_46 : memref<24x64xf32, #tpu.memory_space<vmem_shared>>) target_semaphore(%run_scoped3A : memref<!tpu.dma_semaphore, #tpu.memory_space<semaphore_mem>>)
      %dma_wait3A = arith.constant 0 : i32
      %dma_wait3A_50 = arith.constant 0 : i32
      %dma_wait3A_51 = tpu.memref_slice %arg17[%dma_wait3A, %dma_wait3A_50] : memref<128x64xf32, #tpu.memory_space<vmem>> -> memref<24x64xf32, #tpu.memory_space<vmem>>
      %dma_wait3A_52 = arith.constant 0 : i32
      %dma_wait3A_53 = tpu.memref_slice %arg7[%add3A_12, %dma_wait3A_52] : memref<25000x64xf32, #tpu.memory_space<vmem_shared>> -> memref<24x64xf32, #tpu.memory_space<vmem_shared>>
      %dma_wait3A_54 = arith.constant 0 : i32
      %dma_wait3A_55 = tpu.memref_slice %arg7[%add3A_12, %dma_wait3A_54] : memref<25000x64xf32, #tpu.memory_space<vmem_shared>> -> memref<24x64xf32, #tpu.memory_space<vmem_shared>>
      %dma_wait3A_56 = arith.constant 0 : i32
      %dma_wait3A_57 = arith.constant 0 : i32
      %dma_wait3A_58 = tpu.memref_slice %arg17[%dma_wait3A_56, %dma_wait3A_57] : memref<128x64xf32, #tpu.memory_space<vmem>> -> memref<24x64xf32, #tpu.memory_space<vmem>>
      tpu.wait_dma2 semaphore(%run_scoped3A : memref<!tpu.dma_semaphore, #tpu.memory_space<semaphore_mem>>) src(%dma_wait3A_58 : memref<24x64xf32, #tpu.memory_space<vmem>>) dst(%dma_wait3A_55 : memref<24x64xf32, #tpu.memory_space<vmem_shared>>)
      tpu.yield
    }) : () -> ()
    %eq3A = arith.constant 0 : i32
    %eq3A_13 = arith.cmpi eq, %arg1, %eq3A : i32
    %convert_element_type3A = arith.extui %eq3A_13 : i1 to i32
    %cond3A = arith.constant 0 : i32
    %cond3A_14 = arith.cmpi ne, %convert_element_type3A, %cond3A : i32
    scf.if %cond3A_14 {
      "tpu.region"() ({
        %run_scoped3A = tpu.sem_alloc : memref<!tpu.dma_semaphore, #tpu.memory_space<semaphore_mem>>
        %dma_start3A = arith.constant 0 : i32
        %dma_start3A_41 = arith.constant 0 : i32
        %dma_start3A_42 = tpu.memref_slice %arg17[%dma_start3A, %dma_start3A_41] : memref<128x64xf32, #tpu.memory_space<vmem>> -> memref<40x64xf32, #tpu.memory_space<vmem>>
        %dma_start3A_43 = arith.constant 24960 : i32
        %dma_start3A_44 = arith.constant 0 : i32
        %dma_start3A_45 = tpu.memref_slice %arg7[%dma_start3A_43, %dma_start3A_44] : memref<25000x64xf32, #tpu.memory_space<vmem_shared>> -> memref<40x64xf32, #tpu.memory_space<vmem_shared>>
        %dma_start3A_46 = arith.constant 24960 : i32
        %dma_start3A_47 = arith.constant 0 : i32
        %dma_start3A_48 = tpu.memref_slice %arg7[%dma_start3A_46, %dma_start3A_47] : memref<25000x64xf32, #tpu.memory_space<vmem_shared>> -> memref<40x64xf32, #tpu.memory_space<vmem_shared>>
        %dma_start3A_49 = arith.constant 0 : i32
        %dma_start3A_50 = arith.constant 0 : i32
        %dma_start3A_51 = tpu.memref_slice %arg17[%dma_start3A_49, %dma_start3A_50] : memref<128x64xf32, #tpu.memory_space<vmem>> -> memref<40x64xf32, #tpu.memory_space<vmem>>
        tpu.enqueue_dma source(%dma_start3A_51 : memref<40x64xf32, #tpu.memory_space<vmem>>) target(%dma_start3A_48 : memref<40x64xf32, #tpu.memory_space<vmem_shared>>) target_semaphore(%run_scoped3A : memref<!tpu.dma_semaphore, #tpu.memory_space<semaphore_mem>>)
        %dma_wait3A = arith.constant 0 : i32
        %dma_wait3A_52 = arith.constant 0 : i32
        %dma_wait3A_53 = tpu.memref_slice %arg17[%dma_wait3A, %dma_wait3A_52] : memref<128x64xf32, #tpu.memory_space<vmem>> -> memref<40x64xf32, #tpu.memory_space<vmem>>
        %dma_wait3A_54 = arith.constant 24960 : i32
        %dma_wait3A_55 = arith.constant 0 : i32
        %dma_wait3A_56 = tpu.memref_slice %arg7[%dma_wait3A_54, %dma_wait3A_55] : memref<25000x64xf32, #tpu.memory_space<vmem_shared>> -> memref<40x64xf32, #tpu.memory_space<vmem_shared>>
        %dma_wait3A_57 = arith.constant 24960 : i32
        %dma_wait3A_58 = arith.constant 0 : i32
        %dma_wait3A_59 = tpu.memref_slice %arg7[%dma_wait3A_57, %dma_wait3A_58] : memref<25000x64xf32, #tpu.memory_space<vmem_shared>> -> memref<40x64xf32, #tpu.memory_space<vmem_shared>>
        %dma_wait3A_60 = arith.constant 0 : i32
        %dma_wait3A_61 = arith.constant 0 : i32
        %dma_wait3A_62 = tpu.memref_slice %arg17[%dma_wait3A_60, %dma_wait3A_61] : memref<128x64xf32, #tpu.memory_space<vmem>> -> memref<40x64xf32, #tpu.memory_space<vmem>>
        tpu.wait_dma2 semaphore(%run_scoped3A : memref<!tpu.dma_semaphore, #tpu.memory_space<semaphore_mem>>) src(%dma_wait3A_62 : memref<40x64xf32, #tpu.memory_space<vmem>>) dst(%dma_wait3A_59 : memref<40x64xf32, #tpu.memory_space<vmem_shared>>)
        tpu.yield
      }) : () -> ()
    } else {
    }
    %barrier3A = arith.constant 0 : index
    tpu.barrier barrier_id(%barrier3A)
    %mul3A_15 = arith.constant 25000 : i32
    %mul3A_16 = arith.muli %arg0, %mul3A_15 : i32
    %mul3A_17 = arith.constant 7 : i32
    %mul3A_18 = arith.muli %arg1, %mul3A_17 : i32
    %min3A = arith.constant 13 : i32
    %min3A_19 = arith.minsi %arg1, %min3A : i32
    %add3A_20 = arith.addi %mul3A_18, %min3A_19 : i32
    %lt3A = arith.constant 13 : i32
    %lt3A_21 = arith.cmpi slt, %arg1, %lt3A : i32
    %jit3A = arith.constant 1 : i32
    %jit3A_22 = arith.constant 0 : i32
    %select_n3A = arith.select %lt3A_21, %jit3A, %jit3A_22 : i32
    %add3A_23 = arith.constant 7 : i32
    %add3A_24 = arith.addi %add3A_23, %select_n3A : i32
    %add3A_25 = arith.addi %add3A_20, %add3A_24 : i32
    %while3A = arith.constant 0 : i32
    %while3A_26 = arith.subi %add3A_25, %add3A_20 : i32
    %while3A_27 = arith.addi %add3A_20, %while3A_26 : i32
    %while3A_28 = arith.constant 1 : i32
    %while3A_29 = arith.divsi %while3A_26, %while3A_28 : i32
    %while3A_30 = arith.muli %while3A_29, %while3A_28 : i32
    %while3A_31 = arith.addi %add3A_20, %while3A_30 : i32
    %while3A_32 = arith.constant 1 : i32
    scf.for %while3A_41 = %add3A_20 to %while3A_31 step %while3A_32  : i32 {
      %mul3A_42 = arith.constant 400000 : i32
      %mul3A_43 = arith.muli %arg0, %mul3A_42 : i32
      %mul3A_44 = arith.constant 3200 : i32
      %mul3A_45 = arith.muli %while3A_41, %mul3A_44 : i32
      %add3A_46 = arith.addi %mul3A_43, %mul3A_45 : i32
      "tpu.region"() ({
        %run_scoped3A = tpu.sem_alloc : memref<!tpu.dma_semaphore, #tpu.memory_space<semaphore_mem>>
        %dma_start3A_57 = tpu.memref_slice %arg4[%add3A_46] : memref<800000xi32, #tpu.memory_space<hbm>> -> memref<3200xi32, #tpu.memory_space<hbm>>
        %dma_start3A_58 = tpu.memref_slice %arg4[%add3A_46] : memref<800000xi32, #tpu.memory_space<hbm>> -> memref<3200xi32, #tpu.memory_space<hbm>>
        tpu.enqueue_dma source(%dma_start3A_58 : memref<3200xi32, #tpu.memory_space<hbm>>) target(%arg8 : memref<3200xi32, #tpu.memory_space<vmem>>) target_semaphore(%run_scoped3A : memref<!tpu.dma_semaphore, #tpu.memory_space<semaphore_mem>>)
        %dma_wait3A = tpu.memref_slice %arg4[%add3A_46] : memref<800000xi32, #tpu.memory_space<hbm>> -> memref<3200xi32, #tpu.memory_space<hbm>>
        %dma_wait3A_59 = tpu.memref_slice %arg4[%add3A_46] : memref<800000xi32, #tpu.memory_space<hbm>> -> memref<3200xi32, #tpu.memory_space<hbm>>
        tpu.wait_dma2 semaphore(%run_scoped3A : memref<!tpu.dma_semaphore, #tpu.memory_space<semaphore_mem>>) src(%dma_wait3A_59 : memref<3200xi32, #tpu.memory_space<hbm>>) dst(%arg8 : memref<3200xi32, #tpu.memory_space<vmem>>)
        tpu.yield
      }) : () -> ()
      "tpu.region"() ({
        %run_scoped3A = tpu.sem_alloc : memref<!tpu.dma_semaphore, #tpu.memory_space<semaphore_mem>>
        %dma_start3A_57 = tpu.memref_slice %arg3[%add3A_46] : memref<800000xi32, #tpu.memory_space<hbm>> -> memref<3200xi32, #tpu.memory_space<hbm>>
        %dma_start3A_58 = tpu.memref_slice %arg3[%add3A_46] : memref<800000xi32, #tpu.memory_space<hbm>> -> memref<3200xi32, #tpu.memory_space<hbm>>
        tpu.enqueue_dma source(%dma_start3A_58 : memref<3200xi32, #tpu.memory_space<hbm>>) target(%arg9 : memref<3200xi32, #tpu.memory_space<vmem>>) target_semaphore(%run_scoped3A : memref<!tpu.dma_semaphore, #tpu.memory_space<semaphore_mem>>)
        %dma_wait3A = tpu.memref_slice %arg3[%add3A_46] : memref<800000xi32, #tpu.memory_space<hbm>> -> memref<3200xi32, #tpu.memory_space<hbm>>
        %dma_wait3A_59 = tpu.memref_slice %arg3[%add3A_46] : memref<800000xi32, #tpu.memory_space<hbm>> -> memref<3200xi32, #tpu.memory_space<hbm>>
        tpu.wait_dma2 semaphore(%run_scoped3A : memref<!tpu.dma_semaphore, #tpu.memory_space<semaphore_mem>>) src(%dma_wait3A_59 : memref<3200xi32, #tpu.memory_space<hbm>>) dst(%arg9 : memref<3200xi32, #tpu.memory_space<vmem>>)
        tpu.yield
      }) : () -> ()
      "tpu.region"() ({
        %run_scoped3A = tpu.sem_alloc : memref<!tpu.dma_semaphore, #tpu.memory_space<semaphore_mem>>
        %dma_start3A_57 = tpu.memref_slice %arg5[%add3A_46] : memref<800000xf32, #tpu.memory_space<hbm>> -> memref<3200xf32, #tpu.memory_space<hbm>>
        %dma_start3A_58 = tpu.memref_slice %arg5[%add3A_46] : memref<800000xf32, #tpu.memory_space<hbm>> -> memref<3200xf32, #tpu.memory_space<hbm>>
        tpu.enqueue_dma source(%dma_start3A_58 : memref<3200xf32, #tpu.memory_space<hbm>>) target(%arg10 : memref<3200xf32, #tpu.memory_space<vmem>>) target_semaphore(%run_scoped3A : memref<!tpu.dma_semaphore, #tpu.memory_space<semaphore_mem>>)
        %dma_wait3A = tpu.memref_slice %arg5[%add3A_46] : memref<800000xf32, #tpu.memory_space<hbm>> -> memref<3200xf32, #tpu.memory_space<hbm>>
        %dma_wait3A_59 = tpu.memref_slice %arg5[%add3A_46] : memref<800000xf32, #tpu.memory_space<hbm>> -> memref<3200xf32, #tpu.memory_space<hbm>>
        tpu.wait_dma2 semaphore(%run_scoped3A : memref<!tpu.dma_semaphore, #tpu.memory_space<semaphore_mem>>) src(%dma_wait3A_59 : memref<3200xf32, #tpu.memory_space<hbm>>) dst(%arg10 : memref<3200xf32, #tpu.memory_space<vmem>>)
        tpu.yield
      }) : () -> ()
      %parallel_loop3A = arith.constant 0 : i32
      %parallel_loop3A_47 = arith.constant 8 : i32
      %parallel_loop3A_48 = arith.constant 1 : i32
      scf.for %parallel_loop3A_57 = %parallel_loop3A to %parallel_loop3A_47 step %parallel_loop3A_48  : i32 {
        %parallel_loop3A_58 = arith.constant 16 : i32
        %parallel_loop3A_59 = arith.muli %parallel_loop3A_57, %parallel_loop3A_58 : i32
        %parallel_loop3A_60 = arith.constant 16 : i32
        %parallel_loop3A_61 = arith.muli %parallel_loop3A_57, %parallel_loop3A_60 : i32
        %parallel_loop3A_62 = arith.constant 0 : i32
        %parallel_loop3A_63 = arith.addi %parallel_loop3A_62, %parallel_loop3A_61 : i32
        %parallel_loop3A_64 = arith.index_cast %parallel_loop3A_63 : i32 to index
        %parallel_loop3A_65 = tpu.vector_load %arg8[%parallel_loop3A_64] {strides = array<i32>} : memref<3200xi32, #tpu.memory_space<vmem>>, vector<16xi32>,
        %parallel_loop3A_66 = arith.index_cast %parallel_loop3A_59 : i32 to index
        %parallel_loop3A_67 = tpu.vector_load %arg11[%parallel_loop3A_66] {strides = array<i32>} : memref<128xi32, #tpu.memory_space<vmem>>, vector<16xi32>,
        tpu.vector_store %arg11[%parallel_loop3A_66], %parallel_loop3A_65 {strides = array<i32>} : memref<128xi32, #tpu.memory_space<vmem>>, vector<16xi32>,
      } {sc.loop_unroll_factor = 4 : i64, sc.parallel_access}
      %dma_start3A = arith.constant 0 : i32
      %dma_start3A_49 = arith.constant 0 : i32
      %dma_start3A_50 = tpu.memref_slice %arg2[%dma_start3A, %dma_start3A_49] : memref<50000x32xi32, #tpu.memory_space<hbm>> -> memref<50000x32xi32, #tpu.memory_space<hbm>>
      tpu.enqueue_indirect_dma source(%dma_start3A_50 : memref<50000x32xi32, #tpu.memory_space<hbm>>) target(%arg15 : memref<128x32xi32, #tpu.memory_space<vmem>>) offsets(%arg11 : memref<128xi32, #tpu.memory_space<vmem>>) semaphore(%arg18 : memref<!tpu.dma_semaphore, #tpu.memory_space<semaphore_mem>>)
      %scan3A_51 = arith.constant 0 : i32
      %scan3A_52 = arith.constant 0 : i32
      %scan3A_53 = arith.constant 25 : i32
      %scan3A_54 = arith.addi %scan3A_52, %scan3A_53 : i32
      %scan3A_55 = arith.constant 1 : i32
      scf.for %scan3A_57 = %scan3A_52 to %scan3A_54 step %scan3A_55  : i32 {
        %jit3A_58 = arith.constant 2 : i32
        %eq3A_59 = arith.constant 0 : i32
        %eq3A_60 = arith.cmpi eq, %jit3A_58, %eq3A_59 : i32
        %jit3A_61 = arith.constant 1 : i32
        %select_n3A_62 = arith.select %eq3A_60, %jit3A_61, %jit3A_58 : i32
        %rem3A = arith.remsi %scan3A_57, %select_n3A_62 : i32
        %ne3A = arith.constant 0 : i32
        %ne3A_63 = arith.cmpi ne, %rem3A, %ne3A : i32
        %lt3A_64 = arith.constant 0 : i32
        %lt3A_65 = arith.cmpi slt, %rem3A, %lt3A_64 : i32
        %lt3A_66 = arith.constant 0 : i32
        %lt3A_67 = arith.cmpi slt, %select_n3A_62, %lt3A_66 : i32
        %ne3A_68 = arith.xori %lt3A_65, %lt3A_67 : i1
        %and3A = arith.andi %ne3A_68, %ne3A_63 : i1
        %add3A_69 = arith.addi %rem3A, %select_n3A_62 : i32
        %select_n3A_70 = arith.select %and3A, %add3A_69, %rem3A : i32
        %eq3A_71 = arith.constant 0 : i32
        %eq3A_72 = arith.cmpi eq, %select_n3A_70, %eq3A_71 : i32
        %convert_element_type3A_73 = arith.extui %eq3A_72 : i1 to i32
        %cond3A_74 = arith.constant 0 : i32
        %cond3A_75 = arith.cmpi ne, %convert_element_type3A_73, %cond3A_74 : i32
        scf.if %cond3A_75 {
          %lt3A_97 = arith.constant 24 : i32
          %lt3A_98 = arith.cmpi slt, %scan3A_57, %lt3A_97 : i32
          %convert_element_type3A_99 = arith.extui %lt3A_98 : i1 to i32
          %cond3A_100 = arith.constant 0 : i32
          %cond3A_101 = arith.cmpi ne, %convert_element_type3A_99, %cond3A_100 : i32
          scf.if %cond3A_101 {
            %add3A_110 = arith.constant 1 : i32
            %add3A_111 = arith.addi %scan3A_57, %add3A_110 : i32
            %parallel_loop3A_112 = arith.constant 0 : i32
            %parallel_loop3A_113 = arith.constant 8 : i32
            %parallel_loop3A_114 = arith.constant 1 : i32
            scf.for %parallel_loop3A_118 = %parallel_loop3A_112 to %parallel_loop3A_113 step %parallel_loop3A_114  : i32 {
              %parallel_loop3A_119 = arith.constant 16 : i32
              %parallel_loop3A_120 = arith.muli %parallel_loop3A_118, %parallel_loop3A_119 : i32
              %parallel_loop3A_121 = arith.constant 128 : i32
              %parallel_loop3A_122 = arith.muli %add3A_111, %parallel_loop3A_121 : i32
              %parallel_loop3A_123 = arith.constant 16 : i32
              %parallel_loop3A_124 = arith.muli %parallel_loop3A_118, %parallel_loop3A_123 : i32
              %parallel_loop3A_125 = arith.addi %parallel_loop3A_122, %parallel_loop3A_124 : i32
              %parallel_loop3A_126 = arith.index_cast %parallel_loop3A_125 : i32 to index
              %parallel_loop3A_127 = tpu.vector_load %arg8[%parallel_loop3A_126] {strides = array<i32>} : memref<3200xi32, #tpu.memory_space<vmem>>, vector<16xi32>,
              %parallel_loop3A_128 = arith.index_cast %parallel_loop3A_120 : i32 to index
              %parallel_loop3A_129 = tpu.vector_load %arg12[%parallel_loop3A_128] {strides = array<i32>} : memref<128xi32, #tpu.memory_space<vmem>>, vector<16xi32>,
              tpu.vector_store %arg12[%parallel_loop3A_128], %parallel_loop3A_127 {strides = array<i32>} : memref<128xi32, #tpu.memory_space<vmem>>, vector<16xi32>,
            } {sc.loop_unroll_factor = 4 : i64, sc.parallel_access}
            %dma_start3A_115 = arith.constant 0 : i32
            %dma_start3A_116 = arith.constant 0 : i32
            %dma_start3A_117 = tpu.memref_slice %arg2[%dma_start3A_115, %dma_start3A_116] : memref<50000x32xi32, #tpu.memory_space<hbm>> -> memref<50000x32xi32, #tpu.memory_space<hbm>>
            tpu.enqueue_indirect_dma source(%dma_start3A_117 : memref<50000x32xi32, #tpu.memory_space<hbm>>) target(%arg16 : memref<128x32xi32, #tpu.memory_space<vmem>>) offsets(%arg12 : memref<128xi32, #tpu.memory_space<vmem>>) semaphore(%arg19 : memref<!tpu.dma_semaphore, #tpu.memory_space<semaphore_mem>>)
          } else {
          }
          %dma_wait3A = arith.constant 0 : i32
          %dma_wait3A_102 = arith.constant 0 : i32
          %dma_wait3A_103 = tpu.memref_slice %arg2[%dma_wait3A, %dma_wait3A_102] : memref<50000x32xi32, #tpu.memory_space<hbm>> -> memref<50000x32xi32, #tpu.memory_space<hbm>>
          tpu.wait_indirect_dma semaphore(%arg18 : memref<!tpu.dma_semaphore, #tpu.memory_space<semaphore_mem>>) src(%dma_wait3A_103 : memref<50000x32xi32, #tpu.memory_space<hbm>>) dst(%arg15 : memref<128x32xi32, #tpu.memory_space<vmem>>)
          %parallel_loop3A_104 = arith.constant 0 : i32
          %parallel_loop3A_105 = arith.constant 8 : i32
          %parallel_loop3A_106 = arith.constant 1 : i32
          scf.for %parallel_loop3A_110 = %parallel_loop3A_104 to %parallel_loop3A_105 step %parallel_loop3A_106  : i32 {
            %parallel_loop3A_111 = arith.constant 16 : i32
            %parallel_loop3A_112 = arith.muli %parallel_loop3A_110, %parallel_loop3A_111 : i32
            %parallel_loop3A_113 = arith.constant 128 : i32
            %parallel_loop3A_114 = arith.muli %scan3A_57, %parallel_loop3A_113 : i32
            %parallel_loop3A_115 = arith.constant 16 : i32
            %parallel_loop3A_116 = arith.muli %parallel_loop3A_110, %parallel_loop3A_115 : i32
            %parallel_loop3A_117 = arith.addi %parallel_loop3A_114, %parallel_loop3A_116 : i32
            %parallel_loop3A_118 = arith.index_cast %parallel_loop3A_117 : i32 to index
            %parallel_loop3A_119 = tpu.vector_load %arg9[%parallel_loop3A_118] {strides = array<i32>} : memref<3200xi32, #tpu.memory_space<vmem>>, vector<16xi32>,
            %parallel_loop3A_120 = vector.broadcast %mul3A_16 : i32 to vector<16xi32>
            %parallel_loop3A_121 = arith.subi %parallel_loop3A_119, %parallel_loop3A_120 : vector<16xi32>
            %parallel_loop3A_122 = arith.index_cast %parallel_loop3A_112 : i32 to index
            %parallel_loop3A_123 = tpu.vector_load %arg13[%parallel_loop3A_122] {strides = array<i32>} : memref<128xi32, #tpu.memory_space<vmem>>, vector<16xi32>,
            tpu.vector_store %arg13[%parallel_loop3A_122], %parallel_loop3A_121 {strides = array<i32>} : memref<128xi32, #tpu.memory_space<vmem>>, vector<16xi32>,
          } {sc.loop_unroll_factor = 4 : i64, sc.parallel_access}
          %parallel_loop3A_107 = arith.constant 0 : i32
          %parallel_loop3A_108 = arith.constant 128 : i32
          %parallel_loop3A_109 = arith.constant 1 : i32
          scf.for %parallel_loop3A_110 = %parallel_loop3A_107 to %parallel_loop3A_108 step %parallel_loop3A_109  : i32 {
            %parallel_loop3A_111 = arith.constant 128 : i32
            %parallel_loop3A_112 = arith.muli %scan3A_57, %parallel_loop3A_111 : i32
            %parallel_loop3A_113 = arith.addi %parallel_loop3A_112, %parallel_loop3A_110 : i32
            %parallel_loop3A_114 = vector.broadcast %parallel_loop3A_113 : i32 to vector<16xi32>
            %parallel_loop3A_115 = tpu.vector_load_idx %arg10[%parallel_loop3A_114] : memref<3200xf32, #tpu.memory_space<vmem>>[vector<16xi32>], vector<16xf32>,
            %parallel_loop3A_116 = arith.index_cast %parallel_loop3A_110 : i32 to index
            %parallel_loop3A_117 = arith.constant 0 : index
            %parallel_loop3A_118 = tpu.vector_load %arg15[%parallel_loop3A_116, %parallel_loop3A_117] {strides = array<i32>} : memref<128x32xi32, #tpu.memory_space<vmem>>, vector<16xi32>,
            %parallel_loop3A_119 = arith.constant 16 : i32
            %parallel_loop3A_120 = vector.broadcast %parallel_loop3A_119 : i32 to vector<16xi32>
            %parallel_loop3A_121 = arith.shli %parallel_loop3A_118, %parallel_loop3A_120 : vector<16xi32>
            %parallel_loop3A_122 = vector.bitcast %parallel_loop3A_121 : vector<16xi32> to vector<16xf32>
            %parallel_loop3A_123 = arith.constant -65536 : i32
            %parallel_loop3A_124 = vector.broadcast %parallel_loop3A_123 : i32 to vector<16xi32>
            %parallel_loop3A_125 = arith.andi %parallel_loop3A_118, %parallel_loop3A_124 : vector<16xi32>
            %parallel_loop3A_126 = vector.bitcast %parallel_loop3A_125 : vector<16xi32> to vector<16xf32>
            %parallel_loop3A_127 = arith.mulf %parallel_loop3A_122, %parallel_loop3A_115 : vector<16xf32>
            %parallel_loop3A_128 = arith.index_cast %parallel_loop3A_110 : i32 to index
            %parallel_loop3A_129 = arith.constant 0 : index
            %parallel_loop3A_130 = tpu.vector_load %arg17[%parallel_loop3A_128, %parallel_loop3A_129] {strides = array<i32>} : memref<128x64xf32, #tpu.memory_space<vmem>>, vector<16xf32>,
            tpu.vector_store %arg17[%parallel_loop3A_128, %parallel_loop3A_129], %parallel_loop3A_127 {strides = array<i32>} : memref<128x64xf32, #tpu.memory_space<vmem>>, vector<16xf32>,
            %parallel_loop3A_131 = arith.mulf %parallel_loop3A_126, %parallel_loop3A_115 : vector<16xf32>
            %parallel_loop3A_132 = arith.index_cast %parallel_loop3A_110 : i32 to index
            %parallel_loop3A_133 = arith.constant 16 : index
            %parallel_loop3A_134 = tpu.vector_load %arg17[%parallel_loop3A_132, %parallel_loop3A_133] {strides = array<i32>} : memref<128x64xf32, #tpu.memory_space<vmem>>, vector<16xf32>,
            tpu.vector_store %arg17[%parallel_loop3A_132, %parallel_loop3A_133], %parallel_loop3A_131 {strides = array<i32>} : memref<128x64xf32, #tpu.memory_space<vmem>>, vector<16xf32>,
            %parallel_loop3A_135 = arith.index_cast %parallel_loop3A_110 : i32 to index
            %parallel_loop3A_136 = arith.constant 16 : index
            %parallel_loop3A_137 = tpu.vector_load %arg15[%parallel_loop3A_135, %parallel_loop3A_136] {strides = array<i32>} : memref<128x32xi32, #tpu.memory_space<vmem>>, vector<16xi32>,
            %parallel_loop3A_138 = arith.constant 16 : i32
            %parallel_loop3A_139 = vector.broadcast %parallel_loop3A_138 : i32 to vector<16xi32>
            %parallel_loop3A_140 = arith.shli %parallel_loop3A_137, %parallel_loop3A_139 : vector<16xi32>
            %parallel_loop3A_141 = vector.bitcast %parallel_loop3A_140 : vector<16xi32> to vector<16xf32>
            %parallel_loop3A_142 = arith.constant -65536 : i32
            %parallel_loop3A_143 = vector.broadcast %parallel_loop3A_142 : i32 to vector<16xi32>
            %parallel_loop3A_144 = arith.andi %parallel_loop3A_137, %parallel_loop3A_143 : vector<16xi32>
            %parallel_loop3A_145 = vector.bitcast %parallel_loop3A_144 : vector<16xi32> to vector<16xf32>
            %parallel_loop3A_146 = arith.mulf %parallel_loop3A_141, %parallel_loop3A_115 : vector<16xf32>
            %parallel_loop3A_147 = arith.index_cast %parallel_loop3A_110 : i32 to index
            %parallel_loop3A_148 = arith.constant 32 : index
            %parallel_loop3A_149 = tpu.vector_load %arg17[%parallel_loop3A_147, %parallel_loop3A_148] {strides = array<i32>} : memref<128x64xf32, #tpu.memory_space<vmem>>, vector<16xf32>,
            tpu.vector_store %arg17[%parallel_loop3A_147, %parallel_loop3A_148], %parallel_loop3A_146 {strides = array<i32>} : memref<128x64xf32, #tpu.memory_space<vmem>>, vector<16xf32>,
            %parallel_loop3A_150 = arith.mulf %parallel_loop3A_145, %parallel_loop3A_115 : vector<16xf32>
            %parallel_loop3A_151 = arith.index_cast %parallel_loop3A_110 : i32 to index
            %parallel_loop3A_152 = arith.constant 48 : index
            %parallel_loop3A_153 = tpu.vector_load %arg17[%parallel_loop3A_151, %parallel_loop3A_152] {strides = array<i32>} : memref<128x64xf32, #tpu.memory_space<vmem>>, vector<16xf32>,
            tpu.vector_store %arg17[%parallel_loop3A_151, %parallel_loop3A_152], %parallel_loop3A_150 {strides = array<i32>} : memref<128x64xf32, #tpu.memory_space<vmem>>, vector<16xf32>,
          } {sc.loop_unroll_factor = 8 : i64, sc.parallel_access}
          "tpu.region"() ({
            %run_scoped3A = tpu.sem_alloc : memref<!tpu.dma_semaphore, #tpu.memory_space<semaphore_mem>>
            %dma_start3A_110 = arith.constant 0 : i32
            %dma_start3A_111 = arith.constant 0 : i32
            %dma_start3A_112 = tpu.memref_slice %arg7[%dma_start3A_110, %dma_start3A_111] : memref<25000x64xf32, #tpu.memory_space<vmem_shared>> -> memref<25000x64xf32, #tpu.memory_space<vmem_shared>>
            tpu.enqueue_indirect_dma source(%arg17 : memref<128x64xf32, #tpu.memory_space<vmem>>) target(%dma_start3A_112 : memref<25000x64xf32, #tpu.memory_space<vmem_shared>>) offsets(%arg13 : memref<128xi32, #tpu.memory_space<vmem>>) semaphore(%run_scoped3A : memref<!tpu.dma_semaphore, #tpu.memory_space<semaphore_mem>>) {add = true}
            %dma_wait3A_113 = arith.constant 0 : i32
            %dma_wait3A_114 = arith.constant 0 : i32
            %dma_wait3A_115 = tpu.memref_slice %arg7[%dma_wait3A_113, %dma_wait3A_114] : memref<25000x64xf32, #tpu.memory_space<vmem_shared>> -> memref<25000x64xf32, #tpu.memory_space<vmem_shared>>
            tpu.wait_indirect_dma semaphore(%run_scoped3A : memref<!tpu.dma_semaphore, #tpu.memory_space<semaphore_mem>>) src(%arg17 : memref<128x64xf32, #tpu.memory_space<vmem>>) dst(%dma_wait3A_115 : memref<25000x64xf32, #tpu.memory_space<vmem_shared>>)
            tpu.yield
          }) : () -> ()
        } else {
        }
        %jit3A_76 = arith.constant 2 : i32
        %eq3A_77 = arith.constant 0 : i32
        %eq3A_78 = arith.cmpi eq, %jit3A_76, %eq3A_77 : i32
        %jit3A_79 = arith.constant 1 : i32
        %select_n3A_80 = arith.select %eq3A_78, %jit3A_79, %jit3A_76 : i32
        %rem3A_81 = arith.remsi %scan3A_57, %select_n3A_80 : i32
        %ne3A_82 = arith.constant 0 : i32
        %ne3A_83 = arith.cmpi ne, %rem3A_81, %ne3A_82 : i32
        %lt3A_84 = arith.constant 0 : i32
        %lt3A_85 = arith.cmpi slt, %rem3A_81, %lt3A_84 : i32
        %lt3A_86 = arith.constant 0 : i32
        %lt3A_87 = arith.cmpi slt, %select_n3A_80, %lt3A_86 : i32
        %ne3A_88 = arith.xori %lt3A_85, %lt3A_87 : i1
        %and3A_89 = arith.andi %ne3A_88, %ne3A_83 : i1
        %add3A_90 = arith.addi %rem3A_81, %select_n3A_80 : i32
        %select_n3A_91 = arith.select %and3A_89, %add3A_90, %rem3A_81 : i32
        %eq3A_92 = arith.constant 1 : i32
        %eq3A_93 = arith.cmpi eq, %select_n3A_91, %eq3A_92 : i32
        %convert_element_type3A_94 = arith.extui %eq3A_93 : i1 to i32
        %cond3A_95 = arith.constant 0 : i32
        %cond3A_96 = arith.cmpi ne, %convert_element_type3A_94, %cond3A_95 : i32
        scf.if %cond3A_96 {
          %lt3A_97 = arith.constant 24 : i32
          %lt3A_98 = arith.cmpi slt, %scan3A_57, %lt3A_97 : i32
          %convert_element_type3A_99 = arith.extui %lt3A_98 : i1 to i32
          %cond3A_100 = arith.constant 0 : i32
          %cond3A_101 = arith.cmpi ne, %convert_element_type3A_99, %cond3A_100 : i32
          scf.if %cond3A_101 {
            %add3A_110 = arith.constant 1 : i32
            %add3A_111 = arith.addi %scan3A_57, %add3A_110 : i32
            %parallel_loop3A_112 = arith.constant 0 : i32
            %parallel_loop3A_113 = arith.constant 8 : i32
            %parallel_loop3A_114 = arith.constant 1 : i32
            scf.for %parallel_loop3A_118 = %parallel_loop3A_112 to %parallel_loop3A_113 step %parallel_loop3A_114  : i32 {
              %parallel_loop3A_119 = arith.constant 16 : i32
              %parallel_loop3A_120 = arith.muli %parallel_loop3A_118, %parallel_loop3A_119 : i32
              %parallel_loop3A_121 = arith.constant 128 : i32
              %parallel_loop3A_122 = arith.muli %add3A_111, %parallel_loop3A_121 : i32
              %parallel_loop3A_123 = arith.constant 16 : i32
              %parallel_loop3A_124 = arith.muli %parallel_loop3A_118, %parallel_loop3A_123 : i32
              %parallel_loop3A_125 = arith.addi %parallel_loop3A_122, %parallel_loop3A_124 : i32
              %parallel_loop3A_126 = arith.index_cast %parallel_loop3A_125 : i32 to index
              %parallel_loop3A_127 = tpu.vector_load %arg8[%parallel_loop3A_126] {strides = array<i32>} : memref<3200xi32, #tpu.memory_space<vmem>>, vector<16xi32>,
              %parallel_loop3A_128 = arith.index_cast %parallel_loop3A_120 : i32 to index
              %parallel_loop3A_129 = tpu.vector_load %arg11[%parallel_loop3A_128] {strides = array<i32>} : memref<128xi32, #tpu.memory_space<vmem>>, vector<16xi32>,
              tpu.vector_store %arg11[%parallel_loop3A_128], %parallel_loop3A_127 {strides = array<i32>} : memref<128xi32, #tpu.memory_space<vmem>>, vector<16xi32>,
            } {sc.loop_unroll_factor = 4 : i64, sc.parallel_access}
            %dma_start3A_115 = arith.constant 0 : i32
            %dma_start3A_116 = arith.constant 0 : i32
            %dma_start3A_117 = tpu.memref_slice %arg2[%dma_start3A_115, %dma_start3A_116] : memref<50000x32xi32, #tpu.memory_space<hbm>> -> memref<50000x32xi32, #tpu.memory_space<hbm>>
            tpu.enqueue_indirect_dma source(%dma_start3A_117 : memref<50000x32xi32, #tpu.memory_space<hbm>>) target(%arg15 : memref<128x32xi32, #tpu.memory_space<vmem>>) offsets(%arg11 : memref<128xi32, #tpu.memory_space<vmem>>) semaphore(%arg18 : memref<!tpu.dma_semaphore, #tpu.memory_space<semaphore_mem>>)
          } else {
          }
          %dma_wait3A = arith.constant 0 : i32
          %dma_wait3A_102 = arith.constant 0 : i32
          %dma_wait3A_103 = tpu.memref_slice %arg2[%dma_wait3A, %dma_wait3A_102] : memref<50000x32xi32, #tpu.memory_space<hbm>> -> memref<50000x32xi32, #tpu.memory_space<hbm>>
          tpu.wait_indirect_dma semaphore(%arg19 : memref<!tpu.dma_semaphore, #tpu.memory_space<semaphore_mem>>) src(%dma_wait3A_103 : memref<50000x32xi32, #tpu.memory_space<hbm>>) dst(%arg16 : memref<128x32xi32, #tpu.memory_space<vmem>>)
          %parallel_loop3A_104 = arith.constant 0 : i32
          %parallel_loop3A_105 = arith.constant 8 : i32
          %parallel_loop3A_106 = arith.constant 1 : i32
          scf.for %parallel_loop3A_110 = %parallel_loop3A_104 to %parallel_loop3A_105 step %parallel_loop3A_106  : i32 {
            %parallel_loop3A_111 = arith.constant 16 : i32
            %parallel_loop3A_112 = arith.muli %parallel_loop3A_110, %parallel_loop3A_111 : i32
            %parallel_loop3A_113 = arith.constant 128 : i32
            %parallel_loop3A_114 = arith.muli %scan3A_57, %parallel_loop3A_113 : i32
            %parallel_loop3A_115 = arith.constant 16 : i32
            %parallel_loop3A_116 = arith.muli %parallel_loop3A_110, %parallel_loop3A_115 : i32
            %parallel_loop3A_117 = arith.addi %parallel_loop3A_114, %parallel_loop3A_116 : i32
            %parallel_loop3A_118 = arith.index_cast %parallel_loop3A_117 : i32 to index
            %parallel_loop3A_119 = tpu.vector_load %arg9[%parallel_loop3A_118] {strides = array<i32>} : memref<3200xi32, #tpu.memory_space<vmem>>, vector<16xi32>,
            %parallel_loop3A_120 = vector.broadcast %mul3A_16 : i32 to vector<16xi32>
            %parallel_loop3A_121 = arith.subi %parallel_loop3A_119, %parallel_loop3A_120 : vector<16xi32>
            %parallel_loop3A_122 = arith.index_cast %parallel_loop3A_112 : i32 to index
            %parallel_loop3A_123 = tpu.vector_load %arg14[%parallel_loop3A_122] {strides = array<i32>} : memref<128xi32, #tpu.memory_space<vmem>>, vector<16xi32>,
            tpu.vector_store %arg14[%parallel_loop3A_122], %parallel_loop3A_121 {strides = array<i32>} : memref<128xi32, #tpu.memory_space<vmem>>, vector<16xi32>,
          } {sc.loop_unroll_factor = 4 : i64, sc.parallel_access}
          %parallel_loop3A_107 = arith.constant 0 : i32
          %parallel_loop3A_108 = arith.constant 128 : i32
          %parallel_loop3A_109 = arith.constant 1 : i32
          scf.for %parallel_loop3A_110 = %parallel_loop3A_107 to %parallel_loop3A_108 step %parallel_loop3A_109  : i32 {
            %parallel_loop3A_111 = arith.constant 128 : i32
            %parallel_loop3A_112 = arith.muli %scan3A_57, %parallel_loop3A_111 : i32
            %parallel_loop3A_113 = arith.addi %parallel_loop3A_112, %parallel_loop3A_110 : i32
            %parallel_loop3A_114 = vector.broadcast %parallel_loop3A_113 : i32 to vector<16xi32>
            %parallel_loop3A_115 = tpu.vector_load_idx %arg10[%parallel_loop3A_114] : memref<3200xf32, #tpu.memory_space<vmem>>[vector<16xi32>], vector<16xf32>,
            %parallel_loop3A_116 = arith.index_cast %parallel_loop3A_110 : i32 to index
            %parallel_loop3A_117 = arith.constant 0 : index
            %parallel_loop3A_118 = tpu.vector_load %arg16[%parallel_loop3A_116, %parallel_loop3A_117] {strides = array<i32>} : memref<128x32xi32, #tpu.memory_space<vmem>>, vector<16xi32>,
            %parallel_loop3A_119 = arith.constant 16 : i32
            %parallel_loop3A_120 = vector.broadcast %parallel_loop3A_119 : i32 to vector<16xi32>
            %parallel_loop3A_121 = arith.shli %parallel_loop3A_118, %parallel_loop3A_120 : vector<16xi32>
            %parallel_loop3A_122 = vector.bitcast %parallel_loop3A_121 : vector<16xi32> to vector<16xf32>
            %parallel_loop3A_123 = arith.constant -65536 : i32
            %parallel_loop3A_124 = vector.broadcast %parallel_loop3A_123 : i32 to vector<16xi32>
            %parallel_loop3A_125 = arith.andi %parallel_loop3A_118, %parallel_loop3A_124 : vector<16xi32>
            %parallel_loop3A_126 = vector.bitcast %parallel_loop3A_125 : vector<16xi32> to vector<16xf32>
            %parallel_loop3A_127 = arith.mulf %parallel_loop3A_122, %parallel_loop3A_115 : vector<16xf32>
            %parallel_loop3A_128 = arith.index_cast %parallel_loop3A_110 : i32 to index
            %parallel_loop3A_129 = arith.constant 0 : index
            %parallel_loop3A_130 = tpu.vector_load %arg17[%parallel_loop3A_128, %parallel_loop3A_129] {strides = array<i32>} : memref<128x64xf32, #tpu.memory_space<vmem>>, vector<16xf32>,
            tpu.vector_store %arg17[%parallel_loop3A_128, %parallel_loop3A_129], %parallel_loop3A_127 {strides = array<i32>} : memref<128x64xf32, #tpu.memory_space<vmem>>, vector<16xf32>,
            %parallel_loop3A_131 = arith.mulf %parallel_loop3A_126, %parallel_loop3A_115 : vector<16xf32>
            %parallel_loop3A_132 = arith.index_cast %parallel_loop3A_110 : i32 to index
            %parallel_loop3A_133 = arith.constant 16 : index
            %parallel_loop3A_134 = tpu.vector_load %arg17[%parallel_loop3A_132, %parallel_loop3A_133] {strides = array<i32>} : memref<128x64xf32, #tpu.memory_space<vmem>>, vector<16xf32>,
            tpu.vector_store %arg17[%parallel_loop3A_132, %parallel_loop3A_133], %parallel_loop3A_131 {strides = array<i32>} : memref<128x64xf32, #tpu.memory_space<vmem>>, vector<16xf32>,
            %parallel_loop3A_135 = arith.index_cast %parallel_loop3A_110 : i32 to index
            %parallel_loop3A_136 = arith.constant 16 : index
            %parallel_loop3A_137 = tpu.vector_load %arg16[%parallel_loop3A_135, %parallel_loop3A_136] {strides = array<i32>} : memref<128x32xi32, #tpu.memory_space<vmem>>, vector<16xi32>,
            %parallel_loop3A_138 = arith.constant 16 : i32
            %parallel_loop3A_139 = vector.broadcast %parallel_loop3A_138 : i32 to vector<16xi32>
            %parallel_loop3A_140 = arith.shli %parallel_loop3A_137, %parallel_loop3A_139 : vector<16xi32>
            %parallel_loop3A_141 = vector.bitcast %parallel_loop3A_140 : vector<16xi32> to vector<16xf32>
            %parallel_loop3A_142 = arith.constant -65536 : i32
            %parallel_loop3A_143 = vector.broadcast %parallel_loop3A_142 : i32 to vector<16xi32>
            %parallel_loop3A_144 = arith.andi %parallel_loop3A_137, %parallel_loop3A_143 : vector<16xi32>
            %parallel_loop3A_145 = vector.bitcast %parallel_loop3A_144 : vector<16xi32> to vector<16xf32>
            %parallel_loop3A_146 = arith.mulf %parallel_loop3A_141, %parallel_loop3A_115 : vector<16xf32>
            %parallel_loop3A_147 = arith.index_cast %parallel_loop3A_110 : i32 to index
            %parallel_loop3A_148 = arith.constant 32 : index
            %parallel_loop3A_149 = tpu.vector_load %arg17[%parallel_loop3A_147, %parallel_loop3A_148] {strides = array<i32>} : memref<128x64xf32, #tpu.memory_space<vmem>>, vector<16xf32>,
            tpu.vector_store %arg17[%parallel_loop3A_147, %parallel_loop3A_148], %parallel_loop3A_146 {strides = array<i32>} : memref<128x64xf32, #tpu.memory_space<vmem>>, vector<16xf32>,
            %parallel_loop3A_150 = arith.mulf %parallel_loop3A_145, %parallel_loop3A_115 : vector<16xf32>
            %parallel_loop3A_151 = arith.index_cast %parallel_loop3A_110 : i32 to index
            %parallel_loop3A_152 = arith.constant 48 : index
            %parallel_loop3A_153 = tpu.vector_load %arg17[%parallel_loop3A_151, %parallel_loop3A_152] {strides = array<i32>} : memref<128x64xf32, #tpu.memory_space<vmem>>, vector<16xf32>,
            tpu.vector_store %arg17[%parallel_loop3A_151, %parallel_loop3A_152], %parallel_loop3A_150 {strides = array<i32>} : memref<128x64xf32, #tpu.memory_space<vmem>>, vector<16xf32>,
          } {sc.loop_unroll_factor = 8 : i64, sc.parallel_access}
          "tpu.region"() ({
            %run_scoped3A = tpu.sem_alloc : memref<!tpu.dma_semaphore, #tpu.memory_space<semaphore_mem>>
            %dma_start3A_110 = arith.constant 0 : i32
            %dma_start3A_111 = arith.constant 0 : i32
            %dma_start3A_112 = tpu.memref_slice %arg7[%dma_start3A_110, %dma_start3A_111] : memref<25000x64xf32, #tpu.memory_space<vmem_shared>> -> memref<25000x64xf32, #tpu.memory_space<vmem_shared>>
            tpu.enqueue_indirect_dma source(%arg17 : memref<128x64xf32, #tpu.memory_space<vmem>>) target(%dma_start3A_112 : memref<25000x64xf32, #tpu.memory_space<vmem_shared>>) offsets(%arg14 : memref<128xi32, #tpu.memory_space<vmem>>) semaphore(%run_scoped3A : memref<!tpu.dma_semaphore, #tpu.memory_space<semaphore_mem>>) {add = true}
            %dma_wait3A_113 = arith.constant 0 : i32
            %dma_wait3A_114 = arith.constant 0 : i32
            %dma_wait3A_115 = tpu.memref_slice %arg7[%dma_wait3A_113, %dma_wait3A_114] : memref<25000x64xf32, #tpu.memory_space<vmem_shared>> -> memref<25000x64xf32, #tpu.memory_space<vmem_shared>>
            tpu.wait_indirect_dma semaphore(%run_scoped3A : memref<!tpu.dma_semaphore, #tpu.memory_space<semaphore_mem>>) src(%arg17 : memref<128x64xf32, #tpu.memory_space<vmem>>) dst(%dma_wait3A_115 : memref<25000x64xf32, #tpu.memory_space<vmem_shared>>)
            tpu.yield
          }) : () -> ()
        } else {
        }
      }
      %scan3A_56 = arith.constant 25 : i32
    }
    %while3A_33 = arith.constant 1 : i32
    scf.for %while3A_41 = %while3A_31 to %while3A_27 step %while3A_33  : i32 {
      %mul3A_42 = arith.constant 400000 : i32
      %mul3A_43 = arith.muli %arg0, %mul3A_42 : i32
      %mul3A_44 = arith.constant 3200 : i32
      %mul3A_45 = arith.muli %while3A_41, %mul3A_44 : i32
      %add3A_46 = arith.addi %mul3A_43, %mul3A_45 : i32
      "tpu.region"() ({
        %run_scoped3A = tpu.sem_alloc : memref<!tpu.dma_semaphore, #tpu.memory_space<semaphore_mem>>
        %dma_start3A_57 = tpu.memref_slice %arg4[%add3A_46] : memref<800000xi32, #tpu.memory_space<hbm>> -> memref<3200xi32, #tpu.memory_space<hbm>>
        %dma_start3A_58 = tpu.memref_slice %arg4[%add3A_46] : memref<800000xi32, #tpu.memory_space<hbm>> -> memref<3200xi32, #tpu.memory_space<hbm>>
        tpu.enqueue_dma source(%dma_start3A_58 : memref<3200xi32, #tpu.memory_space<hbm>>) target(%arg8 : memref<3200xi32, #tpu.memory_space<vmem>>) target_semaphore(%run_scoped3A : memref<!tpu.dma_semaphore, #tpu.memory_space<semaphore_mem>>)
        %dma_wait3A = tpu.memref_slice %arg4[%add3A_46] : memref<800000xi32, #tpu.memory_space<hbm>> -> memref<3200xi32, #tpu.memory_space<hbm>>
        %dma_wait3A_59 = tpu.memref_slice %arg4[%add3A_46] : memref<800000xi32, #tpu.memory_space<hbm>> -> memref<3200xi32, #tpu.memory_space<hbm>>
        tpu.wait_dma2 semaphore(%run_scoped3A : memref<!tpu.dma_semaphore, #tpu.memory_space<semaphore_mem>>) src(%dma_wait3A_59 : memref<3200xi32, #tpu.memory_space<hbm>>) dst(%arg8 : memref<3200xi32, #tpu.memory_space<vmem>>)
        tpu.yield
      }) : () -> ()
      "tpu.region"() ({
        %run_scoped3A = tpu.sem_alloc : memref<!tpu.dma_semaphore, #tpu.memory_space<semaphore_mem>>
        %dma_start3A_57 = tpu.memref_slice %arg3[%add3A_46] : memref<800000xi32, #tpu.memory_space<hbm>> -> memref<3200xi32, #tpu.memory_space<hbm>>
        %dma_start3A_58 = tpu.memref_slice %arg3[%add3A_46] : memref<800000xi32, #tpu.memory_space<hbm>> -> memref<3200xi32, #tpu.memory_space<hbm>>
        tpu.enqueue_dma source(%dma_start3A_58 : memref<3200xi32, #tpu.memory_space<hbm>>) target(%arg9 : memref<3200xi32, #tpu.memory_space<vmem>>) target_semaphore(%run_scoped3A : memref<!tpu.dma_semaphore, #tpu.memory_space<semaphore_mem>>)
        %dma_wait3A = tpu.memref_slice %arg3[%add3A_46] : memref<800000xi32, #tpu.memory_space<hbm>> -> memref<3200xi32, #tpu.memory_space<hbm>>
        %dma_wait3A_59 = tpu.memref_slice %arg3[%add3A_46] : memref<800000xi32, #tpu.memory_space<hbm>> -> memref<3200xi32, #tpu.memory_space<hbm>>
        tpu.wait_dma2 semaphore(%run_scoped3A : memref<!tpu.dma_semaphore, #tpu.memory_space<semaphore_mem>>) src(%dma_wait3A_59 : memref<3200xi32, #tpu.memory_space<hbm>>) dst(%arg9 : memref<3200xi32, #tpu.memory_space<vmem>>)
        tpu.yield
      }) : () -> ()
      "tpu.region"() ({
        %run_scoped3A = tpu.sem_alloc : memref<!tpu.dma_semaphore, #tpu.memory_space<semaphore_mem>>
        %dma_start3A_57 = tpu.memref_slice %arg5[%add3A_46] : memref<800000xf32, #tpu.memory_space<hbm>> -> memref<3200xf32, #tpu.memory_space<hbm>>
        %dma_start3A_58 = tpu.memref_slice %arg5[%add3A_46] : memref<800000xf32, #tpu.memory_space<hbm>> -> memref<3200xf32, #tpu.memory_space<hbm>>
        tpu.enqueue_dma source(%dma_start3A_58 : memref<3200xf32, #tpu.memory_space<hbm>>) target(%arg10 : memref<3200xf32, #tpu.memory_space<vmem>>) target_semaphore(%run_scoped3A : memref<!tpu.dma_semaphore, #tpu.memory_space<semaphore_mem>>)
        %dma_wait3A = tpu.memref_slice %arg5[%add3A_46] : memref<800000xf32, #tpu.memory_space<hbm>> -> memref<3200xf32, #tpu.memory_space<hbm>>
        %dma_wait3A_59 = tpu.memref_slice %arg5[%add3A_46] : memref<800000xf32, #tpu.memory_space<hbm>> -> memref<3200xf32, #tpu.memory_space<hbm>>
        tpu.wait_dma2 semaphore(%run_scoped3A : memref<!tpu.dma_semaphore, #tpu.memory_space<semaphore_mem>>) src(%dma_wait3A_59 : memref<3200xf32, #tpu.memory_space<hbm>>) dst(%arg10 : memref<3200xf32, #tpu.memory_space<vmem>>)
        tpu.yield
      }) : () -> ()
      %parallel_loop3A = arith.constant 0 : i32
      %parallel_loop3A_47 = arith.constant 8 : i32
      %parallel_loop3A_48 = arith.constant 1 : i32
      scf.for %parallel_loop3A_57 = %parallel_loop3A to %parallel_loop3A_47 step %parallel_loop3A_48  : i32 {
        %parallel_loop3A_58 = arith.constant 16 : i32
        %parallel_loop3A_59 = arith.muli %parallel_loop3A_57, %parallel_loop3A_58 : i32
        %parallel_loop3A_60 = arith.constant 16 : i32
        %parallel_loop3A_61 = arith.muli %parallel_loop3A_57, %parallel_loop3A_60 : i32
        %parallel_loop3A_62 = arith.constant 0 : i32
        %parallel_loop3A_63 = arith.addi %parallel_loop3A_62, %parallel_loop3A_61 : i32
        %parallel_loop3A_64 = arith.index_cast %parallel_loop3A_63 : i32 to index
        %parallel_loop3A_65 = tpu.vector_load %arg8[%parallel_loop3A_64] {strides = array<i32>} : memref<3200xi32, #tpu.memory_space<vmem>>, vector<16xi32>,
        %parallel_loop3A_66 = arith.index_cast %parallel_loop3A_59 : i32 to index
        %parallel_loop3A_67 = tpu.vector_load %arg11[%parallel_loop3A_66] {strides = array<i32>} : memref<128xi32, #tpu.memory_space<vmem>>, vector<16xi32>,
        tpu.vector_store %arg11[%parallel_loop3A_66], %parallel_loop3A_65 {strides = array<i32>} : memref<128xi32, #tpu.memory_space<vmem>>, vector<16xi32>,
      } {sc.loop_unroll_factor = 4 : i64, sc.parallel_access}
      %dma_start3A = arith.constant 0 : i32
      %dma_start3A_49 = arith.constant 0 : i32
      %dma_start3A_50 = tpu.memref_slice %arg2[%dma_start3A, %dma_start3A_49] : memref<50000x32xi32, #tpu.memory_space<hbm>> -> memref<50000x32xi32, #tpu.memory_space<hbm>>
      tpu.enqueue_indirect_dma source(%dma_start3A_50 : memref<50000x32xi32, #tpu.memory_space<hbm>>) target(%arg15 : memref<128x32xi32, #tpu.memory_space<vmem>>) offsets(%arg11 : memref<128xi32, #tpu.memory_space<vmem>>) semaphore(%arg18 : memref<!tpu.dma_semaphore, #tpu.memory_space<semaphore_mem>>)
      %scan3A_51 = arith.constant 0 : i32
      %scan3A_52 = arith.constant 0 : i32
      %scan3A_53 = arith.constant 25 : i32
      %scan3A_54 = arith.addi %scan3A_52, %scan3A_53 : i32
      %scan3A_55 = arith.constant 1 : i32
      scf.for %scan3A_57 = %scan3A_52 to %scan3A_54 step %scan3A_55  : i32 {
        %jit3A_58 = arith.constant 2 : i32
        %eq3A_59 = arith.constant 0 : i32
        %eq3A_60 = arith.cmpi eq, %jit3A_58, %eq3A_59 : i32
        %jit3A_61 = arith.constant 1 : i32
        %select_n3A_62 = arith.select %eq3A_60, %jit3A_61, %jit3A_58 : i32
        %rem3A = arith.remsi %scan3A_57, %select_n3A_62 : i32
        %ne3A = arith.constant 0 : i32
        %ne3A_63 = arith.cmpi ne, %rem3A, %ne3A : i32
        %lt3A_64 = arith.constant 0 : i32
        %lt3A_65 = arith.cmpi slt, %rem3A, %lt3A_64 : i32
        %lt3A_66 = arith.constant 0 : i32
        %lt3A_67 = arith.cmpi slt, %select_n3A_62, %lt3A_66 : i32
        %ne3A_68 = arith.xori %lt3A_65, %lt3A_67 : i1
        %and3A = arith.andi %ne3A_68, %ne3A_63 : i1
        %add3A_69 = arith.addi %rem3A, %select_n3A_62 : i32
        %select_n3A_70 = arith.select %and3A, %add3A_69, %rem3A : i32
        %eq3A_71 = arith.constant 0 : i32
        %eq3A_72 = arith.cmpi eq, %select_n3A_70, %eq3A_71 : i32
        %convert_element_type3A_73 = arith.extui %eq3A_72 : i1 to i32
        %cond3A_74 = arith.constant 0 : i32
        %cond3A_75 = arith.cmpi ne, %convert_element_type3A_73, %cond3A_74 : i32
        scf.if %cond3A_75 {
          %lt3A_97 = arith.constant 24 : i32
          %lt3A_98 = arith.cmpi slt, %scan3A_57, %lt3A_97 : i32
          %convert_element_type3A_99 = arith.extui %lt3A_98 : i1 to i32
          %cond3A_100 = arith.constant 0 : i32
          %cond3A_101 = arith.cmpi ne, %convert_element_type3A_99, %cond3A_100 : i32
          scf.if %cond3A_101 {
            %add3A_110 = arith.constant 1 : i32
            %add3A_111 = arith.addi %scan3A_57, %add3A_110 : i32
            %parallel_loop3A_112 = arith.constant 0 : i32
            %parallel_loop3A_113 = arith.constant 8 : i32
            %parallel_loop3A_114 = arith.constant 1 : i32
            scf.for %parallel_loop3A_118 = %parallel_loop3A_112 to %parallel_loop3A_113 step %parallel_loop3A_114  : i32 {
              %parallel_loop3A_119 = arith.constant 16 : i32
              %parallel_loop3A_120 = arith.muli %parallel_loop3A_118, %parallel_loop3A_119 : i32
              %parallel_loop3A_121 = arith.constant 128 : i32
              %parallel_loop3A_122 = arith.muli %add3A_111, %parallel_loop3A_121 : i32
              %parallel_loop3A_123 = arith.constant 16 : i32
              %parallel_loop3A_124 = arith.muli %parallel_loop3A_118, %parallel_loop3A_123 : i32
              %parallel_loop3A_125 = arith.addi %parallel_loop3A_122, %parallel_loop3A_124 : i32
              %parallel_loop3A_126 = arith.index_cast %parallel_loop3A_125 : i32 to index
              %parallel_loop3A_127 = tpu.vector_load %arg8[%parallel_loop3A_126] {strides = array<i32>} : memref<3200xi32, #tpu.memory_space<vmem>>, vector<16xi32>,
              %parallel_loop3A_128 = arith.index_cast %parallel_loop3A_120 : i32 to index
              %parallel_loop3A_129 = tpu.vector_load %arg12[%parallel_loop3A_128] {strides = array<i32>} : memref<128xi32, #tpu.memory_space<vmem>>, vector<16xi32>,
              tpu.vector_store %arg12[%parallel_loop3A_128], %parallel_loop3A_127 {strides = array<i32>} : memref<128xi32, #tpu.memory_space<vmem>>, vector<16xi32>,
            } {sc.loop_unroll_factor = 4 : i64, sc.parallel_access}
            %dma_start3A_115 = arith.constant 0 : i32
            %dma_start3A_116 = arith.constant 0 : i32
            %dma_start3A_117 = tpu.memref_slice %arg2[%dma_start3A_115, %dma_start3A_116] : memref<50000x32xi32, #tpu.memory_space<hbm>> -> memref<50000x32xi32, #tpu.memory_space<hbm>>
            tpu.enqueue_indirect_dma source(%dma_start3A_117 : memref<50000x32xi32, #tpu.memory_space<hbm>>) target(%arg16 : memref<128x32xi32, #tpu.memory_space<vmem>>) offsets(%arg12 : memref<128xi32, #tpu.memory_space<vmem>>) semaphore(%arg19 : memref<!tpu.dma_semaphore, #tpu.memory_space<semaphore_mem>>)
          } else {
          }
          %dma_wait3A = arith.constant 0 : i32
          %dma_wait3A_102 = arith.constant 0 : i32
          %dma_wait3A_103 = tpu.memref_slice %arg2[%dma_wait3A, %dma_wait3A_102] : memref<50000x32xi32, #tpu.memory_space<hbm>> -> memref<50000x32xi32, #tpu.memory_space<hbm>>
          tpu.wait_indirect_dma semaphore(%arg18 : memref<!tpu.dma_semaphore, #tpu.memory_space<semaphore_mem>>) src(%dma_wait3A_103 : memref<50000x32xi32, #tpu.memory_space<hbm>>) dst(%arg15 : memref<128x32xi32, #tpu.memory_space<vmem>>)
          %parallel_loop3A_104 = arith.constant 0 : i32
          %parallel_loop3A_105 = arith.constant 8 : i32
          %parallel_loop3A_106 = arith.constant 1 : i32
          scf.for %parallel_loop3A_110 = %parallel_loop3A_104 to %parallel_loop3A_105 step %parallel_loop3A_106  : i32 {
            %parallel_loop3A_111 = arith.constant 16 : i32
            %parallel_loop3A_112 = arith.muli %parallel_loop3A_110, %parallel_loop3A_111 : i32
            %parallel_loop3A_113 = arith.constant 128 : i32
            %parallel_loop3A_114 = arith.muli %scan3A_57, %parallel_loop3A_113 : i32
            %parallel_loop3A_115 = arith.constant 16 : i32
            %parallel_loop3A_116 = arith.muli %parallel_loop3A_110, %parallel_loop3A_115 : i32
            %parallel_loop3A_117 = arith.addi %parallel_loop3A_114, %parallel_loop3A_116 : i32
            %parallel_loop3A_118 = arith.index_cast %parallel_loop3A_117 : i32 to index
            %parallel_loop3A_119 = tpu.vector_load %arg9[%parallel_loop3A_118] {strides = array<i32>} : memref<3200xi32, #tpu.memory_space<vmem>>, vector<16xi32>,
            %parallel_loop3A_120 = vector.broadcast %mul3A_16 : i32 to vector<16xi32>
            %parallel_loop3A_121 = arith.subi %parallel_loop3A_119, %parallel_loop3A_120 : vector<16xi32>
            %parallel_loop3A_122 = arith.index_cast %parallel_loop3A_112 : i32 to index
            %parallel_loop3A_123 = tpu.vector_load %arg13[%parallel_loop3A_122] {strides = array<i32>} : memref<128xi32, #tpu.memory_space<vmem>>, vector<16xi32>,
            tpu.vector_store %arg13[%parallel_loop3A_122], %parallel_loop3A_121 {strides = array<i32>} : memref<128xi32, #tpu.memory_space<vmem>>, vector<16xi32>,
          } {sc.loop_unroll_factor = 4 : i64, sc.parallel_access}
          %parallel_loop3A_107 = arith.constant 0 : i32
          %parallel_loop3A_108 = arith.constant 128 : i32
          %parallel_loop3A_109 = arith.constant 1 : i32
          scf.for %parallel_loop3A_110 = %parallel_loop3A_107 to %parallel_loop3A_108 step %parallel_loop3A_109  : i32 {
            %parallel_loop3A_111 = arith.constant 128 : i32
            %parallel_loop3A_112 = arith.muli %scan3A_57, %parallel_loop3A_111 : i32
            %parallel_loop3A_113 = arith.addi %parallel_loop3A_112, %parallel_loop3A_110 : i32
            %parallel_loop3A_114 = vector.broadcast %parallel_loop3A_113 : i32 to vector<16xi32>
            %parallel_loop3A_115 = tpu.vector_load_idx %arg10[%parallel_loop3A_114] : memref<3200xf32, #tpu.memory_space<vmem>>[vector<16xi32>], vector<16xf32>,
            %parallel_loop3A_116 = arith.index_cast %parallel_loop3A_110 : i32 to index
            %parallel_loop3A_117 = arith.constant 0 : index
            %parallel_loop3A_118 = tpu.vector_load %arg15[%parallel_loop3A_116, %parallel_loop3A_117] {strides = array<i32>} : memref<128x32xi32, #tpu.memory_space<vmem>>, vector<16xi32>,
            %parallel_loop3A_119 = arith.constant 16 : i32
            %parallel_loop3A_120 = vector.broadcast %parallel_loop3A_119 : i32 to vector<16xi32>
            %parallel_loop3A_121 = arith.shli %parallel_loop3A_118, %parallel_loop3A_120 : vector<16xi32>
            %parallel_loop3A_122 = vector.bitcast %parallel_loop3A_121 : vector<16xi32> to vector<16xf32>
            %parallel_loop3A_123 = arith.constant -65536 : i32
            %parallel_loop3A_124 = vector.broadcast %parallel_loop3A_123 : i32 to vector<16xi32>
            %parallel_loop3A_125 = arith.andi %parallel_loop3A_118, %parallel_loop3A_124 : vector<16xi32>
            %parallel_loop3A_126 = vector.bitcast %parallel_loop3A_125 : vector<16xi32> to vector<16xf32>
            %parallel_loop3A_127 = arith.mulf %parallel_loop3A_122, %parallel_loop3A_115 : vector<16xf32>
            %parallel_loop3A_128 = arith.index_cast %parallel_loop3A_110 : i32 to index
            %parallel_loop3A_129 = arith.constant 0 : index
            %parallel_loop3A_130 = tpu.vector_load %arg17[%parallel_loop3A_128, %parallel_loop3A_129] {strides = array<i32>} : memref<128x64xf32, #tpu.memory_space<vmem>>, vector<16xf32>,
            tpu.vector_store %arg17[%parallel_loop3A_128, %parallel_loop3A_129], %parallel_loop3A_127 {strides = array<i32>} : memref<128x64xf32, #tpu.memory_space<vmem>>, vector<16xf32>,
            %parallel_loop3A_131 = arith.mulf %parallel_loop3A_126, %parallel_loop3A_115 : vector<16xf32>
            %parallel_loop3A_132 = arith.index_cast %parallel_loop3A_110 : i32 to index
            %parallel_loop3A_133 = arith.constant 16 : index
            %parallel_loop3A_134 = tpu.vector_load %arg17[%parallel_loop3A_132, %parallel_loop3A_133] {strides = array<i32>} : memref<128x64xf32, #tpu.memory_space<vmem>>, vector<16xf32>,
            tpu.vector_store %arg17[%parallel_loop3A_132, %parallel_loop3A_133], %parallel_loop3A_131 {strides = array<i32>} : memref<128x64xf32, #tpu.memory_space<vmem>>, vector<16xf32>,
            %parallel_loop3A_135 = arith.index_cast %parallel_loop3A_110 : i32 to index
            %parallel_loop3A_136 = arith.constant 16 : index
            %parallel_loop3A_137 = tpu.vector_load %arg15[%parallel_loop3A_135, %parallel_loop3A_136] {strides = array<i32>} : memref<128x32xi32, #tpu.memory_space<vmem>>, vector<16xi32>,
            %parallel_loop3A_138 = arith.constant 16 : i32
            %parallel_loop3A_139 = vector.broadcast %parallel_loop3A_138 : i32 to vector<16xi32>
            %parallel_loop3A_140 = arith.shli %parallel_loop3A_137, %parallel_loop3A_139 : vector<16xi32>
            %parallel_loop3A_141 = vector.bitcast %parallel_loop3A_140 : vector<16xi32> to vector<16xf32>
            %parallel_loop3A_142 = arith.constant -65536 : i32
            %parallel_loop3A_143 = vector.broadcast %parallel_loop3A_142 : i32 to vector<16xi32>
            %parallel_loop3A_144 = arith.andi %parallel_loop3A_137, %parallel_loop3A_143 : vector<16xi32>
            %parallel_loop3A_145 = vector.bitcast %parallel_loop3A_144 : vector<16xi32> to vector<16xf32>
            %parallel_loop3A_146 = arith.mulf %parallel_loop3A_141, %parallel_loop3A_115 : vector<16xf32>
            %parallel_loop3A_147 = arith.index_cast %parallel_loop3A_110 : i32 to index
            %parallel_loop3A_148 = arith.constant 32 : index
            %parallel_loop3A_149 = tpu.vector_load %arg17[%parallel_loop3A_147, %parallel_loop3A_148] {strides = array<i32>} : memref<128x64xf32, #tpu.memory_space<vmem>>, vector<16xf32>,
            tpu.vector_store %arg17[%parallel_loop3A_147, %parallel_loop3A_148], %parallel_loop3A_146 {strides = array<i32>} : memref<128x64xf32, #tpu.memory_space<vmem>>, vector<16xf32>,
            %parallel_loop3A_150 = arith.mulf %parallel_loop3A_145, %parallel_loop3A_115 : vector<16xf32>
            %parallel_loop3A_151 = arith.index_cast %parallel_loop3A_110 : i32 to index
            %parallel_loop3A_152 = arith.constant 48 : index
            %parallel_loop3A_153 = tpu.vector_load %arg17[%parallel_loop3A_151, %parallel_loop3A_152] {strides = array<i32>} : memref<128x64xf32, #tpu.memory_space<vmem>>, vector<16xf32>,
            tpu.vector_store %arg17[%parallel_loop3A_151, %parallel_loop3A_152], %parallel_loop3A_150 {strides = array<i32>} : memref<128x64xf32, #tpu.memory_space<vmem>>, vector<16xf32>,
          } {sc.loop_unroll_factor = 8 : i64, sc.parallel_access}
          "tpu.region"() ({
            %run_scoped3A = tpu.sem_alloc : memref<!tpu.dma_semaphore, #tpu.memory_space<semaphore_mem>>
            %dma_start3A_110 = arith.constant 0 : i32
            %dma_start3A_111 = arith.constant 0 : i32
            %dma_start3A_112 = tpu.memref_slice %arg7[%dma_start3A_110, %dma_start3A_111] : memref<25000x64xf32, #tpu.memory_space<vmem_shared>> -> memref<25000x64xf32, #tpu.memory_space<vmem_shared>>
            tpu.enqueue_indirect_dma source(%arg17 : memref<128x64xf32, #tpu.memory_space<vmem>>) target(%dma_start3A_112 : memref<25000x64xf32, #tpu.memory_space<vmem_shared>>) offsets(%arg13 : memref<128xi32, #tpu.memory_space<vmem>>) semaphore(%run_scoped3A : memref<!tpu.dma_semaphore, #tpu.memory_space<semaphore_mem>>) {add = true}
            %dma_wait3A_113 = arith.constant 0 : i32
            %dma_wait3A_114 = arith.constant 0 : i32
            %dma_wait3A_115 = tpu.memref_slice %arg7[%dma_wait3A_113, %dma_wait3A_114] : memref<25000x64xf32, #tpu.memory_space<vmem_shared>> -> memref<25000x64xf32, #tpu.memory_space<vmem_shared>>
            tpu.wait_indirect_dma semaphore(%run_scoped3A : memref<!tpu.dma_semaphore, #tpu.memory_space<semaphore_mem>>) src(%arg17 : memref<128x64xf32, #tpu.memory_space<vmem>>) dst(%dma_wait3A_115 : memref<25000x64xf32, #tpu.memory_space<vmem_shared>>)
            tpu.yield
          }) : () -> ()
        } else {
        }
        %jit3A_76 = arith.constant 2 : i32
        %eq3A_77 = arith.constant 0 : i32
        %eq3A_78 = arith.cmpi eq, %jit3A_76, %eq3A_77 : i32
        %jit3A_79 = arith.constant 1 : i32
        %select_n3A_80 = arith.select %eq3A_78, %jit3A_79, %jit3A_76 : i32
        %rem3A_81 = arith.remsi %scan3A_57, %select_n3A_80 : i32
        %ne3A_82 = arith.constant 0 : i32
        %ne3A_83 = arith.cmpi ne, %rem3A_81, %ne3A_82 : i32
        %lt3A_84 = arith.constant 0 : i32
        %lt3A_85 = arith.cmpi slt, %rem3A_81, %lt3A_84 : i32
        %lt3A_86 = arith.constant 0 : i32
        %lt3A_87 = arith.cmpi slt, %select_n3A_80, %lt3A_86 : i32
        %ne3A_88 = arith.xori %lt3A_85, %lt3A_87 : i1
        %and3A_89 = arith.andi %ne3A_88, %ne3A_83 : i1
        %add3A_90 = arith.addi %rem3A_81, %select_n3A_80 : i32
        %select_n3A_91 = arith.select %and3A_89, %add3A_90, %rem3A_81 : i32
        %eq3A_92 = arith.constant 1 : i32
        %eq3A_93 = arith.cmpi eq, %select_n3A_91, %eq3A_92 : i32
        %convert_element_type3A_94 = arith.extui %eq3A_93 : i1 to i32
        %cond3A_95 = arith.constant 0 : i32
        %cond3A_96 = arith.cmpi ne, %convert_element_type3A_94, %cond3A_95 : i32
        scf.if %cond3A_96 {
          %lt3A_97 = arith.constant 24 : i32
          %lt3A_98 = arith.cmpi slt, %scan3A_57, %lt3A_97 : i32
          %convert_element_type3A_99 = arith.extui %lt3A_98 : i1 to i32
          %cond3A_100 = arith.constant 0 : i32
          %cond3A_101 = arith.cmpi ne, %convert_element_type3A_99, %cond3A_100 : i32
          scf.if %cond3A_101 {
            %add3A_110 = arith.constant 1 : i32
            %add3A_111 = arith.addi %scan3A_57, %add3A_110 : i32
            %parallel_loop3A_112 = arith.constant 0 : i32
            %parallel_loop3A_113 = arith.constant 8 : i32
            %parallel_loop3A_114 = arith.constant 1 : i32
            scf.for %parallel_loop3A_118 = %parallel_loop3A_112 to %parallel_loop3A_113 step %parallel_loop3A_114  : i32 {
              %parallel_loop3A_119 = arith.constant 16 : i32
              %parallel_loop3A_120 = arith.muli %parallel_loop3A_118, %parallel_loop3A_119 : i32
              %parallel_loop3A_121 = arith.constant 128 : i32
              %parallel_loop3A_122 = arith.muli %add3A_111, %parallel_loop3A_121 : i32
              %parallel_loop3A_123 = arith.constant 16 : i32
              %parallel_loop3A_124 = arith.muli %parallel_loop3A_118, %parallel_loop3A_123 : i32
              %parallel_loop3A_125 = arith.addi %parallel_loop3A_122, %parallel_loop3A_124 : i32
              %parallel_loop3A_126 = arith.index_cast %parallel_loop3A_125 : i32 to index
              %parallel_loop3A_127 = tpu.vector_load %arg8[%parallel_loop3A_126] {strides = array<i32>} : memref<3200xi32, #tpu.memory_space<vmem>>, vector<16xi32>,
              %parallel_loop3A_128 = arith.index_cast %parallel_loop3A_120 : i32 to index
              %parallel_loop3A_129 = tpu.vector_load %arg11[%parallel_loop3A_128] {strides = array<i32>} : memref<128xi32, #tpu.memory_space<vmem>>, vector<16xi32>,
              tpu.vector_store %arg11[%parallel_loop3A_128], %parallel_loop3A_127 {strides = array<i32>} : memref<128xi32, #tpu.memory_space<vmem>>, vector<16xi32>,
            } {sc.loop_unroll_factor = 4 : i64, sc.parallel_access}
            %dma_start3A_115 = arith.constant 0 : i32
            %dma_start3A_116 = arith.constant 0 : i32
            %dma_start3A_117 = tpu.memref_slice %arg2[%dma_start3A_115, %dma_start3A_116] : memref<50000x32xi32, #tpu.memory_space<hbm>> -> memref<50000x32xi32, #tpu.memory_space<hbm>>
            tpu.enqueue_indirect_dma source(%dma_start3A_117 : memref<50000x32xi32, #tpu.memory_space<hbm>>) target(%arg15 : memref<128x32xi32, #tpu.memory_space<vmem>>) offsets(%arg11 : memref<128xi32, #tpu.memory_space<vmem>>) semaphore(%arg18 : memref<!tpu.dma_semaphore, #tpu.memory_space<semaphore_mem>>)
          } else {
          }
          %dma_wait3A = arith.constant 0 : i32
          %dma_wait3A_102 = arith.constant 0 : i32
          %dma_wait3A_103 = tpu.memref_slice %arg2[%dma_wait3A, %dma_wait3A_102] : memref<50000x32xi32, #tpu.memory_space<hbm>> -> memref<50000x32xi32, #tpu.memory_space<hbm>>
          tpu.wait_indirect_dma semaphore(%arg19 : memref<!tpu.dma_semaphore, #tpu.memory_space<semaphore_mem>>) src(%dma_wait3A_103 : memref<50000x32xi32, #tpu.memory_space<hbm>>) dst(%arg16 : memref<128x32xi32, #tpu.memory_space<vmem>>)
          %parallel_loop3A_104 = arith.constant 0 : i32
          %parallel_loop3A_105 = arith.constant 8 : i32
          %parallel_loop3A_106 = arith.constant 1 : i32
          scf.for %parallel_loop3A_110 = %parallel_loop3A_104 to %parallel_loop3A_105 step %parallel_loop3A_106  : i32 {
            %parallel_loop3A_111 = arith.constant 16 : i32
            %parallel_loop3A_112 = arith.muli %parallel_loop3A_110, %parallel_loop3A_111 : i32
            %parallel_loop3A_113 = arith.constant 128 : i32
            %parallel_loop3A_114 = arith.muli %scan3A_57, %parallel_loop3A_113 : i32
            %parallel_loop3A_115 = arith.constant 16 : i32
            %parallel_loop3A_116 = arith.muli %parallel_loop3A_110, %parallel_loop3A_115 : i32
            %parallel_loop3A_117 = arith.addi %parallel_loop3A_114, %parallel_loop3A_116 : i32
            %parallel_loop3A_118 = arith.index_cast %parallel_loop3A_117 : i32 to index
            %parallel_loop3A_119 = tpu.vector_load %arg9[%parallel_loop3A_118] {strides = array<i32>} : memref<3200xi32, #tpu.memory_space<vmem>>, vector<16xi32>,
            %parallel_loop3A_120 = vector.broadcast %mul3A_16 : i32 to vector<16xi32>
            %parallel_loop3A_121 = arith.subi %parallel_loop3A_119, %parallel_loop3A_120 : vector<16xi32>
            %parallel_loop3A_122 = arith.index_cast %parallel_loop3A_112 : i32 to index
            %parallel_loop3A_123 = tpu.vector_load %arg14[%parallel_loop3A_122] {strides = array<i32>} : memref<128xi32, #tpu.memory_space<vmem>>, vector<16xi32>,
            tpu.vector_store %arg14[%parallel_loop3A_122], %parallel_loop3A_121 {strides = array<i32>} : memref<128xi32, #tpu.memory_space<vmem>>, vector<16xi32>,
          } {sc.loop_unroll_factor = 4 : i64, sc.parallel_access}
          %parallel_loop3A_107 = arith.constant 0 : i32
          %parallel_loop3A_108 = arith.constant 128 : i32
          %parallel_loop3A_109 = arith.constant 1 : i32
          scf.for %parallel_loop3A_110 = %parallel_loop3A_107 to %parallel_loop3A_108 step %parallel_loop3A_109  : i32 {
            %parallel_loop3A_111 = arith.constant 128 : i32
            %parallel_loop3A_112 = arith.muli %scan3A_57, %parallel_loop3A_111 : i32
            %parallel_loop3A_113 = arith.addi %parallel_loop3A_112, %parallel_loop3A_110 : i32
            %parallel_loop3A_114 = vector.broadcast %parallel_loop3A_113 : i32 to vector<16xi32>
            %parallel_loop3A_115 = tpu.vector_load_idx %arg10[%parallel_loop3A_114] : memref<3200xf32, #tpu.memory_space<vmem>>[vector<16xi32>], vector<16xf32>,
            %parallel_loop3A_116 = arith.index_cast %parallel_loop3A_110 : i32 to index
            %parallel_loop3A_117 = arith.constant 0 : index
            %parallel_loop3A_118 = tpu.vector_load %arg16[%parallel_loop3A_116, %parallel_loop3A_117] {strides = array<i32>} : memref<128x32xi32, #tpu.memory_space<vmem>>, vector<16xi32>,
            %parallel_loop3A_119 = arith.constant 16 : i32
            %parallel_loop3A_120 = vector.broadcast %parallel_loop3A_119 : i32 to vector<16xi32>
            %parallel_loop3A_121 = arith.shli %parallel_loop3A_118, %parallel_loop3A_120 : vector<16xi32>
            %parallel_loop3A_122 = vector.bitcast %parallel_loop3A_121 : vector<16xi32> to vector<16xf32>
            %parallel_loop3A_123 = arith.constant -65536 : i32
            %parallel_loop3A_124 = vector.broadcast %parallel_loop3A_123 : i32 to vector<16xi32>
            %parallel_loop3A_125 = arith.andi %parallel_loop3A_118, %parallel_loop3A_124 : vector<16xi32>
            %parallel_loop3A_126 = vector.bitcast %parallel_loop3A_125 : vector<16xi32> to vector<16xf32>
            %parallel_loop3A_127 = arith.mulf %parallel_loop3A_122, %parallel_loop3A_115 : vector<16xf32>
            %parallel_loop3A_128 = arith.index_cast %parallel_loop3A_110 : i32 to index
            %parallel_loop3A_129 = arith.constant 0 : index
            %parallel_loop3A_130 = tpu.vector_load %arg17[%parallel_loop3A_128, %parallel_loop3A_129] {strides = array<i32>} : memref<128x64xf32, #tpu.memory_space<vmem>>, vector<16xf32>,
            tpu.vector_store %arg17[%parallel_loop3A_128, %parallel_loop3A_129], %parallel_loop3A_127 {strides = array<i32>} : memref<128x64xf32, #tpu.memory_space<vmem>>, vector<16xf32>,
            %parallel_loop3A_131 = arith.mulf %parallel_loop3A_126, %parallel_loop3A_115 : vector<16xf32>
            %parallel_loop3A_132 = arith.index_cast %parallel_loop3A_110 : i32 to index
            %parallel_loop3A_133 = arith.constant 16 : index
            %parallel_loop3A_134 = tpu.vector_load %arg17[%parallel_loop3A_132, %parallel_loop3A_133] {strides = array<i32>} : memref<128x64xf32, #tpu.memory_space<vmem>>, vector<16xf32>,
            tpu.vector_store %arg17[%parallel_loop3A_132, %parallel_loop3A_133], %parallel_loop3A_131 {strides = array<i32>} : memref<128x64xf32, #tpu.memory_space<vmem>>, vector<16xf32>,
            %parallel_loop3A_135 = arith.index_cast %parallel_loop3A_110 : i32 to index
            %parallel_loop3A_136 = arith.constant 16 : index
            %parallel_loop3A_137 = tpu.vector_load %arg16[%parallel_loop3A_135, %parallel_loop3A_136] {strides = array<i32>} : memref<128x32xi32, #tpu.memory_space<vmem>>, vector<16xi32>,
            %parallel_loop3A_138 = arith.constant 16 : i32
            %parallel_loop3A_139 = vector.broadcast %parallel_loop3A_138 : i32 to vector<16xi32>
            %parallel_loop3A_140 = arith.shli %parallel_loop3A_137, %parallel_loop3A_139 : vector<16xi32>
            %parallel_loop3A_141 = vector.bitcast %parallel_loop3A_140 : vector<16xi32> to vector<16xf32>
            %parallel_loop3A_142 = arith.constant -65536 : i32
            %parallel_loop3A_143 = vector.broadcast %parallel_loop3A_142 : i32 to vector<16xi32>
            %parallel_loop3A_144 = arith.andi %parallel_loop3A_137, %parallel_loop3A_143 : vector<16xi32>
            %parallel_loop3A_145 = vector.bitcast %parallel_loop3A_144 : vector<16xi32> to vector<16xf32>
            %parallel_loop3A_146 = arith.mulf %parallel_loop3A_141, %parallel_loop3A_115 : vector<16xf32>
            %parallel_loop3A_147 = arith.index_cast %parallel_loop3A_110 : i32 to index
            %parallel_loop3A_148 = arith.constant 32 : index
            %parallel_loop3A_149 = tpu.vector_load %arg17[%parallel_loop3A_147, %parallel_loop3A_148] {strides = array<i32>} : memref<128x64xf32, #tpu.memory_space<vmem>>, vector<16xf32>,
            tpu.vector_store %arg17[%parallel_loop3A_147, %parallel_loop3A_148], %parallel_loop3A_146 {strides = array<i32>} : memref<128x64xf32, #tpu.memory_space<vmem>>, vector<16xf32>,
            %parallel_loop3A_150 = arith.mulf %parallel_loop3A_145, %parallel_loop3A_115 : vector<16xf32>
            %parallel_loop3A_151 = arith.index_cast %parallel_loop3A_110 : i32 to index
            %parallel_loop3A_152 = arith.constant 48 : index
            %parallel_loop3A_153 = tpu.vector_load %arg17[%parallel_loop3A_151, %parallel_loop3A_152] {strides = array<i32>} : memref<128x64xf32, #tpu.memory_space<vmem>>, vector<16xf32>,
            tpu.vector_store %arg17[%parallel_loop3A_151, %parallel_loop3A_152], %parallel_loop3A_150 {strides = array<i32>} : memref<128x64xf32, #tpu.memory_space<vmem>>, vector<16xf32>,
          } {sc.loop_unroll_factor = 8 : i64, sc.parallel_access}
          "tpu.region"() ({
            %run_scoped3A = tpu.sem_alloc : memref<!tpu.dma_semaphore, #tpu.memory_space<semaphore_mem>>
            %dma_start3A_110 = arith.constant 0 : i32
            %dma_start3A_111 = arith.constant 0 : i32
            %dma_start3A_112 = tpu.memref_slice %arg7[%dma_start3A_110, %dma_start3A_111] : memref<25000x64xf32, #tpu.memory_space<vmem_shared>> -> memref<25000x64xf32, #tpu.memory_space<vmem_shared>>
            tpu.enqueue_indirect_dma source(%arg17 : memref<128x64xf32, #tpu.memory_space<vmem>>) target(%dma_start3A_112 : memref<25000x64xf32, #tpu.memory_space<vmem_shared>>) offsets(%arg14 : memref<128xi32, #tpu.memory_space<vmem>>) semaphore(%run_scoped3A : memref<!tpu.dma_semaphore, #tpu.memory_space<semaphore_mem>>) {add = true}
            %dma_wait3A_113 = arith.constant 0 : i32
            %dma_wait3A_114 = arith.constant 0 : i32
            %dma_wait3A_115 = tpu.memref_slice %arg7[%dma_wait3A_113, %dma_wait3A_114] : memref<25000x64xf32, #tpu.memory_space<vmem_shared>> -> memref<25000x64xf32, #tpu.memory_space<vmem_shared>>
            tpu.wait_indirect_dma semaphore(%run_scoped3A : memref<!tpu.dma_semaphore, #tpu.memory_space<semaphore_mem>>) src(%arg17 : memref<128x64xf32, #tpu.memory_space<vmem>>) dst(%dma_wait3A_115 : memref<25000x64xf32, #tpu.memory_space<vmem_shared>>)
            tpu.yield
          }) : () -> ()
        } else {
        }
      }
      %scan3A_56 = arith.constant 25 : i32
    }
    %barrier3A_34 = arith.constant 0 : index
    tpu.barrier barrier_id(%barrier3A_34)
    %add3A_35 = arith.addi %mul3A_16, %mul3A_5 : i32
    "tpu.region"() ({
      %run_scoped3A = tpu.sem_alloc : memref<!tpu.dma_semaphore, #tpu.memory_space<semaphore_mem>>
      %dma_start3A = arith.constant 0 : i32
      %dma_start3A_41 = tpu.memref_slice %arg6[%add3A_35, %dma_start3A] : memref<50000x64xf32, #tpu.memory_space<hbm>> -> memref<1560x64xf32, #tpu.memory_space<hbm>>
      %dma_start3A_42 = arith.constant 0 : i32
      %dma_start3A_43 = tpu.memref_slice %arg7[%mul3A_5, %dma_start3A_42] : memref<25000x64xf32, #tpu.memory_space<vmem_shared>> -> memref<1560x64xf32, #tpu.memory_space<vmem_shared>>
      tpu.enqueue_dma source(%dma_start3A_43 : memref<1560x64xf32, #tpu.memory_space<vmem_shared>>) target(%dma_start3A_41 : memref<1560x64xf32, #tpu.memory_space<hbm>>) target_semaphore(%run_scoped3A : memref<!tpu.dma_semaphore, #tpu.memory_space<semaphore_mem>>)
      %dma_wait3A = arith.constant 0 : i32
      %dma_wait3A_44 = tpu.memref_slice %arg6[%add3A_35, %dma_wait3A] : memref<50000x64xf32, #tpu.memory_space<hbm>> -> memref<1560x64xf32, #tpu.memory_space<hbm>>
      %dma_wait3A_45 = arith.constant 0 : i32
      %dma_wait3A_46 = tpu.memref_slice %arg7[%mul3A_5, %dma_wait3A_45] : memref<25000x64xf32, #tpu.memory_space<vmem_shared>> -> memref<1560x64xf32, #tpu.memory_space<vmem_shared>>
      tpu.wait_dma2 semaphore(%run_scoped3A : memref<!tpu.dma_semaphore, #tpu.memory_space<semaphore_mem>>) src(%dma_wait3A_46 : memref<1560x64xf32, #tpu.memory_space<vmem_shared>>) dst(%dma_wait3A_44 : memref<1560x64xf32, #tpu.memory_space<hbm>>)
      tpu.yield
    }) : () -> ()
    %eq3A_36 = arith.constant 0 : i32
    %eq3A_37 = arith.cmpi eq, %arg1, %eq3A_36 : i32
    %convert_element_type3A_38 = arith.extui %eq3A_37 : i1 to i32
    %cond3A_39 = arith.constant 0 : i32
    %cond3A_40 = arith.cmpi ne, %convert_element_type3A_38, %cond3A_39 : i32
    scf.if %cond3A_40 {
      %add3A_41 = arith.constant 24960 : i32
      %add3A_42 = arith.addi %mul3A_16, %add3A_41 : i32
      "tpu.region"() ({
        %run_scoped3A = tpu.sem_alloc : memref<!tpu.dma_semaphore, #tpu.memory_space<semaphore_mem>>
        %dma_start3A = arith.constant 0 : i32
        %dma_start3A_43 = tpu.memref_slice %arg6[%add3A_42, %dma_start3A] : memref<50000x64xf32, #tpu.memory_space<hbm>> -> memref<40x64xf32, #tpu.memory_space<hbm>>
        %dma_start3A_44 = arith.constant 24960 : i32
        %dma_start3A_45 = arith.constant 0 : i32
        %dma_start3A_46 = tpu.memref_slice %arg7[%dma_start3A_44, %dma_start3A_45] : memref<25000x64xf32, #tpu.memory_space<vmem_shared>> -> memref<40x64xf32, #tpu.memory_space<vmem_shared>>
        tpu.enqueue_dma source(%dma_start3A_46 : memref<40x64xf32, #tpu.memory_space<vmem_shared>>) target(%dma_start3A_43 : memref<40x64xf32, #tpu.memory_space<hbm>>) target_semaphore(%run_scoped3A : memref<!tpu.dma_semaphore, #tpu.memory_space<semaphore_mem>>)
        %dma_wait3A = arith.constant 0 : i32
        %dma_wait3A_47 = tpu.memref_slice %arg6[%add3A_42, %dma_wait3A] : memref<50000x64xf32, #tpu.memory_space<hbm>> -> memref<40x64xf32, #tpu.memory_space<hbm>>
        %dma_wait3A_48 = arith.constant 24960 : i32
        %dma_wait3A_49 = arith.constant 0 : i32
        %dma_wait3A_50 = tpu.memref_slice %arg7[%dma_wait3A_48, %dma_wait3A_49] : memref<25000x64xf32, #tpu.memory_space<vmem_shared>> -> memref<40x64xf32, #tpu.memory_space<vmem_shared>>
        tpu.wait_dma2 semaphore(%run_scoped3A : memref<!tpu.dma_semaphore, #tpu.memory_space<semaphore_mem>>) src(%dma_wait3A_50 : memref<40x64xf32, #tpu.memory_space<vmem_shared>>) dst(%dma_wait3A_47 : memref<40x64xf32, #tpu.memory_space<hbm>>)
        tpu.yield
      }) : () -> ()
    } else {
    }
    return
  }
}

#map = affine_map<(d0, d1) -> (0, 0)>
#map1 = affine_map<(d0, d1) -> (0)>
module attributes {stable_mosaic.version = 14 : i64} {
  func.func @_spmm_body(%arg0: i32, %arg1: i32, %arg2: memref<50000x32xi32, #tpu.memory_space<hbm>>, %arg3: memref<800000xi32, #tpu.memory_space<hbm>>, %arg4: memref<800000xi32, #tpu.memory_space<hbm>>, %arg5: memref<800000xf32, #tpu.memory_space<hbm>>, %arg6: memref<50000x64xf32, #tpu.memory_space<hbm>>, %arg7: memref<25000x64xf32, #tpu.memory_space<vmem_shared>>, %arg8: memref<3200xi32, #tpu.memory_space<vmem>>, %arg9: memref<3200xi32, #tpu.memory_space<vmem>>, %arg10: memref<3200xf32, #tpu.memory_space<vmem>>, %arg11: memref<128xi32, #tpu.memory_space<vmem>>, %arg12: memref<128xi32, #tpu.memory_space<vmem>>, %arg13: memref<128xi32, #tpu.memory_space<vmem>>, %arg14: memref<128xi32, #tpu.memory_space<vmem>>, %arg15: memref<128x32xi32, #tpu.memory_space<vmem>>, %arg16: memref<128x32xi32, #tpu.memory_space<vmem>>, %arg17: memref<128x64xf32, #tpu.memory_space<vmem>>, %arg18: memref<!tpu.dma_semaphore, #tpu.memory_space<semaphore_mem>>, %arg19: memref<!tpu.dma_semaphore, #tpu.memory_space<semaphore_mem>>) attributes {dimension_semantics = [#tpu.dimension_semantics<core_parallel>, #tpu.dimension_semantics<subcore_parallel>], iteration_bounds = array<i64: 2, 16>, scalar_prefetch = 0 : i64, scratch_operands = 13 : i64, tpu.core_type = #tpu.core_type<sc_vector_subcore>, window_params = [{transform_indices = #map}, {transform_indices = #map1}, {transform_indices = #map1}, {transform_indices = #map1}, {transform_indices = #map}]} {
    %scan3A = arith.constant 0 : i32
    %scan3A_0 = arith.constant 0 : i32
    %scan3A_1 = arith.constant 128 : i32
    %scan3A_2 = arith.addi %scan3A_0, %scan3A_1 : i32
    %scan3A_3 = arith.constant 1 : i32
    scf.for %scan3A_41 = %scan3A_0 to %scan3A_2 step %scan3A_3  : i32 {
      %broadcast_in_dim3A = arith.constant 0.000000e+00 : f32
      %broadcast_in_dim3A_42 = vector.broadcast %broadcast_in_dim3A : f32 to vector<16xf32>
      %swap3A = arith.index_cast %scan3A_41 : i32 to index
      %swap3A_43 = arith.constant 0 : index
      %swap3A_44 = tpu.vector_load %arg17[%swap3A, %swap3A_43] {strides = array<i32>} : memref<128x64xf32, #tpu.memory_space<vmem>>, vector<16xf32>,
      tpu.vector_store %arg17[%swap3A, %swap3A_43], %broadcast_in_dim3A_42 {strides = array<i32>} : memref<128x64xf32, #tpu.memory_space<vmem>>, vector<16xf32>,
      %broadcast_in_dim3A_45 = arith.constant 0.000000e+00 : f32
      %broadcast_in_dim3A_46 = vector.broadcast %broadcast_in_dim3A_45 : f32 to vector<16xf32>
      %swap3A_47 = arith.index_cast %scan3A_41 : i32 to index
      %swap3A_48 = arith.constant 16 : index
      %swap3A_49 = tpu.vector_load %arg17[%swap3A_47, %swap3A_48] {strides = array<i32>} : memref<128x64xf32, #tpu.memory_space<vmem>>, vector<16xf32>,
      tpu.vector_store %arg17[%swap3A_47, %swap3A_48], %broadcast_in_dim3A_46 {strides = array<i32>} : memref<128x64xf32, #tpu.memory_space<vmem>>, vector<16xf32>,
      %broadcast_in_dim3A_50 = arith.constant 0.000000e+00 : f32
      %broadcast_in_dim3A_51 = vector.broadcast %broadcast_in_dim3A_50 : f32 to vector<16xf32>
      %swap3A_52 = arith.index_cast %scan3A_41 : i32 to index
      %swap3A_53 = arith.constant 32 : index
      %swap3A_54 = tpu.vector_load %arg17[%swap3A_52, %swap3A_53] {strides = array<i32>} : memref<128x64xf32, #tpu.memory_space<vmem>>, vector<16xf32>,
      tpu.vector_store %arg17[%swap3A_52, %swap3A_53], %broadcast_in_dim3A_51 {strides = array<i32>} : memref<128x64xf32, #tpu.memory_space<vmem>>, vector<16xf32>,
      %broadcast_in_dim3A_55 = arith.constant 0.000000e+00 : f32
      %broadcast_in_dim3A_56 = vector.broadcast %broadcast_in_dim3A_55 : f32 to vector<16xf32>
      %swap3A_57 = arith.index_cast %scan3A_41 : i32 to index
      %swap3A_58 = arith.constant 48 : index
      %swap3A_59 = tpu.vector_load %arg17[%swap3A_57, %swap3A_58] {strides = array<i32>} : memref<128x64xf32, #tpu.memory_space<vmem>>, vector<16xf32>,
      tpu.vector_store %arg17[%swap3A_57, %swap3A_58], %broadcast_in_dim3A_56 {strides = array<i32>} : memref<128x64xf32, #tpu.memory_space<vmem>>, vector<16xf32>,
    }
    %scan3A_4 = arith.constant 128 : i32
    %mul3A = arith.constant 1560 : i32
    %mul3A_5 = arith.muli %arg1, %mul3A : i32
    %scan3A_6 = arith.constant 0 : i32
    %scan3A_7 = arith.constant 0 : i32
    %scan3A_8 = arith.constant 12 : i32
    %scan3A_9 = arith.addi %scan3A_7, %scan3A_8 : i32
    %scan3A_10 = arith.constant 1 : i32
    scf.for %scan3A_41 = %scan3A_7 to %scan3A_9 step %scan3A_10  : i32 {
      %mul3A_42 = arith.constant 128 : i32
      %mul3A_43 = arith.muli %scan3A_41, %mul3A_42 : i32
      %add3A_44 = arith.addi %mul3A_5, %mul3A_43 : i32
      "tpu.region"() ({
        %run_scoped3A = tpu.sem_alloc : memref<!tpu.dma_semaphore, #tpu.memory_space<semaphore_mem>>
        %dma_start3A = arith.constant 0 : i32
        %dma_start3A_45 = tpu.memref_slice %arg7[%add3A_44, %dma_start3A] : memref<25000x64xf32, #tpu.memory_space<vmem_shared>> -> memref<128x64xf32, #tpu.memory_space<vmem_shared>>
        %dma_start3A_46 = arith.constant 0 : i32
        %dma_start3A_47 = tpu.memref_slice %arg7[%add3A_44, %dma_start3A_46] : memref<25000x64xf32, #tpu.memory_space<vmem_shared>> -> memref<128x64xf32, #tpu.memory_space<vmem_shared>>
        tpu.enqueue_dma source(%arg17 : memref<128x64xf32, #tpu.memory_space<vmem>>) target(%dma_start3A_47 : memref<128x64xf32, #tpu.memory_space<vmem_shared>>) target_semaphore(%run_scoped3A : memref<!tpu.dma_semaphore, #tpu.memory_space<semaphore_mem>>)
        %dma_wait3A = arith.constant 0 : i32
        %dma_wait3A_48 = tpu.memref_slice %arg7[%add3A_44, %dma_wait3A] : memref<25000x64xf32, #tpu.memory_space<vmem_shared>> -> memref<128x64xf32, #tpu.memory_space<vmem_shared>>
        %dma_wait3A_49 = arith.constant 0 : i32
        %dma_wait3A_50 = tpu.memref_slice %arg7[%add3A_44, %dma_wait3A_49] : memref<25000x64xf32, #tpu.memory_space<vmem_shared>> -> memref<128x64xf32, #tpu.memory_space<vmem_shared>>
        tpu.wait_dma2 semaphore(%run_scoped3A : memref<!tpu.dma_semaphore, #tpu.memory_space<semaphore_mem>>) src(%arg17 : memref<128x64xf32, #tpu.memory_space<vmem>>) dst(%dma_wait3A_50 : memref<128x64xf32, #tpu.memory_space<vmem_shared>>)
        tpu.yield
      }) : () -> ()
    }
    %scan3A_11 = arith.constant 12 : i32
    %add3A = arith.constant 1536 : i32
    %add3A_12 = arith.addi %mul3A_5, %add3A : i32
    "tpu.region"() ({
      %run_scoped3A = tpu.sem_alloc : memref<!tpu.dma_semaphore, #tpu.memory_space<semaphore_mem>>
      %dma_start3A = arith.constant 0 : i32
      %dma_start3A_41 = arith.constant 0 : i32
      %dma_start3A_42 = tpu.memref_slice %arg17[%dma_start3A, %dma_start3A_41] : memref<128x64xf32, #tpu.memory_space<vmem>> -> memref<24x64xf32, #tpu.memory_space<vmem>>
      %dma_start3A_43 = arith.constant 0 : i32
      %dma_start3A_44 = tpu.memref_slice %arg7[%add3A_12, %dma_start3A_43] : memref<25000x64xf32, #tpu.memory_space<vmem_shared>> -> memref<24x64xf32, #tpu.memory_space<vmem_shared>>
      %dma_start3A_45 = arith.constant 0 : i32
      %dma_start3A_46 = tpu.memref_slice %arg7[%add3A_12, %dma_start3A_45] : memref<25000x64xf32, #tpu.memory_space<vmem_shared>> -> memref<24x64xf32, #tpu.memory_space<vmem_shared>>
      %dma_start3A_47 = arith.constant 0 : i32
      %dma_start3A_48 = arith.constant 0 : i32
      %dma_start3A_49 = tpu.memref_slice %arg17[%dma_start3A_47, %dma_start3A_48] : memref<128x64xf32, #tpu.memory_space<vmem>> -> memref<24x64xf32, #tpu.memory_space<vmem>>
      tpu.enqueue_dma source(%dma_start3A_49 : memref<24x64xf32, #tpu.memory_space<vmem>>) target(%dma_start3A_46 : memref<24x64xf32, #tpu.memory_space<vmem_shared>>) target_semaphore(%run_scoped3A : memref<!tpu.dma_semaphore, #tpu.memory_space<semaphore_mem>>)
      %dma_wait3A = arith.constant 0 : i32
      %dma_wait3A_50 = arith.constant 0 : i32
      %dma_wait3A_51 = tpu.memref_slice %arg17[%dma_wait3A, %dma_wait3A_50] : memref<128x64xf32, #tpu.memory_space<vmem>> -> memref<24x64xf32, #tpu.memory_space<vmem>>
      %dma_wait3A_52 = arith.constant 0 : i32
      %dma_wait3A_53 = tpu.memref_slice %arg7[%add3A_12, %dma_wait3A_52] : memref<25000x64xf32, #tpu.memory_space<vmem_shared>> -> memref<24x64xf32, #tpu.memory_space<vmem_shared>>
      %dma_wait3A_54 = arith.constant 0 : i32
      %dma_wait3A_55 = tpu.memref_slice %arg7[%add3A_12, %dma_wait3A_54] : memref<25000x64xf32, #tpu.memory_space<vmem_shared>> -> memref<24x64xf32, #tpu.memory_space<vmem_shared>>
      %dma_wait3A_56 = arith.constant 0 : i32
      %dma_wait3A_57 = arith.constant 0 : i32
      %dma_wait3A_58 = tpu.memref_slice %arg17[%dma_wait3A_56, %dma_wait3A_57] : memref<128x64xf32, #tpu.memory_space<vmem>> -> memref<24x64xf32, #tpu.memory_space<vmem>>
      tpu.wait_dma2 semaphore(%run_scoped3A : memref<!tpu.dma_semaphore, #tpu.memory_space<semaphore_mem>>) src(%dma_wait3A_58 : memref<24x64xf32, #tpu.memory_space<vmem>>) dst(%dma_wait3A_55 : memref<24x64xf32, #tpu.memory_space<vmem_shared>>)
      tpu.yield
    }) : () -> ()
    %eq3A = arith.constant 0 : i32
    %eq3A_13 = arith.cmpi eq, %arg1, %eq3A : i32
    %convert_element_type3A = arith.extui %eq3A_13 : i1 to i32
    %cond3A = arith.constant 0 : i32
    %cond3A_14 = arith.cmpi ne, %convert_element_type3A, %cond3A : i32
    scf.if %cond3A_14 {
      "tpu.region"() ({
        %run_scoped3A = tpu.sem_alloc : memref<!tpu.dma_semaphore, #tpu.memory_space<semaphore_mem>>
        %dma_start3A = arith.constant 0 : i32
        %dma_start3A_41 = arith.constant 0 : i32
        %dma_start3A_42 = tpu.memref_slice %arg17[%dma_start3A, %dma_start3A_41] : memref<128x64xf32, #tpu.memory_space<vmem>> -> memref<40x64xf32, #tpu.memory_space<vmem>>
        %dma_start3A_43 = arith.constant 24960 : i32
        %dma_start3A_44 = arith.constant 0 : i32
        %dma_start3A_45 = tpu.memref_slice %arg7[%dma_start3A_43, %dma_start3A_44] : memref<25000x64xf32, #tpu.memory_space<vmem_shared>> -> memref<40x64xf32, #tpu.memory_space<vmem_shared>>
        %dma_start3A_46 = arith.constant 24960 : i32
        %dma_start3A_47 = arith.constant 0 : i32
        %dma_start3A_48 = tpu.memref_slice %arg7[%dma_start3A_46, %dma_start3A_47] : memref<25000x64xf32, #tpu.memory_space<vmem_shared>> -> memref<40x64xf32, #tpu.memory_space<vmem_shared>>
        %dma_start3A_49 = arith.constant 0 : i32
        %dma_start3A_50 = arith.constant 0 : i32
        %dma_start3A_51 = tpu.memref_slice %arg17[%dma_start3A_49, %dma_start3A_50] : memref<128x64xf32, #tpu.memory_space<vmem>> -> memref<40x64xf32, #tpu.memory_space<vmem>>
        tpu.enqueue_dma source(%dma_start3A_51 : memref<40x64xf32, #tpu.memory_space<vmem>>) target(%dma_start3A_48 : memref<40x64xf32, #tpu.memory_space<vmem_shared>>) target_semaphore(%run_scoped3A : memref<!tpu.dma_semaphore, #tpu.memory_space<semaphore_mem>>)
        %dma_wait3A = arith.constant 0 : i32
        %dma_wait3A_52 = arith.constant 0 : i32
        %dma_wait3A_53 = tpu.memref_slice %arg17[%dma_wait3A, %dma_wait3A_52] : memref<128x64xf32, #tpu.memory_space<vmem>> -> memref<40x64xf32, #tpu.memory_space<vmem>>
        %dma_wait3A_54 = arith.constant 24960 : i32
        %dma_wait3A_55 = arith.constant 0 : i32
        %dma_wait3A_56 = tpu.memref_slice %arg7[%dma_wait3A_54, %dma_wait3A_55] : memref<25000x64xf32, #tpu.memory_space<vmem_shared>> -> memref<40x64xf32, #tpu.memory_space<vmem_shared>>
        %dma_wait3A_57 = arith.constant 24960 : i32
        %dma_wait3A_58 = arith.constant 0 : i32
        %dma_wait3A_59 = tpu.memref_slice %arg7[%dma_wait3A_57, %dma_wait3A_58] : memref<25000x64xf32, #tpu.memory_space<vmem_shared>> -> memref<40x64xf32, #tpu.memory_space<vmem_shared>>
        %dma_wait3A_60 = arith.constant 0 : i32
        %dma_wait3A_61 = arith.constant 0 : i32
        %dma_wait3A_62 = tpu.memref_slice %arg17[%dma_wait3A_60, %dma_wait3A_61] : memref<128x64xf32, #tpu.memory_space<vmem>> -> memref<40x64xf32, #tpu.memory_space<vmem>>
        tpu.wait_dma2 semaphore(%run_scoped3A : memref<!tpu.dma_semaphore, #tpu.memory_space<semaphore_mem>>) src(%dma_wait3A_62 : memref<40x64xf32, #tpu.memory_space<vmem>>) dst(%dma_wait3A_59 : memref<40x64xf32, #tpu.memory_space<vmem_shared>>)
        tpu.yield
      }) : () -> ()
    } else {
    }
    %barrier3A = arith.constant 0 : index
    tpu.barrier barrier_id(%barrier3A)
    %mul3A_15 = arith.constant 25000 : i32
    %mul3A_16 = arith.muli %arg0, %mul3A_15 : i32
    %mul3A_17 = arith.constant 7 : i32
    %mul3A_18 = arith.muli %arg1, %mul3A_17 : i32
    %min3A = arith.constant 13 : i32
    %min3A_19 = arith.minsi %arg1, %min3A : i32
    %add3A_20 = arith.addi %mul3A_18, %min3A_19 : i32
    %lt3A = arith.constant 13 : i32
    %lt3A_21 = arith.cmpi slt, %arg1, %lt3A : i32
    %jit3A = arith.constant 1 : i32
    %jit3A_22 = arith.constant 0 : i32
    %select_n3A = arith.select %lt3A_21, %jit3A, %jit3A_22 : i32
    %add3A_23 = arith.constant 7 : i32
    %add3A_24 = arith.addi %add3A_23, %select_n3A : i32
    %add3A_25 = arith.addi %add3A_20, %add3A_24 : i32
    %while3A = arith.constant 0 : i32
    %while3A_26 = arith.subi %add3A_25, %add3A_20 : i32
    %while3A_27 = arith.addi %add3A_20, %while3A_26 : i32
    %while3A_28 = arith.constant 1 : i32
    %while3A_29 = arith.divsi %while3A_26, %while3A_28 : i32
    %while3A_30 = arith.muli %while3A_29, %while3A_28 : i32
    %while3A_31 = arith.addi %add3A_20, %while3A_30 : i32
    %while3A_32 = arith.constant 1 : i32
    scf.for %while3A_41 = %add3A_20 to %while3A_31 step %while3A_32  : i32 {
      %mul3A_42 = arith.constant 400000 : i32
      %mul3A_43 = arith.muli %arg0, %mul3A_42 : i32
      %mul3A_44 = arith.constant 3200 : i32
      %mul3A_45 = arith.muli %while3A_41, %mul3A_44 : i32
      %add3A_46 = arith.addi %mul3A_43, %mul3A_45 : i32
      "tpu.region"() ({
        %run_scoped3A = tpu.sem_alloc : memref<!tpu.dma_semaphore, #tpu.memory_space<semaphore_mem>>
        %dma_start3A_57 = tpu.memref_slice %arg4[%add3A_46] : memref<800000xi32, #tpu.memory_space<hbm>> -> memref<3200xi32, #tpu.memory_space<hbm>>
        %dma_start3A_58 = tpu.memref_slice %arg4[%add3A_46] : memref<800000xi32, #tpu.memory_space<hbm>> -> memref<3200xi32, #tpu.memory_space<hbm>>
        tpu.enqueue_dma source(%dma_start3A_58 : memref<3200xi32, #tpu.memory_space<hbm>>) target(%arg8 : memref<3200xi32, #tpu.memory_space<vmem>>) target_semaphore(%run_scoped3A : memref<!tpu.dma_semaphore, #tpu.memory_space<semaphore_mem>>)
        %dma_wait3A = tpu.memref_slice %arg4[%add3A_46] : memref<800000xi32, #tpu.memory_space<hbm>> -> memref<3200xi32, #tpu.memory_space<hbm>>
        %dma_wait3A_59 = tpu.memref_slice %arg4[%add3A_46] : memref<800000xi32, #tpu.memory_space<hbm>> -> memref<3200xi32, #tpu.memory_space<hbm>>
        tpu.wait_dma2 semaphore(%run_scoped3A : memref<!tpu.dma_semaphore, #tpu.memory_space<semaphore_mem>>) src(%dma_wait3A_59 : memref<3200xi32, #tpu.memory_space<hbm>>) dst(%arg8 : memref<3200xi32, #tpu.memory_space<vmem>>)
        tpu.yield
      }) : () -> ()
      "tpu.region"() ({
        %run_scoped3A = tpu.sem_alloc : memref<!tpu.dma_semaphore, #tpu.memory_space<semaphore_mem>>
        %dma_start3A_57 = tpu.memref_slice %arg3[%add3A_46] : memref<800000xi32, #tpu.memory_space<hbm>> -> memref<3200xi32, #tpu.memory_space<hbm>>
        %dma_start3A_58 = tpu.memref_slice %arg3[%add3A_46] : memref<800000xi32, #tpu.memory_space<hbm>> -> memref<3200xi32, #tpu.memory_space<hbm>>
        tpu.enqueue_dma source(%dma_start3A_58 : memref<3200xi32, #tpu.memory_space<hbm>>) target(%arg9 : memref<3200xi32, #tpu.memory_space<vmem>>) target_semaphore(%run_scoped3A : memref<!tpu.dma_semaphore, #tpu.memory_space<semaphore_mem>>)
        %dma_wait3A = tpu.memref_slice %arg3[%add3A_46] : memref<800000xi32, #tpu.memory_space<hbm>> -> memref<3200xi32, #tpu.memory_space<hbm>>
        %dma_wait3A_59 = tpu.memref_slice %arg3[%add3A_46] : memref<800000xi32, #tpu.memory_space<hbm>> -> memref<3200xi32, #tpu.memory_space<hbm>>
        tpu.wait_dma2 semaphore(%run_scoped3A : memref<!tpu.dma_semaphore, #tpu.memory_space<semaphore_mem>>) src(%dma_wait3A_59 : memref<3200xi32, #tpu.memory_space<hbm>>) dst(%arg9 : memref<3200xi32, #tpu.memory_space<vmem>>)
        tpu.yield
      }) : () -> ()
      "tpu.region"() ({
        %run_scoped3A = tpu.sem_alloc : memref<!tpu.dma_semaphore, #tpu.memory_space<semaphore_mem>>
        %dma_start3A_57 = tpu.memref_slice %arg5[%add3A_46] : memref<800000xf32, #tpu.memory_space<hbm>> -> memref<3200xf32, #tpu.memory_space<hbm>>
        %dma_start3A_58 = tpu.memref_slice %arg5[%add3A_46] : memref<800000xf32, #tpu.memory_space<hbm>> -> memref<3200xf32, #tpu.memory_space<hbm>>
        tpu.enqueue_dma source(%dma_start3A_58 : memref<3200xf32, #tpu.memory_space<hbm>>) target(%arg10 : memref<3200xf32, #tpu.memory_space<vmem>>) target_semaphore(%run_scoped3A : memref<!tpu.dma_semaphore, #tpu.memory_space<semaphore_mem>>)
        %dma_wait3A = tpu.memref_slice %arg5[%add3A_46] : memref<800000xf32, #tpu.memory_space<hbm>> -> memref<3200xf32, #tpu.memory_space<hbm>>
        %dma_wait3A_59 = tpu.memref_slice %arg5[%add3A_46] : memref<800000xf32, #tpu.memory_space<hbm>> -> memref<3200xf32, #tpu.memory_space<hbm>>
        tpu.wait_dma2 semaphore(%run_scoped3A : memref<!tpu.dma_semaphore, #tpu.memory_space<semaphore_mem>>) src(%dma_wait3A_59 : memref<3200xf32, #tpu.memory_space<hbm>>) dst(%arg10 : memref<3200xf32, #tpu.memory_space<vmem>>)
        tpu.yield
      }) : () -> ()
      %parallel_loop3A = arith.constant 0 : i32
      %parallel_loop3A_47 = arith.constant 8 : i32
      %parallel_loop3A_48 = arith.constant 1 : i32
      scf.for %parallel_loop3A_57 = %parallel_loop3A to %parallel_loop3A_47 step %parallel_loop3A_48  : i32 {
        %parallel_loop3A_58 = arith.constant 16 : i32
        %parallel_loop3A_59 = arith.muli %parallel_loop3A_57, %parallel_loop3A_58 : i32
        %parallel_loop3A_60 = arith.constant 16 : i32
        %parallel_loop3A_61 = arith.muli %parallel_loop3A_57, %parallel_loop3A_60 : i32
        %parallel_loop3A_62 = arith.constant 0 : i32
        %parallel_loop3A_63 = arith.addi %parallel_loop3A_62, %parallel_loop3A_61 : i32
        %parallel_loop3A_64 = arith.index_cast %parallel_loop3A_63 : i32 to index
        %parallel_loop3A_65 = tpu.vector_load %arg8[%parallel_loop3A_64] {strides = array<i32>} : memref<3200xi32, #tpu.memory_space<vmem>>, vector<16xi32>,
        %parallel_loop3A_66 = arith.index_cast %parallel_loop3A_59 : i32 to index
        %parallel_loop3A_67 = tpu.vector_load %arg11[%parallel_loop3A_66] {strides = array<i32>} : memref<128xi32, #tpu.memory_space<vmem>>, vector<16xi32>,
        tpu.vector_store %arg11[%parallel_loop3A_66], %parallel_loop3A_65 {strides = array<i32>} : memref<128xi32, #tpu.memory_space<vmem>>, vector<16xi32>,
      } {sc.loop_unroll_factor = 4 : i64, sc.parallel_access}
      %dma_start3A = arith.constant 0 : i32
      %dma_start3A_49 = arith.constant 0 : i32
      %dma_start3A_50 = tpu.memref_slice %arg2[%dma_start3A, %dma_start3A_49] : memref<50000x32xi32, #tpu.memory_space<hbm>> -> memref<50000x32xi32, #tpu.memory_space<hbm>>
      tpu.enqueue_indirect_dma source(%dma_start3A_50 : memref<50000x32xi32, #tpu.memory_space<hbm>>) target(%arg15 : memref<128x32xi32, #tpu.memory_space<vmem>>) offsets(%arg11 : memref<128xi32, #tpu.memory_space<vmem>>) semaphore(%arg18 : memref<!tpu.dma_semaphore, #tpu.memory_space<semaphore_mem>>)
      %scan3A_51 = arith.constant 0 : i32
      %scan3A_52 = arith.constant 0 : i32
      %scan3A_53 = arith.constant 25 : i32
      %scan3A_54 = arith.addi %scan3A_52, %scan3A_53 : i32
      %scan3A_55 = arith.constant 1 : i32
      scf.for %scan3A_57 = %scan3A_52 to %scan3A_54 step %scan3A_55  : i32 {
        %jit3A_58 = arith.constant 2 : i32
        %eq3A_59 = arith.constant 0 : i32
        %eq3A_60 = arith.cmpi eq, %jit3A_58, %eq3A_59 : i32
        %jit3A_61 = arith.constant 1 : i32
        %select_n3A_62 = arith.select %eq3A_60, %jit3A_61, %jit3A_58 : i32
        %rem3A = arith.remsi %scan3A_57, %select_n3A_62 : i32
        %ne3A = arith.constant 0 : i32
        %ne3A_63 = arith.cmpi ne, %rem3A, %ne3A : i32
        %lt3A_64 = arith.constant 0 : i32
        %lt3A_65 = arith.cmpi slt, %rem3A, %lt3A_64 : i32
        %lt3A_66 = arith.constant 0 : i32
        %lt3A_67 = arith.cmpi slt, %select_n3A_62, %lt3A_66 : i32
        %ne3A_68 = arith.xori %lt3A_65, %lt3A_67 : i1
        %and3A = arith.andi %ne3A_68, %ne3A_63 : i1
        %add3A_69 = arith.addi %rem3A, %select_n3A_62 : i32
        %select_n3A_70 = arith.select %and3A, %add3A_69, %rem3A : i32
        %eq3A_71 = arith.constant 0 : i32
        %eq3A_72 = arith.cmpi eq, %select_n3A_70, %eq3A_71 : i32
        %convert_element_type3A_73 = arith.extui %eq3A_72 : i1 to i32
        %cond3A_74 = arith.constant 0 : i32
        %cond3A_75 = arith.cmpi ne, %convert_element_type3A_73, %cond3A_74 : i32
        scf.if %cond3A_75 {
          %lt3A_97 = arith.constant 24 : i32
          %lt3A_98 = arith.cmpi slt, %scan3A_57, %lt3A_97 : i32
          %convert_element_type3A_99 = arith.extui %lt3A_98 : i1 to i32
          %cond3A_100 = arith.constant 0 : i32
          %cond3A_101 = arith.cmpi ne, %convert_element_type3A_99, %cond3A_100 : i32
          scf.if %cond3A_101 {
            %add3A_110 = arith.constant 1 : i32
            %add3A_111 = arith.addi %scan3A_57, %add3A_110 : i32
            %parallel_loop3A_112 = arith.constant 0 : i32
            %parallel_loop3A_113 = arith.constant 8 : i32
            %parallel_loop3A_114 = arith.constant 1 : i32
            scf.for %parallel_loop3A_118 = %parallel_loop3A_112 to %parallel_loop3A_113 step %parallel_loop3A_114  : i32 {
              %parallel_loop3A_119 = arith.constant 16 : i32
              %parallel_loop3A_120 = arith.muli %parallel_loop3A_118, %parallel_loop3A_119 : i32
              %parallel_loop3A_121 = arith.constant 128 : i32
              %parallel_loop3A_122 = arith.muli %add3A_111, %parallel_loop3A_121 : i32
              %parallel_loop3A_123 = arith.constant 16 : i32
              %parallel_loop3A_124 = arith.muli %parallel_loop3A_118, %parallel_loop3A_123 : i32
              %parallel_loop3A_125 = arith.addi %parallel_loop3A_122, %parallel_loop3A_124 : i32
              %parallel_loop3A_126 = arith.index_cast %parallel_loop3A_125 : i32 to index
              %parallel_loop3A_127 = tpu.vector_load %arg8[%parallel_loop3A_126] {strides = array<i32>} : memref<3200xi32, #tpu.memory_space<vmem>>, vector<16xi32>,
              %parallel_loop3A_128 = arith.index_cast %parallel_loop3A_120 : i32 to index
              %parallel_loop3A_129 = tpu.vector_load %arg12[%parallel_loop3A_128] {strides = array<i32>} : memref<128xi32, #tpu.memory_space<vmem>>, vector<16xi32>,
              tpu.vector_store %arg12[%parallel_loop3A_128], %parallel_loop3A_127 {strides = array<i32>} : memref<128xi32, #tpu.memory_space<vmem>>, vector<16xi32>,
            } {sc.loop_unroll_factor = 4 : i64, sc.parallel_access}
            %dma_start3A_115 = arith.constant 0 : i32
            %dma_start3A_116 = arith.constant 0 : i32
            %dma_start3A_117 = tpu.memref_slice %arg2[%dma_start3A_115, %dma_start3A_116] : memref<50000x32xi32, #tpu.memory_space<hbm>> -> memref<50000x32xi32, #tpu.memory_space<hbm>>
            tpu.enqueue_indirect_dma source(%dma_start3A_117 : memref<50000x32xi32, #tpu.memory_space<hbm>>) target(%arg16 : memref<128x32xi32, #tpu.memory_space<vmem>>) offsets(%arg12 : memref<128xi32, #tpu.memory_space<vmem>>) semaphore(%arg19 : memref<!tpu.dma_semaphore, #tpu.memory_space<semaphore_mem>>)
          } else {
          }
          %dma_wait3A = arith.constant 0 : i32
          %dma_wait3A_102 = arith.constant 0 : i32
          %dma_wait3A_103 = tpu.memref_slice %arg2[%dma_wait3A, %dma_wait3A_102] : memref<50000x32xi32, #tpu.memory_space<hbm>> -> memref<50000x32xi32, #tpu.memory_space<hbm>>
          tpu.wait_indirect_dma semaphore(%arg18 : memref<!tpu.dma_semaphore, #tpu.memory_space<semaphore_mem>>) src(%dma_wait3A_103 : memref<50000x32xi32, #tpu.memory_space<hbm>>) dst(%arg15 : memref<128x32xi32, #tpu.memory_space<vmem>>)
          %parallel_loop3A_104 = arith.constant 0 : i32
          %parallel_loop3A_105 = arith.constant 8 : i32
          %parallel_loop3A_106 = arith.constant 1 : i32
          scf.for %parallel_loop3A_110 = %parallel_loop3A_104 to %parallel_loop3A_105 step %parallel_loop3A_106  : i32 {
            %parallel_loop3A_111 = arith.constant 16 : i32
            %parallel_loop3A_112 = arith.muli %parallel_loop3A_110, %parallel_loop3A_111 : i32
            %parallel_loop3A_113 = arith.constant 128 : i32
            %parallel_loop3A_114 = arith.muli %scan3A_57, %parallel_loop3A_113 : i32
            %parallel_loop3A_115 = arith.constant 16 : i32
            %parallel_loop3A_116 = arith.muli %parallel_loop3A_110, %parallel_loop3A_115 : i32
            %parallel_loop3A_117 = arith.addi %parallel_loop3A_114, %parallel_loop3A_116 : i32
            %parallel_loop3A_118 = arith.index_cast %parallel_loop3A_117 : i32 to index
            %parallel_loop3A_119 = tpu.vector_load %arg9[%parallel_loop3A_118] {strides = array<i32>} : memref<3200xi32, #tpu.memory_space<vmem>>, vector<16xi32>,
            %parallel_loop3A_120 = vector.broadcast %mul3A_16 : i32 to vector<16xi32>
            %parallel_loop3A_121 = arith.subi %parallel_loop3A_119, %parallel_loop3A_120 : vector<16xi32>
            %parallel_loop3A_122 = arith.index_cast %parallel_loop3A_112 : i32 to index
            %parallel_loop3A_123 = tpu.vector_load %arg13[%parallel_loop3A_122] {strides = array<i32>} : memref<128xi32, #tpu.memory_space<vmem>>, vector<16xi32>,
            tpu.vector_store %arg13[%parallel_loop3A_122], %parallel_loop3A_121 {strides = array<i32>} : memref<128xi32, #tpu.memory_space<vmem>>, vector<16xi32>,
          } {sc.loop_unroll_factor = 4 : i64, sc.parallel_access}
          %parallel_loop3A_107 = arith.constant 0 : i32
          %parallel_loop3A_108 = arith.constant 128 : i32
          %parallel_loop3A_109 = arith.constant 1 : i32
          scf.for %parallel_loop3A_110 = %parallel_loop3A_107 to %parallel_loop3A_108 step %parallel_loop3A_109  : i32 {
            %parallel_loop3A_111 = arith.constant 128 : i32
            %parallel_loop3A_112 = arith.muli %scan3A_57, %parallel_loop3A_111 : i32
            %parallel_loop3A_113 = arith.addi %parallel_loop3A_112, %parallel_loop3A_110 : i32
            %parallel_loop3A_114 = vector.broadcast %parallel_loop3A_113 : i32 to vector<16xi32>
            %parallel_loop3A_115 = tpu.vector_load_idx %arg10[%parallel_loop3A_114] : memref<3200xf32, #tpu.memory_space<vmem>>[vector<16xi32>], vector<16xf32>,
            %parallel_loop3A_116 = arith.index_cast %parallel_loop3A_110 : i32 to index
            %parallel_loop3A_117 = arith.constant 0 : index
            %parallel_loop3A_118 = tpu.vector_load %arg15[%parallel_loop3A_116, %parallel_loop3A_117] {strides = array<i32>} : memref<128x32xi32, #tpu.memory_space<vmem>>, vector<16xi32>,
            %parallel_loop3A_119 = arith.constant 16 : i32
            %parallel_loop3A_120 = vector.broadcast %parallel_loop3A_119 : i32 to vector<16xi32>
            %parallel_loop3A_121 = arith.shli %parallel_loop3A_118, %parallel_loop3A_120 : vector<16xi32>
            %parallel_loop3A_122 = vector.bitcast %parallel_loop3A_121 : vector<16xi32> to vector<16xf32>
            %parallel_loop3A_123 = arith.constant -65536 : i32
            %parallel_loop3A_124 = vector.broadcast %parallel_loop3A_123 : i32 to vector<16xi32>
            %parallel_loop3A_125 = arith.andi %parallel_loop3A_118, %parallel_loop3A_124 : vector<16xi32>
            %parallel_loop3A_126 = vector.bitcast %parallel_loop3A_125 : vector<16xi32> to vector<16xf32>
            %parallel_loop3A_127 = arith.mulf %parallel_loop3A_122, %parallel_loop3A_115 : vector<16xf32>
            %parallel_loop3A_128 = arith.index_cast %parallel_loop3A_110 : i32 to index
            %parallel_loop3A_129 = arith.constant 0 : index
            %parallel_loop3A_130 = tpu.vector_load %arg17[%parallel_loop3A_128, %parallel_loop3A_129] {strides = array<i32>} : memref<128x64xf32, #tpu.memory_space<vmem>>, vector<16xf32>,
            tpu.vector_store %arg17[%parallel_loop3A_128, %parallel_loop3A_129], %parallel_loop3A_127 {strides = array<i32>} : memref<128x64xf32, #tpu.memory_space<vmem>>, vector<16xf32>,
            %parallel_loop3A_131 = arith.mulf %parallel_loop3A_126, %parallel_loop3A_115 : vector<16xf32>
            %parallel_loop3A_132 = arith.index_cast %parallel_loop3A_110 : i32 to index
            %parallel_loop3A_133 = arith.constant 16 : index
            %parallel_loop3A_134 = tpu.vector_load %arg17[%parallel_loop3A_132, %parallel_loop3A_133] {strides = array<i32>} : memref<128x64xf32, #tpu.memory_space<vmem>>, vector<16xf32>,
            tpu.vector_store %arg17[%parallel_loop3A_132, %parallel_loop3A_133], %parallel_loop3A_131 {strides = array<i32>} : memref<128x64xf32, #tpu.memory_space<vmem>>, vector<16xf32>,
            %parallel_loop3A_135 = arith.index_cast %parallel_loop3A_110 : i32 to index
            %parallel_loop3A_136 = arith.constant 16 : index
            %parallel_loop3A_137 = tpu.vector_load %arg15[%parallel_loop3A_135, %parallel_loop3A_136] {strides = array<i32>} : memref<128x32xi32, #tpu.memory_space<vmem>>, vector<16xi32>,
            %parallel_loop3A_138 = arith.constant 16 : i32
            %parallel_loop3A_139 = vector.broadcast %parallel_loop3A_138 : i32 to vector<16xi32>
            %parallel_loop3A_140 = arith.shli %parallel_loop3A_137, %parallel_loop3A_139 : vector<16xi32>
            %parallel_loop3A_141 = vector.bitcast %parallel_loop3A_140 : vector<16xi32> to vector<16xf32>
            %parallel_loop3A_142 = arith.constant -65536 : i32
            %parallel_loop3A_143 = vector.broadcast %parallel_loop3A_142 : i32 to vector<16xi32>
            %parallel_loop3A_144 = arith.andi %parallel_loop3A_137, %parallel_loop3A_143 : vector<16xi32>
            %parallel_loop3A_145 = vector.bitcast %parallel_loop3A_144 : vector<16xi32> to vector<16xf32>
            %parallel_loop3A_146 = arith.mulf %parallel_loop3A_141, %parallel_loop3A_115 : vector<16xf32>
            %parallel_loop3A_147 = arith.index_cast %parallel_loop3A_110 : i32 to index
            %parallel_loop3A_148 = arith.constant 32 : index
            %parallel_loop3A_149 = tpu.vector_load %arg17[%parallel_loop3A_147, %parallel_loop3A_148] {strides = array<i32>} : memref<128x64xf32, #tpu.memory_space<vmem>>, vector<16xf32>,
            tpu.vector_store %arg17[%parallel_loop3A_147, %parallel_loop3A_148], %parallel_loop3A_146 {strides = array<i32>} : memref<128x64xf32, #tpu.memory_space<vmem>>, vector<16xf32>,
            %parallel_loop3A_150 = arith.mulf %parallel_loop3A_145, %parallel_loop3A_115 : vector<16xf32>
            %parallel_loop3A_151 = arith.index_cast %parallel_loop3A_110 : i32 to index
            %parallel_loop3A_152 = arith.constant 48 : index
            %parallel_loop3A_153 = tpu.vector_load %arg17[%parallel_loop3A_151, %parallel_loop3A_152] {strides = array<i32>} : memref<128x64xf32, #tpu.memory_space<vmem>>, vector<16xf32>,
            tpu.vector_store %arg17[%parallel_loop3A_151, %parallel_loop3A_152], %parallel_loop3A_150 {strides = array<i32>} : memref<128x64xf32, #tpu.memory_space<vmem>>, vector<16xf32>,
          } {sc.loop_unroll_factor = 8 : i64, sc.parallel_access}
          "tpu.region"() ({
            %run_scoped3A = tpu.sem_alloc : memref<!tpu.dma_semaphore, #tpu.memory_space<semaphore_mem>>
            %dma_start3A_110 = arith.constant 0 : i32
            %dma_start3A_111 = arith.constant 0 : i32
            %dma_start3A_112 = tpu.memref_slice %arg7[%dma_start3A_110, %dma_start3A_111] : memref<25000x64xf32, #tpu.memory_space<vmem_shared>> -> memref<25000x64xf32, #tpu.memory_space<vmem_shared>>
            tpu.enqueue_indirect_dma source(%arg17 : memref<128x64xf32, #tpu.memory_space<vmem>>) target(%dma_start3A_112 : memref<25000x64xf32, #tpu.memory_space<vmem_shared>>) offsets(%arg13 : memref<128xi32, #tpu.memory_space<vmem>>) semaphore(%run_scoped3A : memref<!tpu.dma_semaphore, #tpu.memory_space<semaphore_mem>>) {add = true}
            %dma_wait3A_113 = arith.constant 0 : i32
            %dma_wait3A_114 = arith.constant 0 : i32
            %dma_wait3A_115 = tpu.memref_slice %arg7[%dma_wait3A_113, %dma_wait3A_114] : memref<25000x64xf32, #tpu.memory_space<vmem_shared>> -> memref<25000x64xf32, #tpu.memory_space<vmem_shared>>
            tpu.wait_indirect_dma semaphore(%run_scoped3A : memref<!tpu.dma_semaphore, #tpu.memory_space<semaphore_mem>>) src(%arg17 : memref<128x64xf32, #tpu.memory_space<vmem>>) dst(%dma_wait3A_115 : memref<25000x64xf32, #tpu.memory_space<vmem_shared>>)
            tpu.yield
          }) : () -> ()
        } else {
        }
        %jit3A_76 = arith.constant 2 : i32
        %eq3A_77 = arith.constant 0 : i32
        %eq3A_78 = arith.cmpi eq, %jit3A_76, %eq3A_77 : i32
        %jit3A_79 = arith.constant 1 : i32
        %select_n3A_80 = arith.select %eq3A_78, %jit3A_79, %jit3A_76 : i32
        %rem3A_81 = arith.remsi %scan3A_57, %select_n3A_80 : i32
        %ne3A_82 = arith.constant 0 : i32
        %ne3A_83 = arith.cmpi ne, %rem3A_81, %ne3A_82 : i32
        %lt3A_84 = arith.constant 0 : i32
        %lt3A_85 = arith.cmpi slt, %rem3A_81, %lt3A_84 : i32
        %lt3A_86 = arith.constant 0 : i32
        %lt3A_87 = arith.cmpi slt, %select_n3A_80, %lt3A_86 : i32
        %ne3A_88 = arith.xori %lt3A_85, %lt3A_87 : i1
        %and3A_89 = arith.andi %ne3A_88, %ne3A_83 : i1
        %add3A_90 = arith.addi %rem3A_81, %select_n3A_80 : i32
        %select_n3A_91 = arith.select %and3A_89, %add3A_90, %rem3A_81 : i32
        %eq3A_92 = arith.constant 1 : i32
        %eq3A_93 = arith.cmpi eq, %select_n3A_91, %eq3A_92 : i32
        %convert_element_type3A_94 = arith.extui %eq3A_93 : i1 to i32
        %cond3A_95 = arith.constant 0 : i32
        %cond3A_96 = arith.cmpi ne, %convert_element_type3A_94, %cond3A_95 : i32
        scf.if %cond3A_96 {
          %lt3A_97 = arith.constant 24 : i32
          %lt3A_98 = arith.cmpi slt, %scan3A_57, %lt3A_97 : i32
          %convert_element_type3A_99 = arith.extui %lt3A_98 : i1 to i32
          %cond3A_100 = arith.constant 0 : i32
          %cond3A_101 = arith.cmpi ne, %convert_element_type3A_99, %cond3A_100 : i32
          scf.if %cond3A_101 {
            %add3A_110 = arith.constant 1 : i32
            %add3A_111 = arith.addi %scan3A_57, %add3A_110 : i32
            %parallel_loop3A_112 = arith.constant 0 : i32
            %parallel_loop3A_113 = arith.constant 8 : i32
            %parallel_loop3A_114 = arith.constant 1 : i32
            scf.for %parallel_loop3A_118 = %parallel_loop3A_112 to %parallel_loop3A_113 step %parallel_loop3A_114  : i32 {
              %parallel_loop3A_119 = arith.constant 16 : i32
              %parallel_loop3A_120 = arith.muli %parallel_loop3A_118, %parallel_loop3A_119 : i32
              %parallel_loop3A_121 = arith.constant 128 : i32
              %parallel_loop3A_122 = arith.muli %add3A_111, %parallel_loop3A_121 : i32
              %parallel_loop3A_123 = arith.constant 16 : i32
              %parallel_loop3A_124 = arith.muli %parallel_loop3A_118, %parallel_loop3A_123 : i32
              %parallel_loop3A_125 = arith.addi %parallel_loop3A_122, %parallel_loop3A_124 : i32
              %parallel_loop3A_126 = arith.index_cast %parallel_loop3A_125 : i32 to index
              %parallel_loop3A_127 = tpu.vector_load %arg8[%parallel_loop3A_126] {strides = array<i32>} : memref<3200xi32, #tpu.memory_space<vmem>>, vector<16xi32>,
              %parallel_loop3A_128 = arith.index_cast %parallel_loop3A_120 : i32 to index
              %parallel_loop3A_129 = tpu.vector_load %arg11[%parallel_loop3A_128] {strides = array<i32>} : memref<128xi32, #tpu.memory_space<vmem>>, vector<16xi32>,
              tpu.vector_store %arg11[%parallel_loop3A_128], %parallel_loop3A_127 {strides = array<i32>} : memref<128xi32, #tpu.memory_space<vmem>>, vector<16xi32>,
            } {sc.loop_unroll_factor = 4 : i64, sc.parallel_access}
            %dma_start3A_115 = arith.constant 0 : i32
            %dma_start3A_116 = arith.constant 0 : i32
            %dma_start3A_117 = tpu.memref_slice %arg2[%dma_start3A_115, %dma_start3A_116] : memref<50000x32xi32, #tpu.memory_space<hbm>> -> memref<50000x32xi32, #tpu.memory_space<hbm>>
            tpu.enqueue_indirect_dma source(%dma_start3A_117 : memref<50000x32xi32, #tpu.memory_space<hbm>>) target(%arg15 : memref<128x32xi32, #tpu.memory_space<vmem>>) offsets(%arg11 : memref<128xi32, #tpu.memory_space<vmem>>) semaphore(%arg18 : memref<!tpu.dma_semaphore, #tpu.memory_space<semaphore_mem>>)
          } else {
          }
          %dma_wait3A = arith.constant 0 : i32
          %dma_wait3A_102 = arith.constant 0 : i32
          %dma_wait3A_103 = tpu.memref_slice %arg2[%dma_wait3A, %dma_wait3A_102] : memref<50000x32xi32, #tpu.memory_space<hbm>> -> memref<50000x32xi32, #tpu.memory_space<hbm>>
          tpu.wait_indirect_dma semaphore(%arg19 : memref<!tpu.dma_semaphore, #tpu.memory_space<semaphore_mem>>) src(%dma_wait3A_103 : memref<50000x32xi32, #tpu.memory_space<hbm>>) dst(%arg16 : memref<128x32xi32, #tpu.memory_space<vmem>>)
          %parallel_loop3A_104 = arith.constant 0 : i32
          %parallel_loop3A_105 = arith.constant 8 : i32
          %parallel_loop3A_106 = arith.constant 1 : i32
          scf.for %parallel_loop3A_110 = %parallel_loop3A_104 to %parallel_loop3A_105 step %parallel_loop3A_106  : i32 {
            %parallel_loop3A_111 = arith.constant 16 : i32
            %parallel_loop3A_112 = arith.muli %parallel_loop3A_110, %parallel_loop3A_111 : i32
            %parallel_loop3A_113 = arith.constant 128 : i32
            %parallel_loop3A_114 = arith.muli %scan3A_57, %parallel_loop3A_113 : i32
            %parallel_loop3A_115 = arith.constant 16 : i32
            %parallel_loop3A_116 = arith.muli %parallel_loop3A_110, %parallel_loop3A_115 : i32
            %parallel_loop3A_117 = arith.addi %parallel_loop3A_114, %parallel_loop3A_116 : i32
            %parallel_loop3A_118 = arith.index_cast %parallel_loop3A_117 : i32 to index
            %parallel_loop3A_119 = tpu.vector_load %arg9[%parallel_loop3A_118] {strides = array<i32>} : memref<3200xi32, #tpu.memory_space<vmem>>, vector<16xi32>,
            %parallel_loop3A_120 = vector.broadcast %mul3A_16 : i32 to vector<16xi32>
            %parallel_loop3A_121 = arith.subi %parallel_loop3A_119, %parallel_loop3A_120 : vector<16xi32>
            %parallel_loop3A_122 = arith.index_cast %parallel_loop3A_112 : i32 to index
            %parallel_loop3A_123 = tpu.vector_load %arg14[%parallel_loop3A_122] {strides = array<i32>} : memref<128xi32, #tpu.memory_space<vmem>>, vector<16xi32>,
            tpu.vector_store %arg14[%parallel_loop3A_122], %parallel_loop3A_121 {strides = array<i32>} : memref<128xi32, #tpu.memory_space<vmem>>, vector<16xi32>,
          } {sc.loop_unroll_factor = 4 : i64, sc.parallel_access}
          %parallel_loop3A_107 = arith.constant 0 : i32
          %parallel_loop3A_108 = arith.constant 128 : i32
          %parallel_loop3A_109 = arith.constant 1 : i32
          scf.for %parallel_loop3A_110 = %parallel_loop3A_107 to %parallel_loop3A_108 step %parallel_loop3A_109  : i32 {
            %parallel_loop3A_111 = arith.constant 128 : i32
            %parallel_loop3A_112 = arith.muli %scan3A_57, %parallel_loop3A_111 : i32
            %parallel_loop3A_113 = arith.addi %parallel_loop3A_112, %parallel_loop3A_110 : i32
            %parallel_loop3A_114 = vector.broadcast %parallel_loop3A_113 : i32 to vector<16xi32>
            %parallel_loop3A_115 = tpu.vector_load_idx %arg10[%parallel_loop3A_114] : memref<3200xf32, #tpu.memory_space<vmem>>[vector<16xi32>], vector<16xf32>,
            %parallel_loop3A_116 = arith.index_cast %parallel_loop3A_110 : i32 to index
            %parallel_loop3A_117 = arith.constant 0 : index
            %parallel_loop3A_118 = tpu.vector_load %arg16[%parallel_loop3A_116, %parallel_loop3A_117] {strides = array<i32>} : memref<128x32xi32, #tpu.memory_space<vmem>>, vector<16xi32>,
            %parallel_loop3A_119 = arith.constant 16 : i32
            %parallel_loop3A_120 = vector.broadcast %parallel_loop3A_119 : i32 to vector<16xi32>
            %parallel_loop3A_121 = arith.shli %parallel_loop3A_118, %parallel_loop3A_120 : vector<16xi32>
            %parallel_loop3A_122 = vector.bitcast %parallel_loop3A_121 : vector<16xi32> to vector<16xf32>
            %parallel_loop3A_123 = arith.constant -65536 : i32
            %parallel_loop3A_124 = vector.broadcast %parallel_loop3A_123 : i32 to vector<16xi32>
            %parallel_loop3A_125 = arith.andi %parallel_loop3A_118, %parallel_loop3A_124 : vector<16xi32>
            %parallel_loop3A_126 = vector.bitcast %parallel_loop3A_125 : vector<16xi32> to vector<16xf32>
            %parallel_loop3A_127 = arith.mulf %parallel_loop3A_122, %parallel_loop3A_115 : vector<16xf32>
            %parallel_loop3A_128 = arith.index_cast %parallel_loop3A_110 : i32 to index
            %parallel_loop3A_129 = arith.constant 0 : index
            %parallel_loop3A_130 = tpu.vector_load %arg17[%parallel_loop3A_128, %parallel_loop3A_129] {strides = array<i32>} : memref<128x64xf32, #tpu.memory_space<vmem>>, vector<16xf32>,
            tpu.vector_store %arg17[%parallel_loop3A_128, %parallel_loop3A_129], %parallel_loop3A_127 {strides = array<i32>} : memref<128x64xf32, #tpu.memory_space<vmem>>, vector<16xf32>,
            %parallel_loop3A_131 = arith.mulf %parallel_loop3A_126, %parallel_loop3A_115 : vector<16xf32>
            %parallel_loop3A_132 = arith.index_cast %parallel_loop3A_110 : i32 to index
            %parallel_loop3A_133 = arith.constant 16 : index
            %parallel_loop3A_134 = tpu.vector_load %arg17[%parallel_loop3A_132, %parallel_loop3A_133] {strides = array<i32>} : memref<128x64xf32, #tpu.memory_space<vmem>>, vector<16xf32>,
            tpu.vector_store %arg17[%parallel_loop3A_132, %parallel_loop3A_133], %parallel_loop3A_131 {strides = array<i32>} : memref<128x64xf32, #tpu.memory_space<vmem>>, vector<16xf32>,
            %parallel_loop3A_135 = arith.index_cast %parallel_loop3A_110 : i32 to index
            %parallel_loop3A_136 = arith.constant 16 : index
            %parallel_loop3A_137 = tpu.vector_load %arg16[%parallel_loop3A_135, %parallel_loop3A_136] {strides = array<i32>} : memref<128x32xi32, #tpu.memory_space<vmem>>, vector<16xi32>,
            %parallel_loop3A_138 = arith.constant 16 : i32
            %parallel_loop3A_139 = vector.broadcast %parallel_loop3A_138 : i32 to vector<16xi32>
            %parallel_loop3A_140 = arith.shli %parallel_loop3A_137, %parallel_loop3A_139 : vector<16xi32>
            %parallel_loop3A_141 = vector.bitcast %parallel_loop3A_140 : vector<16xi32> to vector<16xf32>
            %parallel_loop3A_142 = arith.constant -65536 : i32
            %parallel_loop3A_143 = vector.broadcast %parallel_loop3A_142 : i32 to vector<16xi32>
            %parallel_loop3A_144 = arith.andi %parallel_loop3A_137, %parallel_loop3A_143 : vector<16xi32>
            %parallel_loop3A_145 = vector.bitcast %parallel_loop3A_144 : vector<16xi32> to vector<16xf32>
            %parallel_loop3A_146 = arith.mulf %parallel_loop3A_141, %parallel_loop3A_115 : vector<16xf32>
            %parallel_loop3A_147 = arith.index_cast %parallel_loop3A_110 : i32 to index
            %parallel_loop3A_148 = arith.constant 32 : index
            %parallel_loop3A_149 = tpu.vector_load %arg17[%parallel_loop3A_147, %parallel_loop3A_148] {strides = array<i32>} : memref<128x64xf32, #tpu.memory_space<vmem>>, vector<16xf32>,
            tpu.vector_store %arg17[%parallel_loop3A_147, %parallel_loop3A_148], %parallel_loop3A_146 {strides = array<i32>} : memref<128x64xf32, #tpu.memory_space<vmem>>, vector<16xf32>,
            %parallel_loop3A_150 = arith.mulf %parallel_loop3A_145, %parallel_loop3A_115 : vector<16xf32>
            %parallel_loop3A_151 = arith.index_cast %parallel_loop3A_110 : i32 to index
            %parallel_loop3A_152 = arith.constant 48 : index
            %parallel_loop3A_153 = tpu.vector_load %arg17[%parallel_loop3A_151, %parallel_loop3A_152] {strides = array<i32>} : memref<128x64xf32, #tpu.memory_space<vmem>>, vector<16xf32>,
            tpu.vector_store %arg17[%parallel_loop3A_151, %parallel_loop3A_152], %parallel_loop3A_150 {strides = array<i32>} : memref<128x64xf32, #tpu.memory_space<vmem>>, vector<16xf32>,
          } {sc.loop_unroll_factor = 8 : i64, sc.parallel_access}
          "tpu.region"() ({
            %run_scoped3A = tpu.sem_alloc : memref<!tpu.dma_semaphore, #tpu.memory_space<semaphore_mem>>
            %dma_start3A_110 = arith.constant 0 : i32
            %dma_start3A_111 = arith.constant 0 : i32
            %dma_start3A_112 = tpu.memref_slice %arg7[%dma_start3A_110, %dma_start3A_111] : memref<25000x64xf32, #tpu.memory_space<vmem_shared>> -> memref<25000x64xf32, #tpu.memory_space<vmem_shared>>
            tpu.enqueue_indirect_dma source(%arg17 : memref<128x64xf32, #tpu.memory_space<vmem>>) target(%dma_start3A_112 : memref<25000x64xf32, #tpu.memory_space<vmem_shared>>) offsets(%arg14 : memref<128xi32, #tpu.memory_space<vmem>>) semaphore(%run_scoped3A : memref<!tpu.dma_semaphore, #tpu.memory_space<semaphore_mem>>) {add = true}
            %dma_wait3A_113 = arith.constant 0 : i32
            %dma_wait3A_114 = arith.constant 0 : i32
            %dma_wait3A_115 = tpu.memref_slice %arg7[%dma_wait3A_113, %dma_wait3A_114] : memref<25000x64xf32, #tpu.memory_space<vmem_shared>> -> memref<25000x64xf32, #tpu.memory_space<vmem_shared>>
            tpu.wait_indirect_dma semaphore(%run_scoped3A : memref<!tpu.dma_semaphore, #tpu.memory_space<semaphore_mem>>) src(%arg17 : memref<128x64xf32, #tpu.memory_space<vmem>>) dst(%dma_wait3A_115 : memref<25000x64xf32, #tpu.memory_space<vmem_shared>>)
            tpu.yield
          }) : () -> ()
        } else {
        }
      }
      %scan3A_56 = arith.constant 25 : i32
    }
    %while3A_33 = arith.constant 1 : i32
    scf.for %while3A_41 = %while3A_31 to %while3A_27 step %while3A_33  : i32 {
      %mul3A_42 = arith.constant 400000 : i32
      %mul3A_43 = arith.muli %arg0, %mul3A_42 : i32
      %mul3A_44 = arith.constant 3200 : i32
      %mul3A_45 = arith.muli %while3A_41, %mul3A_44 : i32
      %add3A_46 = arith.addi %mul3A_43, %mul3A_45 : i32
      "tpu.region"() ({
        %run_scoped3A = tpu.sem_alloc : memref<!tpu.dma_semaphore, #tpu.memory_space<semaphore_mem>>
        %dma_start3A_57 = tpu.memref_slice %arg4[%add3A_46] : memref<800000xi32, #tpu.memory_space<hbm>> -> memref<3200xi32, #tpu.memory_space<hbm>>
        %dma_start3A_58 = tpu.memref_slice %arg4[%add3A_46] : memref<800000xi32, #tpu.memory_space<hbm>> -> memref<3200xi32, #tpu.memory_space<hbm>>
        tpu.enqueue_dma source(%dma_start3A_58 : memref<3200xi32, #tpu.memory_space<hbm>>) target(%arg8 : memref<3200xi32, #tpu.memory_space<vmem>>) target_semaphore(%run_scoped3A : memref<!tpu.dma_semaphore, #tpu.memory_space<semaphore_mem>>)
        %dma_wait3A = tpu.memref_slice %arg4[%add3A_46] : memref<800000xi32, #tpu.memory_space<hbm>> -> memref<3200xi32, #tpu.memory_space<hbm>>
        %dma_wait3A_59 = tpu.memref_slice %arg4[%add3A_46] : memref<800000xi32, #tpu.memory_space<hbm>> -> memref<3200xi32, #tpu.memory_space<hbm>>
        tpu.wait_dma2 semaphore(%run_scoped3A : memref<!tpu.dma_semaphore, #tpu.memory_space<semaphore_mem>>) src(%dma_wait3A_59 : memref<3200xi32, #tpu.memory_space<hbm>>) dst(%arg8 : memref<3200xi32, #tpu.memory_space<vmem>>)
        tpu.yield
      }) : () -> ()
      "tpu.region"() ({
        %run_scoped3A = tpu.sem_alloc : memref<!tpu.dma_semaphore, #tpu.memory_space<semaphore_mem>>
        %dma_start3A_57 = tpu.memref_slice %arg3[%add3A_46] : memref<800000xi32, #tpu.memory_space<hbm>> -> memref<3200xi32, #tpu.memory_space<hbm>>
        %dma_start3A_58 = tpu.memref_slice %arg3[%add3A_46] : memref<800000xi32, #tpu.memory_space<hbm>> -> memref<3200xi32, #tpu.memory_space<hbm>>
        tpu.enqueue_dma source(%dma_start3A_58 : memref<3200xi32, #tpu.memory_space<hbm>>) target(%arg9 : memref<3200xi32, #tpu.memory_space<vmem>>) target_semaphore(%run_scoped3A : memref<!tpu.dma_semaphore, #tpu.memory_space<semaphore_mem>>)
        %dma_wait3A = tpu.memref_slice %arg3[%add3A_46] : memref<800000xi32, #tpu.memory_space<hbm>> -> memref<3200xi32, #tpu.memory_space<hbm>>
        %dma_wait3A_59 = tpu.memref_slice %arg3[%add3A_46] : memref<800000xi32, #tpu.memory_space<hbm>> -> memref<3200xi32, #tpu.memory_space<hbm>>
        tpu.wait_dma2 semaphore(%run_scoped3A : memref<!tpu.dma_semaphore, #tpu.memory_space<semaphore_mem>>) src(%dma_wait3A_59 : memref<3200xi32, #tpu.memory_space<hbm>>) dst(%arg9 : memref<3200xi32, #tpu.memory_space<vmem>>)
        tpu.yield
      }) : () -> ()
      "tpu.region"() ({
        %run_scoped3A = tpu.sem_alloc : memref<!tpu.dma_semaphore, #tpu.memory_space<semaphore_mem>>
        %dma_start3A_57 = tpu.memref_slice %arg5[%add3A_46] : memref<800000xf32, #tpu.memory_space<hbm>> -> memref<3200xf32, #tpu.memory_space<hbm>>
        %dma_start3A_58 = tpu.memref_slice %arg5[%add3A_46] : memref<800000xf32, #tpu.memory_space<hbm>> -> memref<3200xf32, #tpu.memory_space<hbm>>
        tpu.enqueue_dma source(%dma_start3A_58 : memref<3200xf32, #tpu.memory_space<hbm>>) target(%arg10 : memref<3200xf32, #tpu.memory_space<vmem>>) target_semaphore(%run_scoped3A : memref<!tpu.dma_semaphore, #tpu.memory_space<semaphore_mem>>)
        %dma_wait3A = tpu.memref_slice %arg5[%add3A_46] : memref<800000xf32, #tpu.memory_space<hbm>> -> memref<3200xf32, #tpu.memory_space<hbm>>
        %dma_wait3A_59 = tpu.memref_slice %arg5[%add3A_46] : memref<800000xf32, #tpu.memory_space<hbm>> -> memref<3200xf32, #tpu.memory_space<hbm>>
        tpu.wait_dma2 semaphore(%run_scoped3A : memref<!tpu.dma_semaphore, #tpu.memory_space<semaphore_mem>>) src(%dma_wait3A_59 : memref<3200xf32, #tpu.memory_space<hbm>>) dst(%arg10 : memref<3200xf32, #tpu.memory_space<vmem>>)
        tpu.yield
      }) : () -> ()
      %parallel_loop3A = arith.constant 0 : i32
      %parallel_loop3A_47 = arith.constant 8 : i32
      %parallel_loop3A_48 = arith.constant 1 : i32
      scf.for %parallel_loop3A_57 = %parallel_loop3A to %parallel_loop3A_47 step %parallel_loop3A_48  : i32 {
        %parallel_loop3A_58 = arith.constant 16 : i32
        %parallel_loop3A_59 = arith.muli %parallel_loop3A_57, %parallel_loop3A_58 : i32
        %parallel_loop3A_60 = arith.constant 16 : i32
        %parallel_loop3A_61 = arith.muli %parallel_loop3A_57, %parallel_loop3A_60 : i32
        %parallel_loop3A_62 = arith.constant 0 : i32
        %parallel_loop3A_63 = arith.addi %parallel_loop3A_62, %parallel_loop3A_61 : i32
        %parallel_loop3A_64 = arith.index_cast %parallel_loop3A_63 : i32 to index
        %parallel_loop3A_65 = tpu.vector_load %arg8[%parallel_loop3A_64] {strides = array<i32>} : memref<3200xi32, #tpu.memory_space<vmem>>, vector<16xi32>,
        %parallel_loop3A_66 = arith.index_cast %parallel_loop3A_59 : i32 to index
        %parallel_loop3A_67 = tpu.vector_load %arg11[%parallel_loop3A_66] {strides = array<i32>} : memref<128xi32, #tpu.memory_space<vmem>>, vector<16xi32>,
        tpu.vector_store %arg11[%parallel_loop3A_66], %parallel_loop3A_65 {strides = array<i32>} : memref<128xi32, #tpu.memory_space<vmem>>, vector<16xi32>,
      } {sc.loop_unroll_factor = 4 : i64, sc.parallel_access}
      %dma_start3A = arith.constant 0 : i32
      %dma_start3A_49 = arith.constant 0 : i32
      %dma_start3A_50 = tpu.memref_slice %arg2[%dma_start3A, %dma_start3A_49] : memref<50000x32xi32, #tpu.memory_space<hbm>> -> memref<50000x32xi32, #tpu.memory_space<hbm>>
      tpu.enqueue_indirect_dma source(%dma_start3A_50 : memref<50000x32xi32, #tpu.memory_space<hbm>>) target(%arg15 : memref<128x32xi32, #tpu.memory_space<vmem>>) offsets(%arg11 : memref<128xi32, #tpu.memory_space<vmem>>) semaphore(%arg18 : memref<!tpu.dma_semaphore, #tpu.memory_space<semaphore_mem>>)
      %scan3A_51 = arith.constant 0 : i32
      %scan3A_52 = arith.constant 0 : i32
      %scan3A_53 = arith.constant 25 : i32
      %scan3A_54 = arith.addi %scan3A_52, %scan3A_53 : i32
      %scan3A_55 = arith.constant 1 : i32
      scf.for %scan3A_57 = %scan3A_52 to %scan3A_54 step %scan3A_55  : i32 {
        %jit3A_58 = arith.constant 2 : i32
        %eq3A_59 = arith.constant 0 : i32
        %eq3A_60 = arith.cmpi eq, %jit3A_58, %eq3A_59 : i32
        %jit3A_61 = arith.constant 1 : i32
        %select_n3A_62 = arith.select %eq3A_60, %jit3A_61, %jit3A_58 : i32
        %rem3A = arith.remsi %scan3A_57, %select_n3A_62 : i32
        %ne3A = arith.constant 0 : i32
        %ne3A_63 = arith.cmpi ne, %rem3A, %ne3A : i32
        %lt3A_64 = arith.constant 0 : i32
        %lt3A_65 = arith.cmpi slt, %rem3A, %lt3A_64 : i32
        %lt3A_66 = arith.constant 0 : i32
        %lt3A_67 = arith.cmpi slt, %select_n3A_62, %lt3A_66 : i32
        %ne3A_68 = arith.xori %lt3A_65, %lt3A_67 : i1
        %and3A = arith.andi %ne3A_68, %ne3A_63 : i1
        %add3A_69 = arith.addi %rem3A, %select_n3A_62 : i32
        %select_n3A_70 = arith.select %and3A, %add3A_69, %rem3A : i32
        %eq3A_71 = arith.constant 0 : i32
        %eq3A_72 = arith.cmpi eq, %select_n3A_70, %eq3A_71 : i32
        %convert_element_type3A_73 = arith.extui %eq3A_72 : i1 to i32
        %cond3A_74 = arith.constant 0 : i32
        %cond3A_75 = arith.cmpi ne, %convert_element_type3A_73, %cond3A_74 : i32
        scf.if %cond3A_75 {
          %lt3A_97 = arith.constant 24 : i32
          %lt3A_98 = arith.cmpi slt, %scan3A_57, %lt3A_97 : i32
          %convert_element_type3A_99 = arith.extui %lt3A_98 : i1 to i32
          %cond3A_100 = arith.constant 0 : i32
          %cond3A_101 = arith.cmpi ne, %convert_element_type3A_99, %cond3A_100 : i32
          scf.if %cond3A_101 {
            %add3A_110 = arith.constant 1 : i32
            %add3A_111 = arith.addi %scan3A_57, %add3A_110 : i32
            %parallel_loop3A_112 = arith.constant 0 : i32
            %parallel_loop3A_113 = arith.constant 8 : i32
            %parallel_loop3A_114 = arith.constant 1 : i32
            scf.for %parallel_loop3A_118 = %parallel_loop3A_112 to %parallel_loop3A_113 step %parallel_loop3A_114  : i32 {
              %parallel_loop3A_119 = arith.constant 16 : i32
              %parallel_loop3A_120 = arith.muli %parallel_loop3A_118, %parallel_loop3A_119 : i32
              %parallel_loop3A_121 = arith.constant 128 : i32
              %parallel_loop3A_122 = arith.muli %add3A_111, %parallel_loop3A_121 : i32
              %parallel_loop3A_123 = arith.constant 16 : i32
              %parallel_loop3A_124 = arith.muli %parallel_loop3A_118, %parallel_loop3A_123 : i32
              %parallel_loop3A_125 = arith.addi %parallel_loop3A_122, %parallel_loop3A_124 : i32
              %parallel_loop3A_126 = arith.index_cast %parallel_loop3A_125 : i32 to index
              %parallel_loop3A_127 = tpu.vector_load %arg8[%parallel_loop3A_126] {strides = array<i32>} : memref<3200xi32, #tpu.memory_space<vmem>>, vector<16xi32>,
              %parallel_loop3A_128 = arith.index_cast %parallel_loop3A_120 : i32 to index
              %parallel_loop3A_129 = tpu.vector_load %arg12[%parallel_loop3A_128] {strides = array<i32>} : memref<128xi32, #tpu.memory_space<vmem>>, vector<16xi32>,
              tpu.vector_store %arg12[%parallel_loop3A_128], %parallel_loop3A_127 {strides = array<i32>} : memref<128xi32, #tpu.memory_space<vmem>>, vector<16xi32>,
            } {sc.loop_unroll_factor = 4 : i64, sc.parallel_access}
            %dma_start3A_115 = arith.constant 0 : i32
            %dma_start3A_116 = arith.constant 0 : i32
            %dma_start3A_117 = tpu.memref_slice %arg2[%dma_start3A_115, %dma_start3A_116] : memref<50000x32xi32, #tpu.memory_space<hbm>> -> memref<50000x32xi32, #tpu.memory_space<hbm>>
            tpu.enqueue_indirect_dma source(%dma_start3A_117 : memref<50000x32xi32, #tpu.memory_space<hbm>>) target(%arg16 : memref<128x32xi32, #tpu.memory_space<vmem>>) offsets(%arg12 : memref<128xi32, #tpu.memory_space<vmem>>) semaphore(%arg19 : memref<!tpu.dma_semaphore, #tpu.memory_space<semaphore_mem>>)
          } else {
          }
          %dma_wait3A = arith.constant 0 : i32
          %dma_wait3A_102 = arith.constant 0 : i32
          %dma_wait3A_103 = tpu.memref_slice %arg2[%dma_wait3A, %dma_wait3A_102] : memref<50000x32xi32, #tpu.memory_space<hbm>> -> memref<50000x32xi32, #tpu.memory_space<hbm>>
          tpu.wait_indirect_dma semaphore(%arg18 : memref<!tpu.dma_semaphore, #tpu.memory_space<semaphore_mem>>) src(%dma_wait3A_103 : memref<50000x32xi32, #tpu.memory_space<hbm>>) dst(%arg15 : memref<128x32xi32, #tpu.memory_space<vmem>>)
          %parallel_loop3A_104 = arith.constant 0 : i32
          %parallel_loop3A_105 = arith.constant 8 : i32
          %parallel_loop3A_106 = arith.constant 1 : i32
          scf.for %parallel_loop3A_110 = %parallel_loop3A_104 to %parallel_loop3A_105 step %parallel_loop3A_106  : i32 {
            %parallel_loop3A_111 = arith.constant 16 : i32
            %parallel_loop3A_112 = arith.muli %parallel_loop3A_110, %parallel_loop3A_111 : i32
            %parallel_loop3A_113 = arith.constant 128 : i32
            %parallel_loop3A_114 = arith.muli %scan3A_57, %parallel_loop3A_113 : i32
            %parallel_loop3A_115 = arith.constant 16 : i32
            %parallel_loop3A_116 = arith.muli %parallel_loop3A_110, %parallel_loop3A_115 : i32
            %parallel_loop3A_117 = arith.addi %parallel_loop3A_114, %parallel_loop3A_116 : i32
            %parallel_loop3A_118 = arith.index_cast %parallel_loop3A_117 : i32 to index
            %parallel_loop3A_119 = tpu.vector_load %arg9[%parallel_loop3A_118] {strides = array<i32>} : memref<3200xi32, #tpu.memory_space<vmem>>, vector<16xi32>,
            %parallel_loop3A_120 = vector.broadcast %mul3A_16 : i32 to vector<16xi32>
            %parallel_loop3A_121 = arith.subi %parallel_loop3A_119, %parallel_loop3A_120 : vector<16xi32>
            %parallel_loop3A_122 = arith.index_cast %parallel_loop3A_112 : i32 to index
            %parallel_loop3A_123 = tpu.vector_load %arg13[%parallel_loop3A_122] {strides = array<i32>} : memref<128xi32, #tpu.memory_space<vmem>>, vector<16xi32>,
            tpu.vector_store %arg13[%parallel_loop3A_122], %parallel_loop3A_121 {strides = array<i32>} : memref<128xi32, #tpu.memory_space<vmem>>, vector<16xi32>,
          } {sc.loop_unroll_factor = 4 : i64, sc.parallel_access}
          %parallel_loop3A_107 = arith.constant 0 : i32
          %parallel_loop3A_108 = arith.constant 128 : i32
          %parallel_loop3A_109 = arith.constant 1 : i32
          scf.for %parallel_loop3A_110 = %parallel_loop3A_107 to %parallel_loop3A_108 step %parallel_loop3A_109  : i32 {
            %parallel_loop3A_111 = arith.constant 128 : i32
            %parallel_loop3A_112 = arith.muli %scan3A_57, %parallel_loop3A_111 : i32
            %parallel_loop3A_113 = arith.addi %parallel_loop3A_112, %parallel_loop3A_110 : i32
            %parallel_loop3A_114 = vector.broadcast %parallel_loop3A_113 : i32 to vector<16xi32>
            %parallel_loop3A_115 = tpu.vector_load_idx %arg10[%parallel_loop3A_114] : memref<3200xf32, #tpu.memory_space<vmem>>[vector<16xi32>], vector<16xf32>,
            %parallel_loop3A_116 = arith.index_cast %parallel_loop3A_110 : i32 to index
            %parallel_loop3A_117 = arith.constant 0 : index
            %parallel_loop3A_118 = tpu.vector_load %arg15[%parallel_loop3A_116, %parallel_loop3A_117] {strides = array<i32>} : memref<128x32xi32, #tpu.memory_space<vmem>>, vector<16xi32>,
            %parallel_loop3A_119 = arith.constant 16 : i32
            %parallel_loop3A_120 = vector.broadcast %parallel_loop3A_119 : i32 to vector<16xi32>
            %parallel_loop3A_121 = arith.shli %parallel_loop3A_118, %parallel_loop3A_120 : vector<16xi32>
            %parallel_loop3A_122 = vector.bitcast %parallel_loop3A_121 : vector<16xi32> to vector<16xf32>
            %parallel_loop3A_123 = arith.constant -65536 : i32
            %parallel_loop3A_124 = vector.broadcast %parallel_loop3A_123 : i32 to vector<16xi32>
            %parallel_loop3A_125 = arith.andi %parallel_loop3A_118, %parallel_loop3A_124 : vector<16xi32>
            %parallel_loop3A_126 = vector.bitcast %parallel_loop3A_125 : vector<16xi32> to vector<16xf32>
            %parallel_loop3A_127 = arith.mulf %parallel_loop3A_122, %parallel_loop3A_115 : vector<16xf32>
            %parallel_loop3A_128 = arith.index_cast %parallel_loop3A_110 : i32 to index
            %parallel_loop3A_129 = arith.constant 0 : index
            %parallel_loop3A_130 = tpu.vector_load %arg17[%parallel_loop3A_128, %parallel_loop3A_129] {strides = array<i32>} : memref<128x64xf32, #tpu.memory_space<vmem>>, vector<16xf32>,
            tpu.vector_store %arg17[%parallel_loop3A_128, %parallel_loop3A_129], %parallel_loop3A_127 {strides = array<i32>} : memref<128x64xf32, #tpu.memory_space<vmem>>, vector<16xf32>,
            %parallel_loop3A_131 = arith.mulf %parallel_loop3A_126, %parallel_loop3A_115 : vector<16xf32>
            %parallel_loop3A_132 = arith.index_cast %parallel_loop3A_110 : i32 to index
            %parallel_loop3A_133 = arith.constant 16 : index
            %parallel_loop3A_134 = tpu.vector_load %arg17[%parallel_loop3A_132, %parallel_loop3A_133] {strides = array<i32>} : memref<128x64xf32, #tpu.memory_space<vmem>>, vector<16xf32>,
            tpu.vector_store %arg17[%parallel_loop3A_132, %parallel_loop3A_133], %parallel_loop3A_131 {strides = array<i32>} : memref<128x64xf32, #tpu.memory_space<vmem>>, vector<16xf32>,
            %parallel_loop3A_135 = arith.index_cast %parallel_loop3A_110 : i32 to index
            %parallel_loop3A_136 = arith.constant 16 : index
            %parallel_loop3A_137 = tpu.vector_load %arg15[%parallel_loop3A_135, %parallel_loop3A_136] {strides = array<i32>} : memref<128x32xi32, #tpu.memory_space<vmem>>, vector<16xi32>,
            %parallel_loop3A_138 = arith.constant 16 : i32
            %parallel_loop3A_139 = vector.broadcast %parallel_loop3A_138 : i32 to vector<16xi32>
            %parallel_loop3A_140 = arith.shli %parallel_loop3A_137, %parallel_loop3A_139 : vector<16xi32>
            %parallel_loop3A_141 = vector.bitcast %parallel_loop3A_140 : vector<16xi32> to vector<16xf32>
            %parallel_loop3A_142 = arith.constant -65536 : i32
            %parallel_loop3A_143 = vector.broadcast %parallel_loop3A_142 : i32 to vector<16xi32>
            %parallel_loop3A_144 = arith.andi %parallel_loop3A_137, %parallel_loop3A_143 : vector<16xi32>
            %parallel_loop3A_145 = vector.bitcast %parallel_loop3A_144 : vector<16xi32> to vector<16xf32>
            %parallel_loop3A_146 = arith.mulf %parallel_loop3A_141, %parallel_loop3A_115 : vector<16xf32>
            %parallel_loop3A_147 = arith.index_cast %parallel_loop3A_110 : i32 to index
            %parallel_loop3A_148 = arith.constant 32 : index
            %parallel_loop3A_149 = tpu.vector_load %arg17[%parallel_loop3A_147, %parallel_loop3A_148] {strides = array<i32>} : memref<128x64xf32, #tpu.memory_space<vmem>>, vector<16xf32>,
            tpu.vector_store %arg17[%parallel_loop3A_147, %parallel_loop3A_148], %parallel_loop3A_146 {strides = array<i32>} : memref<128x64xf32, #tpu.memory_space<vmem>>, vector<16xf32>,
            %parallel_loop3A_150 = arith.mulf %parallel_loop3A_145, %parallel_loop3A_115 : vector<16xf32>
            %parallel_loop3A_151 = arith.index_cast %parallel_loop3A_110 : i32 to index
            %parallel_loop3A_152 = arith.constant 48 : index
            %parallel_loop3A_153 = tpu.vector_load %arg17[%parallel_loop3A_151, %parallel_loop3A_152] {strides = array<i32>} : memref<128x64xf32, #tpu.memory_space<vmem>>, vector<16xf32>,
            tpu.vector_store %arg17[%parallel_loop3A_151, %parallel_loop3A_152], %parallel_loop3A_150 {strides = array<i32>} : memref<128x64xf32, #tpu.memory_space<vmem>>, vector<16xf32>,
          } {sc.loop_unroll_factor = 8 : i64, sc.parallel_access}
          "tpu.region"() ({
            %run_scoped3A = tpu.sem_alloc : memref<!tpu.dma_semaphore, #tpu.memory_space<semaphore_mem>>
            %dma_start3A_110 = arith.constant 0 : i32
            %dma_start3A_111 = arith.constant 0 : i32
            %dma_start3A_112 = tpu.memref_slice %arg7[%dma_start3A_110, %dma_start3A_111] : memref<25000x64xf32, #tpu.memory_space<vmem_shared>> -> memref<25000x64xf32, #tpu.memory_space<vmem_shared>>
            tpu.enqueue_indirect_dma source(%arg17 : memref<128x64xf32, #tpu.memory_space<vmem>>) target(%dma_start3A_112 : memref<25000x64xf32, #tpu.memory_space<vmem_shared>>) offsets(%arg13 : memref<128xi32, #tpu.memory_space<vmem>>) semaphore(%run_scoped3A : memref<!tpu.dma_semaphore, #tpu.memory_space<semaphore_mem>>) {add = true}
            %dma_wait3A_113 = arith.constant 0 : i32
            %dma_wait3A_114 = arith.constant 0 : i32
            %dma_wait3A_115 = tpu.memref_slice %arg7[%dma_wait3A_113, %dma_wait3A_114] : memref<25000x64xf32, #tpu.memory_space<vmem_shared>> -> memref<25000x64xf32, #tpu.memory_space<vmem_shared>>
            tpu.wait_indirect_dma semaphore(%run_scoped3A : memref<!tpu.dma_semaphore, #tpu.memory_space<semaphore_mem>>) src(%arg17 : memref<128x64xf32, #tpu.memory_space<vmem>>) dst(%dma_wait3A_115 : memref<25000x64xf32, #tpu.memory_space<vmem_shared>>)
            tpu.yield
          }) : () -> ()
        } else {
        }
        %jit3A_76 = arith.constant 2 : i32
        %eq3A_77 = arith.constant 0 : i32
        %eq3A_78 = arith.cmpi eq, %jit3A_76, %eq3A_77 : i32
        %jit3A_79 = arith.constant 1 : i32
        %select_n3A_80 = arith.select %eq3A_78, %jit3A_79, %jit3A_76 : i32
        %rem3A_81 = arith.remsi %scan3A_57, %select_n3A_80 : i32
        %ne3A_82 = arith.constant 0 : i32
        %ne3A_83 = arith.cmpi ne, %rem3A_81, %ne3A_82 : i32
        %lt3A_84 = arith.constant 0 : i32
        %lt3A_85 = arith.cmpi slt, %rem3A_81, %lt3A_84 : i32
        %lt3A_86 = arith.constant 0 : i32
        %lt3A_87 = arith.cmpi slt, %select_n3A_80, %lt3A_86 : i32
        %ne3A_88 = arith.xori %lt3A_85, %lt3A_87 : i1
        %and3A_89 = arith.andi %ne3A_88, %ne3A_83 : i1
        %add3A_90 = arith.addi %rem3A_81, %select_n3A_80 : i32
        %select_n3A_91 = arith.select %and3A_89, %add3A_90, %rem3A_81 : i32
        %eq3A_92 = arith.constant 1 : i32
        %eq3A_93 = arith.cmpi eq, %select_n3A_91, %eq3A_92 : i32
        %convert_element_type3A_94 = arith.extui %eq3A_93 : i1 to i32
        %cond3A_95 = arith.constant 0 : i32
        %cond3A_96 = arith.cmpi ne, %convert_element_type3A_94, %cond3A_95 : i32
        scf.if %cond3A_96 {
          %lt3A_97 = arith.constant 24 : i32
          %lt3A_98 = arith.cmpi slt, %scan3A_57, %lt3A_97 : i32
          %convert_element_type3A_99 = arith.extui %lt3A_98 : i1 to i32
          %cond3A_100 = arith.constant 0 : i32
          %cond3A_101 = arith.cmpi ne, %convert_element_type3A_99, %cond3A_100 : i32
          scf.if %cond3A_101 {
            %add3A_110 = arith.constant 1 : i32
            %add3A_111 = arith.addi %scan3A_57, %add3A_110 : i32
            %parallel_loop3A_112 = arith.constant 0 : i32
            %parallel_loop3A_113 = arith.constant 8 : i32
            %parallel_loop3A_114 = arith.constant 1 : i32
            scf.for %parallel_loop3A_118 = %parallel_loop3A_112 to %parallel_loop3A_113 step %parallel_loop3A_114  : i32 {
              %parallel_loop3A_119 = arith.constant 16 : i32
              %parallel_loop3A_120 = arith.muli %parallel_loop3A_118, %parallel_loop3A_119 : i32
              %parallel_loop3A_121 = arith.constant 128 : i32
              %parallel_loop3A_122 = arith.muli %add3A_111, %parallel_loop3A_121 : i32
              %parallel_loop3A_123 = arith.constant 16 : i32
              %parallel_loop3A_124 = arith.muli %parallel_loop3A_118, %parallel_loop3A_123 : i32
              %parallel_loop3A_125 = arith.addi %parallel_loop3A_122, %parallel_loop3A_124 : i32
              %parallel_loop3A_126 = arith.index_cast %parallel_loop3A_125 : i32 to index
              %parallel_loop3A_127 = tpu.vector_load %arg8[%parallel_loop3A_126] {strides = array<i32>} : memref<3200xi32, #tpu.memory_space<vmem>>, vector<16xi32>,
              %parallel_loop3A_128 = arith.index_cast %parallel_loop3A_120 : i32 to index
              %parallel_loop3A_129 = tpu.vector_load %arg11[%parallel_loop3A_128] {strides = array<i32>} : memref<128xi32, #tpu.memory_space<vmem>>, vector<16xi32>,
              tpu.vector_store %arg11[%parallel_loop3A_128], %parallel_loop3A_127 {strides = array<i32>} : memref<128xi32, #tpu.memory_space<vmem>>, vector<16xi32>,
            } {sc.loop_unroll_factor = 4 : i64, sc.parallel_access}
            %dma_start3A_115 = arith.constant 0 : i32
            %dma_start3A_116 = arith.constant 0 : i32
            %dma_start3A_117 = tpu.memref_slice %arg2[%dma_start3A_115, %dma_start3A_116] : memref<50000x32xi32, #tpu.memory_space<hbm>> -> memref<50000x32xi32, #tpu.memory_space<hbm>>
            tpu.enqueue_indirect_dma source(%dma_start3A_117 : memref<50000x32xi32, #tpu.memory_space<hbm>>) target(%arg15 : memref<128x32xi32, #tpu.memory_space<vmem>>) offsets(%arg11 : memref<128xi32, #tpu.memory_space<vmem>>) semaphore(%arg18 : memref<!tpu.dma_semaphore, #tpu.memory_space<semaphore_mem>>)
          } else {
          }
          %dma_wait3A = arith.constant 0 : i32
          %dma_wait3A_102 = arith.constant 0 : i32
          %dma_wait3A_103 = tpu.memref_slice %arg2[%dma_wait3A, %dma_wait3A_102] : memref<50000x32xi32, #tpu.memory_space<hbm>> -> memref<50000x32xi32, #tpu.memory_space<hbm>>
          tpu.wait_indirect_dma semaphore(%arg19 : memref<!tpu.dma_semaphore, #tpu.memory_space<semaphore_mem>>) src(%dma_wait3A_103 : memref<50000x32xi32, #tpu.memory_space<hbm>>) dst(%arg16 : memref<128x32xi32, #tpu.memory_space<vmem>>)
          %parallel_loop3A_104 = arith.constant 0 : i32
          %parallel_loop3A_105 = arith.constant 8 : i32
          %parallel_loop3A_106 = arith.constant 1 : i32
          scf.for %parallel_loop3A_110 = %parallel_loop3A_104 to %parallel_loop3A_105 step %parallel_loop3A_106  : i32 {
            %parallel_loop3A_111 = arith.constant 16 : i32
            %parallel_loop3A_112 = arith.muli %parallel_loop3A_110, %parallel_loop3A_111 : i32
            %parallel_loop3A_113 = arith.constant 128 : i32
            %parallel_loop3A_114 = arith.muli %scan3A_57, %parallel_loop3A_113 : i32
            %parallel_loop3A_115 = arith.constant 16 : i32
            %parallel_loop3A_116 = arith.muli %parallel_loop3A_110, %parallel_loop3A_115 : i32
            %parallel_loop3A_117 = arith.addi %parallel_loop3A_114, %parallel_loop3A_116 : i32
            %parallel_loop3A_118 = arith.index_cast %parallel_loop3A_117 : i32 to index
            %parallel_loop3A_119 = tpu.vector_load %arg9[%parallel_loop3A_118] {strides = array<i32>} : memref<3200xi32, #tpu.memory_space<vmem>>, vector<16xi32>,
            %parallel_loop3A_120 = vector.broadcast %mul3A_16 : i32 to vector<16xi32>
            %parallel_loop3A_121 = arith.subi %parallel_loop3A_119, %parallel_loop3A_120 : vector<16xi32>
            %parallel_loop3A_122 = arith.index_cast %parallel_loop3A_112 : i32 to index
            %parallel_loop3A_123 = tpu.vector_load %arg14[%parallel_loop3A_122] {strides = array<i32>} : memref<128xi32, #tpu.memory_space<vmem>>, vector<16xi32>,
            tpu.vector_store %arg14[%parallel_loop3A_122], %parallel_loop3A_121 {strides = array<i32>} : memref<128xi32, #tpu.memory_space<vmem>>, vector<16xi32>,
          } {sc.loop_unroll_factor = 4 : i64, sc.parallel_access}
          %parallel_loop3A_107 = arith.constant 0 : i32
          %parallel_loop3A_108 = arith.constant 128 : i32
          %parallel_loop3A_109 = arith.constant 1 : i32
          scf.for %parallel_loop3A_110 = %parallel_loop3A_107 to %parallel_loop3A_108 step %parallel_loop3A_109  : i32 {
            %parallel_loop3A_111 = arith.constant 128 : i32
            %parallel_loop3A_112 = arith.muli %scan3A_57, %parallel_loop3A_111 : i32
            %parallel_loop3A_113 = arith.addi %parallel_loop3A_112, %parallel_loop3A_110 : i32
            %parallel_loop3A_114 = vector.broadcast %parallel_loop3A_113 : i32 to vector<16xi32>
            %parallel_loop3A_115 = tpu.vector_load_idx %arg10[%parallel_loop3A_114] : memref<3200xf32, #tpu.memory_space<vmem>>[vector<16xi32>], vector<16xf32>,
            %parallel_loop3A_116 = arith.index_cast %parallel_loop3A_110 : i32 to index
            %parallel_loop3A_117 = arith.constant 0 : index
            %parallel_loop3A_118 = tpu.vector_load %arg16[%parallel_loop3A_116, %parallel_loop3A_117] {strides = array<i32>} : memref<128x32xi32, #tpu.memory_space<vmem>>, vector<16xi32>,
            %parallel_loop3A_119 = arith.constant 16 : i32
            %parallel_loop3A_120 = vector.broadcast %parallel_loop3A_119 : i32 to vector<16xi32>
            %parallel_loop3A_121 = arith.shli %parallel_loop3A_118, %parallel_loop3A_120 : vector<16xi32>
            %parallel_loop3A_122 = vector.bitcast %parallel_loop3A_121 : vector<16xi32> to vector<16xf32>
            %parallel_loop3A_123 = arith.constant -65536 : i32
            %parallel_loop3A_124 = vector.broadcast %parallel_loop3A_123 : i32 to vector<16xi32>
            %parallel_loop3A_125 = arith.andi %parallel_loop3A_118, %parallel_loop3A_124 : vector<16xi32>
            %parallel_loop3A_126 = vector.bitcast %parallel_loop3A_125 : vector<16xi32> to vector<16xf32>
            %parallel_loop3A_127 = arith.mulf %parallel_loop3A_122, %parallel_loop3A_115 : vector<16xf32>
            %parallel_loop3A_128 = arith.index_cast %parallel_loop3A_110 : i32 to index
            %parallel_loop3A_129 = arith.constant 0 : index
            %parallel_loop3A_130 = tpu.vector_load %arg17[%parallel_loop3A_128, %parallel_loop3A_129] {strides = array<i32>} : memref<128x64xf32, #tpu.memory_space<vmem>>, vector<16xf32>,
            tpu.vector_store %arg17[%parallel_loop3A_128, %parallel_loop3A_129], %parallel_loop3A_127 {strides = array<i32>} : memref<128x64xf32, #tpu.memory_space<vmem>>, vector<16xf32>,
            %parallel_loop3A_131 = arith.mulf %parallel_loop3A_126, %parallel_loop3A_115 : vector<16xf32>
            %parallel_loop3A_132 = arith.index_cast %parallel_loop3A_110 : i32 to index
            %parallel_loop3A_133 = arith.constant 16 : index
            %parallel_loop3A_134 = tpu.vector_load %arg17[%parallel_loop3A_132, %parallel_loop3A_133] {strides = array<i32>} : memref<128x64xf32, #tpu.memory_space<vmem>>, vector<16xf32>,
            tpu.vector_store %arg17[%parallel_loop3A_132, %parallel_loop3A_133], %parallel_loop3A_131 {strides = array<i32>} : memref<128x64xf32, #tpu.memory_space<vmem>>, vector<16xf32>,
            %parallel_loop3A_135 = arith.index_cast %parallel_loop3A_110 : i32 to index
            %parallel_loop3A_136 = arith.constant 16 : index
            %parallel_loop3A_137 = tpu.vector_load %arg16[%parallel_loop3A_135, %parallel_loop3A_136] {strides = array<i32>} : memref<128x32xi32, #tpu.memory_space<vmem>>, vector<16xi32>,
            %parallel_loop3A_138 = arith.constant 16 : i32
            %parallel_loop3A_139 = vector.broadcast %parallel_loop3A_138 : i32 to vector<16xi32>
            %parallel_loop3A_140 = arith.shli %parallel_loop3A_137, %parallel_loop3A_139 : vector<16xi32>
            %parallel_loop3A_141 = vector.bitcast %parallel_loop3A_140 : vector<16xi32> to vector<16xf32>
            %parallel_loop3A_142 = arith.constant -65536 : i32
            %parallel_loop3A_143 = vector.broadcast %parallel_loop3A_142 : i32 to vector<16xi32>
            %parallel_loop3A_144 = arith.andi %parallel_loop3A_137, %parallel_loop3A_143 : vector<16xi32>
            %parallel_loop3A_145 = vector.bitcast %parallel_loop3A_144 : vector<16xi32> to vector<16xf32>
            %parallel_loop3A_146 = arith.mulf %parallel_loop3A_141, %parallel_loop3A_115 : vector<16xf32>
            %parallel_loop3A_147 = arith.index_cast %parallel_loop3A_110 : i32 to index
            %parallel_loop3A_148 = arith.constant 32 : index
            %parallel_loop3A_149 = tpu.vector_load %arg17[%parallel_loop3A_147, %parallel_loop3A_148] {strides = array<i32>} : memref<128x64xf32, #tpu.memory_space<vmem>>, vector<16xf32>,
            tpu.vector_store %arg17[%parallel_loop3A_147, %parallel_loop3A_148], %parallel_loop3A_146 {strides = array<i32>} : memref<128x64xf32, #tpu.memory_space<vmem>>, vector<16xf32>,
            %parallel_loop3A_150 = arith.mulf %parallel_loop3A_145, %parallel_loop3A_115 : vector<16xf32>
            %parallel_loop3A_151 = arith.index_cast %parallel_loop3A_110 : i32 to index
            %parallel_loop3A_152 = arith.constant 48 : index
            %parallel_loop3A_153 = tpu.vector_load %arg17[%parallel_loop3A_151, %parallel_loop3A_152] {strides = array<i32>} : memref<128x64xf32, #tpu.memory_space<vmem>>, vector<16xf32>,
            tpu.vector_store %arg17[%parallel_loop3A_151, %parallel_loop3A_152], %parallel_loop3A_150 {strides = array<i32>} : memref<128x64xf32, #tpu.memory_space<vmem>>, vector<16xf32>,
          } {sc.loop_unroll_factor = 8 : i64, sc.parallel_access}
          "tpu.region"() ({
            %run_scoped3A = tpu.sem_alloc : memref<!tpu.dma_semaphore, #tpu.memory_space<semaphore_mem>>
            %dma_start3A_110 = arith.constant 0 : i32
            %dma_start3A_111 = arith.constant 0 : i32
            %dma_start3A_112 = tpu.memref_slice %arg7[%dma_start3A_110, %dma_start3A_111] : memref<25000x64xf32, #tpu.memory_space<vmem_shared>> -> memref<25000x64xf32, #tpu.memory_space<vmem_shared>>
            tpu.enqueue_indirect_dma source(%arg17 : memref<128x64xf32, #tpu.memory_space<vmem>>) target(%dma_start3A_112 : memref<25000x64xf32, #tpu.memory_space<vmem_shared>>) offsets(%arg14 : memref<128xi32, #tpu.memory_space<vmem>>) semaphore(%run_scoped3A : memref<!tpu.dma_semaphore, #tpu.memory_space<semaphore_mem>>) {add = true}
            %dma_wait3A_113 = arith.constant 0 : i32
            %dma_wait3A_114 = arith.constant 0 : i32
            %dma_wait3A_115 = tpu.memref_slice %arg7[%dma_wait3A_113, %dma_wait3A_114] : memref<25000x64xf32, #tpu.memory_space<vmem_shared>> -> memref<25000x64xf32, #tpu.memory_space<vmem_shared>>
            tpu.wait_indirect_dma semaphore(%run_scoped3A : memref<!tpu.dma_semaphore, #tpu.memory_space<semaphore_mem>>) src(%arg17 : memref<128x64xf32, #tpu.memory_space<vmem>>) dst(%dma_wait3A_115 : memref<25000x64xf32, #tpu.memory_space<vmem_shared>>)
            tpu.yield
          }) : () -> ()
        } else {
        }
      }
      %scan3A_56 = arith.constant 25 : i32
    }
    %barrier3A_34 = arith.constant 0 : index
    tpu.barrier barrier_id(%barrier3A_34)
    %add3A_35 = arith.addi %mul3A_16, %mul3A_5 : i32
    "tpu.region"() ({
      %run_scoped3A = tpu.sem_alloc : memref<!tpu.dma_semaphore, #tpu.memory_space<semaphore_mem>>
      %dma_start3A = arith.constant 0 : i32
      %dma_start3A_41 = tpu.memref_slice %arg6[%add3A_35, %dma_start3A] : memref<50000x64xf32, #tpu.memory_space<hbm>> -> memref<1560x64xf32, #tpu.memory_space<hbm>>
      %dma_start3A_42 = arith.constant 0 : i32
      %dma_start3A_43 = tpu.memref_slice %arg7[%mul3A_5, %dma_start3A_42] : memref<25000x64xf32, #tpu.memory_space<vmem_shared>> -> memref<1560x64xf32, #tpu.memory_space<vmem_shared>>
      tpu.enqueue_dma source(%dma_start3A_43 : memref<1560x64xf32, #tpu.memory_space<vmem_shared>>) target(%dma_start3A_41 : memref<1560x64xf32, #tpu.memory_space<hbm>>) target_semaphore(%run_scoped3A : memref<!tpu.dma_semaphore, #tpu.memory_space<semaphore_mem>>)
      %dma_wait3A = arith.constant 0 : i32
      %dma_wait3A_44 = tpu.memref_slice %arg6[%add3A_35, %dma_wait3A] : memref<50000x64xf32, #tpu.memory_space<hbm>> -> memref<1560x64xf32, #tpu.memory_space<hbm>>
      %dma_wait3A_45 = arith.constant 0 : i32
      %dma_wait3A_46 = tpu.memref_slice %arg7[%mul3A_5, %dma_wait3A_45] : memref<25000x64xf32, #tpu.memory_space<vmem_shared>> -> memref<1560x64xf32, #tpu.memory_space<vmem_shared>>
      tpu.wait_dma2 semaphore(%run_scoped3A : memref<!tpu.dma_semaphore, #tpu.memory_space<semaphore_mem>>) src(%dma_wait3A_46 : memref<1560x64xf32, #tpu.memory_space<vmem_shared>>) dst(%dma_wait3A_44 : memref<1560x64xf32, #tpu.memory_space<hbm>>)
      tpu.yield
    }) : () -> ()
    %eq3A_36 = arith.constant 0 : i32
    %eq3A_37 = arith.cmpi eq, %arg1, %eq3A_36 : i32
    %convert_element_type3A_38 = arith.extui %eq3A_37 : i1 to i32
    %cond3A_39 = arith.constant 0 : i32
    %cond3A_40 = arith.cmpi ne, %convert_element_type3A_38, %cond3A_39 : i32
    scf.if %cond3A_40 {
      %add3A_41 = arith.constant 24960 : i32
      %add3A_42 = arith.addi %mul3A_16, %add3A_41 : i32
      "tpu.region"() ({
        %run_scoped3A = tpu.sem_alloc : memref<!tpu.dma_semaphore, #tpu.memory_space<semaphore_mem>>
        %dma_start3A = arith.constant 0 : i32
        %dma_start3A_43 = tpu.memref_slice %arg6[%add3A_42, %dma_start3A] : memref<50000x64xf32, #tpu.memory_space<hbm>> -> memref<40x64xf32, #tpu.memory_space<hbm>>
        %dma_start3A_44 = arith.constant 24960 : i32
        %dma_start3A_45 = arith.constant 0 : i32
        %dma_start3A_46 = tpu.memref_slice %arg7[%dma_start3A_44, %dma_start3A_45] : memref<25000x64xf32, #tpu.memory_space<vmem_shared>> -> memref<40x64xf32, #tpu.memory_space<vmem_shared>>
        tpu.enqueue_dma source(%dma_start3A_46 : memref<40x64xf32, #tpu.memory_space<vmem_shared>>) target(%dma_start3A_43 : memref<40x64xf32, #tpu.memory_space<hbm>>) target_semaphore(%run_scoped3A : memref<!tpu.dma_semaphore, #tpu.memory_space<semaphore_mem>>)
        %dma_wait3A = arith.constant 0 : i32
        %dma_wait3A_47 = tpu.memref_slice %arg6[%add3A_42, %dma_wait3A] : memref<50000x64xf32, #tpu.memory_space<hbm>> -> memref<40x64xf32, #tpu.memory_space<hbm>>
        %dma_wait3A_48 = arith.constant 24960 : i32
        %dma_wait3A_49 = arith.constant 0 : i32
        %dma_wait3A_50 = tpu.memref_slice %arg7[%dma_wait3A_48, %dma_wait3A_49] : memref<25000x64xf32, #tpu.memory_space<vmem_shared>> -> memref<40x64xf32, #tpu.memory_space<vmem_shared>>
        tpu.wait_dma2 semaphore(%run_scoped3A : memref<!tpu.dma_semaphore, #tpu.memory_space<semaphore_mem>>) src(%dma_wait3A_50 : memref<40x64xf32, #tpu.memory_space<vmem_shared>>) dst(%dma_wait3A_47 : memref<40x64xf32, #tpu.memory_space<hbm>>)
        tpu.yield
      }) : () -> ()
    } else {
    }
    return
  }
}

#map = affine_map<(d0, d1) -> (0, 0)>
#map1 = affine_map<(d0, d1) -> (0)>
module attributes {stable_mosaic.version = 14 : i64} {
  func.func @_spmm_body(%arg0: i32, %arg1: i32, %arg2: memref<50000x32xi32, #tpu.memory_space<hbm>>, %arg3: memref<800000xi32, #tpu.memory_space<hbm>>, %arg4: memref<800000xi32, #tpu.memory_space<hbm>>, %arg5: memref<800000xf32, #tpu.memory_space<hbm>>, %arg6: memref<50000x64xf32, #tpu.memory_space<hbm>>, %arg7: memref<25000x64xf32, #tpu.memory_space<vmem_shared>>, %arg8: memref<3200xi32, #tpu.memory_space<vmem>>, %arg9: memref<3200xi32, #tpu.memory_space<vmem>>, %arg10: memref<3200xf32, #tpu.memory_space<vmem>>, %arg11: memref<128xi32, #tpu.memory_space<vmem>>, %arg12: memref<128xi32, #tpu.memory_space<vmem>>, %arg13: memref<128xi32, #tpu.memory_space<vmem>>, %arg14: memref<128xi32, #tpu.memory_space<vmem>>, %arg15: memref<128x32xi32, #tpu.memory_space<vmem>>, %arg16: memref<128x32xi32, #tpu.memory_space<vmem>>, %arg17: memref<128x64xf32, #tpu.memory_space<vmem>>, %arg18: memref<!tpu.dma_semaphore, #tpu.memory_space<semaphore_mem>>, %arg19: memref<!tpu.dma_semaphore, #tpu.memory_space<semaphore_mem>>) attributes {dimension_semantics = [#tpu.dimension_semantics<core_parallel>, #tpu.dimension_semantics<subcore_parallel>], iteration_bounds = array<i64: 2, 16>, scalar_prefetch = 0 : i64, scratch_operands = 13 : i64, tpu.core_type = #tpu.core_type<sc_vector_subcore>, window_params = [{transform_indices = #map}, {transform_indices = #map1}, {transform_indices = #map1}, {transform_indices = #map1}, {transform_indices = #map}]} {
    %scan3A = arith.constant 0 : i32
    %scan3A_0 = arith.constant 0 : i32
    %scan3A_1 = arith.constant 128 : i32
    %scan3A_2 = arith.addi %scan3A_0, %scan3A_1 : i32
    %scan3A_3 = arith.constant 1 : i32
    scf.for %scan3A_41 = %scan3A_0 to %scan3A_2 step %scan3A_3  : i32 {
      %broadcast_in_dim3A = arith.constant 0.000000e+00 : f32
      %broadcast_in_dim3A_42 = vector.broadcast %broadcast_in_dim3A : f32 to vector<16xf32>
      %swap3A = arith.index_cast %scan3A_41 : i32 to index
      %swap3A_43 = arith.constant 0 : index
      %swap3A_44 = tpu.vector_load %arg17[%swap3A, %swap3A_43] {strides = array<i32>} : memref<128x64xf32, #tpu.memory_space<vmem>>, vector<16xf32>,
      tpu.vector_store %arg17[%swap3A, %swap3A_43], %broadcast_in_dim3A_42 {strides = array<i32>} : memref<128x64xf32, #tpu.memory_space<vmem>>, vector<16xf32>,
      %broadcast_in_dim3A_45 = arith.constant 0.000000e+00 : f32
      %broadcast_in_dim3A_46 = vector.broadcast %broadcast_in_dim3A_45 : f32 to vector<16xf32>
      %swap3A_47 = arith.index_cast %scan3A_41 : i32 to index
      %swap3A_48 = arith.constant 16 : index
      %swap3A_49 = tpu.vector_load %arg17[%swap3A_47, %swap3A_48] {strides = array<i32>} : memref<128x64xf32, #tpu.memory_space<vmem>>, vector<16xf32>,
      tpu.vector_store %arg17[%swap3A_47, %swap3A_48], %broadcast_in_dim3A_46 {strides = array<i32>} : memref<128x64xf32, #tpu.memory_space<vmem>>, vector<16xf32>,
      %broadcast_in_dim3A_50 = arith.constant 0.000000e+00 : f32
      %broadcast_in_dim3A_51 = vector.broadcast %broadcast_in_dim3A_50 : f32 to vector<16xf32>
      %swap3A_52 = arith.index_cast %scan3A_41 : i32 to index
      %swap3A_53 = arith.constant 32 : index
      %swap3A_54 = tpu.vector_load %arg17[%swap3A_52, %swap3A_53] {strides = array<i32>} : memref<128x64xf32, #tpu.memory_space<vmem>>, vector<16xf32>,
      tpu.vector_store %arg17[%swap3A_52, %swap3A_53], %broadcast_in_dim3A_51 {strides = array<i32>} : memref<128x64xf32, #tpu.memory_space<vmem>>, vector<16xf32>,
      %broadcast_in_dim3A_55 = arith.constant 0.000000e+00 : f32
      %broadcast_in_dim3A_56 = vector.broadcast %broadcast_in_dim3A_55 : f32 to vector<16xf32>
      %swap3A_57 = arith.index_cast %scan3A_41 : i32 to index
      %swap3A_58 = arith.constant 48 : index
      %swap3A_59 = tpu.vector_load %arg17[%swap3A_57, %swap3A_58] {strides = array<i32>} : memref<128x64xf32, #tpu.memory_space<vmem>>, vector<16xf32>,
      tpu.vector_store %arg17[%swap3A_57, %swap3A_58], %broadcast_in_dim3A_56 {strides = array<i32>} : memref<128x64xf32, #tpu.memory_space<vmem>>, vector<16xf32>,
    }
    %scan3A_4 = arith.constant 128 : i32
    %mul3A = arith.constant 1560 : i32
    %mul3A_5 = arith.muli %arg1, %mul3A : i32
    %scan3A_6 = arith.constant 0 : i32
    %scan3A_7 = arith.constant 0 : i32
    %scan3A_8 = arith.constant 12 : i32
    %scan3A_9 = arith.addi %scan3A_7, %scan3A_8 : i32
    %scan3A_10 = arith.constant 1 : i32
    scf.for %scan3A_41 = %scan3A_7 to %scan3A_9 step %scan3A_10  : i32 {
      %mul3A_42 = arith.constant 128 : i32
      %mul3A_43 = arith.muli %scan3A_41, %mul3A_42 : i32
      %add3A_44 = arith.addi %mul3A_5, %mul3A_43 : i32
      "tpu.region"() ({
        %run_scoped3A = tpu.sem_alloc : memref<!tpu.dma_semaphore, #tpu.memory_space<semaphore_mem>>
        %dma_start3A = arith.constant 0 : i32
        %dma_start3A_45 = tpu.memref_slice %arg7[%add3A_44, %dma_start3A] : memref<25000x64xf32, #tpu.memory_space<vmem_shared>> -> memref<128x64xf32, #tpu.memory_space<vmem_shared>>
        %dma_start3A_46 = arith.constant 0 : i32
        %dma_start3A_47 = tpu.memref_slice %arg7[%add3A_44, %dma_start3A_46] : memref<25000x64xf32, #tpu.memory_space<vmem_shared>> -> memref<128x64xf32, #tpu.memory_space<vmem_shared>>
        tpu.enqueue_dma source(%arg17 : memref<128x64xf32, #tpu.memory_space<vmem>>) target(%dma_start3A_47 : memref<128x64xf32, #tpu.memory_space<vmem_shared>>) target_semaphore(%run_scoped3A : memref<!tpu.dma_semaphore, #tpu.memory_space<semaphore_mem>>)
        %dma_wait3A = arith.constant 0 : i32
        %dma_wait3A_48 = tpu.memref_slice %arg7[%add3A_44, %dma_wait3A] : memref<25000x64xf32, #tpu.memory_space<vmem_shared>> -> memref<128x64xf32, #tpu.memory_space<vmem_shared>>
        %dma_wait3A_49 = arith.constant 0 : i32
        %dma_wait3A_50 = tpu.memref_slice %arg7[%add3A_44, %dma_wait3A_49] : memref<25000x64xf32, #tpu.memory_space<vmem_shared>> -> memref<128x64xf32, #tpu.memory_space<vmem_shared>>
        tpu.wait_dma2 semaphore(%run_scoped3A : memref<!tpu.dma_semaphore, #tpu.memory_space<semaphore_mem>>) src(%arg17 : memref<128x64xf32, #tpu.memory_space<vmem>>) dst(%dma_wait3A_50 : memref<128x64xf32, #tpu.memory_space<vmem_shared>>)
        tpu.yield
      }) : () -> ()
    }
    %scan3A_11 = arith.constant 12 : i32
    %add3A = arith.constant 1536 : i32
    %add3A_12 = arith.addi %mul3A_5, %add3A : i32
    "tpu.region"() ({
      %run_scoped3A = tpu.sem_alloc : memref<!tpu.dma_semaphore, #tpu.memory_space<semaphore_mem>>
      %dma_start3A = arith.constant 0 : i32
      %dma_start3A_41 = arith.constant 0 : i32
      %dma_start3A_42 = tpu.memref_slice %arg17[%dma_start3A, %dma_start3A_41] : memref<128x64xf32, #tpu.memory_space<vmem>> -> memref<24x64xf32, #tpu.memory_space<vmem>>
      %dma_start3A_43 = arith.constant 0 : i32
      %dma_start3A_44 = tpu.memref_slice %arg7[%add3A_12, %dma_start3A_43] : memref<25000x64xf32, #tpu.memory_space<vmem_shared>> -> memref<24x64xf32, #tpu.memory_space<vmem_shared>>
      %dma_start3A_45 = arith.constant 0 : i32
      %dma_start3A_46 = tpu.memref_slice %arg7[%add3A_12, %dma_start3A_45] : memref<25000x64xf32, #tpu.memory_space<vmem_shared>> -> memref<24x64xf32, #tpu.memory_space<vmem_shared>>
      %dma_start3A_47 = arith.constant 0 : i32
      %dma_start3A_48 = arith.constant 0 : i32
      %dma_start3A_49 = tpu.memref_slice %arg17[%dma_start3A_47, %dma_start3A_48] : memref<128x64xf32, #tpu.memory_space<vmem>> -> memref<24x64xf32, #tpu.memory_space<vmem>>
      tpu.enqueue_dma source(%dma_start3A_49 : memref<24x64xf32, #tpu.memory_space<vmem>>) target(%dma_start3A_46 : memref<24x64xf32, #tpu.memory_space<vmem_shared>>) target_semaphore(%run_scoped3A : memref<!tpu.dma_semaphore, #tpu.memory_space<semaphore_mem>>)
      %dma_wait3A = arith.constant 0 : i32
      %dma_wait3A_50 = arith.constant 0 : i32
      %dma_wait3A_51 = tpu.memref_slice %arg17[%dma_wait3A, %dma_wait3A_50] : memref<128x64xf32, #tpu.memory_space<vmem>> -> memref<24x64xf32, #tpu.memory_space<vmem>>
      %dma_wait3A_52 = arith.constant 0 : i32
      %dma_wait3A_53 = tpu.memref_slice %arg7[%add3A_12, %dma_wait3A_52] : memref<25000x64xf32, #tpu.memory_space<vmem_shared>> -> memref<24x64xf32, #tpu.memory_space<vmem_shared>>
      %dma_wait3A_54 = arith.constant 0 : i32
      %dma_wait3A_55 = tpu.memref_slice %arg7[%add3A_12, %dma_wait3A_54] : memref<25000x64xf32, #tpu.memory_space<vmem_shared>> -> memref<24x64xf32, #tpu.memory_space<vmem_shared>>
      %dma_wait3A_56 = arith.constant 0 : i32
      %dma_wait3A_57 = arith.constant 0 : i32
      %dma_wait3A_58 = tpu.memref_slice %arg17[%dma_wait3A_56, %dma_wait3A_57] : memref<128x64xf32, #tpu.memory_space<vmem>> -> memref<24x64xf32, #tpu.memory_space<vmem>>
      tpu.wait_dma2 semaphore(%run_scoped3A : memref<!tpu.dma_semaphore, #tpu.memory_space<semaphore_mem>>) src(%dma_wait3A_58 : memref<24x64xf32, #tpu.memory_space<vmem>>) dst(%dma_wait3A_55 : memref<24x64xf32, #tpu.memory_space<vmem_shared>>)
      tpu.yield
    }) : () -> ()
    %eq3A = arith.constant 0 : i32
    %eq3A_13 = arith.cmpi eq, %arg1, %eq3A : i32
    %convert_element_type3A = arith.extui %eq3A_13 : i1 to i32
    %cond3A = arith.constant 0 : i32
    %cond3A_14 = arith.cmpi ne, %convert_element_type3A, %cond3A : i32
    scf.if %cond3A_14 {
      "tpu.region"() ({
        %run_scoped3A = tpu.sem_alloc : memref<!tpu.dma_semaphore, #tpu.memory_space<semaphore_mem>>
        %dma_start3A = arith.constant 0 : i32
        %dma_start3A_41 = arith.constant 0 : i32
        %dma_start3A_42 = tpu.memref_slice %arg17[%dma_start3A, %dma_start3A_41] : memref<128x64xf32, #tpu.memory_space<vmem>> -> memref<40x64xf32, #tpu.memory_space<vmem>>
        %dma_start3A_43 = arith.constant 24960 : i32
        %dma_start3A_44 = arith.constant 0 : i32
        %dma_start3A_45 = tpu.memref_slice %arg7[%dma_start3A_43, %dma_start3A_44] : memref<25000x64xf32, #tpu.memory_space<vmem_shared>> -> memref<40x64xf32, #tpu.memory_space<vmem_shared>>
        %dma_start3A_46 = arith.constant 24960 : i32
        %dma_start3A_47 = arith.constant 0 : i32
        %dma_start3A_48 = tpu.memref_slice %arg7[%dma_start3A_46, %dma_start3A_47] : memref<25000x64xf32, #tpu.memory_space<vmem_shared>> -> memref<40x64xf32, #tpu.memory_space<vmem_shared>>
        %dma_start3A_49 = arith.constant 0 : i32
        %dma_start3A_50 = arith.constant 0 : i32
        %dma_start3A_51 = tpu.memref_slice %arg17[%dma_start3A_49, %dma_start3A_50] : memref<128x64xf32, #tpu.memory_space<vmem>> -> memref<40x64xf32, #tpu.memory_space<vmem>>
        tpu.enqueue_dma source(%dma_start3A_51 : memref<40x64xf32, #tpu.memory_space<vmem>>) target(%dma_start3A_48 : memref<40x64xf32, #tpu.memory_space<vmem_shared>>) target_semaphore(%run_scoped3A : memref<!tpu.dma_semaphore, #tpu.memory_space<semaphore_mem>>)
        %dma_wait3A = arith.constant 0 : i32
        %dma_wait3A_52 = arith.constant 0 : i32
        %dma_wait3A_53 = tpu.memref_slice %arg17[%dma_wait3A, %dma_wait3A_52] : memref<128x64xf32, #tpu.memory_space<vmem>> -> memref<40x64xf32, #tpu.memory_space<vmem>>
        %dma_wait3A_54 = arith.constant 24960 : i32
        %dma_wait3A_55 = arith.constant 0 : i32
        %dma_wait3A_56 = tpu.memref_slice %arg7[%dma_wait3A_54, %dma_wait3A_55] : memref<25000x64xf32, #tpu.memory_space<vmem_shared>> -> memref<40x64xf32, #tpu.memory_space<vmem_shared>>
        %dma_wait3A_57 = arith.constant 24960 : i32
        %dma_wait3A_58 = arith.constant 0 : i32
        %dma_wait3A_59 = tpu.memref_slice %arg7[%dma_wait3A_57, %dma_wait3A_58] : memref<25000x64xf32, #tpu.memory_space<vmem_shared>> -> memref<40x64xf32, #tpu.memory_space<vmem_shared>>
        %dma_wait3A_60 = arith.constant 0 : i32
        %dma_wait3A_61 = arith.constant 0 : i32
        %dma_wait3A_62 = tpu.memref_slice %arg17[%dma_wait3A_60, %dma_wait3A_61] : memref<128x64xf32, #tpu.memory_space<vmem>> -> memref<40x64xf32, #tpu.memory_space<vmem>>
        tpu.wait_dma2 semaphore(%run_scoped3A : memref<!tpu.dma_semaphore, #tpu.memory_space<semaphore_mem>>) src(%dma_wait3A_62 : memref<40x64xf32, #tpu.memory_space<vmem>>) dst(%dma_wait3A_59 : memref<40x64xf32, #tpu.memory_space<vmem_shared>>)
        tpu.yield
      }) : () -> ()
    } else {
    }
    %barrier3A = arith.constant 0 : index
    tpu.barrier barrier_id(%barrier3A)
    %mul3A_15 = arith.constant 25000 : i32
    %mul3A_16 = arith.muli %arg0, %mul3A_15 : i32
    %mul3A_17 = arith.constant 7 : i32
    %mul3A_18 = arith.muli %arg1, %mul3A_17 : i32
    %min3A = arith.constant 13 : i32
    %min3A_19 = arith.minsi %arg1, %min3A : i32
    %add3A_20 = arith.addi %mul3A_18, %min3A_19 : i32
    %lt3A = arith.constant 13 : i32
    %lt3A_21 = arith.cmpi slt, %arg1, %lt3A : i32
    %jit3A = arith.constant 1 : i32
    %jit3A_22 = arith.constant 0 : i32
    %select_n3A = arith.select %lt3A_21, %jit3A, %jit3A_22 : i32
    %add3A_23 = arith.constant 7 : i32
    %add3A_24 = arith.addi %add3A_23, %select_n3A : i32
    %add3A_25 = arith.addi %add3A_20, %add3A_24 : i32
    %while3A = arith.constant 0 : i32
    %while3A_26 = arith.subi %add3A_25, %add3A_20 : i32
    %while3A_27 = arith.addi %add3A_20, %while3A_26 : i32
    %while3A_28 = arith.constant 1 : i32
    %while3A_29 = arith.divsi %while3A_26, %while3A_28 : i32
    %while3A_30 = arith.muli %while3A_29, %while3A_28 : i32
    %while3A_31 = arith.addi %add3A_20, %while3A_30 : i32
    %while3A_32 = arith.constant 1 : i32
    scf.for %while3A_41 = %add3A_20 to %while3A_31 step %while3A_32  : i32 {
      %mul3A_42 = arith.constant 400000 : i32
      %mul3A_43 = arith.muli %arg0, %mul3A_42 : i32
      %mul3A_44 = arith.constant 3200 : i32
      %mul3A_45 = arith.muli %while3A_41, %mul3A_44 : i32
      %add3A_46 = arith.addi %mul3A_43, %mul3A_45 : i32
      "tpu.region"() ({
        %run_scoped3A = tpu.sem_alloc : memref<!tpu.dma_semaphore, #tpu.memory_space<semaphore_mem>>
        %dma_start3A_57 = tpu.memref_slice %arg4[%add3A_46] : memref<800000xi32, #tpu.memory_space<hbm>> -> memref<3200xi32, #tpu.memory_space<hbm>>
        %dma_start3A_58 = tpu.memref_slice %arg4[%add3A_46] : memref<800000xi32, #tpu.memory_space<hbm>> -> memref<3200xi32, #tpu.memory_space<hbm>>
        tpu.enqueue_dma source(%dma_start3A_58 : memref<3200xi32, #tpu.memory_space<hbm>>) target(%arg8 : memref<3200xi32, #tpu.memory_space<vmem>>) target_semaphore(%run_scoped3A : memref<!tpu.dma_semaphore, #tpu.memory_space<semaphore_mem>>)
        %dma_wait3A = tpu.memref_slice %arg4[%add3A_46] : memref<800000xi32, #tpu.memory_space<hbm>> -> memref<3200xi32, #tpu.memory_space<hbm>>
        %dma_wait3A_59 = tpu.memref_slice %arg4[%add3A_46] : memref<800000xi32, #tpu.memory_space<hbm>> -> memref<3200xi32, #tpu.memory_space<hbm>>
        tpu.wait_dma2 semaphore(%run_scoped3A : memref<!tpu.dma_semaphore, #tpu.memory_space<semaphore_mem>>) src(%dma_wait3A_59 : memref<3200xi32, #tpu.memory_space<hbm>>) dst(%arg8 : memref<3200xi32, #tpu.memory_space<vmem>>)
        tpu.yield
      }) : () -> ()
      "tpu.region"() ({
        %run_scoped3A = tpu.sem_alloc : memref<!tpu.dma_semaphore, #tpu.memory_space<semaphore_mem>>
        %dma_start3A_57 = tpu.memref_slice %arg3[%add3A_46] : memref<800000xi32, #tpu.memory_space<hbm>> -> memref<3200xi32, #tpu.memory_space<hbm>>
        %dma_start3A_58 = tpu.memref_slice %arg3[%add3A_46] : memref<800000xi32, #tpu.memory_space<hbm>> -> memref<3200xi32, #tpu.memory_space<hbm>>
        tpu.enqueue_dma source(%dma_start3A_58 : memref<3200xi32, #tpu.memory_space<hbm>>) target(%arg9 : memref<3200xi32, #tpu.memory_space<vmem>>) target_semaphore(%run_scoped3A : memref<!tpu.dma_semaphore, #tpu.memory_space<semaphore_mem>>)
        %dma_wait3A = tpu.memref_slice %arg3[%add3A_46] : memref<800000xi32, #tpu.memory_space<hbm>> -> memref<3200xi32, #tpu.memory_space<hbm>>
        %dma_wait3A_59 = tpu.memref_slice %arg3[%add3A_46] : memref<800000xi32, #tpu.memory_space<hbm>> -> memref<3200xi32, #tpu.memory_space<hbm>>
        tpu.wait_dma2 semaphore(%run_scoped3A : memref<!tpu.dma_semaphore, #tpu.memory_space<semaphore_mem>>) src(%dma_wait3A_59 : memref<3200xi32, #tpu.memory_space<hbm>>) dst(%arg9 : memref<3200xi32, #tpu.memory_space<vmem>>)
        tpu.yield
      }) : () -> ()
      "tpu.region"() ({
        %run_scoped3A = tpu.sem_alloc : memref<!tpu.dma_semaphore, #tpu.memory_space<semaphore_mem>>
        %dma_start3A_57 = tpu.memref_slice %arg5[%add3A_46] : memref<800000xf32, #tpu.memory_space<hbm>> -> memref<3200xf32, #tpu.memory_space<hbm>>
        %dma_start3A_58 = tpu.memref_slice %arg5[%add3A_46] : memref<800000xf32, #tpu.memory_space<hbm>> -> memref<3200xf32, #tpu.memory_space<hbm>>
        tpu.enqueue_dma source(%dma_start3A_58 : memref<3200xf32, #tpu.memory_space<hbm>>) target(%arg10 : memref<3200xf32, #tpu.memory_space<vmem>>) target_semaphore(%run_scoped3A : memref<!tpu.dma_semaphore, #tpu.memory_space<semaphore_mem>>)
        %dma_wait3A = tpu.memref_slice %arg5[%add3A_46] : memref<800000xf32, #tpu.memory_space<hbm>> -> memref<3200xf32, #tpu.memory_space<hbm>>
        %dma_wait3A_59 = tpu.memref_slice %arg5[%add3A_46] : memref<800000xf32, #tpu.memory_space<hbm>> -> memref<3200xf32, #tpu.memory_space<hbm>>
        tpu.wait_dma2 semaphore(%run_scoped3A : memref<!tpu.dma_semaphore, #tpu.memory_space<semaphore_mem>>) src(%dma_wait3A_59 : memref<3200xf32, #tpu.memory_space<hbm>>) dst(%arg10 : memref<3200xf32, #tpu.memory_space<vmem>>)
        tpu.yield
      }) : () -> ()
      %parallel_loop3A = arith.constant 0 : i32
      %parallel_loop3A_47 = arith.constant 8 : i32
      %parallel_loop3A_48 = arith.constant 1 : i32
      scf.for %parallel_loop3A_57 = %parallel_loop3A to %parallel_loop3A_47 step %parallel_loop3A_48  : i32 {
        %parallel_loop3A_58 = arith.constant 16 : i32
        %parallel_loop3A_59 = arith.muli %parallel_loop3A_57, %parallel_loop3A_58 : i32
        %parallel_loop3A_60 = arith.constant 16 : i32
        %parallel_loop3A_61 = arith.muli %parallel_loop3A_57, %parallel_loop3A_60 : i32
        %parallel_loop3A_62 = arith.constant 0 : i32
        %parallel_loop3A_63 = arith.addi %parallel_loop3A_62, %parallel_loop3A_61 : i32
        %parallel_loop3A_64 = arith.index_cast %parallel_loop3A_63 : i32 to index
        %parallel_loop3A_65 = tpu.vector_load %arg8[%parallel_loop3A_64] {strides = array<i32>} : memref<3200xi32, #tpu.memory_space<vmem>>, vector<16xi32>,
        %parallel_loop3A_66 = arith.index_cast %parallel_loop3A_59 : i32 to index
        %parallel_loop3A_67 = tpu.vector_load %arg11[%parallel_loop3A_66] {strides = array<i32>} : memref<128xi32, #tpu.memory_space<vmem>>, vector<16xi32>,
        tpu.vector_store %arg11[%parallel_loop3A_66], %parallel_loop3A_65 {strides = array<i32>} : memref<128xi32, #tpu.memory_space<vmem>>, vector<16xi32>,
      } {sc.loop_unroll_factor = 4 : i64, sc.parallel_access}
      %dma_start3A = arith.constant 0 : i32
      %dma_start3A_49 = arith.constant 0 : i32
      %dma_start3A_50 = tpu.memref_slice %arg2[%dma_start3A, %dma_start3A_49] : memref<50000x32xi32, #tpu.memory_space<hbm>> -> memref<50000x32xi32, #tpu.memory_space<hbm>>
      tpu.enqueue_indirect_dma source(%dma_start3A_50 : memref<50000x32xi32, #tpu.memory_space<hbm>>) target(%arg15 : memref<128x32xi32, #tpu.memory_space<vmem>>) offsets(%arg11 : memref<128xi32, #tpu.memory_space<vmem>>) semaphore(%arg18 : memref<!tpu.dma_semaphore, #tpu.memory_space<semaphore_mem>>)
      %scan3A_51 = arith.constant 0 : i32
      %scan3A_52 = arith.constant 0 : i32
      %scan3A_53 = arith.constant 25 : i32
      %scan3A_54 = arith.addi %scan3A_52, %scan3A_53 : i32
      %scan3A_55 = arith.constant 1 : i32
      scf.for %scan3A_57 = %scan3A_52 to %scan3A_54 step %scan3A_55  : i32 {
        %jit3A_58 = arith.constant 2 : i32
        %eq3A_59 = arith.constant 0 : i32
        %eq3A_60 = arith.cmpi eq, %jit3A_58, %eq3A_59 : i32
        %jit3A_61 = arith.constant 1 : i32
        %select_n3A_62 = arith.select %eq3A_60, %jit3A_61, %jit3A_58 : i32
        %rem3A = arith.remsi %scan3A_57, %select_n3A_62 : i32
        %ne3A = arith.constant 0 : i32
        %ne3A_63 = arith.cmpi ne, %rem3A, %ne3A : i32
        %lt3A_64 = arith.constant 0 : i32
        %lt3A_65 = arith.cmpi slt, %rem3A, %lt3A_64 : i32
        %lt3A_66 = arith.constant 0 : i32
        %lt3A_67 = arith.cmpi slt, %select_n3A_62, %lt3A_66 : i32
        %ne3A_68 = arith.xori %lt3A_65, %lt3A_67 : i1
        %and3A = arith.andi %ne3A_68, %ne3A_63 : i1
        %add3A_69 = arith.addi %rem3A, %select_n3A_62 : i32
        %select_n3A_70 = arith.select %and3A, %add3A_69, %rem3A : i32
        %eq3A_71 = arith.constant 0 : i32
        %eq3A_72 = arith.cmpi eq, %select_n3A_70, %eq3A_71 : i32
        %convert_element_type3A_73 = arith.extui %eq3A_72 : i1 to i32
        %cond3A_74 = arith.constant 0 : i32
        %cond3A_75 = arith.cmpi ne, %convert_element_type3A_73, %cond3A_74 : i32
        scf.if %cond3A_75 {
          %lt3A_97 = arith.constant 24 : i32
          %lt3A_98 = arith.cmpi slt, %scan3A_57, %lt3A_97 : i32
          %convert_element_type3A_99 = arith.extui %lt3A_98 : i1 to i32
          %cond3A_100 = arith.constant 0 : i32
          %cond3A_101 = arith.cmpi ne, %convert_element_type3A_99, %cond3A_100 : i32
          scf.if %cond3A_101 {
            %add3A_110 = arith.constant 1 : i32
            %add3A_111 = arith.addi %scan3A_57, %add3A_110 : i32
            %parallel_loop3A_112 = arith.constant 0 : i32
            %parallel_loop3A_113 = arith.constant 8 : i32
            %parallel_loop3A_114 = arith.constant 1 : i32
            scf.for %parallel_loop3A_118 = %parallel_loop3A_112 to %parallel_loop3A_113 step %parallel_loop3A_114  : i32 {
              %parallel_loop3A_119 = arith.constant 16 : i32
              %parallel_loop3A_120 = arith.muli %parallel_loop3A_118, %parallel_loop3A_119 : i32
              %parallel_loop3A_121 = arith.constant 128 : i32
              %parallel_loop3A_122 = arith.muli %add3A_111, %parallel_loop3A_121 : i32
              %parallel_loop3A_123 = arith.constant 16 : i32
              %parallel_loop3A_124 = arith.muli %parallel_loop3A_118, %parallel_loop3A_123 : i32
              %parallel_loop3A_125 = arith.addi %parallel_loop3A_122, %parallel_loop3A_124 : i32
              %parallel_loop3A_126 = arith.index_cast %parallel_loop3A_125 : i32 to index
              %parallel_loop3A_127 = tpu.vector_load %arg8[%parallel_loop3A_126] {strides = array<i32>} : memref<3200xi32, #tpu.memory_space<vmem>>, vector<16xi32>,
              %parallel_loop3A_128 = arith.index_cast %parallel_loop3A_120 : i32 to index
              %parallel_loop3A_129 = tpu.vector_load %arg12[%parallel_loop3A_128] {strides = array<i32>} : memref<128xi32, #tpu.memory_space<vmem>>, vector<16xi32>,
              tpu.vector_store %arg12[%parallel_loop3A_128], %parallel_loop3A_127 {strides = array<i32>} : memref<128xi32, #tpu.memory_space<vmem>>, vector<16xi32>,
            } {sc.loop_unroll_factor = 4 : i64, sc.parallel_access}
            %dma_start3A_115 = arith.constant 0 : i32
            %dma_start3A_116 = arith.constant 0 : i32
            %dma_start3A_117 = tpu.memref_slice %arg2[%dma_start3A_115, %dma_start3A_116] : memref<50000x32xi32, #tpu.memory_space<hbm>> -> memref<50000x32xi32, #tpu.memory_space<hbm>>
            tpu.enqueue_indirect_dma source(%dma_start3A_117 : memref<50000x32xi32, #tpu.memory_space<hbm>>) target(%arg16 : memref<128x32xi32, #tpu.memory_space<vmem>>) offsets(%arg12 : memref<128xi32, #tpu.memory_space<vmem>>) semaphore(%arg19 : memref<!tpu.dma_semaphore, #tpu.memory_space<semaphore_mem>>)
          } else {
          }
          %dma_wait3A = arith.constant 0 : i32
          %dma_wait3A_102 = arith.constant 0 : i32
          %dma_wait3A_103 = tpu.memref_slice %arg2[%dma_wait3A, %dma_wait3A_102] : memref<50000x32xi32, #tpu.memory_space<hbm>> -> memref<50000x32xi32, #tpu.memory_space<hbm>>
          tpu.wait_indirect_dma semaphore(%arg18 : memref<!tpu.dma_semaphore, #tpu.memory_space<semaphore_mem>>) src(%dma_wait3A_103 : memref<50000x32xi32, #tpu.memory_space<hbm>>) dst(%arg15 : memref<128x32xi32, #tpu.memory_space<vmem>>)
          %parallel_loop3A_104 = arith.constant 0 : i32
          %parallel_loop3A_105 = arith.constant 8 : i32
          %parallel_loop3A_106 = arith.constant 1 : i32
          scf.for %parallel_loop3A_110 = %parallel_loop3A_104 to %parallel_loop3A_105 step %parallel_loop3A_106  : i32 {
            %parallel_loop3A_111 = arith.constant 16 : i32
            %parallel_loop3A_112 = arith.muli %parallel_loop3A_110, %parallel_loop3A_111 : i32
            %parallel_loop3A_113 = arith.constant 128 : i32
            %parallel_loop3A_114 = arith.muli %scan3A_57, %parallel_loop3A_113 : i32
            %parallel_loop3A_115 = arith.constant 16 : i32
            %parallel_loop3A_116 = arith.muli %parallel_loop3A_110, %parallel_loop3A_115 : i32
            %parallel_loop3A_117 = arith.addi %parallel_loop3A_114, %parallel_loop3A_116 : i32
            %parallel_loop3A_118 = arith.index_cast %parallel_loop3A_117 : i32 to index
            %parallel_loop3A_119 = tpu.vector_load %arg9[%parallel_loop3A_118] {strides = array<i32>} : memref<3200xi32, #tpu.memory_space<vmem>>, vector<16xi32>,
            %parallel_loop3A_120 = vector.broadcast %mul3A_16 : i32 to vector<16xi32>
            %parallel_loop3A_121 = arith.subi %parallel_loop3A_119, %parallel_loop3A_120 : vector<16xi32>
            %parallel_loop3A_122 = arith.index_cast %parallel_loop3A_112 : i32 to index
            %parallel_loop3A_123 = tpu.vector_load %arg13[%parallel_loop3A_122] {strides = array<i32>} : memref<128xi32, #tpu.memory_space<vmem>>, vector<16xi32>,
            tpu.vector_store %arg13[%parallel_loop3A_122], %parallel_loop3A_121 {strides = array<i32>} : memref<128xi32, #tpu.memory_space<vmem>>, vector<16xi32>,
          } {sc.loop_unroll_factor = 4 : i64, sc.parallel_access}
          %parallel_loop3A_107 = arith.constant 0 : i32
          %parallel_loop3A_108 = arith.constant 128 : i32
          %parallel_loop3A_109 = arith.constant 1 : i32
          scf.for %parallel_loop3A_110 = %parallel_loop3A_107 to %parallel_loop3A_108 step %parallel_loop3A_109  : i32 {
            %parallel_loop3A_111 = arith.constant 128 : i32
            %parallel_loop3A_112 = arith.muli %scan3A_57, %parallel_loop3A_111 : i32
            %parallel_loop3A_113 = arith.addi %parallel_loop3A_112, %parallel_loop3A_110 : i32
            %parallel_loop3A_114 = vector.broadcast %parallel_loop3A_113 : i32 to vector<16xi32>
            %parallel_loop3A_115 = tpu.vector_load_idx %arg10[%parallel_loop3A_114] : memref<3200xf32, #tpu.memory_space<vmem>>[vector<16xi32>], vector<16xf32>,
            %parallel_loop3A_116 = arith.index_cast %parallel_loop3A_110 : i32 to index
            %parallel_loop3A_117 = arith.constant 0 : index
            %parallel_loop3A_118 = tpu.vector_load %arg15[%parallel_loop3A_116, %parallel_loop3A_117] {strides = array<i32>} : memref<128x32xi32, #tpu.memory_space<vmem>>, vector<16xi32>,
            %parallel_loop3A_119 = arith.constant 16 : i32
            %parallel_loop3A_120 = vector.broadcast %parallel_loop3A_119 : i32 to vector<16xi32>
            %parallel_loop3A_121 = arith.shli %parallel_loop3A_118, %parallel_loop3A_120 : vector<16xi32>
            %parallel_loop3A_122 = vector.bitcast %parallel_loop3A_121 : vector<16xi32> to vector<16xf32>
            %parallel_loop3A_123 = arith.constant -65536 : i32
            %parallel_loop3A_124 = vector.broadcast %parallel_loop3A_123 : i32 to vector<16xi32>
            %parallel_loop3A_125 = arith.andi %parallel_loop3A_118, %parallel_loop3A_124 : vector<16xi32>
            %parallel_loop3A_126 = vector.bitcast %parallel_loop3A_125 : vector<16xi32> to vector<16xf32>
            %parallel_loop3A_127 = arith.mulf %parallel_loop3A_122, %parallel_loop3A_115 : vector<16xf32>
            %parallel_loop3A_128 = arith.index_cast %parallel_loop3A_110 : i32 to index
            %parallel_loop3A_129 = arith.constant 0 : index
            %parallel_loop3A_130 = tpu.vector_load %arg17[%parallel_loop3A_128, %parallel_loop3A_129] {strides = array<i32>} : memref<128x64xf32, #tpu.memory_space<vmem>>, vector<16xf32>,
            tpu.vector_store %arg17[%parallel_loop3A_128, %parallel_loop3A_129], %parallel_loop3A_127 {strides = array<i32>} : memref<128x64xf32, #tpu.memory_space<vmem>>, vector<16xf32>,
            %parallel_loop3A_131 = arith.mulf %parallel_loop3A_126, %parallel_loop3A_115 : vector<16xf32>
            %parallel_loop3A_132 = arith.index_cast %parallel_loop3A_110 : i32 to index
            %parallel_loop3A_133 = arith.constant 16 : index
            %parallel_loop3A_134 = tpu.vector_load %arg17[%parallel_loop3A_132, %parallel_loop3A_133] {strides = array<i32>} : memref<128x64xf32, #tpu.memory_space<vmem>>, vector<16xf32>,
            tpu.vector_store %arg17[%parallel_loop3A_132, %parallel_loop3A_133], %parallel_loop3A_131 {strides = array<i32>} : memref<128x64xf32, #tpu.memory_space<vmem>>, vector<16xf32>,
            %parallel_loop3A_135 = arith.index_cast %parallel_loop3A_110 : i32 to index
            %parallel_loop3A_136 = arith.constant 16 : index
            %parallel_loop3A_137 = tpu.vector_load %arg15[%parallel_loop3A_135, %parallel_loop3A_136] {strides = array<i32>} : memref<128x32xi32, #tpu.memory_space<vmem>>, vector<16xi32>,
            %parallel_loop3A_138 = arith.constant 16 : i32
            %parallel_loop3A_139 = vector.broadcast %parallel_loop3A_138 : i32 to vector<16xi32>
            %parallel_loop3A_140 = arith.shli %parallel_loop3A_137, %parallel_loop3A_139 : vector<16xi32>
            %parallel_loop3A_141 = vector.bitcast %parallel_loop3A_140 : vector<16xi32> to vector<16xf32>
            %parallel_loop3A_142 = arith.constant -65536 : i32
            %parallel_loop3A_143 = vector.broadcast %parallel_loop3A_142 : i32 to vector<16xi32>
            %parallel_loop3A_144 = arith.andi %parallel_loop3A_137, %parallel_loop3A_143 : vector<16xi32>
            %parallel_loop3A_145 = vector.bitcast %parallel_loop3A_144 : vector<16xi32> to vector<16xf32>
            %parallel_loop3A_146 = arith.mulf %parallel_loop3A_141, %parallel_loop3A_115 : vector<16xf32>
            %parallel_loop3A_147 = arith.index_cast %parallel_loop3A_110 : i32 to index
            %parallel_loop3A_148 = arith.constant 32 : index
            %parallel_loop3A_149 = tpu.vector_load %arg17[%parallel_loop3A_147, %parallel_loop3A_148] {strides = array<i32>} : memref<128x64xf32, #tpu.memory_space<vmem>>, vector<16xf32>,
            tpu.vector_store %arg17[%parallel_loop3A_147, %parallel_loop3A_148], %parallel_loop3A_146 {strides = array<i32>} : memref<128x64xf32, #tpu.memory_space<vmem>>, vector<16xf32>,
            %parallel_loop3A_150 = arith.mulf %parallel_loop3A_145, %parallel_loop3A_115 : vector<16xf32>
            %parallel_loop3A_151 = arith.index_cast %parallel_loop3A_110 : i32 to index
            %parallel_loop3A_152 = arith.constant 48 : index
            %parallel_loop3A_153 = tpu.vector_load %arg17[%parallel_loop3A_151, %parallel_loop3A_152] {strides = array<i32>} : memref<128x64xf32, #tpu.memory_space<vmem>>, vector<16xf32>,
            tpu.vector_store %arg17[%parallel_loop3A_151, %parallel_loop3A_152], %parallel_loop3A_150 {strides = array<i32>} : memref<128x64xf32, #tpu.memory_space<vmem>>, vector<16xf32>,
          } {sc.loop_unroll_factor = 8 : i64, sc.parallel_access}
          "tpu.region"() ({
            %run_scoped3A = tpu.sem_alloc : memref<!tpu.dma_semaphore, #tpu.memory_space<semaphore_mem>>
            %dma_start3A_110 = arith.constant 0 : i32
            %dma_start3A_111 = arith.constant 0 : i32
            %dma_start3A_112 = tpu.memref_slice %arg7[%dma_start3A_110, %dma_start3A_111] : memref<25000x64xf32, #tpu.memory_space<vmem_shared>> -> memref<25000x64xf32, #tpu.memory_space<vmem_shared>>
            tpu.enqueue_indirect_dma source(%arg17 : memref<128x64xf32, #tpu.memory_space<vmem>>) target(%dma_start3A_112 : memref<25000x64xf32, #tpu.memory_space<vmem_shared>>) offsets(%arg13 : memref<128xi32, #tpu.memory_space<vmem>>) semaphore(%run_scoped3A : memref<!tpu.dma_semaphore, #tpu.memory_space<semaphore_mem>>) {add = true}
            %dma_wait3A_113 = arith.constant 0 : i32
            %dma_wait3A_114 = arith.constant 0 : i32
            %dma_wait3A_115 = tpu.memref_slice %arg7[%dma_wait3A_113, %dma_wait3A_114] : memref<25000x64xf32, #tpu.memory_space<vmem_shared>> -> memref<25000x64xf32, #tpu.memory_space<vmem_shared>>
            tpu.wait_indirect_dma semaphore(%run_scoped3A : memref<!tpu.dma_semaphore, #tpu.memory_space<semaphore_mem>>) src(%arg17 : memref<128x64xf32, #tpu.memory_space<vmem>>) dst(%dma_wait3A_115 : memref<25000x64xf32, #tpu.memory_space<vmem_shared>>)
            tpu.yield
          }) : () -> ()
        } else {
        }
        %jit3A_76 = arith.constant 2 : i32
        %eq3A_77 = arith.constant 0 : i32
        %eq3A_78 = arith.cmpi eq, %jit3A_76, %eq3A_77 : i32
        %jit3A_79 = arith.constant 1 : i32
        %select_n3A_80 = arith.select %eq3A_78, %jit3A_79, %jit3A_76 : i32
        %rem3A_81 = arith.remsi %scan3A_57, %select_n3A_80 : i32
        %ne3A_82 = arith.constant 0 : i32
        %ne3A_83 = arith.cmpi ne, %rem3A_81, %ne3A_82 : i32
        %lt3A_84 = arith.constant 0 : i32
        %lt3A_85 = arith.cmpi slt, %rem3A_81, %lt3A_84 : i32
        %lt3A_86 = arith.constant 0 : i32
        %lt3A_87 = arith.cmpi slt, %select_n3A_80, %lt3A_86 : i32
        %ne3A_88 = arith.xori %lt3A_85, %lt3A_87 : i1
        %and3A_89 = arith.andi %ne3A_88, %ne3A_83 : i1
        %add3A_90 = arith.addi %rem3A_81, %select_n3A_80 : i32
        %select_n3A_91 = arith.select %and3A_89, %add3A_90, %rem3A_81 : i32
        %eq3A_92 = arith.constant 1 : i32
        %eq3A_93 = arith.cmpi eq, %select_n3A_91, %eq3A_92 : i32
        %convert_element_type3A_94 = arith.extui %eq3A_93 : i1 to i32
        %cond3A_95 = arith.constant 0 : i32
        %cond3A_96 = arith.cmpi ne, %convert_element_type3A_94, %cond3A_95 : i32
        scf.if %cond3A_96 {
          %lt3A_97 = arith.constant 24 : i32
          %lt3A_98 = arith.cmpi slt, %scan3A_57, %lt3A_97 : i32
          %convert_element_type3A_99 = arith.extui %lt3A_98 : i1 to i32
          %cond3A_100 = arith.constant 0 : i32
          %cond3A_101 = arith.cmpi ne, %convert_element_type3A_99, %cond3A_100 : i32
          scf.if %cond3A_101 {
            %add3A_110 = arith.constant 1 : i32
            %add3A_111 = arith.addi %scan3A_57, %add3A_110 : i32
            %parallel_loop3A_112 = arith.constant 0 : i32
            %parallel_loop3A_113 = arith.constant 8 : i32
            %parallel_loop3A_114 = arith.constant 1 : i32
            scf.for %parallel_loop3A_118 = %parallel_loop3A_112 to %parallel_loop3A_113 step %parallel_loop3A_114  : i32 {
              %parallel_loop3A_119 = arith.constant 16 : i32
              %parallel_loop3A_120 = arith.muli %parallel_loop3A_118, %parallel_loop3A_119 : i32
              %parallel_loop3A_121 = arith.constant 128 : i32
              %parallel_loop3A_122 = arith.muli %add3A_111, %parallel_loop3A_121 : i32
              %parallel_loop3A_123 = arith.constant 16 : i32
              %parallel_loop3A_124 = arith.muli %parallel_loop3A_118, %parallel_loop3A_123 : i32
              %parallel_loop3A_125 = arith.addi %parallel_loop3A_122, %parallel_loop3A_124 : i32
              %parallel_loop3A_126 = arith.index_cast %parallel_loop3A_125 : i32 to index
              %parallel_loop3A_127 = tpu.vector_load %arg8[%parallel_loop3A_126] {strides = array<i32>} : memref<3200xi32, #tpu.memory_space<vmem>>, vector<16xi32>,
              %parallel_loop3A_128 = arith.index_cast %parallel_loop3A_120 : i32 to index
              %parallel_loop3A_129 = tpu.vector_load %arg11[%parallel_loop3A_128] {strides = array<i32>} : memref<128xi32, #tpu.memory_space<vmem>>, vector<16xi32>,
              tpu.vector_store %arg11[%parallel_loop3A_128], %parallel_loop3A_127 {strides = array<i32>} : memref<128xi32, #tpu.memory_space<vmem>>, vector<16xi32>,
            } {sc.loop_unroll_factor = 4 : i64, sc.parallel_access}
            %dma_start3A_115 = arith.constant 0 : i32
            %dma_start3A_116 = arith.constant 0 : i32
            %dma_start3A_117 = tpu.memref_slice %arg2[%dma_start3A_115, %dma_start3A_116] : memref<50000x32xi32, #tpu.memory_space<hbm>> -> memref<50000x32xi32, #tpu.memory_space<hbm>>
            tpu.enqueue_indirect_dma source(%dma_start3A_117 : memref<50000x32xi32, #tpu.memory_space<hbm>>) target(%arg15 : memref<128x32xi32, #tpu.memory_space<vmem>>) offsets(%arg11 : memref<128xi32, #tpu.memory_space<vmem>>) semaphore(%arg18 : memref<!tpu.dma_semaphore, #tpu.memory_space<semaphore_mem>>)
          } else {
          }
          %dma_wait3A = arith.constant 0 : i32
          %dma_wait3A_102 = arith.constant 0 : i32
          %dma_wait3A_103 = tpu.memref_slice %arg2[%dma_wait3A, %dma_wait3A_102] : memref<50000x32xi32, #tpu.memory_space<hbm>> -> memref<50000x32xi32, #tpu.memory_space<hbm>>
          tpu.wait_indirect_dma semaphore(%arg19 : memref<!tpu.dma_semaphore, #tpu.memory_space<semaphore_mem>>) src(%dma_wait3A_103 : memref<50000x32xi32, #tpu.memory_space<hbm>>) dst(%arg16 : memref<128x32xi32, #tpu.memory_space<vmem>>)
          %parallel_loop3A_104 = arith.constant 0 : i32
          %parallel_loop3A_105 = arith.constant 8 : i32
          %parallel_loop3A_106 = arith.constant 1 : i32
          scf.for %parallel_loop3A_110 = %parallel_loop3A_104 to %parallel_loop3A_105 step %parallel_loop3A_106  : i32 {
            %parallel_loop3A_111 = arith.constant 16 : i32
            %parallel_loop3A_112 = arith.muli %parallel_loop3A_110, %parallel_loop3A_111 : i32
            %parallel_loop3A_113 = arith.constant 128 : i32
            %parallel_loop3A_114 = arith.muli %scan3A_57, %parallel_loop3A_113 : i32
            %parallel_loop3A_115 = arith.constant 16 : i32
            %parallel_loop3A_116 = arith.muli %parallel_loop3A_110, %parallel_loop3A_115 : i32
            %parallel_loop3A_117 = arith.addi %parallel_loop3A_114, %parallel_loop3A_116 : i32
            %parallel_loop3A_118 = arith.index_cast %parallel_loop3A_117 : i32 to index
            %parallel_loop3A_119 = tpu.vector_load %arg9[%parallel_loop3A_118] {strides = array<i32>} : memref<3200xi32, #tpu.memory_space<vmem>>, vector<16xi32>,
            %parallel_loop3A_120 = vector.broadcast %mul3A_16 : i32 to vector<16xi32>
            %parallel_loop3A_121 = arith.subi %parallel_loop3A_119, %parallel_loop3A_120 : vector<16xi32>
            %parallel_loop3A_122 = arith.index_cast %parallel_loop3A_112 : i32 to index
            %parallel_loop3A_123 = tpu.vector_load %arg14[%parallel_loop3A_122] {strides = array<i32>} : memref<128xi32, #tpu.memory_space<vmem>>, vector<16xi32>,
            tpu.vector_store %arg14[%parallel_loop3A_122], %parallel_loop3A_121 {strides = array<i32>} : memref<128xi32, #tpu.memory_space<vmem>>, vector<16xi32>,
          } {sc.loop_unroll_factor = 4 : i64, sc.parallel_access}
          %parallel_loop3A_107 = arith.constant 0 : i32
          %parallel_loop3A_108 = arith.constant 128 : i32
          %parallel_loop3A_109 = arith.constant 1 : i32
          scf.for %parallel_loop3A_110 = %parallel_loop3A_107 to %parallel_loop3A_108 step %parallel_loop3A_109  : i32 {
            %parallel_loop3A_111 = arith.constant 128 : i32
            %parallel_loop3A_112 = arith.muli %scan3A_57, %parallel_loop3A_111 : i32
            %parallel_loop3A_113 = arith.addi %parallel_loop3A_112, %parallel_loop3A_110 : i32
            %parallel_loop3A_114 = vector.broadcast %parallel_loop3A_113 : i32 to vector<16xi32>
            %parallel_loop3A_115 = tpu.vector_load_idx %arg10[%parallel_loop3A_114] : memref<3200xf32, #tpu.memory_space<vmem>>[vector<16xi32>], vector<16xf32>,
            %parallel_loop3A_116 = arith.index_cast %parallel_loop3A_110 : i32 to index
            %parallel_loop3A_117 = arith.constant 0 : index
            %parallel_loop3A_118 = tpu.vector_load %arg16[%parallel_loop3A_116, %parallel_loop3A_117] {strides = array<i32>} : memref<128x32xi32, #tpu.memory_space<vmem>>, vector<16xi32>,
            %parallel_loop3A_119 = arith.constant 16 : i32
            %parallel_loop3A_120 = vector.broadcast %parallel_loop3A_119 : i32 to vector<16xi32>
            %parallel_loop3A_121 = arith.shli %parallel_loop3A_118, %parallel_loop3A_120 : vector<16xi32>
            %parallel_loop3A_122 = vector.bitcast %parallel_loop3A_121 : vector<16xi32> to vector<16xf32>
            %parallel_loop3A_123 = arith.constant -65536 : i32
            %parallel_loop3A_124 = vector.broadcast %parallel_loop3A_123 : i32 to vector<16xi32>
            %parallel_loop3A_125 = arith.andi %parallel_loop3A_118, %parallel_loop3A_124 : vector<16xi32>
            %parallel_loop3A_126 = vector.bitcast %parallel_loop3A_125 : vector<16xi32> to vector<16xf32>
            %parallel_loop3A_127 = arith.mulf %parallel_loop3A_122, %parallel_loop3A_115 : vector<16xf32>
            %parallel_loop3A_128 = arith.index_cast %parallel_loop3A_110 : i32 to index
            %parallel_loop3A_129 = arith.constant 0 : index
            %parallel_loop3A_130 = tpu.vector_load %arg17[%parallel_loop3A_128, %parallel_loop3A_129] {strides = array<i32>} : memref<128x64xf32, #tpu.memory_space<vmem>>, vector<16xf32>,
            tpu.vector_store %arg17[%parallel_loop3A_128, %parallel_loop3A_129], %parallel_loop3A_127 {strides = array<i32>} : memref<128x64xf32, #tpu.memory_space<vmem>>, vector<16xf32>,
            %parallel_loop3A_131 = arith.mulf %parallel_loop3A_126, %parallel_loop3A_115 : vector<16xf32>
            %parallel_loop3A_132 = arith.index_cast %parallel_loop3A_110 : i32 to index
            %parallel_loop3A_133 = arith.constant 16 : index
            %parallel_loop3A_134 = tpu.vector_load %arg17[%parallel_loop3A_132, %parallel_loop3A_133] {strides = array<i32>} : memref<128x64xf32, #tpu.memory_space<vmem>>, vector<16xf32>,
            tpu.vector_store %arg17[%parallel_loop3A_132, %parallel_loop3A_133], %parallel_loop3A_131 {strides = array<i32>} : memref<128x64xf32, #tpu.memory_space<vmem>>, vector<16xf32>,
            %parallel_loop3A_135 = arith.index_cast %parallel_loop3A_110 : i32 to index
            %parallel_loop3A_136 = arith.constant 16 : index
            %parallel_loop3A_137 = tpu.vector_load %arg16[%parallel_loop3A_135, %parallel_loop3A_136] {strides = array<i32>} : memref<128x32xi32, #tpu.memory_space<vmem>>, vector<16xi32>,
            %parallel_loop3A_138 = arith.constant 16 : i32
            %parallel_loop3A_139 = vector.broadcast %parallel_loop3A_138 : i32 to vector<16xi32>
            %parallel_loop3A_140 = arith.shli %parallel_loop3A_137, %parallel_loop3A_139 : vector<16xi32>
            %parallel_loop3A_141 = vector.bitcast %parallel_loop3A_140 : vector<16xi32> to vector<16xf32>
            %parallel_loop3A_142 = arith.constant -65536 : i32
            %parallel_loop3A_143 = vector.broadcast %parallel_loop3A_142 : i32 to vector<16xi32>
            %parallel_loop3A_144 = arith.andi %parallel_loop3A_137, %parallel_loop3A_143 : vector<16xi32>
            %parallel_loop3A_145 = vector.bitcast %parallel_loop3A_144 : vector<16xi32> to vector<16xf32>
            %parallel_loop3A_146 = arith.mulf %parallel_loop3A_141, %parallel_loop3A_115 : vector<16xf32>
            %parallel_loop3A_147 = arith.index_cast %parallel_loop3A_110 : i32 to index
            %parallel_loop3A_148 = arith.constant 32 : index
            %parallel_loop3A_149 = tpu.vector_load %arg17[%parallel_loop3A_147, %parallel_loop3A_148] {strides = array<i32>} : memref<128x64xf32, #tpu.memory_space<vmem>>, vector<16xf32>,
            tpu.vector_store %arg17[%parallel_loop3A_147, %parallel_loop3A_148], %parallel_loop3A_146 {strides = array<i32>} : memref<128x64xf32, #tpu.memory_space<vmem>>, vector<16xf32>,
            %parallel_loop3A_150 = arith.mulf %parallel_loop3A_145, %parallel_loop3A_115 : vector<16xf32>
            %parallel_loop3A_151 = arith.index_cast %parallel_loop3A_110 : i32 to index
            %parallel_loop3A_152 = arith.constant 48 : index
            %parallel_loop3A_153 = tpu.vector_load %arg17[%parallel_loop3A_151, %parallel_loop3A_152] {strides = array<i32>} : memref<128x64xf32, #tpu.memory_space<vmem>>, vector<16xf32>,
            tpu.vector_store %arg17[%parallel_loop3A_151, %parallel_loop3A_152], %parallel_loop3A_150 {strides = array<i32>} : memref<128x64xf32, #tpu.memory_space<vmem>>, vector<16xf32>,
          } {sc.loop_unroll_factor = 8 : i64, sc.parallel_access}
          "tpu.region"() ({
            %run_scoped3A = tpu.sem_alloc : memref<!tpu.dma_semaphore, #tpu.memory_space<semaphore_mem>>
            %dma_start3A_110 = arith.constant 0 : i32
            %dma_start3A_111 = arith.constant 0 : i32
            %dma_start3A_112 = tpu.memref_slice %arg7[%dma_start3A_110, %dma_start3A_111] : memref<25000x64xf32, #tpu.memory_space<vmem_shared>> -> memref<25000x64xf32, #tpu.memory_space<vmem_shared>>
            tpu.enqueue_indirect_dma source(%arg17 : memref<128x64xf32, #tpu.memory_space<vmem>>) target(%dma_start3A_112 : memref<25000x64xf32, #tpu.memory_space<vmem_shared>>) offsets(%arg14 : memref<128xi32, #tpu.memory_space<vmem>>) semaphore(%run_scoped3A : memref<!tpu.dma_semaphore, #tpu.memory_space<semaphore_mem>>) {add = true}
            %dma_wait3A_113 = arith.constant 0 : i32
            %dma_wait3A_114 = arith.constant 0 : i32
            %dma_wait3A_115 = tpu.memref_slice %arg7[%dma_wait3A_113, %dma_wait3A_114] : memref<25000x64xf32, #tpu.memory_space<vmem_shared>> -> memref<25000x64xf32, #tpu.memory_space<vmem_shared>>
            tpu.wait_indirect_dma semaphore(%run_scoped3A : memref<!tpu.dma_semaphore, #tpu.memory_space<semaphore_mem>>) src(%arg17 : memref<128x64xf32, #tpu.memory_space<vmem>>) dst(%dma_wait3A_115 : memref<25000x64xf32, #tpu.memory_space<vmem_shared>>)
            tpu.yield
          }) : () -> ()
        } else {
        }
      }
      %scan3A_56 = arith.constant 25 : i32
    }
    %while3A_33 = arith.constant 1 : i32
    scf.for %while3A_41 = %while3A_31 to %while3A_27 step %while3A_33  : i32 {
      %mul3A_42 = arith.constant 400000 : i32
      %mul3A_43 = arith.muli %arg0, %mul3A_42 : i32
      %mul3A_44 = arith.constant 3200 : i32
      %mul3A_45 = arith.muli %while3A_41, %mul3A_44 : i32
      %add3A_46 = arith.addi %mul3A_43, %mul3A_45 : i32
      "tpu.region"() ({
        %run_scoped3A = tpu.sem_alloc : memref<!tpu.dma_semaphore, #tpu.memory_space<semaphore_mem>>
        %dma_start3A_57 = tpu.memref_slice %arg4[%add3A_46] : memref<800000xi32, #tpu.memory_space<hbm>> -> memref<3200xi32, #tpu.memory_space<hbm>>
        %dma_start3A_58 = tpu.memref_slice %arg4[%add3A_46] : memref<800000xi32, #tpu.memory_space<hbm>> -> memref<3200xi32, #tpu.memory_space<hbm>>
        tpu.enqueue_dma source(%dma_start3A_58 : memref<3200xi32, #tpu.memory_space<hbm>>) target(%arg8 : memref<3200xi32, #tpu.memory_space<vmem>>) target_semaphore(%run_scoped3A : memref<!tpu.dma_semaphore, #tpu.memory_space<semaphore_mem>>)
        %dma_wait3A = tpu.memref_slice %arg4[%add3A_46] : memref<800000xi32, #tpu.memory_space<hbm>> -> memref<3200xi32, #tpu.memory_space<hbm>>
        %dma_wait3A_59 = tpu.memref_slice %arg4[%add3A_46] : memref<800000xi32, #tpu.memory_space<hbm>> -> memref<3200xi32, #tpu.memory_space<hbm>>
        tpu.wait_dma2 semaphore(%run_scoped3A : memref<!tpu.dma_semaphore, #tpu.memory_space<semaphore_mem>>) src(%dma_wait3A_59 : memref<3200xi32, #tpu.memory_space<hbm>>) dst(%arg8 : memref<3200xi32, #tpu.memory_space<vmem>>)
        tpu.yield
      }) : () -> ()
      "tpu.region"() ({
        %run_scoped3A = tpu.sem_alloc : memref<!tpu.dma_semaphore, #tpu.memory_space<semaphore_mem>>
        %dma_start3A_57 = tpu.memref_slice %arg3[%add3A_46] : memref<800000xi32, #tpu.memory_space<hbm>> -> memref<3200xi32, #tpu.memory_space<hbm>>
        %dma_start3A_58 = tpu.memref_slice %arg3[%add3A_46] : memref<800000xi32, #tpu.memory_space<hbm>> -> memref<3200xi32, #tpu.memory_space<hbm>>
        tpu.enqueue_dma source(%dma_start3A_58 : memref<3200xi32, #tpu.memory_space<hbm>>) target(%arg9 : memref<3200xi32, #tpu.memory_space<vmem>>) target_semaphore(%run_scoped3A : memref<!tpu.dma_semaphore, #tpu.memory_space<semaphore_mem>>)
        %dma_wait3A = tpu.memref_slice %arg3[%add3A_46] : memref<800000xi32, #tpu.memory_space<hbm>> -> memref<3200xi32, #tpu.memory_space<hbm>>
        %dma_wait3A_59 = tpu.memref_slice %arg3[%add3A_46] : memref<800000xi32, #tpu.memory_space<hbm>> -> memref<3200xi32, #tpu.memory_space<hbm>>
        tpu.wait_dma2 semaphore(%run_scoped3A : memref<!tpu.dma_semaphore, #tpu.memory_space<semaphore_mem>>) src(%dma_wait3A_59 : memref<3200xi32, #tpu.memory_space<hbm>>) dst(%arg9 : memref<3200xi32, #tpu.memory_space<vmem>>)
        tpu.yield
      }) : () -> ()
      "tpu.region"() ({
        %run_scoped3A = tpu.sem_alloc : memref<!tpu.dma_semaphore, #tpu.memory_space<semaphore_mem>>
        %dma_start3A_57 = tpu.memref_slice %arg5[%add3A_46] : memref<800000xf32, #tpu.memory_space<hbm>> -> memref<3200xf32, #tpu.memory_space<hbm>>
        %dma_start3A_58 = tpu.memref_slice %arg5[%add3A_46] : memref<800000xf32, #tpu.memory_space<hbm>> -> memref<3200xf32, #tpu.memory_space<hbm>>
        tpu.enqueue_dma source(%dma_start3A_58 : memref<3200xf32, #tpu.memory_space<hbm>>) target(%arg10 : memref<3200xf32, #tpu.memory_space<vmem>>) target_semaphore(%run_scoped3A : memref<!tpu.dma_semaphore, #tpu.memory_space<semaphore_mem>>)
        %dma_wait3A = tpu.memref_slice %arg5[%add3A_46] : memref<800000xf32, #tpu.memory_space<hbm>> -> memref<3200xf32, #tpu.memory_space<hbm>>
        %dma_wait3A_59 = tpu.memref_slice %arg5[%add3A_46] : memref<800000xf32, #tpu.memory_space<hbm>> -> memref<3200xf32, #tpu.memory_space<hbm>>
        tpu.wait_dma2 semaphore(%run_scoped3A : memref<!tpu.dma_semaphore, #tpu.memory_space<semaphore_mem>>) src(%dma_wait3A_59 : memref<3200xf32, #tpu.memory_space<hbm>>) dst(%arg10 : memref<3200xf32, #tpu.memory_space<vmem>>)
        tpu.yield
      }) : () -> ()
      %parallel_loop3A = arith.constant 0 : i32
      %parallel_loop3A_47 = arith.constant 8 : i32
      %parallel_loop3A_48 = arith.constant 1 : i32
      scf.for %parallel_loop3A_57 = %parallel_loop3A to %parallel_loop3A_47 step %parallel_loop3A_48  : i32 {
        %parallel_loop3A_58 = arith.constant 16 : i32
        %parallel_loop3A_59 = arith.muli %parallel_loop3A_57, %parallel_loop3A_58 : i32
        %parallel_loop3A_60 = arith.constant 16 : i32
        %parallel_loop3A_61 = arith.muli %parallel_loop3A_57, %parallel_loop3A_60 : i32
        %parallel_loop3A_62 = arith.constant 0 : i32
        %parallel_loop3A_63 = arith.addi %parallel_loop3A_62, %parallel_loop3A_61 : i32
        %parallel_loop3A_64 = arith.index_cast %parallel_loop3A_63 : i32 to index
        %parallel_loop3A_65 = tpu.vector_load %arg8[%parallel_loop3A_64] {strides = array<i32>} : memref<3200xi32, #tpu.memory_space<vmem>>, vector<16xi32>,
        %parallel_loop3A_66 = arith.index_cast %parallel_loop3A_59 : i32 to index
        %parallel_loop3A_67 = tpu.vector_load %arg11[%parallel_loop3A_66] {strides = array<i32>} : memref<128xi32, #tpu.memory_space<vmem>>, vector<16xi32>,
        tpu.vector_store %arg11[%parallel_loop3A_66], %parallel_loop3A_65 {strides = array<i32>} : memref<128xi32, #tpu.memory_space<vmem>>, vector<16xi32>,
      } {sc.loop_unroll_factor = 4 : i64, sc.parallel_access}
      %dma_start3A = arith.constant 0 : i32
      %dma_start3A_49 = arith.constant 0 : i32
      %dma_start3A_50 = tpu.memref_slice %arg2[%dma_start3A, %dma_start3A_49] : memref<50000x32xi32, #tpu.memory_space<hbm>> -> memref<50000x32xi32, #tpu.memory_space<hbm>>
      tpu.enqueue_indirect_dma source(%dma_start3A_50 : memref<50000x32xi32, #tpu.memory_space<hbm>>) target(%arg15 : memref<128x32xi32, #tpu.memory_space<vmem>>) offsets(%arg11 : memref<128xi32, #tpu.memory_space<vmem>>) semaphore(%arg18 : memref<!tpu.dma_semaphore, #tpu.memory_space<semaphore_mem>>)
      %scan3A_51 = arith.constant 0 : i32
      %scan3A_52 = arith.constant 0 : i32
      %scan3A_53 = arith.constant 25 : i32
      %scan3A_54 = arith.addi %scan3A_52, %scan3A_53 : i32
      %scan3A_55 = arith.constant 1 : i32
      scf.for %scan3A_57 = %scan3A_52 to %scan3A_54 step %scan3A_55  : i32 {
        %jit3A_58 = arith.constant 2 : i32
        %eq3A_59 = arith.constant 0 : i32
        %eq3A_60 = arith.cmpi eq, %jit3A_58, %eq3A_59 : i32
        %jit3A_61 = arith.constant 1 : i32
        %select_n3A_62 = arith.select %eq3A_60, %jit3A_61, %jit3A_58 : i32
        %rem3A = arith.remsi %scan3A_57, %select_n3A_62 : i32
        %ne3A = arith.constant 0 : i32
        %ne3A_63 = arith.cmpi ne, %rem3A, %ne3A : i32
        %lt3A_64 = arith.constant 0 : i32
        %lt3A_65 = arith.cmpi slt, %rem3A, %lt3A_64 : i32
        %lt3A_66 = arith.constant 0 : i32
        %lt3A_67 = arith.cmpi slt, %select_n3A_62, %lt3A_66 : i32
        %ne3A_68 = arith.xori %lt3A_65, %lt3A_67 : i1
        %and3A = arith.andi %ne3A_68, %ne3A_63 : i1
        %add3A_69 = arith.addi %rem3A, %select_n3A_62 : i32
        %select_n3A_70 = arith.select %and3A, %add3A_69, %rem3A : i32
        %eq3A_71 = arith.constant 0 : i32
        %eq3A_72 = arith.cmpi eq, %select_n3A_70, %eq3A_71 : i32
        %convert_element_type3A_73 = arith.extui %eq3A_72 : i1 to i32
        %cond3A_74 = arith.constant 0 : i32
        %cond3A_75 = arith.cmpi ne, %convert_element_type3A_73, %cond3A_74 : i32
        scf.if %cond3A_75 {
          %lt3A_97 = arith.constant 24 : i32
          %lt3A_98 = arith.cmpi slt, %scan3A_57, %lt3A_97 : i32
          %convert_element_type3A_99 = arith.extui %lt3A_98 : i1 to i32
          %cond3A_100 = arith.constant 0 : i32
          %cond3A_101 = arith.cmpi ne, %convert_element_type3A_99, %cond3A_100 : i32
          scf.if %cond3A_101 {
            %add3A_110 = arith.constant 1 : i32
            %add3A_111 = arith.addi %scan3A_57, %add3A_110 : i32
            %parallel_loop3A_112 = arith.constant 0 : i32
            %parallel_loop3A_113 = arith.constant 8 : i32
            %parallel_loop3A_114 = arith.constant 1 : i32
            scf.for %parallel_loop3A_118 = %parallel_loop3A_112 to %parallel_loop3A_113 step %parallel_loop3A_114  : i32 {
              %parallel_loop3A_119 = arith.constant 16 : i32
              %parallel_loop3A_120 = arith.muli %parallel_loop3A_118, %parallel_loop3A_119 : i32
              %parallel_loop3A_121 = arith.constant 128 : i32
              %parallel_loop3A_122 = arith.muli %add3A_111, %parallel_loop3A_121 : i32
              %parallel_loop3A_123 = arith.constant 16 : i32
              %parallel_loop3A_124 = arith.muli %parallel_loop3A_118, %parallel_loop3A_123 : i32
              %parallel_loop3A_125 = arith.addi %parallel_loop3A_122, %parallel_loop3A_124 : i32
              %parallel_loop3A_126 = arith.index_cast %parallel_loop3A_125 : i32 to index
              %parallel_loop3A_127 = tpu.vector_load %arg8[%parallel_loop3A_126] {strides = array<i32>} : memref<3200xi32, #tpu.memory_space<vmem>>, vector<16xi32>,
              %parallel_loop3A_128 = arith.index_cast %parallel_loop3A_120 : i32 to index
              %parallel_loop3A_129 = tpu.vector_load %arg12[%parallel_loop3A_128] {strides = array<i32>} : memref<128xi32, #tpu.memory_space<vmem>>, vector<16xi32>,
              tpu.vector_store %arg12[%parallel_loop3A_128], %parallel_loop3A_127 {strides = array<i32>} : memref<128xi32, #tpu.memory_space<vmem>>, vector<16xi32>,
            } {sc.loop_unroll_factor = 4 : i64, sc.parallel_access}
            %dma_start3A_115 = arith.constant 0 : i32
            %dma_start3A_116 = arith.constant 0 : i32
            %dma_start3A_117 = tpu.memref_slice %arg2[%dma_start3A_115, %dma_start3A_116] : memref<50000x32xi32, #tpu.memory_space<hbm>> -> memref<50000x32xi32, #tpu.memory_space<hbm>>
            tpu.enqueue_indirect_dma source(%dma_start3A_117 : memref<50000x32xi32, #tpu.memory_space<hbm>>) target(%arg16 : memref<128x32xi32, #tpu.memory_space<vmem>>) offsets(%arg12 : memref<128xi32, #tpu.memory_space<vmem>>) semaphore(%arg19 : memref<!tpu.dma_semaphore, #tpu.memory_space<semaphore_mem>>)
          } else {
          }
          %dma_wait3A = arith.constant 0 : i32
          %dma_wait3A_102 = arith.constant 0 : i32
          %dma_wait3A_103 = tpu.memref_slice %arg2[%dma_wait3A, %dma_wait3A_102] : memref<50000x32xi32, #tpu.memory_space<hbm>> -> memref<50000x32xi32, #tpu.memory_space<hbm>>
          tpu.wait_indirect_dma semaphore(%arg18 : memref<!tpu.dma_semaphore, #tpu.memory_space<semaphore_mem>>) src(%dma_wait3A_103 : memref<50000x32xi32, #tpu.memory_space<hbm>>) dst(%arg15 : memref<128x32xi32, #tpu.memory_space<vmem>>)
          %parallel_loop3A_104 = arith.constant 0 : i32
          %parallel_loop3A_105 = arith.constant 8 : i32
          %parallel_loop3A_106 = arith.constant 1 : i32
          scf.for %parallel_loop3A_110 = %parallel_loop3A_104 to %parallel_loop3A_105 step %parallel_loop3A_106  : i32 {
            %parallel_loop3A_111 = arith.constant 16 : i32
            %parallel_loop3A_112 = arith.muli %parallel_loop3A_110, %parallel_loop3A_111 : i32
            %parallel_loop3A_113 = arith.constant 128 : i32
            %parallel_loop3A_114 = arith.muli %scan3A_57, %parallel_loop3A_113 : i32
            %parallel_loop3A_115 = arith.constant 16 : i32
            %parallel_loop3A_116 = arith.muli %parallel_loop3A_110, %parallel_loop3A_115 : i32
            %parallel_loop3A_117 = arith.addi %parallel_loop3A_114, %parallel_loop3A_116 : i32
            %parallel_loop3A_118 = arith.index_cast %parallel_loop3A_117 : i32 to index
            %parallel_loop3A_119 = tpu.vector_load %arg9[%parallel_loop3A_118] {strides = array<i32>} : memref<3200xi32, #tpu.memory_space<vmem>>, vector<16xi32>,
            %parallel_loop3A_120 = vector.broadcast %mul3A_16 : i32 to vector<16xi32>
            %parallel_loop3A_121 = arith.subi %parallel_loop3A_119, %parallel_loop3A_120 : vector<16xi32>
            %parallel_loop3A_122 = arith.index_cast %parallel_loop3A_112 : i32 to index
            %parallel_loop3A_123 = tpu.vector_load %arg13[%parallel_loop3A_122] {strides = array<i32>} : memref<128xi32, #tpu.memory_space<vmem>>, vector<16xi32>,
            tpu.vector_store %arg13[%parallel_loop3A_122], %parallel_loop3A_121 {strides = array<i32>} : memref<128xi32, #tpu.memory_space<vmem>>, vector<16xi32>,
          } {sc.loop_unroll_factor = 4 : i64, sc.parallel_access}
          %parallel_loop3A_107 = arith.constant 0 : i32
          %parallel_loop3A_108 = arith.constant 128 : i32
          %parallel_loop3A_109 = arith.constant 1 : i32
          scf.for %parallel_loop3A_110 = %parallel_loop3A_107 to %parallel_loop3A_108 step %parallel_loop3A_109  : i32 {
            %parallel_loop3A_111 = arith.constant 128 : i32
            %parallel_loop3A_112 = arith.muli %scan3A_57, %parallel_loop3A_111 : i32
            %parallel_loop3A_113 = arith.addi %parallel_loop3A_112, %parallel_loop3A_110 : i32
            %parallel_loop3A_114 = vector.broadcast %parallel_loop3A_113 : i32 to vector<16xi32>
            %parallel_loop3A_115 = tpu.vector_load_idx %arg10[%parallel_loop3A_114] : memref<3200xf32, #tpu.memory_space<vmem>>[vector<16xi32>], vector<16xf32>,
            %parallel_loop3A_116 = arith.index_cast %parallel_loop3A_110 : i32 to index
            %parallel_loop3A_117 = arith.constant 0 : index
            %parallel_loop3A_118 = tpu.vector_load %arg15[%parallel_loop3A_116, %parallel_loop3A_117] {strides = array<i32>} : memref<128x32xi32, #tpu.memory_space<vmem>>, vector<16xi32>,
            %parallel_loop3A_119 = arith.constant 16 : i32
            %parallel_loop3A_120 = vector.broadcast %parallel_loop3A_119 : i32 to vector<16xi32>
            %parallel_loop3A_121 = arith.shli %parallel_loop3A_118, %parallel_loop3A_120 : vector<16xi32>
            %parallel_loop3A_122 = vector.bitcast %parallel_loop3A_121 : vector<16xi32> to vector<16xf32>
            %parallel_loop3A_123 = arith.constant -65536 : i32
            %parallel_loop3A_124 = vector.broadcast %parallel_loop3A_123 : i32 to vector<16xi32>
            %parallel_loop3A_125 = arith.andi %parallel_loop3A_118, %parallel_loop3A_124 : vector<16xi32>
            %parallel_loop3A_126 = vector.bitcast %parallel_loop3A_125 : vector<16xi32> to vector<16xf32>
            %parallel_loop3A_127 = arith.mulf %parallel_loop3A_122, %parallel_loop3A_115 : vector<16xf32>
            %parallel_loop3A_128 = arith.index_cast %parallel_loop3A_110 : i32 to index
            %parallel_loop3A_129 = arith.constant 0 : index
            %parallel_loop3A_130 = tpu.vector_load %arg17[%parallel_loop3A_128, %parallel_loop3A_129] {strides = array<i32>} : memref<128x64xf32, #tpu.memory_space<vmem>>, vector<16xf32>,
            tpu.vector_store %arg17[%parallel_loop3A_128, %parallel_loop3A_129], %parallel_loop3A_127 {strides = array<i32>} : memref<128x64xf32, #tpu.memory_space<vmem>>, vector<16xf32>,
            %parallel_loop3A_131 = arith.mulf %parallel_loop3A_126, %parallel_loop3A_115 : vector<16xf32>
            %parallel_loop3A_132 = arith.index_cast %parallel_loop3A_110 : i32 to index
            %parallel_loop3A_133 = arith.constant 16 : index
            %parallel_loop3A_134 = tpu.vector_load %arg17[%parallel_loop3A_132, %parallel_loop3A_133] {strides = array<i32>} : memref<128x64xf32, #tpu.memory_space<vmem>>, vector<16xf32>,
            tpu.vector_store %arg17[%parallel_loop3A_132, %parallel_loop3A_133], %parallel_loop3A_131 {strides = array<i32>} : memref<128x64xf32, #tpu.memory_space<vmem>>, vector<16xf32>,
            %parallel_loop3A_135 = arith.index_cast %parallel_loop3A_110 : i32 to index
            %parallel_loop3A_136 = arith.constant 16 : index
            %parallel_loop3A_137 = tpu.vector_load %arg15[%parallel_loop3A_135, %parallel_loop3A_136] {strides = array<i32>} : memref<128x32xi32, #tpu.memory_space<vmem>>, vector<16xi32>,
            %parallel_loop3A_138 = arith.constant 16 : i32
            %parallel_loop3A_139 = vector.broadcast %parallel_loop3A_138 : i32 to vector<16xi32>
            %parallel_loop3A_140 = arith.shli %parallel_loop3A_137, %parallel_loop3A_139 : vector<16xi32>
            %parallel_loop3A_141 = vector.bitcast %parallel_loop3A_140 : vector<16xi32> to vector<16xf32>
            %parallel_loop3A_142 = arith.constant -65536 : i32
            %parallel_loop3A_143 = vector.broadcast %parallel_loop3A_142 : i32 to vector<16xi32>
            %parallel_loop3A_144 = arith.andi %parallel_loop3A_137, %parallel_loop3A_143 : vector<16xi32>
            %parallel_loop3A_145 = vector.bitcast %parallel_loop3A_144 : vector<16xi32> to vector<16xf32>
            %parallel_loop3A_146 = arith.mulf %parallel_loop3A_141, %parallel_loop3A_115 : vector<16xf32>
            %parallel_loop3A_147 = arith.index_cast %parallel_loop3A_110 : i32 to index
            %parallel_loop3A_148 = arith.constant 32 : index
            %parallel_loop3A_149 = tpu.vector_load %arg17[%parallel_loop3A_147, %parallel_loop3A_148] {strides = array<i32>} : memref<128x64xf32, #tpu.memory_space<vmem>>, vector<16xf32>,
            tpu.vector_store %arg17[%parallel_loop3A_147, %parallel_loop3A_148], %parallel_loop3A_146 {strides = array<i32>} : memref<128x64xf32, #tpu.memory_space<vmem>>, vector<16xf32>,
            %parallel_loop3A_150 = arith.mulf %parallel_loop3A_145, %parallel_loop3A_115 : vector<16xf32>
            %parallel_loop3A_151 = arith.index_cast %parallel_loop3A_110 : i32 to index
            %parallel_loop3A_152 = arith.constant 48 : index
            %parallel_loop3A_153 = tpu.vector_load %arg17[%parallel_loop3A_151, %parallel_loop3A_152] {strides = array<i32>} : memref<128x64xf32, #tpu.memory_space<vmem>>, vector<16xf32>,
            tpu.vector_store %arg17[%parallel_loop3A_151, %parallel_loop3A_152], %parallel_loop3A_150 {strides = array<i32>} : memref<128x64xf32, #tpu.memory_space<vmem>>, vector<16xf32>,
          } {sc.loop_unroll_factor = 8 : i64, sc.parallel_access}
          "tpu.region"() ({
            %run_scoped3A = tpu.sem_alloc : memref<!tpu.dma_semaphore, #tpu.memory_space<semaphore_mem>>
            %dma_start3A_110 = arith.constant 0 : i32
            %dma_start3A_111 = arith.constant 0 : i32
            %dma_start3A_112 = tpu.memref_slice %arg7[%dma_start3A_110, %dma_start3A_111] : memref<25000x64xf32, #tpu.memory_space<vmem_shared>> -> memref<25000x64xf32, #tpu.memory_space<vmem_shared>>
            tpu.enqueue_indirect_dma source(%arg17 : memref<128x64xf32, #tpu.memory_space<vmem>>) target(%dma_start3A_112 : memref<25000x64xf32, #tpu.memory_space<vmem_shared>>) offsets(%arg13 : memref<128xi32, #tpu.memory_space<vmem>>) semaphore(%run_scoped3A : memref<!tpu.dma_semaphore, #tpu.memory_space<semaphore_mem>>) {add = true}
            %dma_wait3A_113 = arith.constant 0 : i32
            %dma_wait3A_114 = arith.constant 0 : i32
            %dma_wait3A_115 = tpu.memref_slice %arg7[%dma_wait3A_113, %dma_wait3A_114] : memref<25000x64xf32, #tpu.memory_space<vmem_shared>> -> memref<25000x64xf32, #tpu.memory_space<vmem_shared>>
            tpu.wait_indirect_dma semaphore(%run_scoped3A : memref<!tpu.dma_semaphore, #tpu.memory_space<semaphore_mem>>) src(%arg17 : memref<128x64xf32, #tpu.memory_space<vmem>>) dst(%dma_wait3A_115 : memref<25000x64xf32, #tpu.memory_space<vmem_shared>>)
            tpu.yield
          }) : () -> ()
        } else {
        }
        %jit3A_76 = arith.constant 2 : i32
        %eq3A_77 = arith.constant 0 : i32
        %eq3A_78 = arith.cmpi eq, %jit3A_76, %eq3A_77 : i32
        %jit3A_79 = arith.constant 1 : i32
        %select_n3A_80 = arith.select %eq3A_78, %jit3A_79, %jit3A_76 : i32
        %rem3A_81 = arith.remsi %scan3A_57, %select_n3A_80 : i32
        %ne3A_82 = arith.constant 0 : i32
        %ne3A_83 = arith.cmpi ne, %rem3A_81, %ne3A_82 : i32
        %lt3A_84 = arith.constant 0 : i32
        %lt3A_85 = arith.cmpi slt, %rem3A_81, %lt3A_84 : i32
        %lt3A_86 = arith.constant 0 : i32
        %lt3A_87 = arith.cmpi slt, %select_n3A_80, %lt3A_86 : i32
        %ne3A_88 = arith.xori %lt3A_85, %lt3A_87 : i1
        %and3A_89 = arith.andi %ne3A_88, %ne3A_83 : i1
        %add3A_90 = arith.addi %rem3A_81, %select_n3A_80 : i32
        %select_n3A_91 = arith.select %and3A_89, %add3A_90, %rem3A_81 : i32
        %eq3A_92 = arith.constant 1 : i32
        %eq3A_93 = arith.cmpi eq, %select_n3A_91, %eq3A_92 : i32
        %convert_element_type3A_94 = arith.extui %eq3A_93 : i1 to i32
        %cond3A_95 = arith.constant 0 : i32
        %cond3A_96 = arith.cmpi ne, %convert_element_type3A_94, %cond3A_95 : i32
        scf.if %cond3A_96 {
          %lt3A_97 = arith.constant 24 : i32
          %lt3A_98 = arith.cmpi slt, %scan3A_57, %lt3A_97 : i32
          %convert_element_type3A_99 = arith.extui %lt3A_98 : i1 to i32
          %cond3A_100 = arith.constant 0 : i32
          %cond3A_101 = arith.cmpi ne, %convert_element_type3A_99, %cond3A_100 : i32
          scf.if %cond3A_101 {
            %add3A_110 = arith.constant 1 : i32
            %add3A_111 = arith.addi %scan3A_57, %add3A_110 : i32
            %parallel_loop3A_112 = arith.constant 0 : i32
            %parallel_loop3A_113 = arith.constant 8 : i32
            %parallel_loop3A_114 = arith.constant 1 : i32
            scf.for %parallel_loop3A_118 = %parallel_loop3A_112 to %parallel_loop3A_113 step %parallel_loop3A_114  : i32 {
              %parallel_loop3A_119 = arith.constant 16 : i32
              %parallel_loop3A_120 = arith.muli %parallel_loop3A_118, %parallel_loop3A_119 : i32
              %parallel_loop3A_121 = arith.constant 128 : i32
              %parallel_loop3A_122 = arith.muli %add3A_111, %parallel_loop3A_121 : i32
              %parallel_loop3A_123 = arith.constant 16 : i32
              %parallel_loop3A_124 = arith.muli %parallel_loop3A_118, %parallel_loop3A_123 : i32
              %parallel_loop3A_125 = arith.addi %parallel_loop3A_122, %parallel_loop3A_124 : i32
              %parallel_loop3A_126 = arith.index_cast %parallel_loop3A_125 : i32 to index
              %parallel_loop3A_127 = tpu.vector_load %arg8[%parallel_loop3A_126] {strides = array<i32>} : memref<3200xi32, #tpu.memory_space<vmem>>, vector<16xi32>,
              %parallel_loop3A_128 = arith.index_cast %parallel_loop3A_120 : i32 to index
              %parallel_loop3A_129 = tpu.vector_load %arg11[%parallel_loop3A_128] {strides = array<i32>} : memref<128xi32, #tpu.memory_space<vmem>>, vector<16xi32>,
              tpu.vector_store %arg11[%parallel_loop3A_128], %parallel_loop3A_127 {strides = array<i32>} : memref<128xi32, #tpu.memory_space<vmem>>, vector<16xi32>,
            } {sc.loop_unroll_factor = 4 : i64, sc.parallel_access}
            %dma_start3A_115 = arith.constant 0 : i32
            %dma_start3A_116 = arith.constant 0 : i32
            %dma_start3A_117 = tpu.memref_slice %arg2[%dma_start3A_115, %dma_start3A_116] : memref<50000x32xi32, #tpu.memory_space<hbm>> -> memref<50000x32xi32, #tpu.memory_space<hbm>>
            tpu.enqueue_indirect_dma source(%dma_start3A_117 : memref<50000x32xi32, #tpu.memory_space<hbm>>) target(%arg15 : memref<128x32xi32, #tpu.memory_space<vmem>>) offsets(%arg11 : memref<128xi32, #tpu.memory_space<vmem>>) semaphore(%arg18 : memref<!tpu.dma_semaphore, #tpu.memory_space<semaphore_mem>>)
          } else {
          }
          %dma_wait3A = arith.constant 0 : i32
          %dma_wait3A_102 = arith.constant 0 : i32
          %dma_wait3A_103 = tpu.memref_slice %arg2[%dma_wait3A, %dma_wait3A_102] : memref<50000x32xi32, #tpu.memory_space<hbm>> -> memref<50000x32xi32, #tpu.memory_space<hbm>>
          tpu.wait_indirect_dma semaphore(%arg19 : memref<!tpu.dma_semaphore, #tpu.memory_space<semaphore_mem>>) src(%dma_wait3A_103 : memref<50000x32xi32, #tpu.memory_space<hbm>>) dst(%arg16 : memref<128x32xi32, #tpu.memory_space<vmem>>)
          %parallel_loop3A_104 = arith.constant 0 : i32
          %parallel_loop3A_105 = arith.constant 8 : i32
          %parallel_loop3A_106 = arith.constant 1 : i32
          scf.for %parallel_loop3A_110 = %parallel_loop3A_104 to %parallel_loop3A_105 step %parallel_loop3A_106  : i32 {
            %parallel_loop3A_111 = arith.constant 16 : i32
            %parallel_loop3A_112 = arith.muli %parallel_loop3A_110, %parallel_loop3A_111 : i32
            %parallel_loop3A_113 = arith.constant 128 : i32
            %parallel_loop3A_114 = arith.muli %scan3A_57, %parallel_loop3A_113 : i32
            %parallel_loop3A_115 = arith.constant 16 : i32
            %parallel_loop3A_116 = arith.muli %parallel_loop3A_110, %parallel_loop3A_115 : i32
            %parallel_loop3A_117 = arith.addi %parallel_loop3A_114, %parallel_loop3A_116 : i32
            %parallel_loop3A_118 = arith.index_cast %parallel_loop3A_117 : i32 to index
            %parallel_loop3A_119 = tpu.vector_load %arg9[%parallel_loop3A_118] {strides = array<i32>} : memref<3200xi32, #tpu.memory_space<vmem>>, vector<16xi32>,
            %parallel_loop3A_120 = vector.broadcast %mul3A_16 : i32 to vector<16xi32>
            %parallel_loop3A_121 = arith.subi %parallel_loop3A_119, %parallel_loop3A_120 : vector<16xi32>
            %parallel_loop3A_122 = arith.index_cast %parallel_loop3A_112 : i32 to index
            %parallel_loop3A_123 = tpu.vector_load %arg14[%parallel_loop3A_122] {strides = array<i32>} : memref<128xi32, #tpu.memory_space<vmem>>, vector<16xi32>,
            tpu.vector_store %arg14[%parallel_loop3A_122], %parallel_loop3A_121 {strides = array<i32>} : memref<128xi32, #tpu.memory_space<vmem>>, vector<16xi32>,
          } {sc.loop_unroll_factor = 4 : i64, sc.parallel_access}
          %parallel_loop3A_107 = arith.constant 0 : i32
          %parallel_loop3A_108 = arith.constant 128 : i32
          %parallel_loop3A_109 = arith.constant 1 : i32
          scf.for %parallel_loop3A_110 = %parallel_loop3A_107 to %parallel_loop3A_108 step %parallel_loop3A_109  : i32 {
            %parallel_loop3A_111 = arith.constant 128 : i32
            %parallel_loop3A_112 = arith.muli %scan3A_57, %parallel_loop3A_111 : i32
            %parallel_loop3A_113 = arith.addi %parallel_loop3A_112, %parallel_loop3A_110 : i32
            %parallel_loop3A_114 = vector.broadcast %parallel_loop3A_113 : i32 to vector<16xi32>
            %parallel_loop3A_115 = tpu.vector_load_idx %arg10[%parallel_loop3A_114] : memref<3200xf32, #tpu.memory_space<vmem>>[vector<16xi32>], vector<16xf32>,
            %parallel_loop3A_116 = arith.index_cast %parallel_loop3A_110 : i32 to index
            %parallel_loop3A_117 = arith.constant 0 : index
            %parallel_loop3A_118 = tpu.vector_load %arg16[%parallel_loop3A_116, %parallel_loop3A_117] {strides = array<i32>} : memref<128x32xi32, #tpu.memory_space<vmem>>, vector<16xi32>,
            %parallel_loop3A_119 = arith.constant 16 : i32
            %parallel_loop3A_120 = vector.broadcast %parallel_loop3A_119 : i32 to vector<16xi32>
            %parallel_loop3A_121 = arith.shli %parallel_loop3A_118, %parallel_loop3A_120 : vector<16xi32>
            %parallel_loop3A_122 = vector.bitcast %parallel_loop3A_121 : vector<16xi32> to vector<16xf32>
            %parallel_loop3A_123 = arith.constant -65536 : i32
            %parallel_loop3A_124 = vector.broadcast %parallel_loop3A_123 : i32 to vector<16xi32>
            %parallel_loop3A_125 = arith.andi %parallel_loop3A_118, %parallel_loop3A_124 : vector<16xi32>
            %parallel_loop3A_126 = vector.bitcast %parallel_loop3A_125 : vector<16xi32> to vector<16xf32>
            %parallel_loop3A_127 = arith.mulf %parallel_loop3A_122, %parallel_loop3A_115 : vector<16xf32>
            %parallel_loop3A_128 = arith.index_cast %parallel_loop3A_110 : i32 to index
            %parallel_loop3A_129 = arith.constant 0 : index
            %parallel_loop3A_130 = tpu.vector_load %arg17[%parallel_loop3A_128, %parallel_loop3A_129] {strides = array<i32>} : memref<128x64xf32, #tpu.memory_space<vmem>>, vector<16xf32>,
            tpu.vector_store %arg17[%parallel_loop3A_128, %parallel_loop3A_129], %parallel_loop3A_127 {strides = array<i32>} : memref<128x64xf32, #tpu.memory_space<vmem>>, vector<16xf32>,
            %parallel_loop3A_131 = arith.mulf %parallel_loop3A_126, %parallel_loop3A_115 : vector<16xf32>
            %parallel_loop3A_132 = arith.index_cast %parallel_loop3A_110 : i32 to index
            %parallel_loop3A_133 = arith.constant 16 : index
            %parallel_loop3A_134 = tpu.vector_load %arg17[%parallel_loop3A_132, %parallel_loop3A_133] {strides = array<i32>} : memref<128x64xf32, #tpu.memory_space<vmem>>, vector<16xf32>,
            tpu.vector_store %arg17[%parallel_loop3A_132, %parallel_loop3A_133], %parallel_loop3A_131 {strides = array<i32>} : memref<128x64xf32, #tpu.memory_space<vmem>>, vector<16xf32>,
            %parallel_loop3A_135 = arith.index_cast %parallel_loop3A_110 : i32 to index
            %parallel_loop3A_136 = arith.constant 16 : index
            %parallel_loop3A_137 = tpu.vector_load %arg16[%parallel_loop3A_135, %parallel_loop3A_136] {strides = array<i32>} : memref<128x32xi32, #tpu.memory_space<vmem>>, vector<16xi32>,
            %parallel_loop3A_138 = arith.constant 16 : i32
            %parallel_loop3A_139 = vector.broadcast %parallel_loop3A_138 : i32 to vector<16xi32>
            %parallel_loop3A_140 = arith.shli %parallel_loop3A_137, %parallel_loop3A_139 : vector<16xi32>
            %parallel_loop3A_141 = vector.bitcast %parallel_loop3A_140 : vector<16xi32> to vector<16xf32>
            %parallel_loop3A_142 = arith.constant -65536 : i32
            %parallel_loop3A_143 = vector.broadcast %parallel_loop3A_142 : i32 to vector<16xi32>
            %parallel_loop3A_144 = arith.andi %parallel_loop3A_137, %parallel_loop3A_143 : vector<16xi32>
            %parallel_loop3A_145 = vector.bitcast %parallel_loop3A_144 : vector<16xi32> to vector<16xf32>
            %parallel_loop3A_146 = arith.mulf %parallel_loop3A_141, %parallel_loop3A_115 : vector<16xf32>
            %parallel_loop3A_147 = arith.index_cast %parallel_loop3A_110 : i32 to index
            %parallel_loop3A_148 = arith.constant 32 : index
            %parallel_loop3A_149 = tpu.vector_load %arg17[%parallel_loop3A_147, %parallel_loop3A_148] {strides = array<i32>} : memref<128x64xf32, #tpu.memory_space<vmem>>, vector<16xf32>,
            tpu.vector_store %arg17[%parallel_loop3A_147, %parallel_loop3A_148], %parallel_loop3A_146 {strides = array<i32>} : memref<128x64xf32, #tpu.memory_space<vmem>>, vector<16xf32>,
            %parallel_loop3A_150 = arith.mulf %parallel_loop3A_145, %parallel_loop3A_115 : vector<16xf32>
            %parallel_loop3A_151 = arith.index_cast %parallel_loop3A_110 : i32 to index
            %parallel_loop3A_152 = arith.constant 48 : index
            %parallel_loop3A_153 = tpu.vector_load %arg17[%parallel_loop3A_151, %parallel_loop3A_152] {strides = array<i32>} : memref<128x64xf32, #tpu.memory_space<vmem>>, vector<16xf32>,
            tpu.vector_store %arg17[%parallel_loop3A_151, %parallel_loop3A_152], %parallel_loop3A_150 {strides = array<i32>} : memref<128x64xf32, #tpu.memory_space<vmem>>, vector<16xf32>,
          } {sc.loop_unroll_factor = 8 : i64, sc.parallel_access}
          "tpu.region"() ({
            %run_scoped3A = tpu.sem_alloc : memref<!tpu.dma_semaphore, #tpu.memory_space<semaphore_mem>>
            %dma_start3A_110 = arith.constant 0 : i32
            %dma_start3A_111 = arith.constant 0 : i32
            %dma_start3A_112 = tpu.memref_slice %arg7[%dma_start3A_110, %dma_start3A_111] : memref<25000x64xf32, #tpu.memory_space<vmem_shared>> -> memref<25000x64xf32, #tpu.memory_space<vmem_shared>>
            tpu.enqueue_indirect_dma source(%arg17 : memref<128x64xf32, #tpu.memory_space<vmem>>) target(%dma_start3A_112 : memref<25000x64xf32, #tpu.memory_space<vmem_shared>>) offsets(%arg14 : memref<128xi32, #tpu.memory_space<vmem>>) semaphore(%run_scoped3A : memref<!tpu.dma_semaphore, #tpu.memory_space<semaphore_mem>>) {add = true}
            %dma_wait3A_113 = arith.constant 0 : i32
            %dma_wait3A_114 = arith.constant 0 : i32
            %dma_wait3A_115 = tpu.memref_slice %arg7[%dma_wait3A_113, %dma_wait3A_114] : memref<25000x64xf32, #tpu.memory_space<vmem_shared>> -> memref<25000x64xf32, #tpu.memory_space<vmem_shared>>
            tpu.wait_indirect_dma semaphore(%run_scoped3A : memref<!tpu.dma_semaphore, #tpu.memory_space<semaphore_mem>>) src(%arg17 : memref<128x64xf32, #tpu.memory_space<vmem>>) dst(%dma_wait3A_115 : memref<25000x64xf32, #tpu.memory_space<vmem_shared>>)
            tpu.yield
          }) : () -> ()
        } else {
        }
      }
      %scan3A_56 = arith.constant 25 : i32
    }
    %barrier3A_34 = arith.constant 0 : index
    tpu.barrier barrier_id(%barrier3A_34)
    %add3A_35 = arith.addi %mul3A_16, %mul3A_5 : i32
    "tpu.region"() ({
      %run_scoped3A = tpu.sem_alloc : memref<!tpu.dma_semaphore, #tpu.memory_space<semaphore_mem>>
      %dma_start3A = arith.constant 0 : i32
      %dma_start3A_41 = tpu.memref_slice %arg6[%add3A_35, %dma_start3A] : memref<50000x64xf32, #tpu.memory_space<hbm>> -> memref<1560x64xf32, #tpu.memory_space<hbm>>
      %dma_start3A_42 = arith.constant 0 : i32
      %dma_start3A_43 = tpu.memref_slice %arg7[%mul3A_5, %dma_start3A_42] : memref<25000x64xf32, #tpu.memory_space<vmem_shared>> -> memref<1560x64xf32, #tpu.memory_space<vmem_shared>>
      tpu.enqueue_dma source(%dma_start3A_43 : memref<1560x64xf32, #tpu.memory_space<vmem_shared>>) target(%dma_start3A_41 : memref<1560x64xf32, #tpu.memory_space<hbm>>) target_semaphore(%run_scoped3A : memref<!tpu.dma_semaphore, #tpu.memory_space<semaphore_mem>>)
      %dma_wait3A = arith.constant 0 : i32
      %dma_wait3A_44 = tpu.memref_slice %arg6[%add3A_35, %dma_wait3A] : memref<50000x64xf32, #tpu.memory_space<hbm>> -> memref<1560x64xf32, #tpu.memory_space<hbm>>
      %dma_wait3A_45 = arith.constant 0 : i32
      %dma_wait3A_46 = tpu.memref_slice %arg7[%mul3A_5, %dma_wait3A_45] : memref<25000x64xf32, #tpu.memory_space<vmem_shared>> -> memref<1560x64xf32, #tpu.memory_space<vmem_shared>>
      tpu.wait_dma2 semaphore(%run_scoped3A : memref<!tpu.dma_semaphore, #tpu.memory_space<semaphore_mem>>) src(%dma_wait3A_46 : memref<1560x64xf32, #tpu.memory_space<vmem_shared>>) dst(%dma_wait3A_44 : memref<1560x64xf32, #tpu.memory_space<hbm>>)
      tpu.yield
    }) : () -> ()
    %eq3A_36 = arith.constant 0 : i32
    %eq3A_37 = arith.cmpi eq, %arg1, %eq3A_36 : i32
    %convert_element_type3A_38 = arith.extui %eq3A_37 : i1 to i32
    %cond3A_39 = arith.constant 0 : i32
    %cond3A_40 = arith.cmpi ne, %convert_element_type3A_38, %cond3A_39 : i32
    scf.if %cond3A_40 {
      %add3A_41 = arith.constant 24960 : i32
      %add3A_42 = arith.addi %mul3A_16, %add3A_41 : i32
      "tpu.region"() ({
        %run_scoped3A = tpu.sem_alloc : memref<!tpu.dma_semaphore, #tpu.memory_space<semaphore_mem>>
        %dma_start3A = arith.constant 0 : i32
        %dma_start3A_43 = tpu.memref_slice %arg6[%add3A_42, %dma_start3A] : memref<50000x64xf32, #tpu.memory_space<hbm>> -> memref<40x64xf32, #tpu.memory_space<hbm>>
        %dma_start3A_44 = arith.constant 24960 : i32
        %dma_start3A_45 = arith.constant 0 : i32
        %dma_start3A_46 = tpu.memref_slice %arg7[%dma_start3A_44, %dma_start3A_45] : memref<25000x64xf32, #tpu.memory_space<vmem_shared>> -> memref<40x64xf32, #tpu.memory_space<vmem_shared>>
        tpu.enqueue_dma source(%dma_start3A_46 : memref<40x64xf32, #tpu.memory_space<vmem_shared>>) target(%dma_start3A_43 : memref<40x64xf32, #tpu.memory_space<hbm>>) target_semaphore(%run_scoped3A : memref<!tpu.dma_semaphore, #tpu.memory_space<semaphore_mem>>)
        %dma_wait3A = arith.constant 0 : i32
        %dma_wait3A_47 = tpu.memref_slice %arg6[%add3A_42, %dma_wait3A] : memref<50000x64xf32, #tpu.memory_space<hbm>> -> memref<40x64xf32, #tpu.memory_space<hbm>>
        %dma_wait3A_48 = arith.constant 24960 : i32
        %dma_wait3A_49 = arith.constant 0 : i32
        %dma_wait3A_50 = tpu.memref_slice %arg7[%dma_wait3A_48, %dma_wait3A_49] : memref<25000x64xf32, #tpu.memory_space<vmem_shared>> -> memref<40x64xf32, #tpu.memory_space<vmem_shared>>
        tpu.wait_dma2 semaphore(%run_scoped3A : memref<!tpu.dma_semaphore, #tpu.memory_space<semaphore_mem>>) src(%dma_wait3A_50 : memref<40x64xf32, #tpu.memory_space<vmem_shared>>) dst(%dma_wait3A_47 : memref<40x64xf32, #tpu.memory_space<hbm>>)
        tpu.yield
      }) : () -> ()
    } else {
    }
    return
  }
}

#map = affine_map<(d0, d1) -> (0, 0)>
#map1 = affine_map<(d0, d1) -> (0)>
module attributes {stable_mosaic.version = 14 : i64} {
  func.func @_combine_body(%arg0: i32, %arg1: i32, %arg2: memref<50000x64xf32, #tpu.memory_space<hbm>>, %arg3: memref<50000x64xf32, #tpu.memory_space<hbm>>, %arg4: memref<50000x64xf32, #tpu.memory_space<hbm>>, %arg5: memref<50000x64xf32, #tpu.memory_space<hbm>>, %arg6: memref<12288xi32, #tpu.memory_space<hbm>>, %arg7: memref<12288x64xf32, #tpu.memory_space<hbm>>, %arg8: memref<12288x64xf32, #tpu.memory_space<hbm>>, %arg9: memref<128xi32, #tpu.memory_space<vmem>>, %arg10: memref<128x64xf32, #tpu.memory_space<vmem>>, %arg11: memref<128x64xf32, #tpu.memory_space<vmem>>, %arg12: memref<128x64xf32, #tpu.memory_space<vmem>>, %arg13: memref<128x64xf32, #tpu.memory_space<vmem>>, %arg14: memref<128x64xf32, #tpu.memory_space<vmem>>, %arg15: memref<!tpu.dma_semaphore, #tpu.memory_space<semaphore_mem>>) attributes {dimension_semantics = [#tpu.dimension_semantics<core_parallel>, #tpu.dimension_semantics<subcore_parallel>], iteration_bounds = array<i64: 2, 16>, scalar_prefetch = 0 : i64, scratch_operands = 7 : i64, tpu.core_type = #tpu.core_type<sc_vector_subcore>, window_params = [{transform_indices = #map}, {transform_indices = #map}, {transform_indices = #map}, {transform_indices = #map}, {transform_indices = #map1}, {transform_indices = #map}, {transform_indices = #map}]} {
    %mul3A = arith.constant 2 : i32
    %mul3A_0 = arith.muli %arg1, %mul3A : i32
    %add3A = arith.addi %mul3A_0, %arg0 : i32
    %scan3A = arith.constant 0 : i32
    %scan3A_1 = arith.constant 0 : i32
    %scan3A_2 = arith.constant 3 : i32
    %scan3A_3 = arith.addi %scan3A_1, %scan3A_2 : i32
    %scan3A_4 = arith.constant 1 : i32
    scf.for %scan3A_6 = %scan3A_1 to %scan3A_3 step %scan3A_4  : i32 {
      %mul3A_7 = arith.constant 384 : i32
      %mul3A_8 = arith.muli %add3A, %mul3A_7 : i32
      %mul3A_9 = arith.constant 128 : i32
      %mul3A_10 = arith.muli %scan3A_6, %mul3A_9 : i32
      %add3A_11 = arith.addi %mul3A_8, %mul3A_10 : i32
      "tpu.region"() ({
        %run_scoped3A = tpu.sem_alloc : memref<!tpu.dma_semaphore, #tpu.memory_space<semaphore_mem>>
        %dma_start3A_40 = tpu.memref_slice %arg6[%add3A_11] : memref<12288xi32, #tpu.memory_space<hbm>> -> memref<128xi32, #tpu.memory_space<hbm>>
        %dma_start3A_41 = tpu.memref_slice %arg6[%add3A_11] : memref<12288xi32, #tpu.memory_space<hbm>> -> memref<128xi32, #tpu.memory_space<hbm>>
        tpu.enqueue_dma source(%dma_start3A_41 : memref<128xi32, #tpu.memory_space<hbm>>) target(%arg9 : memref<128xi32, #tpu.memory_space<vmem>>) target_semaphore(%run_scoped3A : memref<!tpu.dma_semaphore, #tpu.memory_space<semaphore_mem>>)
        %dma_wait3A_42 = tpu.memref_slice %arg6[%add3A_11] : memref<12288xi32, #tpu.memory_space<hbm>> -> memref<128xi32, #tpu.memory_space<hbm>>
        %dma_wait3A_43 = tpu.memref_slice %arg6[%add3A_11] : memref<12288xi32, #tpu.memory_space<hbm>> -> memref<128xi32, #tpu.memory_space<hbm>>
        tpu.wait_dma2 semaphore(%run_scoped3A : memref<!tpu.dma_semaphore, #tpu.memory_space<semaphore_mem>>) src(%dma_wait3A_43 : memref<128xi32, #tpu.memory_space<hbm>>) dst(%arg9 : memref<128xi32, #tpu.memory_space<vmem>>)
        tpu.yield
      }) : () -> ()
      %dma_start3A = arith.constant 0 : i32
      %dma_start3A_12 = arith.constant 0 : i32
      %dma_start3A_13 = tpu.memref_slice %arg2[%dma_start3A, %dma_start3A_12] : memref<50000x64xf32, #tpu.memory_space<hbm>> -> memref<50000x64xf32, #tpu.memory_space<hbm>>
      tpu.enqueue_indirect_dma source(%dma_start3A_13 : memref<50000x64xf32, #tpu.memory_space<hbm>>) target(%arg10 : memref<128x64xf32, #tpu.memory_space<vmem>>) offsets(%arg9 : memref<128xi32, #tpu.memory_space<vmem>>) semaphore(%arg15 : memref<!tpu.dma_semaphore, #tpu.memory_space<semaphore_mem>>)
      %dma_wait3A = arith.constant 0 : i32
      %dma_wait3A_14 = arith.constant 0 : i32
      %dma_wait3A_15 = tpu.memref_slice %arg2[%dma_wait3A, %dma_wait3A_14] : memref<50000x64xf32, #tpu.memory_space<hbm>> -> memref<50000x64xf32, #tpu.memory_space<hbm>>
      tpu.wait_indirect_dma semaphore(%arg15 : memref<!tpu.dma_semaphore, #tpu.memory_space<semaphore_mem>>) src(%dma_wait3A_15 : memref<50000x64xf32, #tpu.memory_space<hbm>>) dst(%arg10 : memref<128x64xf32, #tpu.memory_space<vmem>>)
      %dma_start3A_16 = arith.constant 0 : i32
      %dma_start3A_17 = arith.constant 0 : i32
      %dma_start3A_18 = tpu.memref_slice %arg3[%dma_start3A_16, %dma_start3A_17] : memref<50000x64xf32, #tpu.memory_space<hbm>> -> memref<50000x64xf32, #tpu.memory_space<hbm>>
      tpu.enqueue_indirect_dma source(%dma_start3A_18 : memref<50000x64xf32, #tpu.memory_space<hbm>>) target(%arg11 : memref<128x64xf32, #tpu.memory_space<vmem>>) offsets(%arg9 : memref<128xi32, #tpu.memory_space<vmem>>) semaphore(%arg15 : memref<!tpu.dma_semaphore, #tpu.memory_space<semaphore_mem>>)
      %dma_wait3A_19 = arith.constant 0 : i32
      %dma_wait3A_20 = arith.constant 0 : i32
      %dma_wait3A_21 = tpu.memref_slice %arg3[%dma_wait3A_19, %dma_wait3A_20] : memref<50000x64xf32, #tpu.memory_space<hbm>> -> memref<50000x64xf32, #tpu.memory_space<hbm>>
      tpu.wait_indirect_dma semaphore(%arg15 : memref<!tpu.dma_semaphore, #tpu.memory_space<semaphore_mem>>) src(%dma_wait3A_21 : memref<50000x64xf32, #tpu.memory_space<hbm>>) dst(%arg11 : memref<128x64xf32, #tpu.memory_space<vmem>>)
      %dma_start3A_22 = arith.constant 0 : i32
      %dma_start3A_23 = arith.constant 0 : i32
      %dma_start3A_24 = tpu.memref_slice %arg4[%dma_start3A_22, %dma_start3A_23] : memref<50000x64xf32, #tpu.memory_space<hbm>> -> memref<50000x64xf32, #tpu.memory_space<hbm>>
      tpu.enqueue_indirect_dma source(%dma_start3A_24 : memref<50000x64xf32, #tpu.memory_space<hbm>>) target(%arg12 : memref<128x64xf32, #tpu.memory_space<vmem>>) offsets(%arg9 : memref<128xi32, #tpu.memory_space<vmem>>) semaphore(%arg15 : memref<!tpu.dma_semaphore, #tpu.memory_space<semaphore_mem>>)
      %dma_wait3A_25 = arith.constant 0 : i32
      %dma_wait3A_26 = arith.constant 0 : i32
      %dma_wait3A_27 = tpu.memref_slice %arg4[%dma_wait3A_25, %dma_wait3A_26] : memref<50000x64xf32, #tpu.memory_space<hbm>> -> memref<50000x64xf32, #tpu.memory_space<hbm>>
      tpu.wait_indirect_dma semaphore(%arg15 : memref<!tpu.dma_semaphore, #tpu.memory_space<semaphore_mem>>) src(%dma_wait3A_27 : memref<50000x64xf32, #tpu.memory_space<hbm>>) dst(%arg12 : memref<128x64xf32, #tpu.memory_space<vmem>>)
      %dma_start3A_28 = arith.constant 0 : i32
      %dma_start3A_29 = arith.constant 0 : i32
      %dma_start3A_30 = tpu.memref_slice %arg5[%dma_start3A_28, %dma_start3A_29] : memref<50000x64xf32, #tpu.memory_space<hbm>> -> memref<50000x64xf32, #tpu.memory_space<hbm>>
      tpu.enqueue_indirect_dma source(%dma_start3A_30 : memref<50000x64xf32, #tpu.memory_space<hbm>>) target(%arg13 : memref<128x64xf32, #tpu.memory_space<vmem>>) offsets(%arg9 : memref<128xi32, #tpu.memory_space<vmem>>) semaphore(%arg15 : memref<!tpu.dma_semaphore, #tpu.memory_space<semaphore_mem>>)
      %dma_wait3A_31 = arith.constant 0 : i32
      %dma_wait3A_32 = arith.constant 0 : i32
      %dma_wait3A_33 = tpu.memref_slice %arg5[%dma_wait3A_31, %dma_wait3A_32] : memref<50000x64xf32, #tpu.memory_space<hbm>> -> memref<50000x64xf32, #tpu.memory_space<hbm>>
      tpu.wait_indirect_dma semaphore(%arg15 : memref<!tpu.dma_semaphore, #tpu.memory_space<semaphore_mem>>) src(%dma_wait3A_33 : memref<50000x64xf32, #tpu.memory_space<hbm>>) dst(%arg13 : memref<128x64xf32, #tpu.memory_space<vmem>>)
      %scan3A_34 = arith.constant 0 : i32
      %scan3A_35 = arith.constant 0 : i32
      %scan3A_36 = arith.constant 128 : i32
      %scan3A_37 = arith.addi %scan3A_35, %scan3A_36 : i32
      %scan3A_38 = arith.constant 1 : i32
      scf.for %scan3A_40 = %scan3A_35 to %scan3A_37 step %scan3A_38  : i32 {
        %get3A = arith.index_cast %scan3A_40 : i32 to index
        %get3A_41 = arith.constant 0 : index
        %get3A_42 = tpu.vector_load %arg10[%get3A, %get3A_41] {strides = array<i32>} : memref<128x64xf32, #tpu.memory_space<vmem>>, vector<16xf32>,
        %mul3A_43 = arith.constant 4.000000e-01 : f32
        %mul3A_44 = vector.broadcast %mul3A_43 : f32 to vector<16xf32>
        %mul3A_45 = arith.mulf %mul3A_44, %get3A_42 : vector<16xf32>
        %get3A_46 = arith.index_cast %scan3A_40 : i32 to index
        %get3A_47 = arith.constant 0 : index
        %get3A_48 = tpu.vector_load %arg11[%get3A_46, %get3A_47] {strides = array<i32>} : memref<128x64xf32, #tpu.memory_space<vmem>>, vector<16xf32>,
        %get3A_49 = arith.index_cast %scan3A_40 : i32 to index
        %get3A_50 = arith.constant 0 : index
        %get3A_51 = tpu.vector_load %arg12[%get3A_49, %get3A_50] {strides = array<i32>} : memref<128x64xf32, #tpu.memory_space<vmem>>, vector<16xf32>,
        %add3A_52 = arith.addf %get3A_48, %get3A_51 : vector<16xf32>
        %get3A_53 = arith.index_cast %scan3A_40 : i32 to index
        %get3A_54 = arith.constant 0 : index
        %get3A_55 = tpu.vector_load %arg13[%get3A_53, %get3A_54] {strides = array<i32>} : memref<128x64xf32, #tpu.memory_space<vmem>>, vector<16xf32>,
        %add3A_56 = arith.addf %add3A_52, %get3A_55 : vector<16xf32>
        %mul3A_57 = arith.constant 2.000000e-01 : f32
        %mul3A_58 = vector.broadcast %mul3A_57 : f32 to vector<16xf32>
        %mul3A_59 = arith.mulf %mul3A_58, %add3A_56 : vector<16xf32>
        %add3A_60 = arith.addf %mul3A_45, %mul3A_59 : vector<16xf32>
        %swap3A = arith.index_cast %scan3A_40 : i32 to index
        %swap3A_61 = arith.constant 0 : index
        %swap3A_62 = tpu.vector_load %arg14[%swap3A, %swap3A_61] {strides = array<i32>} : memref<128x64xf32, #tpu.memory_space<vmem>>, vector<16xf32>,
        tpu.vector_store %arg14[%swap3A, %swap3A_61], %add3A_60 {strides = array<i32>} : memref<128x64xf32, #tpu.memory_space<vmem>>, vector<16xf32>,
        %get3A_63 = arith.index_cast %scan3A_40 : i32 to index
        %get3A_64 = arith.constant 16 : index
        %get3A_65 = tpu.vector_load %arg10[%get3A_63, %get3A_64] {strides = array<i32>} : memref<128x64xf32, #tpu.memory_space<vmem>>, vector<16xf32>,
        %mul3A_66 = arith.constant 4.000000e-01 : f32
        %mul3A_67 = vector.broadcast %mul3A_66 : f32 to vector<16xf32>
        %mul3A_68 = arith.mulf %mul3A_67, %get3A_65 : vector<16xf32>
        %get3A_69 = arith.index_cast %scan3A_40 : i32 to index
        %get3A_70 = arith.constant 16 : index
        %get3A_71 = tpu.vector_load %arg11[%get3A_69, %get3A_70] {strides = array<i32>} : memref<128x64xf32, #tpu.memory_space<vmem>>, vector<16xf32>,
        %get3A_72 = arith.index_cast %scan3A_40 : i32 to index
        %get3A_73 = arith.constant 16 : index
        %get3A_74 = tpu.vector_load %arg12[%get3A_72, %get3A_73] {strides = array<i32>} : memref<128x64xf32, #tpu.memory_space<vmem>>, vector<16xf32>,
        %add3A_75 = arith.addf %get3A_71, %get3A_74 : vector<16xf32>
        %get3A_76 = arith.index_cast %scan3A_40 : i32 to index
        %get3A_77 = arith.constant 16 : index
        %get3A_78 = tpu.vector_load %arg13[%get3A_76, %get3A_77] {strides = array<i32>} : memref<128x64xf32, #tpu.memory_space<vmem>>, vector<16xf32>,
        %add3A_79 = arith.addf %add3A_75, %get3A_78 : vector<16xf32>
        %mul3A_80 = arith.constant 2.000000e-01 : f32
        %mul3A_81 = vector.broadcast %mul3A_80 : f32 to vector<16xf32>
        %mul3A_82 = arith.mulf %mul3A_81, %add3A_79 : vector<16xf32>
        %add3A_83 = arith.addf %mul3A_68, %mul3A_82 : vector<16xf32>
        %swap3A_84 = arith.index_cast %scan3A_40 : i32 to index
        %swap3A_85 = arith.constant 16 : index
        %swap3A_86 = tpu.vector_load %arg14[%swap3A_84, %swap3A_85] {strides = array<i32>} : memref<128x64xf32, #tpu.memory_space<vmem>>, vector<16xf32>,
        tpu.vector_store %arg14[%swap3A_84, %swap3A_85], %add3A_83 {strides = array<i32>} : memref<128x64xf32, #tpu.memory_space<vmem>>, vector<16xf32>,
        %get3A_87 = arith.index_cast %scan3A_40 : i32 to index
        %get3A_88 = arith.constant 32 : index
        %get3A_89 = tpu.vector_load %arg10[%get3A_87, %get3A_88] {strides = array<i32>} : memref<128x64xf32, #tpu.memory_space<vmem>>, vector<16xf32>,
        %mul3A_90 = arith.constant 4.000000e-01 : f32
        %mul3A_91 = vector.broadcast %mul3A_90 : f32 to vector<16xf32>
        %mul3A_92 = arith.mulf %mul3A_91, %get3A_89 : vector<16xf32>
        %get3A_93 = arith.index_cast %scan3A_40 : i32 to index
        %get3A_94 = arith.constant 32 : index
        %get3A_95 = tpu.vector_load %arg11[%get3A_93, %get3A_94] {strides = array<i32>} : memref<128x64xf32, #tpu.memory_space<vmem>>, vector<16xf32>,
        %get3A_96 = arith.index_cast %scan3A_40 : i32 to index
        %get3A_97 = arith.constant 32 : index
        %get3A_98 = tpu.vector_load %arg12[%get3A_96, %get3A_97] {strides = array<i32>} : memref<128x64xf32, #tpu.memory_space<vmem>>, vector<16xf32>,
        %add3A_99 = arith.addf %get3A_95, %get3A_98 : vector<16xf32>
        %get3A_100 = arith.index_cast %scan3A_40 : i32 to index
        %get3A_101 = arith.constant 32 : index
        %get3A_102 = tpu.vector_load %arg13[%get3A_100, %get3A_101] {strides = array<i32>} : memref<128x64xf32, #tpu.memory_space<vmem>>, vector<16xf32>,
        %add3A_103 = arith.addf %add3A_99, %get3A_102 : vector<16xf32>
        %mul3A_104 = arith.constant 2.000000e-01 : f32
        %mul3A_105 = vector.broadcast %mul3A_104 : f32 to vector<16xf32>
        %mul3A_106 = arith.mulf %mul3A_105, %add3A_103 : vector<16xf32>
        %add3A_107 = arith.addf %mul3A_92, %mul3A_106 : vector<16xf32>
        %swap3A_108 = arith.index_cast %scan3A_40 : i32 to index
        %swap3A_109 = arith.constant 32 : index
        %swap3A_110 = tpu.vector_load %arg14[%swap3A_108, %swap3A_109] {strides = array<i32>} : memref<128x64xf32, #tpu.memory_space<vmem>>, vector<16xf32>,
        tpu.vector_store %arg14[%swap3A_108, %swap3A_109], %add3A_107 {strides = array<i32>} : memref<128x64xf32, #tpu.memory_space<vmem>>, vector<16xf32>,
        %get3A_111 = arith.index_cast %scan3A_40 : i32 to index
        %get3A_112 = arith.constant 48 : index
        %get3A_113 = tpu.vector_load %arg10[%get3A_111, %get3A_112] {strides = array<i32>} : memref<128x64xf32, #tpu.memory_space<vmem>>, vector<16xf32>,
        %mul3A_114 = arith.constant 4.000000e-01 : f32
        %mul3A_115 = vector.broadcast %mul3A_114 : f32 to vector<16xf32>
        %mul3A_116 = arith.mulf %mul3A_115, %get3A_113 : vector<16xf32>
        %get3A_117 = arith.index_cast %scan3A_40 : i32 to index
        %get3A_118 = arith.constant 48 : index
        %get3A_119 = tpu.vector_load %arg11[%get3A_117, %get3A_118] {strides = array<i32>} : memref<128x64xf32, #tpu.memory_space<vmem>>, vector<16xf32>,
        %get3A_120 = arith.index_cast %scan3A_40 : i32 to index
        %get3A_121 = arith.constant 48 : index
        %get3A_122 = tpu.vector_load %arg12[%get3A_120, %get3A_121] {strides = array<i32>} : memref<128x64xf32, #tpu.memory_space<vmem>>, vector<16xf32>,
        %add3A_123 = arith.addf %get3A_119, %get3A_122 : vector<16xf32>
        %get3A_124 = arith.index_cast %scan3A_40 : i32 to index
        %get3A_125 = arith.constant 48 : index
        %get3A_126 = tpu.vector_load %arg13[%get3A_124, %get3A_125] {strides = array<i32>} : memref<128x64xf32, #tpu.memory_space<vmem>>, vector<16xf32>,
        %add3A_127 = arith.addf %add3A_123, %get3A_126 : vector<16xf32>
        %mul3A_128 = arith.constant 2.000000e-01 : f32
        %mul3A_129 = vector.broadcast %mul3A_128 : f32 to vector<16xf32>
        %mul3A_130 = arith.mulf %mul3A_129, %add3A_127 : vector<16xf32>
        %add3A_131 = arith.addf %mul3A_116, %mul3A_130 : vector<16xf32>
        %swap3A_132 = arith.index_cast %scan3A_40 : i32 to index
        %swap3A_133 = arith.constant 48 : index
        %swap3A_134 = tpu.vector_load %arg14[%swap3A_132, %swap3A_133] {strides = array<i32>} : memref<128x64xf32, #tpu.memory_space<vmem>>, vector<16xf32>,
        tpu.vector_store %arg14[%swap3A_132, %swap3A_133], %add3A_131 {strides = array<i32>} : memref<128x64xf32, #tpu.memory_space<vmem>>, vector<16xf32>,
      }
      %scan3A_39 = arith.constant 128 : i32
      "tpu.region"() ({
        %run_scoped3A = tpu.sem_alloc : memref<!tpu.dma_semaphore, #tpu.memory_space<semaphore_mem>>
        %dma_start3A_40 = arith.constant 0 : i32
        %dma_start3A_41 = tpu.memref_slice %arg7[%add3A_11, %dma_start3A_40] : memref<12288x64xf32, #tpu.memory_space<hbm>> -> memref<128x64xf32, #tpu.memory_space<hbm>>
        %dma_start3A_42 = arith.constant 0 : i32
        %dma_start3A_43 = tpu.memref_slice %arg7[%add3A_11, %dma_start3A_42] : memref<12288x64xf32, #tpu.memory_space<hbm>> -> memref<128x64xf32, #tpu.memory_space<hbm>>
        tpu.enqueue_dma source(%arg14 : memref<128x64xf32, #tpu.memory_space<vmem>>) target(%dma_start3A_43 : memref<128x64xf32, #tpu.memory_space<hbm>>) target_semaphore(%run_scoped3A : memref<!tpu.dma_semaphore, #tpu.memory_space<semaphore_mem>>)
        %dma_wait3A_44 = arith.constant 0 : i32
        %dma_wait3A_45 = tpu.memref_slice %arg7[%add3A_11, %dma_wait3A_44] : memref<12288x64xf32, #tpu.memory_space<hbm>> -> memref<128x64xf32, #tpu.memory_space<hbm>>
        %dma_wait3A_46 = arith.constant 0 : i32
        %dma_wait3A_47 = tpu.memref_slice %arg7[%add3A_11, %dma_wait3A_46] : memref<12288x64xf32, #tpu.memory_space<hbm>> -> memref<128x64xf32, #tpu.memory_space<hbm>>
        tpu.wait_dma2 semaphore(%run_scoped3A : memref<!tpu.dma_semaphore, #tpu.memory_space<semaphore_mem>>) src(%arg14 : memref<128x64xf32, #tpu.memory_space<vmem>>) dst(%dma_wait3A_47 : memref<128x64xf32, #tpu.memory_space<hbm>>)
        tpu.yield
      }) : () -> ()
      "tpu.region"() ({
        %run_scoped3A = tpu.sem_alloc : memref<!tpu.dma_semaphore, #tpu.memory_space<semaphore_mem>>
        %dma_start3A_40 = arith.constant 0 : i32
        %dma_start3A_41 = tpu.memref_slice %arg8[%add3A_11, %dma_start3A_40] : memref<12288x64xf32, #tpu.memory_space<hbm>> -> memref<128x64xf32, #tpu.memory_space<hbm>>
        %dma_start3A_42 = arith.constant 0 : i32
        %dma_start3A_43 = tpu.memref_slice %arg8[%add3A_11, %dma_start3A_42] : memref<12288x64xf32, #tpu.memory_space<hbm>> -> memref<128x64xf32, #tpu.memory_space<hbm>>
        tpu.enqueue_dma source(%arg10 : memref<128x64xf32, #tpu.memory_space<vmem>>) target(%dma_start3A_43 : memref<128x64xf32, #tpu.memory_space<hbm>>) target_semaphore(%run_scoped3A : memref<!tpu.dma_semaphore, #tpu.memory_space<semaphore_mem>>)
        %dma_wait3A_44 = arith.constant 0 : i32
        %dma_wait3A_45 = tpu.memref_slice %arg8[%add3A_11, %dma_wait3A_44] : memref<12288x64xf32, #tpu.memory_space<hbm>> -> memref<128x64xf32, #tpu.memory_space<hbm>>
        %dma_wait3A_46 = arith.constant 0 : i32
        %dma_wait3A_47 = tpu.memref_slice %arg8[%add3A_11, %dma_wait3A_46] : memref<12288x64xf32, #tpu.memory_space<hbm>> -> memref<128x64xf32, #tpu.memory_space<hbm>>
        tpu.wait_dma2 semaphore(%run_scoped3A : memref<!tpu.dma_semaphore, #tpu.memory_space<semaphore_mem>>) src(%arg10 : memref<128x64xf32, #tpu.memory_space<vmem>>) dst(%dma_wait3A_47 : memref<128x64xf32, #tpu.memory_space<hbm>>)
        tpu.yield
      }) : () -> ()
    }
    %scan3A_5 = arith.constant 3 : i32
    return
  }
}

module attributes {stable_mosaic.version = 14 : i64} {
  func.func @_normalize_body(%arg0: i32, %arg1: memref<2000x64xf32, #tpu.memory_space<vmem>>, %arg2: memref<2000x32xi32, #tpu.memory_space<vmem>>) attributes {dimension_semantics = [#tpu.dimension_semantics<arbitrary>], iteration_bounds = array<i64: 25>, scalar_prefetch = 0 : i64, scratch_operands = 0 : i64, tpu.core_type = #tpu.core_type<tc>, window_params = [{transform_indices = @transform_0, window_bounds = array<i64: 2000, 64>}, {transform_indices = @transform_1, window_bounds = array<i64: 2000, 32>}]} {
    %get3A = arith.constant 0 : index
    %get3A_0 = arith.constant 0 : index
    %get3A_1 = vector.load %arg1[%get3A, %get3A_0] : memref<2000x64xf32, #tpu.memory_space<vmem>>, vector<2000x64xf32>
    %mul3A = arith.mulf %get3A_1, %get3A_1 : vector<2000x64xf32>
    %reduce_sum3A = arith.constant dense<0.000000e+00> : vector<2000xf32>
    %reduce_sum3A_2 = vector.multi_reduction <add>, %mul3A, %reduce_sum3A [1] : vector<2000x64xf32> to vector<2000xf32>
    %broadcast_in_dim3A = vector.shape_cast %reduce_sum3A_2 : vector<2000xf32> to vector<2000x1xf32>
    %sqrt3A = math.sqrt %broadcast_in_dim3A : vector<2000x1xf32>
    %add3A = arith.constant 9.99999996E-13 : f32
    %add3A_3 = vector.broadcast %add3A : f32 to vector<2000x1xf32>
    %add3A_4 = arith.addf %sqrt3A, %add3A_3 : vector<2000x1xf32>
    %div3A = arith.constant 1.000000e+00 : f32
    %div3A_5 = vector.broadcast %div3A : f32 to vector<2000x1xf32>
    %div3A_6 = arith.divf %div3A_5, %add3A_4 : vector<2000x1xf32>
    %mul3A_7 = vector.broadcast %div3A_6 : vector<2000x1xf32> to vector<2000x64xf32>
    %mul3A_8 = arith.mulf %get3A_1, %mul3A_7 : vector<2000x64xf32>
    %slice3A = vector.extract_strided_slice %mul3A_8 {offsets = [0, 0], sizes = [2000, 16], strides = [1, 1]} : vector<2000x64xf32> to vector<2000x16xf32>
    %convert_element_type3A = arith.truncf %slice3A : vector<2000x16xf32> to vector<2000x16xbf16>
    %slice3A_9 = vector.extract_strided_slice %mul3A_8 {offsets = [0, 16], sizes = [2000, 16], strides = [1, 1]} : vector<2000x64xf32> to vector<2000x16xf32>
    %convert_element_type3A_10 = arith.truncf %slice3A_9 : vector<2000x16xf32> to vector<2000x16xbf16>
    %bitcast_convert_type3A = tpu.bitcast %convert_element_type3A : vector<2000x16xbf16> -> vector<2000x16xi16>
    %convert_element_type3A_11 = arith.extui %bitcast_convert_type3A : vector<2000x16xi16> to vector<2000x16xi32>
    %bitcast_convert_type3A_12 = tpu.bitcast %convert_element_type3A_10 : vector<2000x16xbf16> -> vector<2000x16xi16>
    %convert_element_type3A_13 = arith.extui %bitcast_convert_type3A_12 : vector<2000x16xi16> to vector<2000x16xi32>
    %shift_left3A = arith.constant 16 : i32
    %shift_left3A_14 = vector.broadcast %shift_left3A : i32 to vector<2000x16xi32>
    %shift_left3A_15 = arith.shli %convert_element_type3A_13, %shift_left3A_14 : vector<2000x16xi32>
    %or3A = arith.ori %convert_element_type3A_11, %shift_left3A_15 : vector<2000x16xi32>
    %slice3A_16 = vector.extract_strided_slice %mul3A_8 {offsets = [0, 32], sizes = [2000, 16], strides = [1, 1]} : vector<2000x64xf32> to vector<2000x16xf32>
    %convert_element_type3A_17 = arith.truncf %slice3A_16 : vector<2000x16xf32> to vector<2000x16xbf16>
    %slice3A_18 = vector.extract_strided_slice %mul3A_8 {offsets = [0, 48], sizes = [2000, 16], strides = [1, 1]} : vector<2000x64xf32> to vector<2000x16xf32>
    %convert_element_type3A_19 = arith.truncf %slice3A_18 : vector<2000x16xf32> to vector<2000x16xbf16>
    %bitcast_convert_type3A_20 = tpu.bitcast %convert_element_type3A_17 : vector<2000x16xbf16> -> vector<2000x16xi16>
    %convert_element_type3A_21 = arith.extui %bitcast_convert_type3A_20 : vector<2000x16xi16> to vector<2000x16xi32>
    %bitcast_convert_type3A_22 = tpu.bitcast %convert_element_type3A_19 : vector<2000x16xbf16> -> vector<2000x16xi16>
    %convert_element_type3A_23 = arith.extui %bitcast_convert_type3A_22 : vector<2000x16xi16> to vector<2000x16xi32>
    %shift_left3A_24 = arith.constant 16 : i32
    %shift_left3A_25 = vector.broadcast %shift_left3A_24 : i32 to vector<2000x16xi32>
    %shift_left3A_26 = arith.shli %convert_element_type3A_23, %shift_left3A_25 : vector<2000x16xi32>
    %or3A_27 = arith.ori %convert_element_type3A_21, %shift_left3A_26 : vector<2000x16xi32>
    %concatenate3A = tpu.concatenate %or3A, %or3A_27 in 1 : vector<2000x16xi32>, vector<2000x16xi32> -> vector<2000x32xi32>
    %swap3A = arith.constant 0 : index
    %swap3A_28 = arith.constant 0 : index
    %swap3A_29 = vector.load %arg2[%swap3A, %swap3A_28] : memref<2000x32xi32, #tpu.memory_space<vmem>>, vector<2000x32xi32>
    tpu.vector_store %arg2[%swap3A, %swap3A_28], %concatenate3A {strides = array<i32>} : memref<2000x32xi32, #tpu.memory_space<vmem>>, vector<2000x32xi32>,
    return
  }
  func.func @transform_0(%arg0: i32) -> (i32, i32) {
    %c0_i32 = arith.constant 0 : i32
    %c0_i32_0 = arith.constant 0 : i32
    return %arg0, %c0_i32 : i32, i32
  }
  func.func @transform_1(%arg0: i32) -> (i32, i32) {
    %c0_i32 = arith.constant 0 : i32
    %c0_i32_0 = arith.constant 0 : i32
    return %arg0, %c0_i32 : i32, i32
  }
}

module attributes {stable_mosaic.version = 14 : i64} {
  func.func @_loss_body(%arg0: memref<12288x64xf32, #tpu.memory_space<vmem>>, %arg1: memref<12288x64xf32, #tpu.memory_space<vmem>>, %arg2: memref<1x1xf32, #tpu.memory_space<vmem>>, %arg3: memref<1x1xf32, #tpu.memory_space<vmem>>) attributes {dimension_semantics = [], scalar_prefetch = 0 : i64, scratch_operands = 0 : i64, tpu.core_type = #tpu.core_type<tc>} {
    %get3A = arith.constant 0 : index
    %get3A_0 = arith.constant 0 : index
    %get3A_1 = vector.load %arg0[%get3A, %get3A_0] : memref<12288x64xf32, #tpu.memory_space<vmem>>, vector<12288x64xf32>
    %slice3A = vector.extract_strided_slice %get3A_1 {offsets = [0, 0], sizes = [4096, 64], strides = [1, 1]} : vector<12288x64xf32> to vector<4096x64xf32>
    %slice3A_2 = vector.extract_strided_slice %get3A_1 {offsets = [4096, 0], sizes = [4096, 64], strides = [1, 1]} : vector<12288x64xf32> to vector<4096x64xf32>
    %slice3A_3 = vector.extract_strided_slice %get3A_1 {offsets = [8192, 0], sizes = [4096, 64], strides = [1, 1]} : vector<12288x64xf32> to vector<4096x64xf32>
    %mul3A = arith.mulf %slice3A, %slice3A_2 : vector<4096x64xf32>
    %reduce_sum3A = arith.constant dense<0.000000e+00> : vector<4096xf32>
    %reduce_sum3A_4 = vector.multi_reduction <add>, %mul3A, %reduce_sum3A [1] : vector<4096x64xf32> to vector<4096xf32>
    %mul3A_5 = arith.mulf %slice3A, %slice3A_3 : vector<4096x64xf32>
    %reduce_sum3A_6 = arith.constant dense<0.000000e+00> : vector<4096xf32>
    %reduce_sum3A_7 = vector.multi_reduction <add>, %mul3A_5, %reduce_sum3A_6 [1] : vector<4096x64xf32> to vector<4096xf32>
    %sub3A = arith.subf %reduce_sum3A_7, %reduce_sum3A_4 : vector<4096xf32>
    %custom_jvp_call3A = arith.constant 0.000000e+00 : f32
    %max3A = vector.broadcast %custom_jvp_call3A : f32 to vector<4096xf32>
    %max3A_8 = arith.maximumf %sub3A, %max3A : vector<4096xf32>
    %sub3A_9 = vector.broadcast %custom_jvp_call3A : f32 to vector<4096xf32>
    %sub3A_10 = arith.subf %sub3A, %sub3A_9 : vector<4096xf32>
    %ne3A = arith.cmpf one, %sub3A_10, %sub3A_10 : vector<4096xf32>
    %add3A = vector.broadcast %custom_jvp_call3A : f32 to vector<4096xf32>
    %add3A_11 = arith.addf %sub3A, %add3A : vector<4096xf32>
    %abs3A = math.absf %sub3A_10 : vector<4096xf32>
    %neg3A = arith.constant 0.000000e+00 : f32
    %neg3A_12 = vector.broadcast %neg3A : f32 to vector<4096xf32>
    %neg3A_13 = arith.subf %neg3A_12, %abs3A : vector<4096xf32>
    %exp3A = math.exp %neg3A_13 : vector<4096xf32>
    %log1p3A = math.log1p %exp3A : vector<4096xf32>
    %add3A_14 = arith.addf %max3A_8, %log1p3A : vector<4096xf32>
    %select_n3A = arith.select %ne3A, %add3A_11, %add3A_14 : vector<4096xi1>, vector<4096xf32>
    %reduce_sum3A_15 = vector.shape_cast %select_n3A : vector<4096xf32> to vector<1x4096xf32>
    %reduce_sum3A_16 = arith.constant dense<0.000000e+00> : vector<1xf32>
    %reduce_sum3A_17 = vector.multi_reduction <add>, %reduce_sum3A_15, %reduce_sum3A_16 [1] : vector<1x4096xf32> to vector<1xf32>
    %reduce_sum3A_18 = vector.shape_cast %reduce_sum3A_17 : vector<1xf32> to vector<1x1xf32>
    %reduce_sum3A_19 = vector.extract %reduce_sum3A_18[0, 0] : f32 from vector<1x1xf32>
    %div3A = arith.constant 4.096000e+03 : f32
    %div3A_20 = arith.divf %reduce_sum3A_19, %div3A : f32
    %get3A_21 = arith.constant 0 : index
    %get3A_22 = arith.constant 0 : index
    %get3A_23 = vector.load %arg1[%get3A_21, %get3A_22] : memref<12288x64xf32, #tpu.memory_space<vmem>>, vector<12288x64xf32>
    %mul3A_24 = arith.mulf %get3A_23, %get3A_23 : vector<12288x64xf32>
    %reduce_sum3A_25 = vector.shape_cast %mul3A_24 : vector<12288x64xf32> to vector<1x12288x64xf32>
    %reduce_sum3A_26 = arith.constant dense<0.000000e+00> : vector<1xf32>
    %reduce_sum3A_27 = vector.multi_reduction <add>, %reduce_sum3A_25, %reduce_sum3A_26 [1, 2] : vector<1x12288x64xf32> to vector<1xf32>
    %reduce_sum3A_28 = vector.shape_cast %reduce_sum3A_27 : vector<1xf32> to vector<1x1x1xf32>
    %reduce_sum3A_29 = vector.extract %reduce_sum3A_28[0, 0, 0] : f32 from vector<1x1x1xf32>
    %mul3A_30 = arith.constant 1.22070309E-8 : f32
    %mul3A_31 = arith.mulf %mul3A_30, %reduce_sum3A_29 : f32
    %reshape3A = vector.broadcast %div3A_20 : f32 to vector<1x1xf32>
    %swap3A = arith.constant 0 : index
    %swap3A_32 = arith.constant 0 : index
    %swap3A_33 = vector.load %arg2[%swap3A, %swap3A_32] : memref<1x1xf32, #tpu.memory_space<vmem>>, vector<1x1xf32>
    tpu.vector_store %arg2[%swap3A, %swap3A_32], %reshape3A {strides = array<i32>} : memref<1x1xf32, #tpu.memory_space<vmem>>, vector<1x1xf32>,
    %reshape3A_34 = vector.broadcast %mul3A_31 : f32 to vector<1x1xf32>
    %swap3A_35 = arith.constant 0 : index
    %swap3A_36 = arith.constant 0 : index
    %swap3A_37 = vector.load %arg3[%swap3A_35, %swap3A_36] : memref<1x1xf32, #tpu.memory_space<vmem>>, vector<1x1xf32>
    tpu.vector_store %arg3[%swap3A_35, %swap3A_36], %reshape3A_34 {strides = array<i32>} : memref<1x1xf32, #tpu.memory_space<vmem>>, vector<1x1xf32>,
    return
  }
}

</mosaic_0001>

<sc_bundles>
// kernel: kernel.10.cloned.1.call-start
scs
__scs_entry_jumppad:
0x0: {  	(pc) =	sbr.rel $0x88, $3  }
0x1: {  	(tag) =	ssettag $0x0;
	lr =	simm.s32 $0x1  }
0x2: {  	[smem:$0x3F99] =	sst lr;
	_ =	strace $0xD0000000  }
0x3: {  	_ = 	snop  }
0x4: {  	_ = 	snop  }
0x5: {  	_ = 	snop  }
0x6: {  	_ = 	snop  }
0x7: {  	_ = 	snop  }
__scs_overlays_trampoline_lowered:
0x8: {  	[smem:$0x3FA8] =	sst s0  }
0x9: {  	[smem:$0x3FA9] =	sst s1  }
0xa: {  	[smem:$0x3FAA] =	sst s2  }
0xb: {  	[smem:$0x3FAB] =	sst s3  }
0xc: {  	[smem:$0x3FAC] =	sst s4  }
0xd: {  	[smem:$0x3FAD] =	sst s5  }
0xe: {  	[smem:$0x3FAE] =	sst s6  }
0xf: {  	[smem:$0x3FAF] =	sst s7  }
0x10: {  	[smem:$0x3FB0] =	sst s8  }
0x11: {  	[smem:$0x3FB1] =	sst s9;
	s0 =	simm.s32 @!p0 $0x0  }
0x12: {  	s1 =	sld [smem:$0x3F97];
	s0 =	simm.s32 @p0 $0x1  }
0x13: {  	[smem:$0x3FB2] =	sst s0;
	s0 =	simm.s32 @!p1 $0x0  }
0x14: {  	s2 =	sld [smem:$0x3F96];
	s0 =	simm.s32 @p1 $0x1  }
0x15: {  	[smem:$0x3FB3] =	sst s0;
	s0 =	simm.s32 @!p2 $0x0  }
0x16: {  	s3 =	sld [smem:$0x3FDB];
	s0 =	simm.s32 @p2 $0x1  }
0x17: {  	s4 =	simm.s32 $0x1BF5;
	[smem:$0x3FB5] =	sst s0  }
0x18: {  	s0 =	sld [smem:$0x3F98];
	_ =	swait.ge [sflag:s4], $0x0  }
0x19: {  	s7 =	sld [smem:$0x3F99]  }
0x1a: {  	s8 =	sadd.s32 $0xFFFFE003, lr  }
0x1b: {  	s9 =	sadd.s32 $0xFFFFFEF7, lr;
	s5 =	simm.s32 $0xFFFFFFFF;
	p2 =	slt.u32 s8, $0xFFFFF086  }
0x1c: {  	p1 =	slt.u32 s9, $0xF7A;
	s5 =	simm.s32 @!p2 $0x0  }
0x1d: {  	s5 =	simm.s32 @p1 $0x1;
	p0 =	seq.s32 s7, s2  }
0x1e: {  	s7 =	smul.u32 @!p0 $0xF7A, s2;
	p2 =	seq.s32 @!p0 s5, $0x0  }
0x1f: {  	s9 =	smul.u32 $0xF7A, s1;
	s8 =	simm.s32 @!p0 $0x1BF5;
	p2 =	por !p2, p0  }
0x20: {  	[sflag:s8] =	ssyncset.s32 @!p0 $0xFFFFF086;
	s6 =	sadd.s32 @!p0 s3, s7;
	s7 =	simm.s32 @!p0 $0x108  }
0x21: {  	s3 =	sadd.s32 s3, s9;
	s6 =	sadd.s32 @!p0 $0x88, s6;
	s7 =	simm.s32 @p2 $0x1082  }
0x22: {  	[simem:s7], [sflag:s8] =	dma.local @!p0 [hbm:s6], $0xF7A  }
0x23: {  	s9 =	sor.u32 $0xD0000000, s2;
	s6 =	simm.s32 $0x108;
	_ =	swait.ge @!p0 [sflag:s8], $0x0  }
0x24: {  	s3 =	sadd.s32 $0x88, s3;
	s6 =	simm.s32 @!p1 $0x1082;
	[sflag:s4] =	ssyncset.s32 $0xFFFFF086  }
0x25: {  	[simem:s6], [sflag:s4] =	dma.local [hbm:s3], $0xF7A  }
0x26: {  	[smem:$0x3F99] =	sst s1;
	(tag) =	ssettag s2;
	_ =	strace s9  }
0x27: {  	s1 =	sld [smem:$0x3FA9]  }
0x28: {  	s2 =	sld [smem:$0x3FAA]  }
0x29: {  	s4 =	sld [smem:$0x3FAC]  }
0x2a: {  	p0 =	seq.s32 s5, $0x0;
	s5 =	sld [smem:$0x3FAD]  }
0x2b: {  	s6 =	sld [smem:$0x3FAE]  }
0x2c: {  	s7 =	sld [smem:$0x3FAF]  }
0x2d: {  	s3 =	simm.s32 $0x108;
	s8 =	sld [smem:$0x3FB0]  }
0x2e: {  	s3 =	simm.s32 @!p0 $0x1082;
	s9 =	sld [smem:$0x3FB1]  }
0x2f: {  	lr =	sadd.s32 s0, s3;
	s0 =	sld [smem:$0x3FA8]  }
0x30: {  	s3 =	sld [smem:$0x3FAB]  }
0x31: {  	[smem:$0x3FB4] =	sst s10  }
0x32: {  	s10 =	sld [smem:$0x3FB2];
	_ =	sdelay $0x3  }
0x33: {  	p0 =	seq.s32 s10, $0x1;
	s10 =	sld [smem:$0x3FB4];
	_ =	sdelay $0x3  }
0x34: {  	[smem:$0x3FB4] =	sst s10  }
0x35: {  	s10 =	sld [smem:$0x3FB3];
	_ =	sdelay $0x3  }
0x36: {  	p1 =	seq.s32 s10, $0x1;
	s10 =	sld [smem:$0x3FB4];
	_ =	sdelay $0x3  }
0x37: {  	[smem:$0x3FB4] =	sst s10  }
0x38: {  	s10 =	sld [smem:$0x3FB5]  }
0x39: {  	_ = 	snop;
	(pc) =	sbr.ind lr, $3  }
0x3a: {  	_ = 	snop  }
0x3b: {  	_ = 	snop  }
0x3c: {  	p2 =	seq.s32 s10, $0x1;
	s10 =	sld [smem:$0x3FB4]  }
0x3d: {  	_ =	shalt  }
0x3e: {  	_ =	shalt  }
0x3f: {  	_ =	shalt  }
0x40: {  	_ =	shalt  }
0x41: {  	_ =	shalt  }
0x42: {  	_ =	shalt  }
0x43: {  	_ =	shalt  }
0x44: {  	_ =	shalt  }
0x45: {  	_ =	shalt  }
0x46: {  	_ =	shalt  }
0x47: {  	_ =	shalt  }
0x48: {  	_ =	shalt  }
0x49: {  	_ =	shalt  }
0x4a: {  	_ =	shalt  }
0x4b: {  	_ =	shalt  }
0x4c: {  	_ =	shalt  }
0x4d: {  	_ =	shalt  }
0x4e: {  	_ =	shalt  }
0x4f: {  	_ =	shalt  }
0x50: {  	_ =	shalt  }
0x51: {  	_ =	shalt  }
0x52: {  	_ =	shalt  }
0x53: {  	_ =	shalt  }
0x54: {  	_ =	shalt  }
0x55: {  	_ =	shalt  }
0x56: {  	_ =	shalt  }
0x57: {  	_ =	shalt  }
0x58: {  	_ =	shalt  }
0x59: {  	_ =	shalt  }
0x5a: {  	_ =	shalt  }
0x5b: {  	_ =	shalt  }
0x5c: {  	_ =	shalt  }
0x5d: {  	_ =	shalt  }
0x5e: {  	_ =	shalt  }
0x5f: {  	_ =	shalt  }
0x60: {  	_ =	shalt  }
0x61: {  	_ =	shalt  }
0x62: {  	_ =	shalt  }
0x63: {  	_ =	shalt  }
0x64: {  	_ =	shalt  }
0x65: {  	_ =	shalt  }
0x66: {  	_ =	shalt  }
0x67: {  	_ =	shalt  }
0x68: {  	_ =	shalt  }
0x69: {  	_ =	shalt  }
0x6a: {  	_ =	shalt  }
0x6b: {  	_ =	shalt  }
0x6c: {  	_ =	shalt  }
0x6d: {  	_ =	shalt  }
0x6e: {  	_ =	shalt  }
0x6f: {  	_ =	shalt  }
0x70: {  	_ =	shalt  }
0x71: {  	_ =	shalt  }
0x72: {  	_ =	shalt  }
0x73: {  	_ =	shalt  }
0x74: {  	_ =	shalt  }
0x75: {  	_ =	shalt  }
0x76: {  	_ =	shalt  }
0x77: {  	_ =	shalt  }
0x78: {  	_ =	shalt  }
0x79: {  	_ =	shalt  }
0x7a: {  	_ =	shalt  }
0x7b: {  	_ =	shalt  }
0x7c: {  	_ =	shalt  }
0x7d: {  	_ =	shalt  }
0x7e: {  	_ =	shalt  }
0x7f: {  	_ =	shalt  }
0x80: {  	_ =	shalt  }
0x81: {  	_ =	shalt  }
0x82: {  	_ =	shalt  }
0x83: {  	_ =	shalt  }
0x84: {  	_ =	shalt  }
0x85: {  	_ =	shalt  }
0x86: {  	_ =	shalt  }
0x87: {  	_ =	shalt  }
.Lfunc_end0:
.L_simem_size_0:
called_computation_lowered:
.L_overlay_start_0:
0x88: {  	s2 =	sld [smem:$0x3FD9]  }
0x89: {  	s3 =	sld [smem:$0x3FFE];
	_ =	sdelay $0x1  }
0x8a: {  	s1 =	srdreg.scid  }
0x8b: {  	s0 =	sand.u32 $0x1, s1  }
0x8c: {  	s17 =	sshll.u32 s0, $0xA;
	s2 =	sadd.s32 s3, s2  }
0x8d: {  	s2 =	sadd.s32 s2, s17  }
0x8e: {  	[smem:$0x3FC0] =	sst s2  }
0x8f: {  	_ = 	snop  }
0x90: {  	s2 =	sld [smem:$0x3FC4]  }
0x91: {  	s18 =	sld [smem:$0x3FC3]  }
0x92: {  	s4 =	sld [smem:$0x3FC2];
	(tm) =	ssettm $0x1  }
0x93: {  	s5 =	sld [smem:$0x3FFB];
	_ =	sdelay $0x3  }
0x94: {  	_ =	strace s5  }
0x95: {  	s5 =	sld [smem:$0x3FFC];
	_ =	sdelay $0x3  }
0x96: {  	_ =	strace s5  }
0x97: {  	s5 =	sld [smem:$0x3FFD];
	_ =	sdelay $0x3  }
0x98: {  	_ =	strace s5  }
0x99: {  	_ =	strace $0x8FFFFFFF  }
0x9a: {  	s19 =	sld [smem:$0x3FDB];
	_ =	sdelay $0x1  }
0x9b: {  	s6 =	simm.s32 $_scs_section_size  }
0x9c: {  	s7 =	simm.s32 $_size__tile_overlayer_lowered;
	s8 =	simm.s32 $_tile_overlayer_lowered  }
0x9d: {  	s22 =	simm.s32 $0x1BFF;
	s21 =	sshll.u32 s8, $0x1;
	s5 =	sadd.s32 s6, s19  }
0x9e: {  	s9 =	simm.s32 $0x0;
	s20 =	sshll.u32 s7, $0x1;
	s7 =	sadd.s32 s21, s5  }
0x9f: {  	[timem:s9], [sflag:s22] =	dma.local [hbm:s7], s20  }
0xa0: {  	_ =	swait.ge [sflag:s22], s20  }
0xa1: {  	s6 =	ssub.s32 $0x0, s20;
	[sflag:s22] =	ssyncset.done $0x0  }
0xa2: {  	[sflag:s22] =	ssyncadd.s32 s6;
	_ =	sdelay $0x1  }
0xa3: {  	s23 =	simm.s32 $0x1B8B  }
0xa4: {  	_ =	swait.ge [sflag:s23], $0x1  }
0xa5: {  	[sflag:s23] =	ssyncset.done $0x0  }
0xa6: {  	s25 =	simm.s32 $0x1B8E;
	s24 =	sld [smem:$0x3FFE];
	[sflag:s23] =	ssyncadd.s32 $0xFFFFFFFF  }
0xa7: {  	s26 =	simm.s32 $execute0_lowered;
	[smem:$0x3FD2] =	sst s25  }
0xa8: {  	s7 =	sshll.u32 s26, $0x1;
	_ =	strace $0x80000046;
	[dreg:$0x1] =	wrdreg $0xFFFFFFFF  }
0xa9: {  	s28 =	simm.s32 $_size_execute0_lowered;
	s5 =	sadd.s32 s5, s7;
	[dreg:$0x0] =	wrdreg $0x0  }
0xaa: {  	s7 =	sshll.u32 s28, $0x1;
	[dreg:$0x2] =	wrdreg s5  }
0xab: {  	[dreg:$0x3] =	wrdreg s7  }
0xac: {  	[dreg:$0x4] =	wrdreg $0xC0  }
0xad: {  	_ =	task [dreg:s9], $0x5FFFF  }
0xae: {  	[dreg:$0x1] =	wrdreg $0xFFFFFFFF  }
0xaf: {  	[dreg:$0x0] =	wrdreg $0x60  }
0xb0: {  	[dreg:$0x2] =	wrdreg s24  }
0xb1: {  	[dreg:$0x3] =	wrdreg s2  }
0xb2: {  	[dreg:$0x4] =	wrdreg s18  }
0xb3: {  	[dreg:$0x5] =	wrdreg s4  }
0xb4: {  	[dreg:$0x6] =	wrdreg $0x0  }
0xb5: {  	[dreg:$0x7] =	wrdreg $0x9  }
0xb6: {  	_ =	task.clear_ibuf [dreg:s9], $0x8FFFF;
	_ =	strace $0x90000046  }
0xb7: {  	s29 =	simm.s32 $0x9;
	_ =	strace $0x80000048  }
0xb8: {  	_ =	swait.ge [sflag:s29], $0x1  }
0xb9: {  	[sflag:s29] =	ssyncadd.s32 $0xFFFFFFFF  }
0xba: {  	_ =	strace $0x90000048  }
0xbb: {  	_ =	sfence  }
0xbc: {  	s30 =	sld [smem:$0x0];
	_ =	sdelay $0x2  }
0xbd: {  	s31 =	sshll.u32 s1, $0xD;
	s1 =	sshrl.u32 s1, $0x2  }
0xbe: {  	s3 =	sand.u32 $0x4000, s31;
	s1 =	sadd.s32 s1, s30  }
0xbf: {  	s0 =	sor.u32 s3, s0;
	s1 =	sshll.u32 s1, $0x11  }
0xc0: {  	s0 =	sor.u32 s1, s0  }
0xc1: {  	s0 =	sadd.s32 $0x8F2B, s0  }
0xc2: {  	[sflag:s0] =	ssyncadd.remote.s32 $0x1  }
0xc3: {  	_ =	sfence.sel $0xFFFF  }
0xc4: {  	[dreg:$0x0] =	wrdreg $0xFFFFFFFF;
	(pc) =	sbr.abs _section_cstart, $3  }
0xc5: {  	[dreg:$0x1] =	wrdreg $0xFFFFFFFF  }
0xc6: {  	_ =	task.clear_ibuf [dreg:s9], $0x2FFFF;
	_ =	strace $0x9FFFFFFF  }
0xc7: {  	(tm) =	ssettm $0x7FFFFFFF  }
tec
execute0_lowered:
.L_overlay_start_1:
0x0: {  	(tag) =	ssettag $0x1  }
0x1: {  	s0 =	rddreg [dreg:$0x0]  }
0x2: {  	s4 =	rddreg [dreg:$0x4];
	s1 =	simm.s32 $0x0;
	s2 =	stileid.u32  }
0x3: {  	s6 =	srdreg.scid;
	s29 =	simm.s32 $0x1CE20;
	s30 =	simm.s32 $0x3  }
0x4: {  	[smem:$0x7FF] =	sst s1;
	s8 =	smul.u32 $0x61800, s2;
	s7 =	sadd.s32 $0x18AE00, s0  }
0x5: {  	s0 =	sadd.s32 $0xC7800, s0;
	s6 =	sand.u32 $0x1, s6;
	s10 =	smul.u32 $0x618, s2  }
0x6: {  	s14 =	smul.u32 $0x7, s2;
	s12 =	smin.u32 s2, $0xD;
	p0 =	slt.u32 s2, $0xD  }
0x7: {  	_ =	strace $0x80000047;
	s9 =	ssub.s32 $0x2, s6;
	s13 =	smul.u32 $0x186A00, s6  }
0x8: {  	s8 =	sshrl.u32 s8, $0x2;
	s11 =	sshrl.u32 s9, $0x1;
	s12 =	sadd.s32 s12, s14  }
0x9: {  	s14 =	simm.s32 $0x1AC20;
	s3 =	sadd.s32 s8, s4;
	[dreg:$0xa] =	wrdreg s12  }
0xa: {  	s9 =	ssub.s32 s9, s11;
	s5 =	sadd.s32 $0x18000, s3;
	[dreg:$0x7] =	wrdreg s3  }
0xb: {  	s8 =	smul.u32 $0x61A8, s6;
	s17 =	smax.u32 s9, $0x1;
	[dreg:$0x8] =	wrdreg s5  }
0xc: {  	s11 =	simm.s32 $0x8;
	s18 =	sadd.s32 $0x2000, s3;
	[dreg:$0xd] =	wrdreg s17  }
0xd: {  	s13 =	sshrl.u32 s13, $0x3;
	s19 =	sadd.s32 $0x4000, s3;
	[dreg:$0xe] =	wrdreg s18  }
0xe: {  	s11 =	simm.s32 @!p0 $0x7;
	s20 =	sadd.s32 $0x6000, s3;
	[dreg:$0xf] =	wrdreg s19  }
0xf: {  	s15 =	sadd.s32 s0, s13;
	s21 =	sadd.s32 $0x8000, s3;
	[dreg:$0x10] =	wrdreg s20  }
0x10: {  	s13 =	smul.u32 $0x61A80, s6;
	s22 =	sadd.s32 $0xA000, s3;
	[dreg:$0x11] =	wrdreg s21  }
0x11: {  	s23 =	sadd.s32 $0xC000, s3;
	s24 =	sadd.s32 $0xE000, s3;
	[dreg:$0x12] =	wrdreg s22  }
0x12: {  	s25 =	sadd.s32 $0x10000, s3;
	p0 =	sne.s32 s2, $0x0;
	[dreg:$0x13] =	wrdreg s23  }
0x13: {  	s26 =	sadd.s32 $0x12000, s3;
	s28 =	sadd.s32 $0x14000, s3;
	[dreg:$0x14] =	wrdreg s24  }
0x14: {  	s31 =	sadd.s32 $0x16000, s3;
	s6 =	simm.s32 $0x19FA0;
	[dreg:$0x15] =	wrdreg s25  }
0x15: {  	s9 =	simm.s32 $0x80;
	s5 =	sadd.s32 $0x186000, s4;
	[dreg:$0x16] =	wrdreg s26  }
0x16: {  	s10 =	sadd.s32 s10, s8;
	s12 =	sadd.s32 s11, s12;
	[dreg:$0x17] =	wrdreg s28  }
.Ltmp0:
0x17: {  	s16 =	sadd.s32 $0x30C00, s15;
	[dreg:$0x18] =	wrdreg s31;
	(pc) =	sbr.rel .LBB2_1-.Ltmp0, $4  }
0x18: {  	s15 =	simm.s32 $0x1AE20;
	s17 =	simm.s32 $0x1AD20;
	s18 =	simm.s32 $0x1ACA0  }
0x19: {  	s19 =	simm.s32 $0x1BE20;
	s10 =	sshll.u32 s10, $0x3;
	[dreg:$0xc] =	wrdreg s16  }
0x1a: {  	v2 =	vimm.s32 $0x0;
	vm0 =	vcmask $0x300;
	s20 =	simm.s32 $0x2;
	[dreg:$0x9] =	wrdreg s5;
	s0 =	sadd.s32 s0, s10  }
0x1b: {  	v1 =	vimm.f32 $0.0e+00;
	v2 =	vsel vm0, $0x3, v2;
	v0 =	vmov s8;
	s21 =	simm.s32 $0x1ADA0;
	s16 =	simm.s32 $0x1;
	[dreg:$0xb] =	wrdreg s0  }
.LBB2_26:
0x1c: {  	s0 =	stileid.u32;
	[bflag:$0x0] =	sbarrier.arrive $0xFFFF  }
0x1d: {  	s0 =	sshll.u32 s0, $0x6;
	s3 =	rddreg [dreg:$0x7]  }
0x1e: {  	s2 =	rddreg [dreg:$0xb];
	s0 =	sor.u32 $0x1C03, s0;
	s1 =	sshrl.u32 s3, $0x3  }
0x1f: {  	[hbm:s2], [sflag:s0] =	dma.local [spmem:s1], $0x30C0  }
0x20: {  	_ =	swait.ge [sflag:s30], $0x30C0  }
0x21: {  	[sflag:s30] =	ssyncset.done $0x0;
	s5 =	rddreg [dreg:$0x9]  }
0x22: {  	s2 =	rddreg [dreg:$0xc];
	[sflag:s30] =	ssyncadd.s32 $0xFFFFCF40;
	s1 =	sshrl.u32 @!p0 s5, $0x3  }
0x23: {  	[hbm:s2], [sflag:s0] =	dma.local @!p0 [spmem:s1], $0x140  }
0x24: {  	s0 =	simm.s32 @!p0 $0x3  }
0x25: {  	_ =	swait.ge @!p0 [sflag:s0], $0x140  }
0x26: {  	s28 =	rddreg [dreg:$0x6]  }
0x27: {  	s31 =	rddreg [dreg:$0xd];
	s1 =	sadd.s32 $0x1, s28  }
0x28: {  	p1 =	sne.s32 s1, s31  }
.Ltmp1:
0x29: {  	_ = 	snop;
	(pc) =	sbr.rel @!p1 .LBB2_27-.Ltmp1, $3  }
0x2a: {  	_ =	sdelay $0x1  }
0x2b: {  	[sflag:s0] =	ssyncset.done @!p0 $0x0  }
0x2c: {  	[sflag:s0] =	ssyncadd.s32 @!p0 $0xFFFFFEC0  }
.LBB2_1:
0x2d: {  	s10 =	simm.s32 $0x100;
	s8 =	simm.s32 $0x0  }
.LBB2_2:
0x2e: {  	p1 =	sne.s32 s10, $0x7F00;
	[tilespmem:s8+$0x1CE50] =	vst v1;
	s11 =	smov.u32 s10;
	s10 =	sadd.s32 $0x100, s10  }
.Ltmp2:
0x2f: {  	[tilespmem:s8+$0x1CE40] =	vst v1;
	(pc) =	sbr.rel @p1 .LBB2_2-.Ltmp2, $3  }
0x30: {  	[tilespmem:s8+$0x1CE20] =	vst v1  }
0x31: {  	[tilespmem:s8+$0x1CE30] =	vst v1;
	_ =	sdelay $0x1  }
0x32: {  	s8 =	sshra.s32 s11, $0x2  }
0x33: {  	[tilespmem:s8+$0x1CE50] =	vst v1  }
0x34: {  	[tilespmem:s8+$0x1CE40] =	vst v1  }
0x35: {  	[tilespmem:s8+$0x1CE20] =	vst v1  }
0x36: {  	[dreg:$0x6] =	wrdreg s1;
	[tilespmem:s8+$0x1CE30] =	vst v1  }
0x37: {  	[spmem:s3] =	stream.linear.scatter [tilespmem:s29], [sflag:$0x3], $0x2000, $0x38;
	[tilespmem:$0x1EE20] =	vst v63  }
0x38: {  	_ =	swait.ge [sflag:s30], $0x2000  }
0x39: {  	[sflag:s30] =	ssyncset.done $0x0  }
0x3a: {  	s0 =	rddreg [dreg:$0xe];
	[sflag:s30] =	ssyncadd.s32 $0xFFFFE000  }
0x3b: {  	[spmem:s0] =	stream.linear.scatter [tilespmem:s29], [sflag:$0x3], $0x2000, $0x38;
	[tilespmem:$0x1EE20] =	vst v63  }
0x3c: {  	_ =	swait.ge [sflag:s30], $0x2000  }
0x3d: {  	[sflag:s30] =	ssyncset.done $0x0  }
0x3e: {  	s3 =	rddreg [dreg:$0xf];
	[sflag:s30] =	ssyncadd.s32 $0xFFFFE000  }
0x3f: {  	[spmem:s3] =	stream.linear.scatter [tilespmem:s29], [sflag:$0x3], $0x2000, $0x38;
	[tilespmem:$0x1EE20] =	vst v63  }
0x40: {  	_ =	swait.ge [sflag:s30], $0x2000  }
0x41: {  	[sflag:s30] =	ssyncset.done $0x0  }
0x42: {  	s8 =	rddreg [dreg:$0x10];
	[sflag:s30] =	ssyncadd.s32 $0xFFFFE000  }
0x43: {  	[spmem:s8] =	stream.linear.scatter [tilespmem:s29], [sflag:$0x3], $0x2000, $0x38;
	[tilespmem:$0x1EE20] =	vst v63  }
0x44: {  	_ =	swait.ge [sflag:s30], $0x2000  }
0x45: {  	[sflag:s30] =	ssyncset.done $0x0  }
0x46: {  	s10 =	rddreg [dreg:$0x11];
	[sflag:s30] =	ssyncadd.s32 $0xFFFFE000  }
0x47: {  	[spmem:s10] =	stream.linear.scatter [tilespmem:s29], [sflag:$0x3], $0x2000, $0x38;
	[tilespmem:$0x1EE20] =	vst v63  }
0x48: {  	_ =	swait.ge [sflag:s30], $0x2000  }
0x49: {  	[sflag:s30] =	ssyncset.done $0x0  }
0x4a: {  	s11 =	rddreg [dreg:$0x12];
	[sflag:s30] =	ssyncadd.s32 $0xFFFFE000  }
0x4b: {  	[spmem:s11] =	stream.linear.scatter [tilespmem:s29], [sflag:$0x3], $0x2000, $0x38;
	[tilespmem:$0x1EE20] =	vst v63  }
0x4c: {  	_ =	swait.ge [sflag:s30], $0x2000  }
0x4d: {  	[sflag:s30] =	ssyncset.done $0x0  }
0x4e: {  	s22 =	rddreg [dreg:$0x13];
	[sflag:s30] =	ssyncadd.s32 $0xFFFFE000  }
0x4f: {  	[spmem:s22] =	stream.linear.scatter [tilespmem:s29], [sflag:$0x3], $0x2000, $0x38;
	[tilespmem:$0x1EE20] =	vst v63  }
0x50: {  	_ =	swait.ge [sflag:s30], $0x2000  }
0x51: {  	[sflag:s30] =	ssyncset.done $0x0  }
0x52: {  	s23 =	rddreg [dreg:$0x14];
	[sflag:s30] =	ssyncadd.s32 $0xFFFFE000  }
0x53: {  	[spmem:s23] =	stream.linear.scatter [tilespmem:s29], [sflag:$0x3], $0x2000, $0x38;
	[tilespmem:$0x1EE20] =	vst v63  }
0x54: {  	_ =	swait.ge [sflag:s30], $0x2000  }
0x55: {  	[sflag:s30] =	ssyncset.done $0x0  }
0x56: {  	s24 =	rddreg [dreg:$0x15];
	[sflag:s30] =	ssyncadd.s32 $0xFFFFE000  }
0x57: {  	[spmem:s24] =	stream.linear.scatter [tilespmem:s29], [sflag:$0x3], $0x2000, $0x38;
	[tilespmem:$0x1EE20] =	vst v63  }
0x58: {  	_ =	swait.ge [sflag:s30], $0x2000  }
0x59: {  	[sflag:s30] =	ssyncset.done $0x0  }
0x5a: {  	s25 =	rddreg [dreg:$0x16];
	[sflag:s30] =	ssyncadd.s32 $0xFFFFE000  }
0x5b: {  	[spmem:s25] =	stream.linear.scatter [tilespmem:s29], [sflag:$0x3], $0x2000, $0x38;
	[tilespmem:$0x1EE20] =	vst v63  }
0x5c: {  	_ =	swait.ge [sflag:s30], $0x2000  }
0x5d: {  	[sflag:s30] =	ssyncset.done $0x0  }
0x5e: {  	s26 =	rddreg [dreg:$0x17];
	[sflag:s30] =	ssyncadd.s32 $0xFFFFE000  }
0x5f: {  	[spmem:s26] =	stream.linear.scatter [tilespmem:s29], [sflag:$0x3], $0x2000, $0x38;
	[tilespmem:$0x1EE20] =	vst v63  }
0x60: {  	_ =	swait.ge [sflag:s30], $0x2000  }
0x61: {  	[sflag:s30] =	ssyncset.done $0x0  }
0x62: {  	s28 =	rddreg [dreg:$0x18];
	[sflag:s30] =	ssyncadd.s32 $0xFFFFE000  }
0x63: {  	[spmem:s28] =	stream.linear.scatter [tilespmem:s29], [sflag:$0x3], $0x2000, $0x38;
	[tilespmem:$0x1EE20] =	vst v63  }
0x64: {  	_ =	swait.ge [sflag:s30], $0x2000  }
0x65: {  	[sflag:s30] =	ssyncset.done $0x0  }
0x66: {  	s31 =	rddreg [dreg:$0x8];
	[sflag:s30] =	ssyncadd.s32 $0xFFFFE000  }
0x67: {  	[spmem:s31] =	stream.linear.scatter [tilespmem:s29], [sflag:$0x3], $0x600, $0x38;
	[tilespmem:$0x1EE20] =	vst v63  }
0x68: {  	_ =	swait.ge [sflag:s30], $0x600  }
0x69: {  	[sflag:s30] =	ssyncset.done $0x0  }
0x6a: {  	s8 =	simm.s32 @!p0 $0x1CE20;
	[sflag:s30] =	ssyncadd.s32 $0xFFFFFA00  }
0x6b: {  	[spmem:s5] =	stream.linear.scatter @!p0 [tilespmem:s8], [sflag:$0x3], $0xA00, $0x38;
	[tilespmem:$0x1EE20] =	vst v63  }
0x6c: {  	s8 =	simm.s32 @!p0 $0x3  }
.Ltmp3:
0x6d: {  	_ =	swait.ge @!p0 [sflag:s8], $0xA00;
	(pc) =	sbr.rel .LBB2_4-.Ltmp3, $4  }
0x6e: {  	[sflag:s8] =	ssyncset.done @!p0 $0x0  }
0x6f: {  	[sflag:s8] =	ssyncadd.s32 @!p0 $0xFFFFF600  }
0x70: {  	[bflag:$0x0] =	sbarrier.arrive $0xFFFF  }
0x71: {  	s11 =	rddreg [dreg:$0xa]  }
.LBB2_25:
0x72: {  	s11 =	sadd.s32 $0x1, s11  }
0x73: {  	p1 =	slt.u32 s11, s12  }
.Ltmp4:
0x74: {  	_ = 	snop;
	(pc) =	sbr.rel @!p1 .LBB2_26-.Ltmp4, $1  }
0x75: {  	_ =	sdelay $0x3  }
.LBB2_4:
0x76: {  	s8 =	smul.u32 $0xC80, s11;
	_ =	sdelay $0x1  }
0x77: {  	s8 =	sadd.s32 s13, s8  }
0x78: {  	s0 =	rddreg [dreg:$0x2];
	s10 =	sshrl.u32 s8, $0x3  }
0x79: {  	s24 =	simm.s32 $0x186A0;
	s8 =	simm.s32 $0x0;
	s22 =	sadd.s32 s0, s10  }
0x7a: {  	[tilespmem:s24], [sflag:$0x3] =	stream.linear.gather [hbm4b:s22+s8], $0xC80, $0x38;
	[tilespmem:$0x1EE20] =	vst v63  }
0x7b: {  	_ =	swait.ge [sflag:s30], $0xC80  }
0x7c: {  	[sflag:s30] =	ssyncset.done $0x0  }
0x7d: {  	[sflag:s30] =	ssyncadd.s32 $0xFFFFF380  }
0x7e: {  	s25 =	rddreg [dreg:$0x1]  }
0x7f: {  	s28 =	simm.s32 $0x19320;
	s26 =	sadd.s32 s25, s10  }
0x80: {  	[tilespmem:s28], [sflag:$0x3] =	stream.linear.gather [hbm4b:s26+s8], $0xC80, $0x38;
	[tilespmem:$0x1EE20] =	vst v63  }
0x81: {  	_ =	swait.ge [sflag:s30], $0xC80  }
0x82: {  	[sflag:s30] =	ssyncset.done $0x0  }
0x83: {  	[sflag:s30] =	ssyncadd.s32 $0xFFFFF380  }
0x84: {  	s31 =	rddreg [dreg:$0x3]  }
0x85: {  	s10 =	sadd.s32 s31, s10  }
0x86: {  	[tilespmem:s6], [sflag:$0x3] =	stream.linear.gather [hbm4b:s10+s8], $0xC80, $0x38;
	[tilespmem:$0x1EE20] =	vst v63  }
0x87: {  	_ =	swait.ge [sflag:s30], $0xC80  }
0x88: {  	[sflag:s30] =	ssyncset.done $0x0  }
0x89: {  	p1 =	por $0x1, $0x1;
	[sflag:s30] =	ssyncadd.s32 $0xFFFFF380  }
.LBB2_5:
0x8a: {  	v3 =	vld [tilespmem:s8+$0x186A0]  }
0x8b: {  	v4 =	vld [tilespmem:s8+$0x186B0]  }
0x8c: {  	v5 =	vld [tilespmem:s8+$0x186C0]  }
0x8d: {  	v6 =	vld [tilespmem:s8+$0x186D0];
	p2 =	por p1, p1  }
.Ltmp5:
0x8e: {  	_ = 	snop;
	(pc) =	sbr.rel @p2 .LBB2_5-.Ltmp5, $4  }
0x8f: {  	[tilespmem:s8+$0x1AC20] =	vst v3  }
0x90: {  	[tilespmem:s8+$0x1AC30] =	vst v4  }
0x91: {  	[tilespmem:s8+$0x1AC40] =	vst v5  }
0x92: {  	p1 =	por $0x0, $0x0;
	[tilespmem:s8+$0x1AC50] =	vst v6;
	s8 =	simm.s32 $0x40  }
.Ltmp6:
0x93: {  	(pc) =	sbr.rel .LBB2_7-.Ltmp6, $3  }
0x94: {  	_ =	sdelay $0x1  }
0x95: {  	[tilespmem:s15], [sflag:$0x1] =	stream.indirect.gather [hbm4b:s7+s9], $0x20, s14, s9, $0xb8;
	[tilespmem:$0x1EE20] =	vst v63  }
0x96: {  	s23 =	simm.s32 $0x0;
	s24 =	simm.s32 $0x0  }
.LBB2_23:
0x97: {  	[tilespmem:s28+$0xC0] =	vst v21  }
0x98: {  	[tilespmem:s28+$0x10] =	vst v26  }
0x99: {  	[tilespmem:s25+$0x20] =	vst v15  }
0x9a: {  	[tilespmem:s28+$0xFFFFFF00] =	vst v14  }
0x9b: {  	[tilespmem:s28+$0x80] =	vst v23  }
0x9c: {  	[tilespmem:s25+$0xF0] =	vst v24  }
0x9d: {  	[tilespmem:s28+$0xFFFFFFD0] =	vst v18  }
0x9e: {  	[tilespmem:s28+$0xFFFFFFC0] =	vst v16  }
0x9f: {  	v3 =	vmul.f32 v28, v3;
	v37 =	vld.idx.msk [tilespmem:v17+s6+$0x0], $0xffff;
	[tilespmem:s25+$0x60] =	vst v20  }
0xa0: {  	v33 =	vmul.f32 v27, v4;
	[tilespmem:s28+$0xD0] =	vst v12;
	v39 =	vld [tilespmem:s26+$0xFFFFFFF0]  }
0xa1: {  	v36 =	vmul.f32 v29, v13;
	[tilespmem:s25+$0x70] =	vst v3  }
0xa2: {  	v34 =	vand.u32 $0xFFFF0000, v22;
	v38 =	vmul.f32 v25, v13;
	[tilespmem:s25+$0xFFFFFFA0] =	vst v33;
	v3 =	vld [tilespmem:s26+$0xFFFFFF90]  }
0xa3: {  	v50 =	vand.u32 $0xFFFF0000, v19;
	v35 =	vmul.f32 v34, v4;
	v44 =	vld [tilespmem:s26+$0x70];
	[tilespmem:s28+$0x50] =	vst v36  }
0xa4: {  	v41 =	vshll.u32 v11, $0x10;
	v45 =	vld [tilespmem:s26+$0x50];
	v52 =	vmul.f32 v50, v5;
	[tilespmem:s28+$0x40] =	vst v38  }
0xa5: {  	[tilespmem:s25+$0xFFFFFFB0] =	vst v35;
	v43 =	vmul.f32 v41, v37;
	v46 =	vshll.u32 v39, $0x10  }
0xa6: {  	[tilespmem:s28+$0xFFFFFF70] =	vst v52;
	v49 =	vand.u32 $0xFFFF0000, v39;
	v48 =	vmul.f32 v46, v10  }
0xa7: {  	v40 =	vshll.u32 v3, $0x10;
	v3 =	vand.u32 $0xFFFF0000, v3;
	[tilespmem:s28+$0xFFFFFF80] =	vst v43;
	v51 =	vmul.f32 v49, v10  }
0xa8: {  	v54 =	vshll.u32 v44, $0x10;
	v3 =	vmul.f32 v3, v9;
	[tilespmem:s28+$0xFFFFFFE0] =	vst v48  }
0xa9: {  	v47 =	vld [tilespmem:s26+$0x10];
	v14 =	vshll.u32 v45, $0x10;
	v55 =	vmul.f32 v54, v6;
	[tilespmem:s28+$0xFFFFFFF0] =	vst v51  }
0xaa: {  	v59 =	vmul.f32 v14, v7;
	[tilespmem:s28+$0xFFFFFF30] =	vst v3;
	v3 =	vand.u32 $0xFFFF0000, v11  }
0xab: {  	v53 =	vld [tilespmem:s26+$0x30];
	[tilespmem:s28+$0xE0] =	vst v55;
	v3 =	vmul.f32 v3, v37  }
0xac: {  	v42 =	vshll.u32 v19, $0x10;
	v4 =	vmul.f32 v40, v9;
	[tilespmem:s28+$0xA0] =	vst v59  }
0xad: {  	v9 =	vmul.f32 v42, v5;
	[tilespmem:s28+$0xFFFFFF90] =	vst v3;
	v3 =	vand.u32 $0xFFFF0000, v45  }
0xae: {  	v57 =	vand.u32 $0xFFFF0000, v47;
	[tilespmem:s28+$0xFFFFFF20] =	vst v4;
	v56 =	vld [tilespmem:s26+$0xFFFFFFD0];
	v3 =	vmul.f32 v3, v7  }
0xaf: {  	v58 =	vshll.u32 v47, $0x10;
	v5 =	vmul.f32 v57, v8;
	[tilespmem:s28+$0xFFFFFF60] =	vst v9  }
0xb0: {  	v60 =	vand.u32 $0xFFFF0000, v53;
	[tilespmem:s28+$0xB0] =	vst v3;
	v3 =	vmul.f32 v58, v8  }
0xb1: {  	[tilespmem:s28+$0x30] =	vst v5;
	v5 =	vmul.f32 v60, v13;
	v4 =	vand.u32 $0xFFFF0000, v44  }
0xb2: {  	v4 =	vmul.f32 v4, v6;
	[tilespmem:s28+$0x20] =	vst v3;
	v3 =	vshll.u32 v53, $0x10  }
0xb3: {  	[tilespmem:s28+$0x70] =	vst v5;
	v61 =	vshll.u32 v56, $0x10;
	v3 =	vmul.f32 v3, v13  }
0xb4: {  	[tilespmem:s28+$0xF0] =	vst v4;
	v63 =	vand.u32 $0xFFFF0000, v56;
	v62 =	vmul.f32 v61, v37  }
0xb5: {  	v5 =	vmul.f32 v63, v37;
	[tilespmem:s28+$0x60] =	vst v3  }
0xb6: {  	[tilespmem:s28+$0xFFFFFFA0] =	vst v62  }
0xb7: {  	s8 =	simm.s32 $0x4;
	[tilespmem:s28+$0xFFFFFFB0] =	vst v5  }
0xb8: {  	[spmem:s4] =	stream.indirect.scatter.add.f32 [tilespmem:s29], [sflag:$0x4], $0x40, s17, s9, $0xb8;
	[tilespmem:$0x1EE20] =	vst v63  }
.LBB2_24:
0xb9: {  	s24 =	sadd.s32 $0x1, s24  }
0xba: {  	p1 =	sne.s32 s24, $0x19  }
.Ltmp7:
0xbb: {  	_ = 	snop;
	(pc) =	sbr.rel @!p1 .LBB2_25-.Ltmp7, $4  }
0xbc: {  	_ = 	snop  }
0xbd: {  	_ =	swait.ge [sflag:s8], $0x2000  }
0xbe: {  	[sflag:s8] =	ssyncset.done $0x0  }
0xbf: {  	s23 =	sadd.s32 $0x80, s23;
	[sflag:s8] =	ssyncadd.s32 $0xFFFFE000  }
.LBB2_7:
0xc0: {  	s8 =	sand.u32 $0x1, s24  }
0xc1: {  	p1 =	seq.s32 s8, $0x0  }
.Ltmp8:
0xc2: {  	_ = 	snop;
	(pc) =	sbr.rel @!p1 .LBB2_8-.Ltmp8, $1  }
0xc3: {  	_ =	sdelay $0x3  }
0xc4: {  	p1 =	seq.s32 s24, $0x18  }
.Ltmp9:
0xc5: {  	_ = 	snop;
	(pc) =	sbr.rel @p1 .LBB2_19-.Ltmp9, $2  }
0xc6: {  	_ =	sdelay $0x2  }
0xc7: {  	s8 =	simm.s32 $0x3000  }
0xc8: {  	s8 =	sshll.u32 s24, $0x9  }
0xc9: {  	s10 =	sshrl.u32 s8, $0x2  }
0xca: {  	s22 =	sadd.s32 $0x18720, s10  }
0xcb: {  	v3 =	vmov s22;
	_ =	sdelay $0x3  }
0xcc: {  	p1 =	por $0x1, $0x1;
	s10 =	simm.s32 $0x0  }
.LBB2_17:
0xcd: {  	v4 =	vld.idx.msk [tilespmem:v3+s10+$0x0 ss:$0x1], $0xffff  }
0xce: {  	v5 =	vld.idx.msk [tilespmem:v3+s10+$0x10 ss:$0x1], $0xffff  }
0xcf: {  	v6 =	vld.idx.msk [tilespmem:v3+s10+$0x20 ss:$0x1], $0xffff  }
0xd0: {  	v7 =	vld.idx.msk [tilespmem:v3+s10+$0x30 ss:$0x1], $0xffff;
	p2 =	por p1, p1  }
.Ltmp10:
0xd1: {  	_ = 	snop;
	(pc) =	sbr.rel @p2 .LBB2_17-.Ltmp10, $4  }
0xd2: {  	[tilespmem:s10+$0x1ACA0] =	vst v4  }
0xd3: {  	[tilespmem:s10+$0x1ACB0] =	vst v5  }
0xd4: {  	[tilespmem:s10+$0x1ACC0] =	vst v6  }
0xd5: {  	p1 =	por $0x0, $0x0;
	[tilespmem:s10+$0x1ACD0] =	vst v7;
	s10 =	simm.s32 $0x40  }
0xd6: {  	[tilespmem:s19], [sflag:$0x2] =	stream.indirect.gather [hbm4b:s7+s9], $0x20, s18, s9, $0xb8;
	[tilespmem:$0x1EE20] =	vst v63  }
.LBB2_19:
0xd7: {  	s8 =	sshrl.u32 s8, $0x2  }
0xd8: {  	s10 =	sadd.s32 $0x19320, s8  }
0xd9: {  	v3 =	vmov s10;
	_ =	sdelay $0x1  }
0xda: {  	_ =	swait.ge [sflag:s16], $0x1000  }
0xdb: {  	[sflag:s16] =	ssyncset.done $0x0  }
0xdc: {  	p1 =	por $0x1, $0x1;
	s8 =	simm.s32 $0x0;
	[sflag:s16] =	ssyncadd.s32 $0xFFFFF000  }
.LBB2_20:
0xdd: {  	v4 =	vld.idx.msk [tilespmem:v3+s8+$0x0 ss:$0x1], $0xffff  }
0xde: {  	v5 =	vld.idx.msk [tilespmem:v3+s8+$0x10 ss:$0x1], $0xffff  }
0xdf: {  	v6 =	vld.idx.msk [tilespmem:v3+s8+$0x20 ss:$0x1], $0xffff  }
0xe0: {  	v7 =	vld.idx.msk [tilespmem:v3+s8+$0x30 ss:$0x1], $0xffff  }
0xe1: {  	p2 =	por p1, p1  }
.Ltmp11:
0xe2: {  	v4 =	vsub.s32 v4, v0;
	(pc) =	sbr.rel @p2 .LBB2_20-.Ltmp11, $4  }
0xe3: {  	[tilespmem:s8+$0x1AD20] =	vst v4;
	v4 =	vsub.s32 v5, v0  }
0xe4: {  	[tilespmem:s8+$0x1AD30] =	vst v4;
	v4 =	vsub.s32 v6, v0  }
0xe5: {  	s22 =	simm.s32 $0x1AEA0;
	[tilespmem:s8+$0x1AD40] =	vst v4;
	v4 =	vsub.s32 v7, v0  }
0xe6: {  	s25 =	simm.s32 $0x1CF20;
	p1 =	por $0x0, $0x0;
	[tilespmem:s8+$0x1AD50] =	vst v4;
	s8 =	simm.s32 $0x40  }
0xe7: {  	s8 =	sadd.s32 $0xFFFFFFF8, s23  }
0xe8: {  	s10 =	sadd.s32 $0x9, s8  }
0xe9: {  	v3 =	vmov s10  }
0xea: {  	v3 =	vshrl.u32 v3, $0x3  }
0xeb: {  	v3 =	vshll.u32 v3, v2  }
0xec: {  	v3 =	vadd.s32 $0x1, v3  }
0xed: {  	s2 =	sadd.s32 $0xC, s8;
	s26 =	sadd.s32 $0x8, s8;
	s3 =	sadd.s32 $0xF, s8;
	v3 =	vbroadcast v3, $0x0  }
0xee: {  	s5 =	sadd.s32 $0xE, s8;
	v4 =	vmov s2;
	v5 =	vmov s26;
	v6 =	vmov s3  }
0xef: {  	v8 =	vmov s5;
	v5 =	vshrl.u32 v5, $0x3;
	v6 =	vshrl.u32 v6, $0x3  }
0xf0: {  	v8 =	vshrl.u32 v8, $0x3;
	v5 =	vshll.u32 v5, v2;
	v6 =	vshll.u32 v6, v2  }
0xf1: {  	v8 =	vshll.u32 v8, v2;
	v5 =	vbroadcast v5, $0x0;
	v6 =	vadd.s32 $0x7, v6  }
0xf2: {  	v9 =	vld [tilespmem:s22+$0x0];
	v4 =	vshrl.u32 v4, $0x3;
	v8 =	vadd.s32 $0x6, v8;
	v6 =	vbroadcast v6, $0x0  }
0xf3: {  	s28 =	sadd.s32 $0xB, s8;
	s31 =	sadd.s32 $0xD, s8;
	v4 =	vshll.u32 v4, v2;
	v14 =	vld.idx.msk [tilespmem:v3+s6+$0x0], $0xffff;
	v3 =	vbroadcast v8, $0x0  }
0xf4: {  	v10 =	vld [tilespmem:s22+$0xFFFFFFA0];
	v7 =	vmov s28;
	v4 =	vadd.s32 $0x4, v4;
	v8 =	vmov s31  }
0xf5: {  	v7 =	vshrl.u32 v7, $0x3;
	v4 =	vbroadcast v4, $0x0;
	v8 =	vshrl.u32 v8, $0x3  }
0xf6: {  	v16 =	vld [tilespmem:s22+$0xFFFFFF80];
	v7 =	vshll.u32 v7, v2;
	v8 =	vshll.u32 v8, v2  }
0xf7: {  	s8 =	sadd.s32 $0xA, s8;
	v7 =	vadd.s32 $0x3, v7;
	v5 =	vld.idx.msk [tilespmem:v5+s6+$0x0], $0xffff;
	v8 =	vadd.s32 $0x5, v8  }
0xf8: {  	v21 =	vshll.u32 v9, $0x10;
	v11 =	vld.idx.msk [tilespmem:v6+s6+$0x0], $0xffff;
	v6 =	vbroadcast v8, $0x0;
	v8 =	vmov s8;
	s8 =	sadd.s32 $0x0, s23  }
0xf9: {  	v7 =	vbroadcast v7, $0x0;
	s0 =	sadd.s32 $0x9, s8;
	s1 =	sadd.s32 $0xA, s8;
	v13 =	vld.idx.msk [tilespmem:v3+s6+$0x0], $0xffff;
	v3 =	vshrl.u32 v8, $0x3;
	v8 =	vand.u32 $0xFFFF0000, v10  }
0xfa: {  	v17 =	vld [tilespmem:s22+$0x60];
	s28 =	sadd.s32 $0xC, s8;
	s5 =	sadd.s32 $0xF, s8;
	v10 =	vshll.u32 v10, $0x10;
	v27 =	vmov s0;
	v28 =	vmov s1  }
0xfb: {  	v12 =	vld.idx.msk [tilespmem:v4+s6+$0x0], $0xffff;
	v29 =	vmov s28;
	v30 =	vmov s5;
	v3 =	vshll.u32 v3, v2  }
0xfc: {  	v15 =	vld [tilespmem:s22+$0x40];
	v4 =	vmul.f32 v8, v14;
	v8 =	vmul.f32 v10, v14;
	v27 =	vshrl.u32 v27, $0x3  }
0xfd: {  	v24 =	vld [tilespmem:s22+$0xFFFFFFC0];
	v29 =	vshrl.u32 v29, $0x3;
	v18 =	vadd.s32 $0x2, v3;
	v3 =	vshll.u32 v16, $0x10  }
0xfe: {  	v10 =	vld [tilespmem:s22+$0xFFFFFFE0];
	v16 =	vand.u32 $0xFFFF0000, v16;
	v27 =	vshll.u32 v27, v2;
	v19 =	vmul.f32 v3, v5  }
0xff: {  	v7 =	vld.idx.msk [tilespmem:v7+s6+$0x0], $0xffff;
	v3 =	vshll.u32 v17, $0x10;
	v16 =	vmul.f32 v16, v5;
	[tilespmem:s25+$0xFFFFFF40] =	vst v8;
	v8 =	vbroadcast v18, $0x0  }
0x100: {  	[tilespmem:s25+$0xFFFFFF50] =	vst v4;
	v4 =	vand.u32 $0xFFFF0000, v17;
	v17 =	vld [tilespmem:s22+$0x20];
	v18 =	vmul.f32 v21, v12;
	v20 =	vmul.f32 v3, v11  }
0x101: {  	v3 =	vld.idx.msk [tilespmem:v6+s6+$0x0], $0xffff;
	v6 =	vshll.u32 v15, $0x10;
	v15 =	vand.u32 $0xFFFF0000, v15;
	v23 =	vmul.f32 v4, v11  }
0x102: {  	v4 =	vand.u32 $0xFFFF0000, v9;
	v15 =	vmul.f32 v15, v13;
	v6 =	vmul.f32 v6, v13  }
0x103: {  	v21 =	vld [tilespmem:s22+$0xFFFFFFB0];
	[tilespmem:s25+$0xFFFFFF00] =	vst v19;
	v19 =	vand.u32 $0xFFFF0000, v24;
	v24 =	vshll.u32 v24, $0x10;
	v22 =	vshll.u32 v10, $0x10  }
0x104: {  	s31 =	sadd.s32 $0xB, s8;
	v10 =	vand.u32 $0xFFFF0000, v10;
	[tilespmem:s25+$0xD0] =	vst v23;
	v23 =	vshll.u32 v29, v2;
	v9 =	vmul.f32 v22, v7  }
0x105: {  	v22 =	vmul.f32 v4, v12;
	v10 =	vmul.f32 v10, v7;
	[tilespmem:s25+$0x90] =	vst v15;
	v15 =	vmov s31  }
0x106: {  	[tilespmem:s25+$0xFFFFFF10] =	vst v16;
	v23 =	vadd.s32 $0x4, v23;
	v25 =	vshll.u32 v17, $0x10;
	v4 =	vand.u32 $0xFFFF0000, v17  }
0x107: {  	s2 =	sadd.s32 $0xD, s8;
	[tilespmem:s25+$0x0] =	vst v18;
	v31 =	vld [tilespmem:s22+$0xFFFFFF90];
	v15 =	vshrl.u32 v15, $0x3;
	v23 =	vbroadcast v23, $0x0;
	v17 =	vmul.f32 v4, v3  }
0x108: {  	s3 =	sadd.s32 $0x8, s8;
	s8 =	sadd.s32 $0xE, s8;
	[tilespmem:s25+$0xC0] =	vst v20;
	v26 =	vshll.u32 v21, $0x10;
	v21 =	vand.u32 $0xFFFF0000, v21;
	v4 =	vld.idx.msk [tilespmem:v8+s6+$0x0], $0xffff;
	v8 =	vmov s2  }
0x109: {  	s26 =	simm.s32 $0x1AFA0;
	[tilespmem:s25+$0x80] =	vst v6;
	v18 =	vmul.f32 v25, v3;
	v25 =	vadd.s32 $0x1, v27;
	v27 =	vmov s8  }
0x10a: {  	v6 =	vld [tilespmem:s26+$0xFFFFFFA0];
	[tilespmem:s25+$0xFFFFFFD0] =	vst v10;
	v15 =	vshll.u32 v15, v2;
	v16 =	vmul.f32 v21, v14;
	v21 =	vmov s3  }
0x10b: {  	[tilespmem:s25+$0xFFFFFFC0] =	vst v9;
	v8 =	vshrl.u32 v8, $0x3;
	v25 =	vbroadcast v25, $0x0;
	v14 =	vmul.f32 v26, v14  }
0x10c: {  	v32 =	vld [tilespmem:s26+$0x0];
	[tilespmem:s25+$0x10] =	vst v22;
	v15 =	vadd.s32 $0x3, v15;
	v8 =	vshll.u32 v8, v2;
	v10 =	vshrl.u32 v21, $0x3  }
0x10d: {  	v22 =	vld [tilespmem:s22+$0x50];
	v21 =	vshrl.u32 v27, $0x3;
	v20 =	vshll.u32 v31, $0x10;
	[tilespmem:s25+$0x50] =	vst v17;
	v8 =	vadd.s32 $0x5, v8  }
0x10e: {  	v27 =	vld [tilespmem:s22+$0xFFFFFFF0];
	[tilespmem:s25+$0x40] =	vst v18;
	v9 =	vshll.u32 v10, v2;
	v10 =	vshrl.u32 v30, $0x3;
	v21 =	vshll.u32 v21, v2  }
0x10f: {  	v30 =	vand.u32 $0xFFFF0000, v31;
	v20 =	vmul.f32 v20, v5;
	v29 =	vld [tilespmem:s22+$0x30];
	[tilespmem:s25+$0xFFFFFF60] =	vst v14;
	v14 =	vshll.u32 v6, $0x10  }
0x110: {  	v31 =	vld [tilespmem:s26+$0x40];
	v10 =	vshll.u32 v10, v2;
	v9 =	vbroadcast v9, $0x0;
	v17 =	vmul.f32 v30, v5  }
0x111: {  	v30 =	vld [tilespmem:s22+$0x10];
	v21 =	vadd.s32 $0x6, v21;
	v34 =	vbroadcast v8, $0x0;
	v24 =	vmul.f32 v24, v4  }
0x112: {  	v19 =	vmul.f32 v19, v4;
	v10 =	vadd.s32 $0x7, v10;
	v21 =	vbroadcast v21, $0x0;
	[tilespmem:s25+$0xFFFFFF20] =	vst v20;
	v20 =	vld [tilespmem:s26+$0xFFFFFF80]  }
0x113: {  	v10 =	vbroadcast v10, $0x0;
	v5 =	vld.idx.msk [tilespmem:v25+s6+$0x0], $0xffff;
	v18 =	vshll.u32 v27, $0x10;
	v26 =	vand.u32 $0xFFFF0000, v27  }
0x114: {  	v25 =	vld [tilespmem:s22+$0x70];
	v27 =	vbroadcast v15, $0x0;
	v15 =	vand.u32 $0xFFFF0000, v6;
	[tilespmem:s25+$0xFFFFFF90] =	vst v19;
	v19 =	vand.u32 $0xFFFF0000, v32  }
0x115: {  	[tilespmem:s25+$0xFFFFFF70] =	vst v16;
	v8 =	vld.idx.msk [tilespmem:v23+s6+$0x0], $0xffff;
	v18 =	vmul.f32 v18, v7;
	v7 =	vmul.f32 v26, v7;
	v26 =	vshrl.u32 v28, $0x3  }
0x116: {  	[tilespmem:s25+$0xFFFFFF80] =	vst v24;
	v28 =	vand.u32 $0xFFFF0000, v22;
	v22 =	vshll.u32 v22, $0x10;
	v24 =	vshll.u32 v26, v2;
	v26 =	vld [tilespmem:s26+$0x60]  }
0x117: {  	[tilespmem:s25+$0xFFFFFF30] =	vst v17;
	v17 =	vshll.u32 v30, $0x10;
	v30 =	vand.u32 $0xFFFF0000, v30;
	v62 =	vmul.f32 v22, v13;
	v9 =	vld.idx.msk [tilespmem:v9+s6+$0x0], $0xffff  }
0x118: {  	v24 =	vadd.s32 $0x2, v24;
	[tilespmem:s25+$0xFFFFFFF0] =	vst v7;
	v16 =	vand.u32 $0xFFFF0000, v20;
	v7 =	vld.idx.msk [tilespmem:v21+s6+$0x0], $0xffff;
	v15 =	vmul.f32 v15, v5  }
0x119: {  	[tilespmem:s25+$0xFFFFFFE0] =	vst v18;
	v33 =	vshll.u32 v25, $0x10;
	v6 =	vld.idx.msk [tilespmem:v10+s6+$0x0], $0xffff;
	v18 =	vmul.f32 v14, v5;
	v10 =	vshll.u32 v20, $0x10  }
0x11a: {  	s28 =	simm.s32 $0x1D120;
	v20 =	vshll.u32 v29, $0x10;
	v25 =	vand.u32 $0xFFFF0000, v25;
	v33 =	vmul.f32 v33, v11  }
0x11b: {  	v63 =	vld [tilespmem:s26+$0x20];
	v20 =	vmul.f32 v20, v3;
	[tilespmem:s28+$0xFFFFFF50] =	vst v15;
	v35 =	vand.u32 $0xFFFF0000, v26;
	v15 =	vmul.f32 v17, v12  }
0x11c: {  	v23 =	vld [tilespmem:s26+$0xFFFFFFE0];
	[tilespmem:s25+$0xA0] =	vst v62;
	v17 =	vshll.u32 v26, $0x10;
	v26 =	vmul.f32 v28, v13;
	v13 =	vshll.u32 v32, $0x10  }
0x11d: {  	v22 =	vld [tilespmem:s22+$0xFFFFFFD0];
	[tilespmem:s28+$0xFFFFFF40] =	vst v18;
	v18 =	vand.u32 $0xFFFF0000, v31;
	v14 =	vmul.f32 v10, v9;
	v13 =	vmul.f32 v13, v8  }
0x11e: {  	v10 =	vld.idx.msk [tilespmem:v27+s6+$0x0], $0xffff;
	v16 =	vmul.f32 v16, v9;
	v27 =	vshll.u32 v31, $0x10;
	[tilespmem:s25+$0xB0] =	vst v26;
	v31 =	vmul.f32 v18, v7  }
0x11f: {  	v28 =	vand.u32 $0xFFFF0000, v29;
	v26 =	vmul.f32 v19, v8;
	v21 =	vmul.f32 v17, v6;
	[tilespmem:s28+$0x0] =	vst v13;
	v13 =	vld.idx.msk [tilespmem:v34+s6+$0x0], $0xffff  }
0x120: {  	v29 =	vand.u32 $0xFFFF0000, v63;
	[tilespmem:s25+$0xE0] =	vst v33;
	v19 =	vld [tilespmem:s26+$0xFFFFFFB0];
	v17 =	vbroadcast v24, $0x0;
	v24 =	vmul.f32 v30, v12  }
0x121: {  	[tilespmem:s28+$0xFFFFFF10] =	vst v16;
	v16 =	vshll.u32 v23, $0x10;
	v30 =	vand.u32 $0xFFFF0000, v23;
	v12 =	vmul.f32 v35, v6  }
0x122: {  	v23 =	vmul.f32 v27, v7;
	v27 =	vshll.u32 v22, $0x10;
	[tilespmem:s25+$0x30] =	vst v24;
	v24 =	vmul.f32 v25, v11  }
0x123: {  	s10 =	simm.s32 $0x1B0A0;
	s8 =	simm.s32 $0x1D120;
	s22 =	simm.s32 $0x8;
	[tilespmem:s28+$0x90] =	vst v31;
	v11 =	vld [tilespmem:s26+$0xFFFFFFC0];
	v25 =	vshll.u32 v63, $0x10;
	v16 =	vmul.f32 v16, v10;
	v18 =	vmul.f32 v30, v10  }
.LBB2_22:
0x124: {  	s5 =	sadd.s32 s22, s23;
	s22 =	sadd.s32 $0x8, s22;
	v29 =	vmul.f32 v29, v13;
	[tilespmem:s28+$0xC0] =	vst v21;
	s8 =	sadd.s32 $0x200, s8;
	v21 =	vand.u32 $0xFFFF0000, v22;
	v22 =	vmul.f32 v28, v3;
	v3 =	vmovc v13  }
0x125: {  	v13 =	vshll.u32 v19, $0x10;
	v19 =	vand.u32 $0xFFFF0000, v19;
	s1 =	sadd.s32 $0x9, s5;
	s2 =	sadd.s32 $0xA, s5;
	s3 =	sadd.s32 $0xB, s5;
	[tilespmem:s28+$0x10] =	vst v26;
	v26 =	vmul.f32 v27, v4  }
0x126: {  	s31 =	sadd.s32 $0xE, s5;
	v21 =	vmul.f32 v21, v4;
	v27 =	vmov s1;
	v28 =	vmov s2;
	s1 =	sadd.s32 $0xC, s5;
	s2 =	sadd.s32 $0xD, s5;
	v4 =	vld.idx.msk [tilespmem:v17+s6+$0x0], $0xffff;
	[tilespmem:s25+$0x20] =	vst v15  }
0x127: {  	s0 =	sadd.s32 $0x8, s5;
	p1 =	slt.u32 s22, $0x78;
	v19 =	vmul.f32 v19, v5;
	v15 =	vmov s1;
	v17 =	vmov s2;
	s1 =	sadd.s32 $0xF, s5;
	[tilespmem:s25+$0x70] =	vst v22  }
0x128: {  	v22 =	vmov s0;
	v30 =	vmov s1;
	[tilespmem:s28+$0xFFFFFF00] =	vst v14;
	v14 =	vand.u32 $0xFFFF0000, v11  }
0x129: {  	v27 =	vshrl.u32 v27, $0x3;
	v17 =	vshrl.u32 v17, $0x3;
	v11 =	vshll.u32 v11, $0x10;
	v31 =	vld [tilespmem:s26+$0xFFFFFF90];
	[tilespmem:s25+$0xFFFFFFA0] =	vst v26  }
0x12a: {  	v25 =	vmul.f32 v25, v3;
	v26 =	vshll.u32 v27, v2;
	v17 =	vshll.u32 v17, v2;
	[tilespmem:s28+$0x80] =	vst v23  }
0x12b: {  	v23 =	vadd.s32 $0x1, v26;
	v26 =	vmov s3;
	v17 =	vadd.s32 $0x5, v17;
	[tilespmem:s25+$0xF0] =	vst v24  }
0x12c: {  	v23 =	vbroadcast v23, $0x0;
	v24 =	vmov s31;
	v11 =	vmul.f32 v11, v4;
	[tilespmem:s28+$0xFFFFFFD0] =	vst v18  }
0x12d: {  	v27 =	vmul.f32 v14, v4;
	v18 =	vshrl.u32 v22, $0x3;
	v24 =	vshrl.u32 v24, $0x3;
	v22 =	vld [tilespmem:s10+$0x0];
	[tilespmem:s28+$0xFFFFFFC0] =	vst v16  }
0x12e: {  	v14 =	vshll.u32 v18, v2;
	v16 =	vshrl.u32 v30, $0x3;
	v18 =	vshll.u32 v31, $0x10;
	v30 =	vld [tilespmem:s26+$0xFFFFFFF0];
	[tilespmem:s25+$0x60] =	vst v20  }
0x12f: {  	v24 =	vshll.u32 v24, v2;
	v16 =	vshll.u32 v16, v2;
	v31 =	vand.u32 $0xFFFF0000, v31;
	v20 =	vld [tilespmem:s10+$0xFFFFFFA0];
	[tilespmem:s25+$0xFFFFFFB0] =	vst v21;
	s25 =	smov.u32 s28;
	s28 =	smov.u32 s8  }
0x130: {  	v14 =	vbroadcast v14, $0x0;
	v16 =	vadd.s32 $0x7, v16;
	v18 =	vmul.f32 v18, v9;
	[tilespmem:s25+$0x50] =	vst v29;
	v21 =	vld [tilespmem:s26+$0x50]  }
0x131: {  	v15 =	vshrl.u32 v15, $0x3;
	v9 =	vmul.f32 v31, v9;
	v16 =	vbroadcast v16, $0x0;
	v29 =	vld [tilespmem:s26+$0x10];
	[tilespmem:s25+$0x40] =	vst v25  }
0x132: {  	v13 =	vmul.f32 v13, v5;
	v24 =	vadd.s32 $0x6, v24;
	v25 =	vld [tilespmem:s26+$0x30];
	[tilespmem:s25+$0xD0] =	vst v12  }
0x133: {  	v12 =	vshll.u32 v15, v2;
	v15 =	vbroadcast v24, $0x0;
	v5 =	vld.idx.msk [tilespmem:v23+s6+$0x0], $0xffff;
	[tilespmem:s25+$0xFFFFFF20] =	vst v18;
	v18 =	vshll.u32 v30, $0x10  }
0x134: {  	v23 =	vshrl.u32 v26, $0x3;
	v12 =	vadd.s32 $0x4, v12;
	[tilespmem:s25+$0xFFFFFF30] =	vst v9;
	v9 =	vand.u32 $0xFFFF0000, v30;
	v24 =	vld [tilespmem:s26+$0x70]  }
0x135: {  	v23 =	vshll.u32 v23, v2;
	v12 =	vbroadcast v12, $0x0;
	v26 =	vld [tilespmem:s10+$0x40];
	[tilespmem:s25+$0xFFFFFF80] =	vst v11;
	v11 =	vmul.f32 v18, v10  }
0x136: {  	v23 =	vadd.s32 $0x3, v23;
	v10 =	vmul.f32 v9, v10;
	v18 =	vld [tilespmem:s10+$0xFFFFFF80];
	[tilespmem:s25+$0xFFFFFF60] =	vst v13;
	v13 =	vshll.u32 v29, $0x10  }
0x137: {  	v23 =	vbroadcast v23, $0x0;
	v9 =	vld.idx.msk [tilespmem:v14+s6+$0x0], $0xffff;
	v14 =	vshrl.u32 v28, $0x3;
	[tilespmem:s25+$0xFFFFFFE0] =	vst v11  }
0x138: {  	v30 =	vand.u32 $0xFFFF0000, v21;
	v11 =	vand.u32 $0xFFFF0000, v20;
	v14 =	vshll.u32 v14, v2;
	v28 =	vld [tilespmem:s10+$0x60];
	[tilespmem:s25+$0xFFFFFFF0] =	vst v10  }
0x139: {  	v10 =	vshll.u32 v20, $0x10;
	v11 =	vmul.f32 v11, v5;
	v20 =	vld.idx.msk [tilespmem:v16+s6+$0x0], $0xffff;
	[tilespmem:s25+$0xFFFFFF70] =	vst v19;
	v16 =	vshll.u32 v24, $0x10  }
0x13a: {  	v19 =	vmul.f32 v10, v5;
	v31 =	vadd.s32 $0x2, v14;
	v32 =	vld.idx.msk [tilespmem:v15+s6+$0x0], $0xffff;
	v16 =	vmul.f32 v16, v6  }
0x13b: {  	v29 =	vand.u32 $0xFFFF0000, v29;
	v33 =	vld.idx.msk [tilespmem:v12+s6+$0x0], $0xffff;
	v12 =	vbroadcast v17, $0x0;
	v17 =	vshll.u32 v21, $0x10  }
0x13c: {  	v34 =	vshll.u32 v25, $0x10;
	v10 =	vshll.u32 v18, $0x10;
	v18 =	vand.u32 $0xFFFF0000, v18;
	[tilespmem:s8+$0xFFFFFF50] =	vst v11;
	v11 =	vld [tilespmem:s10+$0xFFFFFFE0]  }
0x13d: {  	v15 =	vmul.f32 v13, v8;
	v14 =	vmul.f32 v10, v9;
	v10 =	vld.idx.msk [tilespmem:v23+s6+$0x0], $0xffff;
	v23 =	vand.u32 $0xFFFF0000, v28  }
0x13e: {  	v18 =	vmul.f32 v18, v9;
	v13 =	vshll.u32 v28, $0x10;
	v28 =	vmul.f32 v30, v7;
	[tilespmem:s25+$0xE0] =	vst v16  }
0x13f: {  	v35 =	vshll.u32 v26, $0x10;
	v36 =	vmul.f32 v17, v7;
	v21 =	vmul.f32 v13, v20;
	v30 =	vld [tilespmem:s10+$0x20];
	[tilespmem:s25+$0xFFFFFF90] =	vst v27  }
0x140: {  	v17 =	vbroadcast v31, $0x0;
	v13 =	vshll.u32 v22, $0x10;
	v27 =	vand.u32 $0xFFFF0000, v22;
	v7 =	vmovc v32;
	v22 =	vld [tilespmem:s26+$0xFFFFFFD0];
	[tilespmem:s25+$0xB0] =	vst v28;
	s26 =	smov.u32 s10  }
0x141: {  	v29 =	vmul.f32 v29, v8;
	v26 =	vand.u32 $0xFFFF0000, v26;
	v28 =	vmul.f32 v13, v33;
	[tilespmem:s8+$0xFFFFFF40] =	vst v19;
	v13 =	vld.idx.msk [tilespmem:v12+s6+$0x0], $0xffff  }
.Ltmp12:
0x142: {  	v8 =	vmovc v33;
	v16 =	vshll.u32 v11, $0x10;
	v11 =	vand.u32 $0xFFFF0000, v11;
	v12 =	vmul.f32 v23, v20;
	[tilespmem:s8+$0xFFFFFF10] =	vst v18;
	(pc) =	sbr.rel @p1 .LBB2_22-.Ltmp12, $4  }
0x143: {  	v24 =	vand.u32 $0xFFFF0000, v24;
	v31 =	vmul.f32 v26, v7;
	v16 =	vmul.f32 v16, v10;
	v19 =	vld [tilespmem:s10+$0xFFFFFFB0];
	[tilespmem:s8+$0x0] =	vst v28  }
0x144: {  	v26 =	vmul.f32 v27, v8;
	v23 =	vmul.f32 v35, v7;
	v28 =	vand.u32 $0xFFFF0000, v25;
	[tilespmem:s25+$0x30] =	vst v29  }
0x145: {  	v24 =	vmul.f32 v24, v6;
	v6 =	vmovc v20;
	v18 =	vmul.f32 v11, v10;
	v27 =	vshll.u32 v22, $0x10;
	[tilespmem:s25+$0xA0] =	vst v36  }
0x146: {  	v20 =	vmul.f32 v34, v3;
	s10 =	sadd.s32 $0x100, s10;
	v25 =	vshll.u32 v30, $0x10;
	v29 =	vand.u32 $0xFFFF0000, v30;
	v11 =	vld [tilespmem:s26+$0xFFFFFFC0];
	[tilespmem:s8+$0x90] =	vst v31  }
.Ltmp13:
0x147: {  	_ = 	snop;
	(pc) =	sbr.rel .LBB2_23-.Ltmp13, $1  }
0x148: {  	_ =	sdelay $0x3  }
.LBB2_8:
0x149: {  	s8 =	sshll.u32 s24, $0x9  }
0x14a: {  	s8 =	sshrl.u32 s8, $0x2  }
0x14b: {  	s22 =	sadd.s32 $0x18720, s8  }
0x14c: {  	v3 =	vmov s22;
	_ =	sdelay $0x3  }
0x14d: {  	s10 =	simm.s32 $0x0;
	p1 =	por $0x1, $0x1  }
.LBB2_9:
0x14e: {  	v4 =	vld.idx.msk [tilespmem:v3+s10+$0x0 ss:$0x1], $0xffff  }
0x14f: {  	v5 =	vld.idx.msk [tilespmem:v3+s10+$0x10 ss:$0x1], $0xffff  }
0x150: {  	v6 =	vld.idx.msk [tilespmem:v3+s10+$0x20 ss:$0x1], $0xffff  }
0x151: {  	v7 =	vld.idx.msk [tilespmem:v3+s10+$0x30 ss:$0x1], $0xffff;
	p2 =	por p1, p1  }
.Ltmp14:
0x152: {  	_ = 	snop;
	(pc) =	sbr.rel @p2 .LBB2_9-.Ltmp14, $4  }
0x153: {  	[tilespmem:s10+$0x1AC20] =	vst v4  }
0x154: {  	[tilespmem:s10+$0x1AC30] =	vst v5  }
0x155: {  	[tilespmem:s10+$0x1AC40] =	vst v6  }
0x156: {  	p1 =	por $0x0, $0x0;
	[tilespmem:s10+$0x1AC50] =	vst v7;
	s10 =	simm.s32 $0x40  }
0x157: {  	s0 =	sadd.s32 $0x19320, s8  }
0x158: {  	v3 =	vmov s0  }
0x159: {  	[tilespmem:s15], [sflag:$0x1] =	stream.indirect.gather [hbm4b:s7+s9], $0x20, s14, s9, $0xb8;
	[tilespmem:$0x1EE20] =	vst v63  }
0x15a: {  	_ =	swait.ge [sflag:s20], $0x1000  }
0x15b: {  	[sflag:s20] =	ssyncset.done $0x0  }
0x15c: {  	s8 =	simm.s32 $0x0;
	p1 =	por $0x1, $0x1;
	[sflag:s20] =	ssyncadd.s32 $0xFFFFF000  }
.LBB2_11:
0x15d: {  	v4 =	vld.idx.msk [tilespmem:v3+s8+$0x0 ss:$0x1], $0xffff  }
0x15e: {  	v5 =	vld.idx.msk [tilespmem:v3+s8+$0x10 ss:$0x1], $0xffff  }
0x15f: {  	v6 =	vld.idx.msk [tilespmem:v3+s8+$0x20 ss:$0x1], $0xffff  }
0x160: {  	v7 =	vld.idx.msk [tilespmem:v3+s8+$0x30 ss:$0x1], $0xffff  }
0x161: {  	p2 =	por p1, p1  }
.Ltmp15:
0x162: {  	v4 =	vsub.s32 v4, v0;
	(pc) =	sbr.rel @p2 .LBB2_11-.Ltmp15, $4  }
0x163: {  	[tilespmem:s8+$0x1ADA0] =	vst v4;
	v4 =	vsub.s32 v5, v0  }
0x164: {  	[tilespmem:s8+$0x1ADB0] =	vst v4;
	v4 =	vsub.s32 v6, v0  }
0x165: {  	s22 =	simm.s32 $0x1BEA0;
	[tilespmem:s8+$0x1ADC0] =	vst v4;
	v4 =	vsub.s32 v7, v0  }
0x166: {  	s25 =	simm.s32 $0x1CF20;
	p1 =	por $0x0, $0x0;
	[tilespmem:s8+$0x1ADD0] =	vst v4;
	s8 =	simm.s32 $0x40  }
0x167: {  	s0 =	sadd.s32 $0xFFFFFFF8, s23  }
0x168: {  	s1 =	sadd.s32 $0x9, s0  }
0x169: {  	v3 =	vmov s1  }
0x16a: {  	v3 =	vshrl.u32 v3, $0x3  }
0x16b: {  	v3 =	vshll.u32 v3, v2  }
0x16c: {  	v3 =	vadd.s32 $0x1, v3  }
0x16d: {  	s8 =	sadd.s32 $0xC, s0;
	s2 =	sadd.s32 $0x8, s0;
	s10 =	sadd.s32 $0xF, s0;
	v3 =	vbroadcast v3, $0x0  }
0x16e: {  	s26 =	sadd.s32 $0xE, s0;
	v4 =	vmov s8;
	v5 =	vmov s2;
	v6 =	vmov s10  }
0x16f: {  	v8 =	vmov s26;
	v5 =	vshrl.u32 v5, $0x3;
	v6 =	vshrl.u32 v6, $0x3  }
0x170: {  	v8 =	vshrl.u32 v8, $0x3;
	v5 =	vshll.u32 v5, v2;
	v6 =	vshll.u32 v6, v2  }
0x171: {  	v8 =	vshll.u32 v8, v2;
	v5 =	vbroadcast v5, $0x0;
	v6 =	vadd.s32 $0x7, v6  }
0x172: {  	v9 =	vld [tilespmem:s22+$0x0];
	v4 =	vshrl.u32 v4, $0x3;
	v8 =	vadd.s32 $0x6, v8;
	v6 =	vbroadcast v6, $0x0  }
0x173: {  	s3 =	sadd.s32 $0xB, s0;
	s31 =	sadd.s32 $0xD, s0;
	v4 =	vshll.u32 v4, v2;
	v14 =	vld.idx.msk [tilespmem:v3+s6+$0x0], $0xffff;
	v3 =	vbroadcast v8, $0x0  }
0x174: {  	v10 =	vld [tilespmem:s22+$0xFFFFFFA0];
	v7 =	vmov s3;
	v4 =	vadd.s32 $0x4, v4;
	v8 =	vmov s31  }
0x175: {  	v7 =	vshrl.u32 v7, $0x3;
	v4 =	vbroadcast v4, $0x0;
	v8 =	vshrl.u32 v8, $0x3  }
0x176: {  	v16 =	vld [tilespmem:s22+$0xFFFFFF80];
	v7 =	vshll.u32 v7, v2;
	v8 =	vshll.u32 v8, v2  }
0x177: {  	s0 =	sadd.s32 $0xA, s0;
	v7 =	vadd.s32 $0x3, v7;
	v5 =	vld.idx.msk [tilespmem:v5+s6+$0x0], $0xffff;
	v8 =	vadd.s32 $0x5, v8  }
0x178: {  	v21 =	vshll.u32 v9, $0x10;
	v11 =	vld.idx.msk [tilespmem:v6+s6+$0x0], $0xffff;
	v6 =	vbroadcast v8, $0x0;
	v8 =	vmov s0;
	s0 =	sadd.s32 $0x0, s23  }
0x179: {  	v7 =	vbroadcast v7, $0x0;
	s2 =	sadd.s32 $0x9, s0;
	s3 =	sadd.s32 $0xA, s0;
	v13 =	vld.idx.msk [tilespmem:v3+s6+$0x0], $0xffff;
	v3 =	vshrl.u32 v8, $0x3;
	v8 =	vand.u32 $0xFFFF0000, v10  }
0x17a: {  	v17 =	vld [tilespmem:s22+$0x60];
	s5 =	sadd.s32 $0xC, s0;
	s26 =	sadd.s32 $0xF, s0;
	v10 =	vshll.u32 v10, $0x10;
	v27 =	vmov s2;
	v28 =	vmov s3  }
0x17b: {  	v12 =	vld.idx.msk [tilespmem:v4+s6+$0x0], $0xffff;
	v29 =	vmov s5;
	v30 =	vmov s26;
	v3 =	vshll.u32 v3, v2  }
0x17c: {  	v15 =	vld [tilespmem:s22+$0x40];
	v4 =	vmul.f32 v8, v14;
	v8 =	vmul.f32 v10, v14;
	v27 =	vshrl.u32 v27, $0x3  }
0x17d: {  	v24 =	vld [tilespmem:s22+$0xFFFFFFC0];
	v29 =	vshrl.u32 v29, $0x3;
	v18 =	vadd.s32 $0x2, v3;
	v3 =	vshll.u32 v16, $0x10  }
0x17e: {  	v10 =	vld [tilespmem:s22+$0xFFFFFFE0];
	v16 =	vand.u32 $0xFFFF0000, v16;
	v27 =	vshll.u32 v27, v2;
	v19 =	vmul.f32 v3, v5  }
0x17f: {  	v7 =	vld.idx.msk [tilespmem:v7+s6+$0x0], $0xffff;
	v3 =	vshll.u32 v17, $0x10;
	v16 =	vmul.f32 v16, v5;
	[tilespmem:s25+$0xFFFFFF40] =	vst v8;
	v8 =	vbroadcast v18, $0x0  }
0x180: {  	[tilespmem:s25+$0xFFFFFF50] =	vst v4;
	v4 =	vand.u32 $0xFFFF0000, v17;
	v17 =	vld [tilespmem:s22+$0x20];
	v18 =	vmul.f32 v21, v12;
	v20 =	vmul.f32 v3, v11  }
0x181: {  	v3 =	vld.idx.msk [tilespmem:v6+s6+$0x0], $0xffff;
	v6 =	vshll.u32 v15, $0x10;
	v15 =	vand.u32 $0xFFFF0000, v15;
	v23 =	vmul.f32 v4, v11  }
0x182: {  	v4 =	vand.u32 $0xFFFF0000, v9;
	v15 =	vmul.f32 v15, v13;
	v6 =	vmul.f32 v6, v13  }
0x183: {  	v21 =	vld [tilespmem:s22+$0xFFFFFFB0];
	[tilespmem:s25+$0xFFFFFF00] =	vst v19;
	v19 =	vand.u32 $0xFFFF0000, v24;
	v24 =	vshll.u32 v24, $0x10;
	v22 =	vshll.u32 v10, $0x10  }
0x184: {  	s31 =	sadd.s32 $0xB, s0;
	v10 =	vand.u32 $0xFFFF0000, v10;
	[tilespmem:s25+$0xD0] =	vst v23;
	v23 =	vshll.u32 v29, v2;
	v9 =	vmul.f32 v22, v7  }
0x185: {  	v22 =	vmul.f32 v4, v12;
	v10 =	vmul.f32 v10, v7;
	[tilespmem:s25+$0x90] =	vst v15;
	v15 =	vmov s31  }
0x186: {  	[tilespmem:s25+$0xFFFFFF10] =	vst v16;
	v23 =	vadd.s32 $0x4, v23;
	v25 =	vshll.u32 v17, $0x10;
	v4 =	vand.u32 $0xFFFF0000, v17  }
0x187: {  	s8 =	sadd.s32 $0xD, s0;
	[tilespmem:s25+$0x0] =	vst v18;
	v31 =	vld [tilespmem:s22+$0xFFFFFF90];
	v15 =	vshrl.u32 v15, $0x3;
	v23 =	vbroadcast v23, $0x0;
	v17 =	vmul.f32 v4, v3  }
0x188: {  	s10 =	sadd.s32 $0x8, s0;
	s0 =	sadd.s32 $0xE, s0;
	[tilespmem:s25+$0xC0] =	vst v20;
	v26 =	vshll.u32 v21, $0x10;
	v21 =	vand.u32 $0xFFFF0000, v21;
	v4 =	vld.idx.msk [tilespmem:v8+s6+$0x0], $0xffff;
	v8 =	vmov s8  }
0x189: {  	s26 =	simm.s32 $0x1BFA0;
	[tilespmem:s25+$0x80] =	vst v6;
	v18 =	vmul.f32 v25, v3;
	v25 =	vadd.s32 $0x1, v27;
	v27 =	vmov s0  }
0x18a: {  	v6 =	vld [tilespmem:s26+$0xFFFFFFA0];
	[tilespmem:s25+$0xFFFFFFD0] =	vst v10;
	v15 =	vshll.u32 v15, v2;
	v16 =	vmul.f32 v21, v14;
	v21 =	vmov s10  }
0x18b: {  	[tilespmem:s25+$0xFFFFFFC0] =	vst v9;
	v8 =	vshrl.u32 v8, $0x3;
	v25 =	vbroadcast v25, $0x0;
	v14 =	vmul.f32 v26, v14  }
0x18c: {  	v32 =	vld [tilespmem:s26+$0x0];
	[tilespmem:s25+$0x10] =	vst v22;
	v15 =	vadd.s32 $0x3, v15;
	v8 =	vshll.u32 v8, v2;
	v10 =	vshrl.u32 v21, $0x3  }
0x18d: {  	v22 =	vld [tilespmem:s22+$0x50];
	v21 =	vshrl.u32 v27, $0x3;
	v20 =	vshll.u32 v31, $0x10;
	[tilespmem:s25+$0x50] =	vst v17;
	v8 =	vadd.s32 $0x5, v8  }
0x18e: {  	v27 =	vld [tilespmem:s22+$0xFFFFFFF0];
	[tilespmem:s25+$0x40] =	vst v18;
	v9 =	vshll.u32 v10, v2;
	v10 =	vshrl.u32 v30, $0x3;
	v21 =	vshll.u32 v21, v2  }
0x18f: {  	v30 =	vand.u32 $0xFFFF0000, v31;
	v20 =	vmul.f32 v20, v5;
	v29 =	vld [tilespmem:s22+$0x30];
	[tilespmem:s25+$0xFFFFFF60] =	vst v14;
	v14 =	vshll.u32 v6, $0x10  }
0x190: {  	v31 =	vld [tilespmem:s26+$0x40];
	v10 =	vshll.u32 v10, v2;
	v9 =	vbroadcast v9, $0x0;
	v17 =	vmul.f32 v30, v5  }
0x191: {  	v30 =	vld [tilespmem:s22+$0x10];
	v21 =	vadd.s32 $0x6, v21;
	v34 =	vbroadcast v8, $0x0;
	v24 =	vmul.f32 v24, v4  }
0x192: {  	v19 =	vmul.f32 v19, v4;
	v10 =	vadd.s32 $0x7, v10;
	v21 =	vbroadcast v21, $0x0;
	[tilespmem:s25+$0xFFFFFF20] =	vst v20;
	v20 =	vld [tilespmem:s26+$0xFFFFFF80]  }
0x193: {  	v10 =	vbroadcast v10, $0x0;
	v5 =	vld.idx.msk [tilespmem:v25+s6+$0x0], $0xffff;
	v18 =	vshll.u32 v27, $0x10;
	v26 =	vand.u32 $0xFFFF0000, v27  }
0x194: {  	v25 =	vld [tilespmem:s22+$0x70];
	v27 =	vbroadcast v15, $0x0;
	v15 =	vand.u32 $0xFFFF0000, v6;
	[tilespmem:s25+$0xFFFFFF90] =	vst v19;
	v19 =	vand.u32 $0xFFFF0000, v32  }
0x195: {  	[tilespmem:s25+$0xFFFFFF70] =	vst v16;
	v8 =	vld.idx.msk [tilespmem:v23+s6+$0x0], $0xffff;
	v18 =	vmul.f32 v18, v7;
	v7 =	vmul.f32 v26, v7;
	v26 =	vshrl.u32 v28, $0x3  }
0x196: {  	[tilespmem:s25+$0xFFFFFF80] =	vst v24;
	v28 =	vand.u32 $0xFFFF0000, v22;
	v22 =	vshll.u32 v22, $0x10;
	v24 =	vshll.u32 v26, v2;
	v26 =	vld [tilespmem:s26+$0x60]  }
0x197: {  	[tilespmem:s25+$0xFFFFFF30] =	vst v17;
	v17 =	vshll.u32 v30, $0x10;
	v30 =	vand.u32 $0xFFFF0000, v30;
	v62 =	vmul.f32 v22, v13;
	v9 =	vld.idx.msk [tilespmem:v9+s6+$0x0], $0xffff  }
0x198: {  	v24 =	vadd.s32 $0x2, v24;
	[tilespmem:s25+$0xFFFFFFF0] =	vst v7;
	v16 =	vand.u32 $0xFFFF0000, v20;
	v7 =	vld.idx.msk [tilespmem:v21+s6+$0x0], $0xffff;
	v15 =	vmul.f32 v15, v5  }
0x199: {  	[tilespmem:s25+$0xFFFFFFE0] =	vst v18;
	v33 =	vshll.u32 v25, $0x10;
	v6 =	vld.idx.msk [tilespmem:v10+s6+$0x0], $0xffff;
	v18 =	vmul.f32 v14, v5;
	v10 =	vshll.u32 v20, $0x10  }
0x19a: {  	s28 =	simm.s32 $0x1D120;
	v20 =	vshll.u32 v29, $0x10;
	v25 =	vand.u32 $0xFFFF0000, v25;
	v33 =	vmul.f32 v33, v11  }
0x19b: {  	v63 =	vld [tilespmem:s26+$0x20];
	v20 =	vmul.f32 v20, v3;
	[tilespmem:s28+$0xFFFFFF50] =	vst v15;
	v35 =	vand.u32 $0xFFFF0000, v26;
	v15 =	vmul.f32 v17, v12  }
0x19c: {  	v23 =	vld [tilespmem:s26+$0xFFFFFFE0];
	[tilespmem:s25+$0xA0] =	vst v62;
	v17 =	vshll.u32 v26, $0x10;
	v26 =	vmul.f32 v28, v13;
	v13 =	vshll.u32 v32, $0x10  }
0x19d: {  	v22 =	vld [tilespmem:s22+$0xFFFFFFD0];
	[tilespmem:s28+$0xFFFFFF40] =	vst v18;
	v18 =	vand.u32 $0xFFFF0000, v31;
	v14 =	vmul.f32 v10, v9;
	v13 =	vmul.f32 v13, v8  }
0x19e: {  	v10 =	vld.idx.msk [tilespmem:v27+s6+$0x0], $0xffff;
	v16 =	vmul.f32 v16, v9;
	v27 =	vshll.u32 v31, $0x10;
	[tilespmem:s25+$0xB0] =	vst v26;
	v31 =	vmul.f32 v18, v7  }
0x19f: {  	v28 =	vand.u32 $0xFFFF0000, v29;
	v26 =	vmul.f32 v19, v8;
	v21 =	vmul.f32 v17, v6;
	[tilespmem:s28+$0x0] =	vst v13;
	v13 =	vld.idx.msk [tilespmem:v34+s6+$0x0], $0xffff  }
0x1a0: {  	v29 =	vand.u32 $0xFFFF0000, v63;
	[tilespmem:s25+$0xE0] =	vst v33;
	v19 =	vld [tilespmem:s26+$0xFFFFFFB0];
	v17 =	vbroadcast v24, $0x0;
	v24 =	vmul.f32 v30, v12  }
0x1a1: {  	[tilespmem:s28+$0xFFFFFF10] =	vst v16;
	v16 =	vshll.u32 v23, $0x10;
	v30 =	vand.u32 $0xFFFF0000, v23;
	v12 =	vmul.f32 v35, v6  }
0x1a2: {  	v23 =	vmul.f32 v27, v7;
	v27 =	vshll.u32 v22, $0x10;
	[tilespmem:s25+$0x30] =	vst v24;
	v24 =	vmul.f32 v25, v11  }
0x1a3: {  	s8 =	simm.s32 $0x1D120;
	s10 =	simm.s32 $0x1C0A0;
	s22 =	simm.s32 $0x8;
	[tilespmem:s28+$0x90] =	vst v31;
	v11 =	vld [tilespmem:s26+$0xFFFFFFC0];
	v25 =	vshll.u32 v63, $0x10;
	v16 =	vmul.f32 v16, v10;
	v18 =	vmul.f32 v30, v10  }
.LBB2_13:
0x1a4: {  	s0 =	sadd.s32 s22, s23;
	s22 =	sadd.s32 $0x8, s22;
	v29 =	vmul.f32 v29, v13;
	[tilespmem:s28+$0xC0] =	vst v21;
	s8 =	sadd.s32 $0x200, s8;
	v21 =	vand.u32 $0xFFFF0000, v22;
	v22 =	vmul.f32 v28, v3;
	v3 =	vmovc v13  }
0x1a5: {  	s1 =	sadd.s32 $0x9, s0;
	s2 =	sadd.s32 $0xA, s0;
	s3 =	sadd.s32 $0xB, s0;
	v13 =	vshll.u32 v19, $0x10;
	v19 =	vand.u32 $0xFFFF0000, v19;
	[tilespmem:s28+$0x10] =	vst v26;
	v26 =	vmul.f32 v27, v4  }
0x1a6: {  	s5 =	sadd.s32 $0xE, s0;
	v21 =	vmul.f32 v21, v4;
	v27 =	vmov s1;
	v28 =	vmov s2;
	s1 =	sadd.s32 $0xC, s0;
	s2 =	sadd.s32 $0xD, s0;
	v4 =	vld.idx.msk [tilespmem:v17+s6+$0x0], $0xffff;
	[tilespmem:s25+$0x20] =	vst v15  }
0x1a7: {  	s31 =	sadd.s32 $0x8, s0;
	p1 =	slt.u32 s22, $0x78;
	s0 =	sadd.s32 $0xF, s0;
	v19 =	vmul.f32 v19, v5;
	v15 =	vmov s1;
	v17 =	vmov s2;
	[tilespmem:s25+$0x70] =	vst v22  }
0x1a8: {  	v22 =	vmov s31;
	v30 =	vmov s0;
	[tilespmem:s28+$0xFFFFFF00] =	vst v14;
	v14 =	vand.u32 $0xFFFF0000, v11  }
0x1a9: {  	v27 =	vshrl.u32 v27, $0x3;
	v17 =	vshrl.u32 v17, $0x3;
	v11 =	vshll.u32 v11, $0x10;
	v31 =	vld [tilespmem:s26+$0xFFFFFF90];
	[tilespmem:s25+$0xFFFFFFA0] =	vst v26  }
0x1aa: {  	v25 =	vmul.f32 v25, v3;
	v26 =	vshll.u32 v27, v2;
	v17 =	vshll.u32 v17, v2;
	[tilespmem:s28+$0x80] =	vst v23  }
0x1ab: {  	v23 =	vadd.s32 $0x1, v26;
	v26 =	vmov s3;
	v17 =	vadd.s32 $0x5, v17;
	[tilespmem:s25+$0xF0] =	vst v24  }
0x1ac: {  	v23 =	vbroadcast v23, $0x0;
	v24 =	vmov s5;
	v11 =	vmul.f32 v11, v4;
	[tilespmem:s28+$0xFFFFFFD0] =	vst v18  }
0x1ad: {  	v27 =	vmul.f32 v14, v4;
	v18 =	vshrl.u32 v22, $0x3;
	v24 =	vshrl.u32 v24, $0x3;
	v22 =	vld [tilespmem:s10+$0x0];
	[tilespmem:s28+$0xFFFFFFC0] =	vst v16  }
0x1ae: {  	v14 =	vshll.u32 v18, v2;
	v16 =	vshrl.u32 v30, $0x3;
	v18 =	vshll.u32 v31, $0x10;
	v30 =	vld [tilespmem:s26+$0xFFFFFFF0];
	[tilespmem:s25+$0x60] =	vst v20  }
0x1af: {  	v24 =	vshll.u32 v24, v2;
	v16 =	vshll.u32 v16, v2;
	v31 =	vand.u32 $0xFFFF0000, v31;
	v20 =	vld [tilespmem:s10+$0xFFFFFFA0];
	[tilespmem:s25+$0xFFFFFFB0] =	vst v21;
	s25 =	smov.u32 s28;
	s28 =	smov.u32 s8  }
0x1b0: {  	v14 =	vbroadcast v14, $0x0;
	v16 =	vadd.s32 $0x7, v16;
	v18 =	vmul.f32 v18, v9;
	[tilespmem:s25+$0x50] =	vst v29;
	v21 =	vld [tilespmem:s26+$0x50]  }
0x1b1: {  	v15 =	vshrl.u32 v15, $0x3;
	v9 =	vmul.f32 v31, v9;
	v16 =	vbroadcast v16, $0x0;
	v29 =	vld [tilespmem:s26+$0x10];
	[tilespmem:s25+$0x40] =	vst v25  }
0x1b2: {  	v13 =	vmul.f32 v13, v5;
	v24 =	vadd.s32 $0x6, v24;
	v25 =	vld [tilespmem:s26+$0x30];
	[tilespmem:s25+$0xD0] =	vst v12  }
0x1b3: {  	v12 =	vshll.u32 v15, v2;
	v15 =	vbroadcast v24, $0x0;
	v5 =	vld.idx.msk [tilespmem:v23+s6+$0x0], $0xffff;
	[tilespmem:s25+$0xFFFFFF20] =	vst v18;
	v18 =	vshll.u32 v30, $0x10  }
0x1b4: {  	v23 =	vshrl.u32 v26, $0x3;
	v12 =	vadd.s32 $0x4, v12;
	[tilespmem:s25+$0xFFFFFF30] =	vst v9;
	v9 =	vand.u32 $0xFFFF0000, v30;
	v24 =	vld [tilespmem:s26+$0x70]  }
0x1b5: {  	v23 =	vshll.u32 v23, v2;
	v12 =	vbroadcast v12, $0x0;
	v26 =	vld [tilespmem:s10+$0x40];
	[tilespmem:s25+$0xFFFFFF80] =	vst v11;
	v11 =	vmul.f32 v18, v10  }
0x1b6: {  	v23 =	vadd.s32 $0x3, v23;
	v10 =	vmul.f32 v9, v10;
	v18 =	vld [tilespmem:s10+$0xFFFFFF80];
	[tilespmem:s25+$0xFFFFFF60] =	vst v13;
	v13 =	vshll.u32 v29, $0x10  }
0x1b7: {  	v23 =	vbroadcast v23, $0x0;
	v9 =	vld.idx.msk [tilespmem:v14+s6+$0x0], $0xffff;
	v14 =	vshrl.u32 v28, $0x3;
	[tilespmem:s25+$0xFFFFFFE0] =	vst v11  }
0x1b8: {  	v30 =	vand.u32 $0xFFFF0000, v21;
	v11 =	vand.u32 $0xFFFF0000, v20;
	v14 =	vshll.u32 v14, v2;
	v28 =	vld [tilespmem:s10+$0x60];
	[tilespmem:s25+$0xFFFFFFF0] =	vst v10  }
0x1b9: {  	v10 =	vshll.u32 v20, $0x10;
	v11 =	vmul.f32 v11, v5;
	v20 =	vld.idx.msk [tilespmem:v16+s6+$0x0], $0xffff;
	[tilespmem:s25+$0xFFFFFF70] =	vst v19;
	v16 =	vshll.u32 v24, $0x10  }
0x1ba: {  	v19 =	vmul.f32 v10, v5;
	v31 =	vadd.s32 $0x2, v14;
	v32 =	vld.idx.msk [tilespmem:v15+s6+$0x0], $0xffff;
	v16 =	vmul.f32 v16, v6  }
0x1bb: {  	v29 =	vand.u32 $0xFFFF0000, v29;
	v33 =	vld.idx.msk [tilespmem:v12+s6+$0x0], $0xffff;
	v12 =	vbroadcast v17, $0x0;
	v17 =	vshll.u32 v21, $0x10  }
0x1bc: {  	v34 =	vshll.u32 v25, $0x10;
	v10 =	vshll.u32 v18, $0x10;
	v18 =	vand.u32 $0xFFFF0000, v18;
	[tilespmem:s8+$0xFFFFFF50] =	vst v11;
	v11 =	vld [tilespmem:s10+$0xFFFFFFE0]  }
0x1bd: {  	v15 =	vmul.f32 v13, v8;
	v14 =	vmul.f32 v10, v9;
	v10 =	vld.idx.msk [tilespmem:v23+s6+$0x0], $0xffff;
	v23 =	vand.u32 $0xFFFF0000, v28  }
0x1be: {  	v18 =	vmul.f32 v18, v9;
	v13 =	vshll.u32 v28, $0x10;
	v28 =	vmul.f32 v30, v7;
	[tilespmem:s25+$0xE0] =	vst v16  }
0x1bf: {  	v35 =	vshll.u32 v26, $0x10;
	v36 =	vmul.f32 v17, v7;
	v21 =	vmul.f32 v13, v20;
	v30 =	vld [tilespmem:s10+$0x20];
	[tilespmem:s25+$0xFFFFFF90] =	vst v27  }
0x1c0: {  	v17 =	vbroadcast v31, $0x0;
	v13 =	vshll.u32 v22, $0x10;
	v27 =	vand.u32 $0xFFFF0000, v22;
	v7 =	vmovc v32;
	v22 =	vld [tilespmem:s26+$0xFFFFFFD0];
	[tilespmem:s25+$0xB0] =	vst v28;
	s26 =	smov.u32 s10  }
0x1c1: {  	v29 =	vmul.f32 v29, v8;
	v26 =	vand.u32 $0xFFFF0000, v26;
	v28 =	vmul.f32 v13, v33;
	[tilespmem:s8+$0xFFFFFF40] =	vst v19;
	v13 =	vld.idx.msk [tilespmem:v12+s6+$0x0], $0xffff  }
.Ltmp16:
0x1c2: {  	v8 =	vmovc v33;
	v16 =	vshll.u32 v11, $0x10;
	v11 =	vand.u32 $0xFFFF0000, v11;
	v12 =	vmul.f32 v23, v20;
	[tilespmem:s8+$0xFFFFFF10] =	vst v18;
	(pc) =	sbr.rel @p1 .LBB2_13-.Ltmp16, $4  }
0x1c3: {  	v24 =	vand.u32 $0xFFFF0000, v24;
	v31 =	vmul.f32 v26, v7;
	v16 =	vmul.f32 v16, v10;
	v19 =	vld [tilespmem:s10+$0xFFFFFFB0];
	[tilespmem:s8+$0x0] =	vst v28  }
0x1c4: {  	v26 =	vmul.f32 v27, v8;
	v23 =	vmul.f32 v35, v7;
	v28 =	vand.u32 $0xFFFF0000, v25;
	[tilespmem:s25+$0x30] =	vst v29  }
0x1c5: {  	v24 =	vmul.f32 v24, v6;
	v6 =	vmovc v20;
	v18 =	vmul.f32 v11, v10;
	v27 =	vshll.u32 v22, $0x10;
	[tilespmem:s25+$0xA0] =	vst v36  }
0x1c6: {  	v20 =	vmul.f32 v34, v3;
	s10 =	sadd.s32 $0x100, s10;
	v25 =	vshll.u32 v30, $0x10;
	v29 =	vand.u32 $0xFFFF0000, v30;
	v11 =	vld [tilespmem:s26+$0xFFFFFFC0];
	[tilespmem:s8+$0x90] =	vst v31  }
0x1c7: {  	[tilespmem:s28+$0xC0] =	vst v21  }
0x1c8: {  	[tilespmem:s28+$0x10] =	vst v26  }
0x1c9: {  	[tilespmem:s25+$0x20] =	vst v15  }
0x1ca: {  	[tilespmem:s28+$0xFFFFFF00] =	vst v14  }
0x1cb: {  	[tilespmem:s28+$0x80] =	vst v23  }
0x1cc: {  	[tilespmem:s25+$0xF0] =	vst v24  }
0x1cd: {  	[tilespmem:s28+$0xFFFFFFD0] =	vst v18  }
0x1ce: {  	[tilespmem:s28+$0xFFFFFFC0] =	vst v16  }
0x1cf: {  	v3 =	vmul.f32 v28, v3;
	v37 =	vld.idx.msk [tilespmem:v17+s6+$0x0], $0xffff;
	[tilespmem:s28+$0xD0] =	vst v12  }
0x1d0: {  	v33 =	vmul.f32 v27, v4;
	[tilespmem:s25+$0x60] =	vst v20;
	v39 =	vld [tilespmem:s26+$0xFFFFFFF0]  }
0x1d1: {  	v36 =	vmul.f32 v29, v13;
	[tilespmem:s25+$0x70] =	vst v3  }
0x1d2: {  	v34 =	vand.u32 $0xFFFF0000, v22;
	v38 =	vmul.f32 v25, v13;
	[tilespmem:s25+$0xFFFFFFA0] =	vst v33;
	v3 =	vld [tilespmem:s26+$0xFFFFFF90]  }
0x1d3: {  	v35 =	vmul.f32 v34, v4;
	v44 =	vld [tilespmem:s26+$0x70];
	v50 =	vand.u32 $0xFFFF0000, v19;
	[tilespmem:s28+$0x50] =	vst v36  }
0x1d4: {  	v45 =	vld [tilespmem:s26+$0x50];
	[tilespmem:s28+$0x40] =	vst v38;
	v52 =	vmul.f32 v50, v5;
	v41 =	vshll.u32 v11, $0x10  }
0x1d5: {  	[tilespmem:s25+$0xFFFFFFB0] =	vst v35;
	v43 =	vmul.f32 v41, v37;
	v46 =	vshll.u32 v39, $0x10  }
0x1d6: {  	[tilespmem:s28+$0xFFFFFF70] =	vst v52;
	v49 =	vand.u32 $0xFFFF0000, v39;
	v48 =	vmul.f32 v46, v10  }
0x1d7: {  	v40 =	vshll.u32 v3, $0x10;
	v3 =	vand.u32 $0xFFFF0000, v3;
	[tilespmem:s28+$0xFFFFFF80] =	vst v43;
	v51 =	vmul.f32 v49, v10  }
0x1d8: {  	v54 =	vshll.u32 v44, $0x10;
	v3 =	vmul.f32 v3, v9;
	[tilespmem:s28+$0xFFFFFFE0] =	vst v48  }
0x1d9: {  	v47 =	vld [tilespmem:s26+$0x10];
	v14 =	vshll.u32 v45, $0x10;
	v55 =	vmul.f32 v54, v6;
	[tilespmem:s28+$0xFFFFFFF0] =	vst v51  }
0x1da: {  	v59 =	vmul.f32 v14, v7;
	[tilespmem:s28+$0xFFFFFF30] =	vst v3;
	v3 =	vand.u32 $0xFFFF0000, v11  }
0x1db: {  	v53 =	vld [tilespmem:s26+$0x30];
	[tilespmem:s28+$0xE0] =	vst v55;
	v3 =	vmul.f32 v3, v37  }
0x1dc: {  	v42 =	vshll.u32 v19, $0x10;
	v4 =	vmul.f32 v40, v9;
	[tilespmem:s28+$0xA0] =	vst v59  }
0x1dd: {  	v9 =	vmul.f32 v42, v5;
	[tilespmem:s28+$0xFFFFFF90] =	vst v3;
	v3 =	vand.u32 $0xFFFF0000, v45  }
0x1de: {  	v57 =	vand.u32 $0xFFFF0000, v47;
	[tilespmem:s28+$0xFFFFFF20] =	vst v4;
	v56 =	vld [tilespmem:s26+$0xFFFFFFD0];
	v3 =	vmul.f32 v3, v7  }
0x1df: {  	v58 =	vshll.u32 v47, $0x10;
	v5 =	vmul.f32 v57, v8;
	[tilespmem:s28+$0xFFFFFF60] =	vst v9  }
0x1e0: {  	v60 =	vand.u32 $0xFFFF0000, v53;
	[tilespmem:s28+$0xB0] =	vst v3;
	v3 =	vmul.f32 v58, v8  }
0x1e1: {  	[tilespmem:s28+$0x30] =	vst v5;
	v5 =	vmul.f32 v60, v13;
	v4 =	vand.u32 $0xFFFF0000, v44  }
0x1e2: {  	v4 =	vmul.f32 v4, v6;
	[tilespmem:s28+$0x20] =	vst v3;
	v3 =	vshll.u32 v53, $0x10  }
0x1e3: {  	[tilespmem:s28+$0x70] =	vst v5;
	v61 =	vshll.u32 v56, $0x10;
	v3 =	vmul.f32 v3, v13  }
.Ltmp17:
0x1e4: {  	[tilespmem:s28+$0xF0] =	vst v4;
	v63 =	vand.u32 $0xFFFF0000, v56;
	v62 =	vmul.f32 v61, v37;
	(pc) =	sbr.rel .LBB2_24-.Ltmp17, $4  }
0x1e5: {  	v5 =	vmul.f32 v63, v37;
	[tilespmem:s28+$0x60] =	vst v3  }
0x1e6: {  	[tilespmem:s28+$0xFFFFFFA0] =	vst v62  }
0x1e7: {  	s8 =	simm.s32 $0x3;
	[tilespmem:s28+$0xFFFFFFB0] =	vst v5  }
0x1e8: {  	[spmem:s4] =	stream.indirect.scatter.add.f32 [tilespmem:s29], [sflag:$0x3], $0x40, s21, s9, $0xb8;
	[tilespmem:$0x1EE20] =	vst v63  }
.LBB2_27:
0x1e9: {  	_ =	sfence.sel $0x180000  }
0x1ea: {  	[bflag:$0x0] =	sbarrier.arrive $0xFFFF  }
0x1eb: {  	_ =	strace $0x90000047  }
0x1ec: {  	[bflag:$0x2] =	sbarrier.arrive $0xFFFF  }
0x1ed: {  	s0 =	rddreg [dreg:$0x5]  }
0x1ee: {  	s0 =	sadd.s32 @!p0 $0x100000, s0  }
0x1ef: {  	[sflag:s0] =	ssyncadd.tile.s32 @!p0 $0x1;
	_ =	shalt  }
.Lfunc_end2:
_tile_overlayer_lowered:
.L_overlay_start_2:
0x1f0: {  	(tag) =	ssettag $0x2  }
0x1f1: {  	s0 =	rddreg [dreg:$0x0];
	s2 =	stileid.u32  }
0x1f2: {  	s1 =	rddreg [dreg:$0x1];
	p0 =	sne.s32 s2, $0x0  }
0x1f3: {  	s3 =	rddreg [dreg:$0x2];
	[bflag:$0x3] =	sbarrier.arrive $0xFFFF;
	s2 =	simm.s32 @!p0 $0x1C03  }
0x1f4: {  	[timem:s3], [sflag:s2] =	dma.local @!p0 [hbm:s0], s1  }
0x1f5: {  	s0 =	simm.s32 @!p0 $0x3  }
0x1f6: {  	_ =	swait.ge @!p0 [sflag:s0], s1  }
0x1f7: {  	s1 =	ssub.s32 @!p0 $0x0, s1;
	[sflag:s0] =	ssyncset.done @!p0 $0x0  }
0x1f8: {  	[sflag:s0] =	ssyncadd.s32 @!p0 s1  }
0x1f9: {  	[bflag:$0x3] =	sbarrier.arrive $0xFFFF  }
0x1fa: {  	_ =	shalt  }

// kernel: kernel.13.cloned.1.call-start
scs
__scs_entry_jumppad:
0x0: {  	(pc) =	sbr.rel $0x88, $3  }
0x1: {  	(tag) =	ssettag $0x0;
	lr =	simm.s32 $0x1  }
0x2: {  	[smem:$0x3F99] =	sst lr;
	_ =	strace $0xD0000000  }
0x3: {  	_ = 	snop  }
0x4: {  	_ = 	snop  }
0x5: {  	_ = 	snop  }
0x6: {  	_ = 	snop  }
0x7: {  	_ = 	snop  }
__scs_overlays_trampoline_lowered:
0x8: {  	[smem:$0x3FA8] =	sst s0  }
0x9: {  	[smem:$0x3FA9] =	sst s1  }
0xa: {  	[smem:$0x3FAA] =	sst s2  }
0xb: {  	[smem:$0x3FAB] =	sst s3  }
0xc: {  	[smem:$0x3FAC] =	sst s4  }
0xd: {  	[smem:$0x3FAD] =	sst s5  }
0xe: {  	[smem:$0x3FAE] =	sst s6  }
0xf: {  	[smem:$0x3FAF] =	sst s7  }
0x10: {  	[smem:$0x3FB0] =	sst s8  }
0x11: {  	[smem:$0x3FB1] =	sst s9;
	s0 =	simm.s32 @!p0 $0x0  }
0x12: {  	s1 =	sld [smem:$0x3F97];
	s0 =	simm.s32 @p0 $0x1  }
0x13: {  	[smem:$0x3FB2] =	sst s0;
	s0 =	simm.s32 @!p1 $0x0  }
0x14: {  	s2 =	sld [smem:$0x3F96];
	s0 =	simm.s32 @p1 $0x1  }
0x15: {  	[smem:$0x3FB3] =	sst s0;
	s0 =	simm.s32 @!p2 $0x0  }
0x16: {  	s3 =	sld [smem:$0x3FDB];
	s0 =	simm.s32 @p2 $0x1  }
0x17: {  	s4 =	simm.s32 $0x1BF5;
	[smem:$0x3FB5] =	sst s0  }
0x18: {  	s0 =	sld [smem:$0x3F98];
	_ =	swait.ge [sflag:s4], $0x0  }
0x19: {  	s7 =	sld [smem:$0x3F99]  }
0x1a: {  	s8 =	sadd.s32 $0xFFFFE003, lr  }
0x1b: {  	s9 =	sadd.s32 $0xFFFFFEF7, lr;
	s5 =	simm.s32 $0xFFFFFFFF;
	p2 =	slt.u32 s8, $0xFFFFF086  }
0x1c: {  	p1 =	slt.u32 s9, $0xF7A;
	s5 =	simm.s32 @!p2 $0x0  }
0x1d: {  	s5 =	simm.s32 @p1 $0x1;
	p0 =	seq.s32 s7, s2  }
0x1e: {  	s7 =	smul.u32 @!p0 $0xF7A, s2;
	p2 =	seq.s32 @!p0 s5, $0x0  }
0x1f: {  	s9 =	smul.u32 $0xF7A, s1;
	s8 =	simm.s32 @!p0 $0x1BF5;
	p2 =	por !p2, p0  }
0x20: {  	[sflag:s8] =	ssyncset.s32 @!p0 $0xFFFFF086;
	s6 =	sadd.s32 @!p0 s3, s7;
	s7 =	simm.s32 @!p0 $0x108  }
0x21: {  	s3 =	sadd.s32 s3, s9;
	s6 =	sadd.s32 @!p0 $0x88, s6;
	s7 =	simm.s32 @p2 $0x1082  }
0x22: {  	[simem:s7], [sflag:s8] =	dma.local @!p0 [hbm:s6], $0xF7A  }
0x23: {  	s9 =	sor.u32 $0xD0000000, s2;
	s6 =	simm.s32 $0x108;
	_ =	swait.ge @!p0 [sflag:s8], $0x0  }
0x24: {  	s3 =	sadd.s32 $0x88, s3;
	s6 =	simm.s32 @!p1 $0x1082;
	[sflag:s4] =	ssyncset.s32 $0xFFFFF086  }
0x25: {  	[simem:s6], [sflag:s4] =	dma.local [hbm:s3], $0xF7A  }
0x26: {  	[smem:$0x3F99] =	sst s1;
	(tag) =	ssettag s2;
	_ =	strace s9  }
0x27: {  	s1 =	sld [smem:$0x3FA9]  }
0x28: {  	s2 =	sld [smem:$0x3FAA]  }
0x29: {  	s4 =	sld [smem:$0x3FAC]  }
0x2a: {  	p0 =	seq.s32 s5, $0x0;
	s5 =	sld [smem:$0x3FAD]  }
0x2b: {  	s6 =	sld [smem:$0x3FAE]  }
0x2c: {  	s7 =	sld [smem:$0x3FAF]  }
0x2d: {  	s3 =	simm.s32 $0x108;
	s8 =	sld [smem:$0x3FB0]  }
0x2e: {  	s3 =	simm.s32 @!p0 $0x1082;
	s9 =	sld [smem:$0x3FB1]  }
0x2f: {  	lr =	sadd.s32 s0, s3;
	s0 =	sld [smem:$0x3FA8]  }
0x30: {  	s3 =	sld [smem:$0x3FAB]  }
0x31: {  	[smem:$0x3FB4] =	sst s10  }
0x32: {  	s10 =	sld [smem:$0x3FB2];
	_ =	sdelay $0x3  }
0x33: {  	p0 =	seq.s32 s10, $0x1;
	s10 =	sld [smem:$0x3FB4];
	_ =	sdelay $0x3  }
0x34: {  	[smem:$0x3FB4] =	sst s10  }
0x35: {  	s10 =	sld [smem:$0x3FB3];
	_ =	sdelay $0x3  }
0x36: {  	p1 =	seq.s32 s10, $0x1;
	s10 =	sld [smem:$0x3FB4];
	_ =	sdelay $0x3  }
0x37: {  	[smem:$0x3FB4] =	sst s10  }
0x38: {  	s10 =	sld [smem:$0x3FB5]  }
0x39: {  	_ = 	snop;
	(pc) =	sbr.ind lr, $3  }
0x3a: {  	_ = 	snop  }
0x3b: {  	_ = 	snop  }
0x3c: {  	p2 =	seq.s32 s10, $0x1;
	s10 =	sld [smem:$0x3FB4]  }
0x3d: {  	_ =	shalt  }
0x3e: {  	_ =	shalt  }
0x3f: {  	_ =	shalt  }
0x40: {  	_ =	shalt  }
0x41: {  	_ =	shalt  }
0x42: {  	_ =	shalt  }
0x43: {  	_ =	shalt  }
0x44: {  	_ =	shalt  }
0x45: {  	_ =	shalt  }
0x46: {  	_ =	shalt  }
0x47: {  	_ =	shalt  }
0x48: {  	_ =	shalt  }
0x49: {  	_ =	shalt  }
0x4a: {  	_ =	shalt  }
0x4b: {  	_ =	shalt  }
0x4c: {  	_ =	shalt  }
0x4d: {  	_ =	shalt  }
0x4e: {  	_ =	shalt  }
0x4f: {  	_ =	shalt  }
0x50: {  	_ =	shalt  }
0x51: {  	_ =	shalt  }
0x52: {  	_ =	shalt  }
0x53: {  	_ =	shalt  }
0x54: {  	_ =	shalt  }
0x55: {  	_ =	shalt  }
0x56: {  	_ =	shalt  }
0x57: {  	_ =	shalt  }
0x58: {  	_ =	shalt  }
0x59: {  	_ =	shalt  }
0x5a: {  	_ =	shalt  }
0x5b: {  	_ =	shalt  }
0x5c: {  	_ =	shalt  }
0x5d: {  	_ =	shalt  }
0x5e: {  	_ =	shalt  }
0x5f: {  	_ =	shalt  }
0x60: {  	_ =	shalt  }
0x61: {  	_ =	shalt  }
0x62: {  	_ =	shalt  }
0x63: {  	_ =	shalt  }
0x64: {  	_ =	shalt  }
0x65: {  	_ =	shalt  }
0x66: {  	_ =	shalt  }
0x67: {  	_ =	shalt  }
0x68: {  	_ =	shalt  }
0x69: {  	_ =	shalt  }
0x6a: {  	_ =	shalt  }
0x6b: {  	_ =	shalt  }
0x6c: {  	_ =	shalt  }
0x6d: {  	_ =	shalt  }
0x6e: {  	_ =	shalt  }
0x6f: {  	_ =	shalt  }
0x70: {  	_ =	shalt  }
0x71: {  	_ =	shalt  }
0x72: {  	_ =	shalt  }
0x73: {  	_ =	shalt  }
0x74: {  	_ =	shalt  }
0x75: {  	_ =	shalt  }
0x76: {  	_ =	shalt  }
0x77: {  	_ =	shalt  }
0x78: {  	_ =	shalt  }
0x79: {  	_ =	shalt  }
0x7a: {  	_ =	shalt  }
0x7b: {  	_ =	shalt  }
0x7c: {  	_ =	shalt  }
0x7d: {  	_ =	shalt  }
0x7e: {  	_ =	shalt  }
0x7f: {  	_ =	shalt  }
0x80: {  	_ =	shalt  }
0x81: {  	_ =	shalt  }
0x82: {  	_ =	shalt  }
0x83: {  	_ =	shalt  }
0x84: {  	_ =	shalt  }
0x85: {  	_ =	shalt  }
0x86: {  	_ =	shalt  }
0x87: {  	_ =	shalt  }
.Lfunc_end0:
.L_simem_size_0:
called_computation.1_lowered:
.L_overlay_start_0:
0x88: {  	s2 =	sld [smem:$0x3FD9]  }
0x89: {  	s3 =	sld [smem:$0x3FFE];
	_ =	sdelay $0x1  }
0x8a: {  	s1 =	srdreg.scid  }
0x8b: {  	s0 =	sand.u32 $0x1, s1  }
0x8c: {  	s17 =	sshll.u32 s0, $0xA;
	s2 =	sadd.s32 s3, s2  }
0x8d: {  	s2 =	sadd.s32 s2, s17  }
0x8e: {  	[smem:$0x3FC0] =	sst s2  }
0x8f: {  	_ = 	snop  }
0x90: {  	s2 =	sld [smem:$0x3FC4]  }
0x91: {  	s18 =	sld [smem:$0x3FC3]  }
0x92: {  	s4 =	sld [smem:$0x3FC2];
	(tm) =	ssettm $0x1  }
0x93: {  	s5 =	sld [smem:$0x3FFB];
	_ =	sdelay $0x3  }
0x94: {  	_ =	strace s5  }
0x95: {  	s5 =	sld [smem:$0x3FFC];
	_ =	sdelay $0x3  }
0x96: {  	_ =	strace s5  }
0x97: {  	s5 =	sld [smem:$0x3FFD];
	_ =	sdelay $0x3  }
0x98: {  	_ =	strace s5  }
0x99: {  	_ =	strace $0x8FFFFFFF  }
0x9a: {  	s19 =	sld [smem:$0x3FDB];
	_ =	sdelay $0x1  }
0x9b: {  	s6 =	simm.s32 $_scs_section_size  }
0x9c: {  	s7 =	simm.s32 $_size__tile_overlayer_lowered;
	s8 =	simm.s32 $_tile_overlayer_lowered  }
0x9d: {  	s22 =	simm.s32 $0x1BFF;
	s21 =	sshll.u32 s8, $0x1;
	s5 =	sadd.s32 s6, s19  }
0x9e: {  	s9 =	simm.s32 $0x0;
	s20 =	sshll.u32 s7, $0x1;
	s7 =	sadd.s32 s21, s5  }
0x9f: {  	[timem:s9], [sflag:s22] =	dma.local [hbm:s7], s20  }
0xa0: {  	_ =	swait.ge [sflag:s22], s20  }
0xa1: {  	s6 =	ssub.s32 $0x0, s20;
	[sflag:s22] =	ssyncset.done $0x0  }
0xa2: {  	[sflag:s22] =	ssyncadd.s32 s6;
	_ =	sdelay $0x1  }
0xa3: {  	s23 =	simm.s32 $0x1B8B  }
0xa4: {  	_ =	swait.ge [sflag:s23], $0x1  }
0xa5: {  	[sflag:s23] =	ssyncset.done $0x0  }
0xa6: {  	s25 =	simm.s32 $0x1B8E;
	s24 =	sld [smem:$0x3FFE];
	[sflag:s23] =	ssyncadd.s32 $0xFFFFFFFF  }
0xa7: {  	s26 =	simm.s32 $execute0_lowered;
	[smem:$0x3FD2] =	sst s25  }
0xa8: {  	s7 =	sshll.u32 s26, $0x1;
	_ =	strace $0x80000049;
	[dreg:$0x1] =	wrdreg $0xFFFFFFFF  }
0xa9: {  	s28 =	simm.s32 $_size_execute0_lowered;
	s5 =	sadd.s32 s5, s7;
	[dreg:$0x0] =	wrdreg $0x0  }
0xaa: {  	s7 =	sshll.u32 s28, $0x1;
	[dreg:$0x2] =	wrdreg s5  }
0xab: {  	[dreg:$0x3] =	wrdreg s7  }
0xac: {  	[dreg:$0x4] =	wrdreg $0xC0  }
0xad: {  	_ =	task [dreg:s9], $0x5FFFF  }
0xae: {  	[dreg:$0x1] =	wrdreg $0xFFFFFFFF  }
0xaf: {  	[dreg:$0x0] =	wrdreg $0x60  }
0xb0: {  	[dreg:$0x2] =	wrdreg s24  }
0xb1: {  	[dreg:$0x3] =	wrdreg s2  }
0xb2: {  	[dreg:$0x4] =	wrdreg s18  }
0xb3: {  	[dreg:$0x5] =	wrdreg s4  }
0xb4: {  	[dreg:$0x6] =	wrdreg $0x0  }
0xb5: {  	[dreg:$0x7] =	wrdreg $0x9  }
0xb6: {  	_ =	task.clear_ibuf [dreg:s9], $0x8FFFF;
	_ =	strace $0x90000049  }
0xb7: {  	s29 =	simm.s32 $0x9;
	_ =	strace $0x8000004B  }
0xb8: {  	_ =	swait.ge [sflag:s29], $0x1  }
0xb9: {  	[sflag:s29] =	ssyncadd.s32 $0xFFFFFFFF  }
0xba: {  	_ =	strace $0x9000004B  }
0xbb: {  	_ =	sfence  }
0xbc: {  	s30 =	sld [smem:$0x0];
	_ =	sdelay $0x2  }
0xbd: {  	s31 =	sshll.u32 s1, $0xD;
	s1 =	sshrl.u32 s1, $0x2  }
0xbe: {  	s3 =	sand.u32 $0x4000, s31;
	s1 =	sadd.s32 s1, s30  }
0xbf: {  	s0 =	sor.u32 s3, s0;
	s1 =	sshll.u32 s1, $0x11  }
0xc0: {  	s0 =	sor.u32 s1, s0  }
0xc1: {  	s0 =	sadd.s32 $0x8F2B, s0  }
0xc2: {  	[sflag:s0] =	ssyncadd.remote.s32 $0x1  }
0xc3: {  	_ =	sfence.sel $0xFFFF  }
0xc4: {  	[dreg:$0x0] =	wrdreg $0xFFFFFFFF;
	(pc) =	sbr.abs _section_cstart, $3  }
0xc5: {  	[dreg:$0x1] =	wrdreg $0xFFFFFFFF  }
0xc6: {  	_ =	task.clear_ibuf [dreg:s9], $0x2FFFF;
	_ =	strace $0x9FFFFFFF  }
0xc7: {  	(tm) =	ssettm $0x7FFFFFFF  }
tec
execute0_lowered:
.L_overlay_start_1:
0x0: {  	(tag) =	ssettag $0x1  }
0x1: {  	s0 =	rddreg [dreg:$0x0]  }
0x2: {  	s4 =	rddreg [dreg:$0x4];
	s1 =	simm.s32 $0x0;
	s2 =	stileid.u32  }
0x3: {  	s6 =	srdreg.scid;
	s29 =	simm.s32 $0x1CE20;
	s30 =	simm.s32 $0x3  }
0x4: {  	[smem:$0x7FF] =	sst s1;
	s8 =	smul.u32 $0x61800, s2;
	s7 =	sadd.s32 $0x129400, s0  }
0x5: {  	s0 =	sadd.s32 $0x15A200, s0;
	s6 =	sand.u32 $0x1, s6;
	s10 =	smul.u32 $0x618, s2  }
0x6: {  	s14 =	smul.u32 $0x7, s2;
	s12 =	smin.u32 s2, $0xD;
	p0 =	slt.u32 s2, $0xD  }
0x7: {  	_ =	strace $0x8000004A;
	s9 =	ssub.s32 $0x2, s6;
	s13 =	smul.u32 $0x186A00, s6  }
0x8: {  	s8 =	sshrl.u32 s8, $0x2;
	s11 =	sshrl.u32 s9, $0x1;
	s12 =	sadd.s32 s12, s14  }
0x9: {  	s14 =	simm.s32 $0x1AC20;
	s3 =	sadd.s32 s8, s4;
	[dreg:$0xa] =	wrdreg s12  }
0xa: {  	s9 =	ssub.s32 s9, s11;
	s5 =	sadd.s32 $0x18000, s3;
	[dreg:$0x7] =	wrdreg s3  }
0xb: {  	s8 =	smul.u32 $0x61A8, s6;
	s17 =	smax.u32 s9, $0x1;
	[dreg:$0x8] =	wrdreg s5  }
0xc: {  	s11 =	simm.s32 $0x8;
	s18 =	sadd.s32 $0x2000, s3;
	[dreg:$0xd] =	wrdreg s17  }
0xd: {  	s13 =	sshrl.u32 s13, $0x3;
	s19 =	sadd.s32 $0x4000, s3;
	[dreg:$0xe] =	wrdreg s18  }
0xe: {  	s11 =	simm.s32 @!p0 $0x7;
	s20 =	sadd.s32 $0x6000, s3;
	[dreg:$0xf] =	wrdreg s19  }
0xf: {  	s15 =	sadd.s32 s0, s13;
	s21 =	sadd.s32 $0x8000, s3;
	[dreg:$0x10] =	wrdreg s20  }
0x10: {  	s13 =	smul.u32 $0x61A80, s6;
	s22 =	sadd.s32 $0xA000, s3;
	[dreg:$0x11] =	wrdreg s21  }
0x11: {  	s23 =	sadd.s32 $0xC000, s3;
	s24 =	sadd.s32 $0xE000, s3;
	[dreg:$0x12] =	wrdreg s22  }
0x12: {  	s25 =	sadd.s32 $0x10000, s3;
	p0 =	sne.s32 s2, $0x0;
	[dreg:$0x13] =	wrdreg s23  }
0x13: {  	s26 =	sadd.s32 $0x12000, s3;
	s28 =	sadd.s32 $0x14000, s3;
	[dreg:$0x14] =	wrdreg s24  }
0x14: {  	s31 =	sadd.s32 $0x16000, s3;
	s6 =	simm.s32 $0x19FA0;
	[dreg:$0x15] =	wrdreg s25  }
0x15: {  	s9 =	simm.s32 $0x80;
	s5 =	sadd.s32 $0x186000, s4;
	[dreg:$0x16] =	wrdreg s26  }
0x16: {  	s10 =	sadd.s32 s10, s8;
	s12 =	sadd.s32 s11, s12;
	[dreg:$0x17] =	wrdreg s28  }
.Ltmp0:
0x17: {  	s16 =	sadd.s32 $0x30C00, s15;
	[dreg:$0x18] =	wrdreg s31;
	(pc) =	sbr.rel .LBB2_1-.Ltmp0, $4  }
0x18: {  	s15 =	simm.s32 $0x1AE20;
	s17 =	simm.s32 $0x1AD20;
	s18 =	simm.s32 $0x1ACA0  }
0x19: {  	s19 =	simm.s32 $0x1BE20;
	s10 =	sshll.u32 s10, $0x3;
	[dreg:$0xc] =	wrdreg s16  }
0x1a: {  	v2 =	vimm.s32 $0x0;
	vm0 =	vcmask $0x300;
	s20 =	simm.s32 $0x2;
	[dreg:$0x9] =	wrdreg s5;
	s0 =	sadd.s32 s0, s10  }
0x1b: {  	v1 =	vimm.f32 $0.0e+00;
	v2 =	vsel vm0, $0x3, v2;
	v0 =	vmov s8;
	s21 =	simm.s32 $0x1ADA0;
	s16 =	simm.s32 $0x1;
	[dreg:$0xb] =	wrdreg s0  }
.LBB2_26:
0x1c: {  	s0 =	stileid.u32;
	[bflag:$0x0] =	sbarrier.arrive $0xFFFF  }
0x1d: {  	s0 =	sshll.u32 s0, $0x6;
	s3 =	rddreg [dreg:$0x7]  }
0x1e: {  	s2 =	rddreg [dreg:$0xb];
	s0 =	sor.u32 $0x1C03, s0;
	s1 =	sshrl.u32 s3, $0x3  }
0x1f: {  	[hbm:s2], [sflag:s0] =	dma.local [spmem:s1], $0x30C0  }
0x20: {  	_ =	swait.ge [sflag:s30], $0x30C0  }
0x21: {  	[sflag:s30] =	ssyncset.done $0x0;
	s5 =	rddreg [dreg:$0x9]  }
0x22: {  	s2 =	rddreg [dreg:$0xc];
	[sflag:s30] =	ssyncadd.s32 $0xFFFFCF40;
	s1 =	sshrl.u32 @!p0 s5, $0x3  }
0x23: {  	[hbm:s2], [sflag:s0] =	dma.local @!p0 [spmem:s1], $0x140  }
0x24: {  	s0 =	simm.s32 @!p0 $0x3  }
0x25: {  	_ =	swait.ge @!p0 [sflag:s0], $0x140  }
0x26: {  	s28 =	rddreg [dreg:$0x6]  }
0x27: {  	s31 =	rddreg [dreg:$0xd];
	s1 =	sadd.s32 $0x1, s28  }
0x28: {  	p1 =	sne.s32 s1, s31  }
.Ltmp1:
0x29: {  	_ = 	snop;
	(pc) =	sbr.rel @!p1 .LBB2_27-.Ltmp1, $3  }
0x2a: {  	_ =	sdelay $0x1  }
0x2b: {  	[sflag:s0] =	ssyncset.done @!p0 $0x0  }
0x2c: {  	[sflag:s0] =	ssyncadd.s32 @!p0 $0xFFFFFEC0  }
.LBB2_1:
0x2d: {  	s10 =	simm.s32 $0x100;
	s8 =	simm.s32 $0x0  }
.LBB2_2:
0x2e: {  	p1 =	sne.s32 s10, $0x7F00;
	[tilespmem:s8+$0x1CE50] =	vst v1;
	s11 =	smov.u32 s10;
	s10 =	sadd.s32 $0x100, s10  }
.Ltmp2:
0x2f: {  	[tilespmem:s8+$0x1CE40] =	vst v1;
	(pc) =	sbr.rel @p1 .LBB2_2-.Ltmp2, $3  }
0x30: {  	[tilespmem:s8+$0x1CE20] =	vst v1  }
0x31: {  	[tilespmem:s8+$0x1CE30] =	vst v1;
	_ =	sdelay $0x1  }
0x32: {  	s8 =	sshra.s32 s11, $0x2  }
0x33: {  	[tilespmem:s8+$0x1CE50] =	vst v1  }
0x34: {  	[tilespmem:s8+$0x1CE40] =	vst v1  }
0x35: {  	[tilespmem:s8+$0x1CE20] =	vst v1  }
0x36: {  	[dreg:$0x6] =	wrdreg s1;
	[tilespmem:s8+$0x1CE30] =	vst v1  }
0x37: {  	[spmem:s3] =	stream.linear.scatter [tilespmem:s29], [sflag:$0x3], $0x2000, $0x38;
	[tilespmem:$0x1EE20] =	vst v63  }
0x38: {  	_ =	swait.ge [sflag:s30], $0x2000  }
0x39: {  	[sflag:s30] =	ssyncset.done $0x0  }
0x3a: {  	s0 =	rddreg [dreg:$0xe];
	[sflag:s30] =	ssyncadd.s32 $0xFFFFE000  }
0x3b: {  	[spmem:s0] =	stream.linear.scatter [tilespmem:s29], [sflag:$0x3], $0x2000, $0x38;
	[tilespmem:$0x1EE20] =	vst v63  }
0x3c: {  	_ =	swait.ge [sflag:s30], $0x2000  }
0x3d: {  	[sflag:s30] =	ssyncset.done $0x0  }
0x3e: {  	s3 =	rddreg [dreg:$0xf];
	[sflag:s30] =	ssyncadd.s32 $0xFFFFE000  }
0x3f: {  	[spmem:s3] =	stream.linear.scatter [tilespmem:s29], [sflag:$0x3], $0x2000, $0x38;
	[tilespmem:$0x1EE20] =	vst v63  }
0x40: {  	_ =	swait.ge [sflag:s30], $0x2000  }
0x41: {  	[sflag:s30] =	ssyncset.done $0x0  }
0x42: {  	s8 =	rddreg [dreg:$0x10];
	[sflag:s30] =	ssyncadd.s32 $0xFFFFE000  }
0x43: {  	[spmem:s8] =	stream.linear.scatter [tilespmem:s29], [sflag:$0x3], $0x2000, $0x38;
	[tilespmem:$0x1EE20] =	vst v63  }
0x44: {  	_ =	swait.ge [sflag:s30], $0x2000  }
0x45: {  	[sflag:s30] =	ssyncset.done $0x0  }
0x46: {  	s10 =	rddreg [dreg:$0x11];
	[sflag:s30] =	ssyncadd.s32 $0xFFFFE000  }
0x47: {  	[spmem:s10] =	stream.linear.scatter [tilespmem:s29], [sflag:$0x3], $0x2000, $0x38;
	[tilespmem:$0x1EE20] =	vst v63  }
0x48: {  	_ =	swait.ge [sflag:s30], $0x2000  }
0x49: {  	[sflag:s30] =	ssyncset.done $0x0  }
0x4a: {  	s11 =	rddreg [dreg:$0x12];
	[sflag:s30] =	ssyncadd.s32 $0xFFFFE000  }
0x4b: {  	[spmem:s11] =	stream.linear.scatter [tilespmem:s29], [sflag:$0x3], $0x2000, $0x38;
	[tilespmem:$0x1EE20] =	vst v63  }
0x4c: {  	_ =	swait.ge [sflag:s30], $0x2000  }
0x4d: {  	[sflag:s30] =	ssyncset.done $0x0  }
0x4e: {  	s22 =	rddreg [dreg:$0x13];
	[sflag:s30] =	ssyncadd.s32 $0xFFFFE000  }
0x4f: {  	[spmem:s22] =	stream.linear.scatter [tilespmem:s29], [sflag:$0x3], $0x2000, $0x38;
	[tilespmem:$0x1EE20] =	vst v63  }
0x50: {  	_ =	swait.ge [sflag:s30], $0x2000  }
0x51: {  	[sflag:s30] =	ssyncset.done $0x0  }
0x52: {  	s23 =	rddreg [dreg:$0x14];
	[sflag:s30] =	ssyncadd.s32 $0xFFFFE000  }
0x53: {  	[spmem:s23] =	stream.linear.scatter [tilespmem:s29], [sflag:$0x3], $0x2000, $0x38;
	[tilespmem:$0x1EE20] =	vst v63  }
0x54: {  	_ =	swait.ge [sflag:s30], $0x2000  }
0x55: {  	[sflag:s30] =	ssyncset.done $0x0  }
0x56: {  	s24 =	rddreg [dreg:$0x15];
	[sflag:s30] =	ssyncadd.s32 $0xFFFFE000  }
0x57: {  	[spmem:s24] =	stream.linear.scatter [tilespmem:s29], [sflag:$0x3], $0x2000, $0x38;
	[tilespmem:$0x1EE20] =	vst v63  }
0x58: {  	_ =	swait.ge [sflag:s30], $0x2000  }
0x59: {  	[sflag:s30] =	ssyncset.done $0x0  }
0x5a: {  	s25 =	rddreg [dreg:$0x16];
	[sflag:s30] =	ssyncadd.s32 $0xFFFFE000  }
0x5b: {  	[spmem:s25] =	stream.linear.scatter [tilespmem:s29], [sflag:$0x3], $0x2000, $0x38;
	[tilespmem:$0x1EE20] =	vst v63  }
0x5c: {  	_ =	swait.ge [sflag:s30], $0x2000  }
0x5d: {  	[sflag:s30] =	ssyncset.done $0x0  }
0x5e: {  	s26 =	rddreg [dreg:$0x17];
	[sflag:s30] =	ssyncadd.s32 $0xFFFFE000  }
0x5f: {  	[spmem:s26] =	stream.linear.scatter [tilespmem:s29], [sflag:$0x3], $0x2000, $0x38;
	[tilespmem:$0x1EE20] =	vst v63  }
0x60: {  	_ =	swait.ge [sflag:s30], $0x2000  }
0x61: {  	[sflag:s30] =	ssyncset.done $0x0  }
0x62: {  	s28 =	rddreg [dreg:$0x18];
	[sflag:s30] =	ssyncadd.s32 $0xFFFFE000  }
0x63: {  	[spmem:s28] =	stream.linear.scatter [tilespmem:s29], [sflag:$0x3], $0x2000, $0x38;
	[tilespmem:$0x1EE20] =	vst v63  }
0x64: {  	_ =	swait.ge [sflag:s30], $0x2000  }
0x65: {  	[sflag:s30] =	ssyncset.done $0x0  }
0x66: {  	s31 =	rddreg [dreg:$0x8];
	[sflag:s30] =	ssyncadd.s32 $0xFFFFE000  }
0x67: {  	[spmem:s31] =	stream.linear.scatter [tilespmem:s29], [sflag:$0x3], $0x600, $0x38;
	[tilespmem:$0x1EE20] =	vst v63  }
0x68: {  	_ =	swait.ge [sflag:s30], $0x600  }
0x69: {  	[sflag:s30] =	ssyncset.done $0x0  }
0x6a: {  	s8 =	simm.s32 @!p0 $0x1CE20;
	[sflag:s30] =	ssyncadd.s32 $0xFFFFFA00  }
0x6b: {  	[spmem:s5] =	stream.linear.scatter @!p0 [tilespmem:s8], [sflag:$0x3], $0xA00, $0x38;
	[tilespmem:$0x1EE20] =	vst v63  }
0x6c: {  	s8 =	simm.s32 @!p0 $0x3  }
.Ltmp3:
0x6d: {  	_ =	swait.ge @!p0 [sflag:s8], $0xA00;
	(pc) =	sbr.rel .LBB2_4-.Ltmp3, $4  }
0x6e: {  	[sflag:s8] =	ssyncset.done @!p0 $0x0  }
0x6f: {  	[sflag:s8] =	ssyncadd.s32 @!p0 $0xFFFFF600  }
0x70: {  	[bflag:$0x0] =	sbarrier.arrive $0xFFFF  }
0x71: {  	s11 =	rddreg [dreg:$0xa]  }
.LBB2_25:
0x72: {  	s11 =	sadd.s32 $0x1, s11  }
0x73: {  	p1 =	slt.u32 s11, s12  }
.Ltmp4:
0x74: {  	_ = 	snop;
	(pc) =	sbr.rel @!p1 .LBB2_26-.Ltmp4, $1  }
0x75: {  	_ =	sdelay $0x3  }
.LBB2_4:
0x76: {  	s8 =	smul.u32 $0xC80, s11;
	_ =	sdelay $0x1  }
0x77: {  	s8 =	sadd.s32 s13, s8  }
0x78: {  	s0 =	rddreg [dreg:$0x2];
	s10 =	sshrl.u32 s8, $0x3  }
0x79: {  	s24 =	simm.s32 $0x186A0;
	s8 =	simm.s32 $0x0;
	s22 =	sadd.s32 s0, s10  }
0x7a: {  	[tilespmem:s24], [sflag:$0x3] =	stream.linear.gather [hbm4b:s22+s8], $0xC80, $0x38;
	[tilespmem:$0x1EE20] =	vst v63  }
0x7b: {  	_ =	swait.ge [sflag:s30], $0xC80  }
0x7c: {  	[sflag:s30] =	ssyncset.done $0x0  }
0x7d: {  	[sflag:s30] =	ssyncadd.s32 $0xFFFFF380  }
0x7e: {  	s25 =	rddreg [dreg:$0x1]  }
0x7f: {  	s28 =	simm.s32 $0x19320;
	s26 =	sadd.s32 s25, s10  }
0x80: {  	[tilespmem:s28], [sflag:$0x3] =	stream.linear.gather [hbm4b:s26+s8], $0xC80, $0x38;
	[tilespmem:$0x1EE20] =	vst v63  }
0x81: {  	_ =	swait.ge [sflag:s30], $0xC80  }
0x82: {  	[sflag:s30] =	ssyncset.done $0x0  }
0x83: {  	[sflag:s30] =	ssyncadd.s32 $0xFFFFF380  }
0x84: {  	s31 =	rddreg [dreg:$0x3]  }
0x85: {  	s10 =	sadd.s32 s31, s10  }
0x86: {  	[tilespmem:s6], [sflag:$0x3] =	stream.linear.gather [hbm4b:s10+s8], $0xC80, $0x38;
	[tilespmem:$0x1EE20] =	vst v63  }
0x87: {  	_ =	swait.ge [sflag:s30], $0xC80  }
0x88: {  	[sflag:s30] =	ssyncset.done $0x0  }
0x89: {  	p1 =	por $0x1, $0x1;
	[sflag:s30] =	ssyncadd.s32 $0xFFFFF380  }
.LBB2_5:
0x8a: {  	v3 =	vld [tilespmem:s8+$0x186A0]  }
0x8b: {  	v4 =	vld [tilespmem:s8+$0x186B0]  }
0x8c: {  	v5 =	vld [tilespmem:s8+$0x186C0]  }
0x8d: {  	v6 =	vld [tilespmem:s8+$0x186D0];
	p2 =	por p1, p1  }
.Ltmp5:
0x8e: {  	_ = 	snop;
	(pc) =	sbr.rel @p2 .LBB2_5-.Ltmp5, $4  }
0x8f: {  	[tilespmem:s8+$0x1AC20] =	vst v3  }
0x90: {  	[tilespmem:s8+$0x1AC30] =	vst v4  }
0x91: {  	[tilespmem:s8+$0x1AC40] =	vst v5  }
0x92: {  	p1 =	por $0x0, $0x0;
	[tilespmem:s8+$0x1AC50] =	vst v6;
	s8 =	simm.s32 $0x40  }
.Ltmp6:
0x93: {  	(pc) =	sbr.rel .LBB2_7-.Ltmp6, $3  }
0x94: {  	_ =	sdelay $0x1  }
0x95: {  	[tilespmem:s15], [sflag:$0x1] =	stream.indirect.gather [hbm4b:s7+s9], $0x20, s14, s9, $0xb8;
	[tilespmem:$0x1EE20] =	vst v63  }
0x96: {  	s23 =	simm.s32 $0x0;
	s24 =	simm.s32 $0x0  }
.LBB2_23:
0x97: {  	[tilespmem:s28+$0xC0] =	vst v21  }
0x98: {  	[tilespmem:s28+$0x10] =	vst v26  }
0x99: {  	[tilespmem:s25+$0x20] =	vst v15  }
0x9a: {  	[tilespmem:s28+$0xFFFFFF00] =	vst v14  }
0x9b: {  	[tilespmem:s28+$0x80] =	vst v23  }
0x9c: {  	[tilespmem:s25+$0xF0] =	vst v24  }
0x9d: {  	[tilespmem:s28+$0xFFFFFFD0] =	vst v18  }
0x9e: {  	[tilespmem:s28+$0xFFFFFFC0] =	vst v16  }
0x9f: {  	v3 =	vmul.f32 v28, v3;
	v37 =	vld.idx.msk [tilespmem:v17+s6+$0x0], $0xffff;
	[tilespmem:s25+$0x60] =	vst v20  }
0xa0: {  	v33 =	vmul.f32 v27, v4;
	[tilespmem:s28+$0xD0] =	vst v12;
	v39 =	vld [tilespmem:s26+$0xFFFFFFF0]  }
0xa1: {  	v36 =	vmul.f32 v29, v13;
	[tilespmem:s25+$0x70] =	vst v3  }
0xa2: {  	v34 =	vand.u32 $0xFFFF0000, v22;
	v38 =	vmul.f32 v25, v13;
	[tilespmem:s25+$0xFFFFFFA0] =	vst v33;
	v3 =	vld [tilespmem:s26+$0xFFFFFF90]  }
0xa3: {  	v50 =	vand.u32 $0xFFFF0000, v19;
	v35 =	vmul.f32 v34, v4;
	v44 =	vld [tilespmem:s26+$0x70];
	[tilespmem:s28+$0x50] =	vst v36  }
0xa4: {  	v41 =	vshll.u32 v11, $0x10;
	v45 =	vld [tilespmem:s26+$0x50];
	v52 =	vmul.f32 v50, v5;
	[tilespmem:s28+$0x40] =	vst v38  }
0xa5: {  	[tilespmem:s25+$0xFFFFFFB0] =	vst v35;
	v43 =	vmul.f32 v41, v37;
	v46 =	vshll.u32 v39, $0x10  }
0xa6: {  	[tilespmem:s28+$0xFFFFFF70] =	vst v52;
	v49 =	vand.u32 $0xFFFF0000, v39;
	v48 =	vmul.f32 v46, v10  }
0xa7: {  	v40 =	vshll.u32 v3, $0x10;
	v3 =	vand.u32 $0xFFFF0000, v3;
	[tilespmem:s28+$0xFFFFFF80] =	vst v43;
	v51 =	vmul.f32 v49, v10  }
0xa8: {  	v54 =	vshll.u32 v44, $0x10;
	v3 =	vmul.f32 v3, v9;
	[tilespmem:s28+$0xFFFFFFE0] =	vst v48  }
0xa9: {  	v47 =	vld [tilespmem:s26+$0x10];
	v14 =	vshll.u32 v45, $0x10;
	v55 =	vmul.f32 v54, v6;
	[tilespmem:s28+$0xFFFFFFF0] =	vst v51  }
0xaa: {  	v59 =	vmul.f32 v14, v7;
	[tilespmem:s28+$0xFFFFFF30] =	vst v3;
	v3 =	vand.u32 $0xFFFF0000, v11  }
0xab: {  	v53 =	vld [tilespmem:s26+$0x30];
	[tilespmem:s28+$0xE0] =	vst v55;
	v3 =	vmul.f32 v3, v37  }
0xac: {  	v42 =	vshll.u32 v19, $0x10;
	v4 =	vmul.f32 v40, v9;
	[tilespmem:s28+$0xA0] =	vst v59  }
0xad: {  	v9 =	vmul.f32 v42, v5;
	[tilespmem:s28+$0xFFFFFF90] =	vst v3;
	v3 =	vand.u32 $0xFFFF0000, v45  }
0xae: {  	v57 =	vand.u32 $0xFFFF0000, v47;
	[tilespmem:s28+$0xFFFFFF20] =	vst v4;
	v56 =	vld [tilespmem:s26+$0xFFFFFFD0];
	v3 =	vmul.f32 v3, v7  }
0xaf: {  	v58 =	vshll.u32 v47, $0x10;
	v5 =	vmul.f32 v57, v8;
	[tilespmem:s28+$0xFFFFFF60] =	vst v9  }
0xb0: {  	v60 =	vand.u32 $0xFFFF0000, v53;
	[tilespmem:s28+$0xB0] =	vst v3;
	v3 =	vmul.f32 v58, v8  }
0xb1: {  	[tilespmem:s28+$0x30] =	vst v5;
	v5 =	vmul.f32 v60, v13;
	v4 =	vand.u32 $0xFFFF0000, v44  }
0xb2: {  	v4 =	vmul.f32 v4, v6;
	[tilespmem:s28+$0x20] =	vst v3;
	v3 =	vshll.u32 v53, $0x10  }
0xb3: {  	[tilespmem:s28+$0x70] =	vst v5;
	v61 =	vshll.u32 v56, $0x10;
	v3 =	vmul.f32 v3, v13  }
0xb4: {  	[tilespmem:s28+$0xF0] =	vst v4;
	v63 =	vand.u32 $0xFFFF0000, v56;
	v62 =	vmul.f32 v61, v37  }
0xb5: {  	v5 =	vmul.f32 v63, v37;
	[tilespmem:s28+$0x60] =	vst v3  }
0xb6: {  	[tilespmem:s28+$0xFFFFFFA0] =	vst v62  }
0xb7: {  	s8 =	simm.s32 $0x4;
	[tilespmem:s28+$0xFFFFFFB0] =	vst v5  }
0xb8: {  	[spmem:s4] =	stream.indirect.scatter.add.f32 [tilespmem:s29], [sflag:$0x4], $0x40, s17, s9, $0xb8;
	[tilespmem:$0x1EE20] =	vst v63  }
.LBB2_24:
0xb9: {  	s24 =	sadd.s32 $0x1, s24  }
0xba: {  	p1 =	sne.s32 s24, $0x19  }
.Ltmp7:
0xbb: {  	_ = 	snop;
	(pc) =	sbr.rel @!p1 .LBB2_25-.Ltmp7, $4  }
0xbc: {  	_ = 	snop  }
0xbd: {  	_ =	swait.ge [sflag:s8], $0x2000  }
0xbe: {  	[sflag:s8] =	ssyncset.done $0x0  }
0xbf: {  	s23 =	sadd.s32 $0x80, s23;
	[sflag:s8] =	ssyncadd.s32 $0xFFFFE000  }
.LBB2_7:
0xc0: {  	s8 =	sand.u32 $0x1, s24  }
0xc1: {  	p1 =	seq.s32 s8, $0x0  }
.Ltmp8:
0xc2: {  	_ = 	snop;
	(pc) =	sbr.rel @!p1 .LBB2_8-.Ltmp8, $1  }
0xc3: {  	_ =	sdelay $0x3  }
0xc4: {  	p1 =	seq.s32 s24, $0x18  }
.Ltmp9:
0xc5: {  	_ = 	snop;
	(pc) =	sbr.rel @p1 .LBB2_19-.Ltmp9, $2  }
0xc6: {  	_ =	sdelay $0x2  }
0xc7: {  	s8 =	simm.s32 $0x3000  }
0xc8: {  	s8 =	sshll.u32 s24, $0x9  }
0xc9: {  	s10 =	sshrl.u32 s8, $0x2  }
0xca: {  	s22 =	sadd.s32 $0x18720, s10  }
0xcb: {  	v3 =	vmov s22;
	_ =	sdelay $0x3  }
0xcc: {  	p1 =	por $0x1, $0x1;
	s10 =	simm.s32 $0x0  }
.LBB2_17:
0xcd: {  	v4 =	vld.idx.msk [tilespmem:v3+s10+$0x0 ss:$0x1], $0xffff  }
0xce: {  	v5 =	vld.idx.msk [tilespmem:v3+s10+$0x10 ss:$0x1], $0xffff  }
0xcf: {  	v6 =	vld.idx.msk [tilespmem:v3+s10+$0x20 ss:$0x1], $0xffff  }
0xd0: {  	v7 =	vld.idx.msk [tilespmem:v3+s10+$0x30 ss:$0x1], $0xffff;
	p2 =	por p1, p1  }
.Ltmp10:
0xd1: {  	_ = 	snop;
	(pc) =	sbr.rel @p2 .LBB2_17-.Ltmp10, $4  }
0xd2: {  	[tilespmem:s10+$0x1ACA0] =	vst v4  }
0xd3: {  	[tilespmem:s10+$0x1ACB0] =	vst v5  }
0xd4: {  	[tilespmem:s10+$0x1ACC0] =	vst v6  }
0xd5: {  	p1 =	por $0x0, $0x0;
	[tilespmem:s10+$0x1ACD0] =	vst v7;
	s10 =	simm.s32 $0x40  }
0xd6: {  	[tilespmem:s19], [sflag:$0x2] =	stream.indirect.gather [hbm4b:s7+s9], $0x20, s18, s9, $0xb8;
	[tilespmem:$0x1EE20] =	vst v63  }
.LBB2_19:
0xd7: {  	s8 =	sshrl.u32 s8, $0x2  }
0xd8: {  	s10 =	sadd.s32 $0x19320, s8  }
0xd9: {  	v3 =	vmov s10;
	_ =	sdelay $0x1  }
0xda: {  	_ =	swait.ge [sflag:s16], $0x1000  }
0xdb: {  	[sflag:s16] =	ssyncset.done $0x0  }
0xdc: {  	p1 =	por $0x1, $0x1;
	s8 =	simm.s32 $0x0;
	[sflag:s16] =	ssyncadd.s32 $0xFFFFF000  }
.LBB2_20:
0xdd: {  	v4 =	vld.idx.msk [tilespmem:v3+s8+$0x0 ss:$0x1], $0xffff  }
0xde: {  	v5 =	vld.idx.msk [tilespmem:v3+s8+$0x10 ss:$0x1], $0xffff  }
0xdf: {  	v6 =	vld.idx.msk [tilespmem:v3+s8+$0x20 ss:$0x1], $0xffff  }
0xe0: {  	v7 =	vld.idx.msk [tilespmem:v3+s8+$0x30 ss:$0x1], $0xffff  }
0xe1: {  	p2 =	por p1, p1  }
.Ltmp11:
0xe2: {  	v4 =	vsub.s32 v4, v0;
	(pc) =	sbr.rel @p2 .LBB2_20-.Ltmp11, $4  }
0xe3: {  	[tilespmem:s8+$0x1AD20] =	vst v4;
	v4 =	vsub.s32 v5, v0  }
0xe4: {  	[tilespmem:s8+$0x1AD30] =	vst v4;
	v4 =	vsub.s32 v6, v0  }
0xe5: {  	s22 =	simm.s32 $0x1AEA0;
	[tilespmem:s8+$0x1AD40] =	vst v4;
	v4 =	vsub.s32 v7, v0  }
0xe6: {  	s25 =	simm.s32 $0x1CF20;
	p1 =	por $0x0, $0x0;
	[tilespmem:s8+$0x1AD50] =	vst v4;
	s8 =	simm.s32 $0x40  }
0xe7: {  	s8 =	sadd.s32 $0xFFFFFFF8, s23  }
0xe8: {  	s10 =	sadd.s32 $0x9, s8  }
0xe9: {  	v3 =	vmov s10  }
0xea: {  	v3 =	vshrl.u32 v3, $0x3  }
0xeb: {  	v3 =	vshll.u32 v3, v2  }
0xec: {  	v3 =	vadd.s32 $0x1, v3  }
0xed: {  	s2 =	sadd.s32 $0xC, s8;
	s26 =	sadd.s32 $0x8, s8;
	s3 =	sadd.s32 $0xF, s8;
	v3 =	vbroadcast v3, $0x0  }
0xee: {  	s5 =	sadd.s32 $0xE, s8;
	v4 =	vmov s2;
	v5 =	vmov s26;
	v6 =	vmov s3  }
0xef: {  	v8 =	vmov s5;
	v5 =	vshrl.u32 v5, $0x3;
	v6 =	vshrl.u32 v6, $0x3  }
0xf0: {  	v8 =	vshrl.u32 v8, $0x3;
	v5 =	vshll.u32 v5, v2;
	v6 =	vshll.u32 v6, v2  }
0xf1: {  	v8 =	vshll.u32 v8, v2;
	v5 =	vbroadcast v5, $0x0;
	v6 =	vadd.s32 $0x7, v6  }
0xf2: {  	v9 =	vld [tilespmem:s22+$0x0];
	v4 =	vshrl.u32 v4, $0x3;
	v8 =	vadd.s32 $0x6, v8;
	v6 =	vbroadcast v6, $0x0  }
0xf3: {  	s28 =	sadd.s32 $0xB, s8;
	s31 =	sadd.s32 $0xD, s8;
	v4 =	vshll.u32 v4, v2;
	v14 =	vld.idx.msk [tilespmem:v3+s6+$0x0], $0xffff;
	v3 =	vbroadcast v8, $0x0  }
0xf4: {  	v10 =	vld [tilespmem:s22+$0xFFFFFFA0];
	v7 =	vmov s28;
	v4 =	vadd.s32 $0x4, v4;
	v8 =	vmov s31  }
0xf5: {  	v7 =	vshrl.u32 v7, $0x3;
	v4 =	vbroadcast v4, $0x0;
	v8 =	vshrl.u32 v8, $0x3  }
0xf6: {  	v16 =	vld [tilespmem:s22+$0xFFFFFF80];
	v7 =	vshll.u32 v7, v2;
	v8 =	vshll.u32 v8, v2  }
0xf7: {  	s8 =	sadd.s32 $0xA, s8;
	v7 =	vadd.s32 $0x3, v7;
	v5 =	vld.idx.msk [tilespmem:v5+s6+$0x0], $0xffff;
	v8 =	vadd.s32 $0x5, v8  }
0xf8: {  	v21 =	vshll.u32 v9, $0x10;
	v11 =	vld.idx.msk [tilespmem:v6+s6+$0x0], $0xffff;
	v6 =	vbroadcast v8, $0x0;
	v8 =	vmov s8;
	s8 =	sadd.s32 $0x0, s23  }
0xf9: {  	v7 =	vbroadcast v7, $0x0;
	s0 =	sadd.s32 $0x9, s8;
	s1 =	sadd.s32 $0xA, s8;
	v13 =	vld.idx.msk [tilespmem:v3+s6+$0x0], $0xffff;
	v3 =	vshrl.u32 v8, $0x3;
	v8 =	vand.u32 $0xFFFF0000, v10  }
0xfa: {  	v17 =	vld [tilespmem:s22+$0x60];
	s28 =	sadd.s32 $0xC, s8;
	s5 =	sadd.s32 $0xF, s8;
	v10 =	vshll.u32 v10, $0x10;
	v27 =	vmov s0;
	v28 =	vmov s1  }
0xfb: {  	v12 =	vld.idx.msk [tilespmem:v4+s6+$0x0], $0xffff;
	v29 =	vmov s28;
	v30 =	vmov s5;
	v3 =	vshll.u32 v3, v2  }
0xfc: {  	v15 =	vld [tilespmem:s22+$0x40];
	v4 =	vmul.f32 v8, v14;
	v8 =	vmul.f32 v10, v14;
	v27 =	vshrl.u32 v27, $0x3  }
0xfd: {  	v24 =	vld [tilespmem:s22+$0xFFFFFFC0];
	v29 =	vshrl.u32 v29, $0x3;
	v18 =	vadd.s32 $0x2, v3;
	v3 =	vshll.u32 v16, $0x10  }
0xfe: {  	v10 =	vld [tilespmem:s22+$0xFFFFFFE0];
	v16 =	vand.u32 $0xFFFF0000, v16;
	v27 =	vshll.u32 v27, v2;
	v19 =	vmul.f32 v3, v5  }
0xff: {  	v7 =	vld.idx.msk [tilespmem:v7+s6+$0x0], $0xffff;
	v3 =	vshll.u32 v17, $0x10;
	v16 =	vmul.f32 v16, v5;
	[tilespmem:s25+$0xFFFFFF40] =	vst v8;
	v8 =	vbroadcast v18, $0x0  }
0x100: {  	[tilespmem:s25+$0xFFFFFF50] =	vst v4;
	v4 =	vand.u32 $0xFFFF0000, v17;
	v17 =	vld [tilespmem:s22+$0x20];
	v18 =	vmul.f32 v21, v12;
	v20 =	vmul.f32 v3, v11  }
0x101: {  	v3 =	vld.idx.msk [tilespmem:v6+s6+$0x0], $0xffff;
	v6 =	vshll.u32 v15, $0x10;
	v15 =	vand.u32 $0xFFFF0000, v15;
	v23 =	vmul.f32 v4, v11  }
0x102: {  	v4 =	vand.u32 $0xFFFF0000, v9;
	v15 =	vmul.f32 v15, v13;
	v6 =	vmul.f32 v6, v13  }
0x103: {  	v21 =	vld [tilespmem:s22+$0xFFFFFFB0];
	[tilespmem:s25+$0xFFFFFF00] =	vst v19;
	v19 =	vand.u32 $0xFFFF0000, v24;
	v24 =	vshll.u32 v24, $0x10;
	v22 =	vshll.u32 v10, $0x10  }
0x104: {  	s31 =	sadd.s32 $0xB, s8;
	v10 =	vand.u32 $0xFFFF0000, v10;
	[tilespmem:s25+$0xD0] =	vst v23;
	v23 =	vshll.u32 v29, v2;
	v9 =	vmul.f32 v22, v7  }
0x105: {  	v22 =	vmul.f32 v4, v12;
	v10 =	vmul.f32 v10, v7;
	[tilespmem:s25+$0x90] =	vst v15;
	v15 =	vmov s31  }
0x106: {  	[tilespmem:s25+$0xFFFFFF10] =	vst v16;
	v23 =	vadd.s32 $0x4, v23;
	v25 =	vshll.u32 v17, $0x10;
	v4 =	vand.u32 $0xFFFF0000, v17  }
0x107: {  	s2 =	sadd.s32 $0xD, s8;
	[tilespmem:s25+$0x0] =	vst v18;
	v31 =	vld [tilespmem:s22+$0xFFFFFF90];
	v15 =	vshrl.u32 v15, $0x3;
	v23 =	vbroadcast v23, $0x0;
	v17 =	vmul.f32 v4, v3  }
0x108: {  	s3 =	sadd.s32 $0x8, s8;
	s8 =	sadd.s32 $0xE, s8;
	[tilespmem:s25+$0xC0] =	vst v20;
	v26 =	vshll.u32 v21, $0x10;
	v21 =	vand.u32 $0xFFFF0000, v21;
	v4 =	vld.idx.msk [tilespmem:v8+s6+$0x0], $0xffff;
	v8 =	vmov s2  }
0x109: {  	s26 =	simm.s32 $0x1AFA0;
	[tilespmem:s25+$0x80] =	vst v6;
	v18 =	vmul.f32 v25, v3;
	v25 =	vadd.s32 $0x1, v27;
	v27 =	vmov s8  }
0x10a: {  	v6 =	vld [tilespmem:s26+$0xFFFFFFA0];
	[tilespmem:s25+$0xFFFFFFD0] =	vst v10;
	v15 =	vshll.u32 v15, v2;
	v16 =	vmul.f32 v21, v14;
	v21 =	vmov s3  }
0x10b: {  	[tilespmem:s25+$0xFFFFFFC0] =	vst v9;
	v8 =	vshrl.u32 v8, $0x3;
	v25 =	vbroadcast v25, $0x0;
	v14 =	vmul.f32 v26, v14  }
0x10c: {  	v32 =	vld [tilespmem:s26+$0x0];
	[tilespmem:s25+$0x10] =	vst v22;
	v15 =	vadd.s32 $0x3, v15;
	v8 =	vshll.u32 v8, v2;
	v10 =	vshrl.u32 v21, $0x3  }
0x10d: {  	v22 =	vld [tilespmem:s22+$0x50];
	v21 =	vshrl.u32 v27, $0x3;
	v20 =	vshll.u32 v31, $0x10;
	[tilespmem:s25+$0x50] =	vst v17;
	v8 =	vadd.s32 $0x5, v8  }
0x10e: {  	v27 =	vld [tilespmem:s22+$0xFFFFFFF0];
	[tilespmem:s25+$0x40] =	vst v18;
	v9 =	vshll.u32 v10, v2;
	v10 =	vshrl.u32 v30, $0x3;
	v21 =	vshll.u32 v21, v2  }
0x10f: {  	v30 =	vand.u32 $0xFFFF0000, v31;
	v20 =	vmul.f32 v20, v5;
	v29 =	vld [tilespmem:s22+$0x30];
	[tilespmem:s25+$0xFFFFFF60] =	vst v14;
	v14 =	vshll.u32 v6, $0x10  }
0x110: {  	v31 =	vld [tilespmem:s26+$0x40];
	v10 =	vshll.u32 v10, v2;
	v9 =	vbroadcast v9, $0x0;
	v17 =	vmul.f32 v30, v5  }
0x111: {  	v30 =	vld [tilespmem:s22+$0x10];
	v21 =	vadd.s32 $0x6, v21;
	v34 =	vbroadcast v8, $0x0;
	v24 =	vmul.f32 v24, v4  }
0x112: {  	v19 =	vmul.f32 v19, v4;
	v10 =	vadd.s32 $0x7, v10;
	v21 =	vbroadcast v21, $0x0;
	[tilespmem:s25+$0xFFFFFF20] =	vst v20;
	v20 =	vld [tilespmem:s26+$0xFFFFFF80]  }
0x113: {  	v10 =	vbroadcast v10, $0x0;
	v5 =	vld.idx.msk [tilespmem:v25+s6+$0x0], $0xffff;
	v18 =	vshll.u32 v27, $0x10;
	v26 =	vand.u32 $0xFFFF0000, v27  }
0x114: {  	v25 =	vld [tilespmem:s22+$0x70];
	v27 =	vbroadcast v15, $0x0;
	v15 =	vand.u32 $0xFFFF0000, v6;
	[tilespmem:s25+$0xFFFFFF90] =	vst v19;
	v19 =	vand.u32 $0xFFFF0000, v32  }
0x115: {  	[tilespmem:s25+$0xFFFFFF70] =	vst v16;
	v8 =	vld.idx.msk [tilespmem:v23+s6+$0x0], $0xffff;
	v18 =	vmul.f32 v18, v7;
	v7 =	vmul.f32 v26, v7;
	v26 =	vshrl.u32 v28, $0x3  }
0x116: {  	[tilespmem:s25+$0xFFFFFF80] =	vst v24;
	v28 =	vand.u32 $0xFFFF0000, v22;
	v22 =	vshll.u32 v22, $0x10;
	v24 =	vshll.u32 v26, v2;
	v26 =	vld [tilespmem:s26+$0x60]  }
0x117: {  	[tilespmem:s25+$0xFFFFFF30] =	vst v17;
	v17 =	vshll.u32 v30, $0x10;
	v30 =	vand.u32 $0xFFFF0000, v30;
	v62 =	vmul.f32 v22, v13;
	v9 =	vld.idx.msk [tilespmem:v9+s6+$0x0], $0xffff  }
0x118: {  	v24 =	vadd.s32 $0x2, v24;
	[tilespmem:s25+$0xFFFFFFF0] =	vst v7;
	v16 =	vand.u32 $0xFFFF0000, v20;
	v7 =	vld.idx.msk [tilespmem:v21+s6+$0x0], $0xffff;
	v15 =	vmul.f32 v15, v5  }
0x119: {  	[tilespmem:s25+$0xFFFFFFE0] =	vst v18;
	v33 =	vshll.u32 v25, $0x10;
	v6 =	vld.idx.msk [tilespmem:v10+s6+$0x0], $0xffff;
	v18 =	vmul.f32 v14, v5;
	v10 =	vshll.u32 v20, $0x10  }
0x11a: {  	s28 =	simm.s32 $0x1D120;
	v20 =	vshll.u32 v29, $0x10;
	v25 =	vand.u32 $0xFFFF0000, v25;
	v33 =	vmul.f32 v33, v11  }
0x11b: {  	v63 =	vld [tilespmem:s26+$0x20];
	v20 =	vmul.f32 v20, v3;
	[tilespmem:s28+$0xFFFFFF50] =	vst v15;
	v35 =	vand.u32 $0xFFFF0000, v26;
	v15 =	vmul.f32 v17, v12  }
0x11c: {  	v23 =	vld [tilespmem:s26+$0xFFFFFFE0];
	[tilespmem:s25+$0xA0] =	vst v62;
	v17 =	vshll.u32 v26, $0x10;
	v26 =	vmul.f32 v28, v13;
	v13 =	vshll.u32 v32, $0x10  }
0x11d: {  	v22 =	vld [tilespmem:s22+$0xFFFFFFD0];
	[tilespmem:s28+$0xFFFFFF40] =	vst v18;
	v18 =	vand.u32 $0xFFFF0000, v31;
	v14 =	vmul.f32 v10, v9;
	v13 =	vmul.f32 v13, v8  }
0x11e: {  	v10 =	vld.idx.msk [tilespmem:v27+s6+$0x0], $0xffff;
	v16 =	vmul.f32 v16, v9;
	v27 =	vshll.u32 v31, $0x10;
	[tilespmem:s25+$0xB0] =	vst v26;
	v31 =	vmul.f32 v18, v7  }
0x11f: {  	v28 =	vand.u32 $0xFFFF0000, v29;
	v26 =	vmul.f32 v19, v8;
	v21 =	vmul.f32 v17, v6;
	[tilespmem:s28+$0x0] =	vst v13;
	v13 =	vld.idx.msk [tilespmem:v34+s6+$0x0], $0xffff  }
0x120: {  	v29 =	vand.u32 $0xFFFF0000, v63;
	[tilespmem:s25+$0xE0] =	vst v33;
	v19 =	vld [tilespmem:s26+$0xFFFFFFB0];
	v17 =	vbroadcast v24, $0x0;
	v24 =	vmul.f32 v30, v12  }
0x121: {  	[tilespmem:s28+$0xFFFFFF10] =	vst v16;
	v16 =	vshll.u32 v23, $0x10;
	v30 =	vand.u32 $0xFFFF0000, v23;
	v12 =	vmul.f32 v35, v6  }
0x122: {  	v23 =	vmul.f32 v27, v7;
	v27 =	vshll.u32 v22, $0x10;
	[tilespmem:s25+$0x30] =	vst v24;
	v24 =	vmul.f32 v25, v11  }
0x123: {  	s10 =	simm.s32 $0x1B0A0;
	s8 =	simm.s32 $0x1D120;
	s22 =	simm.s32 $0x8;
	[tilespmem:s28+$0x90] =	vst v31;
	v11 =	vld [tilespmem:s26+$0xFFFFFFC0];
	v25 =	vshll.u32 v63, $0x10;
	v16 =	vmul.f32 v16, v10;
	v18 =	vmul.f32 v30, v10  }
.LBB2_22:
0x124: {  	s5 =	sadd.s32 s22, s23;
	s22 =	sadd.s32 $0x8, s22;
	v29 =	vmul.f32 v29, v13;
	[tilespmem:s28+$0xC0] =	vst v21;
	s8 =	sadd.s32 $0x200, s8;
	v21 =	vand.u32 $0xFFFF0000, v22;
	v22 =	vmul.f32 v28, v3;
	v3 =	vmovc v13  }
0x125: {  	v13 =	vshll.u32 v19, $0x10;
	v19 =	vand.u32 $0xFFFF0000, v19;
	s1 =	sadd.s32 $0x9, s5;
	s2 =	sadd.s32 $0xA, s5;
	s3 =	sadd.s32 $0xB, s5;
	[tilespmem:s28+$0x10] =	vst v26;
	v26 =	vmul.f32 v27, v4  }
0x126: {  	s31 =	sadd.s32 $0xE, s5;
	v21 =	vmul.f32 v21, v4;
	v27 =	vmov s1;
	v28 =	vmov s2;
	s1 =	sadd.s32 $0xC, s5;
	s2 =	sadd.s32 $0xD, s5;
	v4 =	vld.idx.msk [tilespmem:v17+s6+$0x0], $0xffff;
	[tilespmem:s25+$0x20] =	vst v15  }
0x127: {  	s0 =	sadd.s32 $0x8, s5;
	p1 =	slt.u32 s22, $0x78;
	v19 =	vmul.f32 v19, v5;
	v15 =	vmov s1;
	v17 =	vmov s2;
	s1 =	sadd.s32 $0xF, s5;
	[tilespmem:s25+$0x70] =	vst v22  }
0x128: {  	v22 =	vmov s0;
	v30 =	vmov s1;
	[tilespmem:s28+$0xFFFFFF00] =	vst v14;
	v14 =	vand.u32 $0xFFFF0000, v11  }
0x129: {  	v27 =	vshrl.u32 v27, $0x3;
	v17 =	vshrl.u32 v17, $0x3;
	v11 =	vshll.u32 v11, $0x10;
	v31 =	vld [tilespmem:s26+$0xFFFFFF90];
	[tilespmem:s25+$0xFFFFFFA0] =	vst v26  }
0x12a: {  	v25 =	vmul.f32 v25, v3;
	v26 =	vshll.u32 v27, v2;
	v17 =	vshll.u32 v17, v2;
	[tilespmem:s28+$0x80] =	vst v23  }
0x12b: {  	v23 =	vadd.s32 $0x1, v26;
	v26 =	vmov s3;
	v17 =	vadd.s32 $0x5, v17;
	[tilespmem:s25+$0xF0] =	vst v24  }
0x12c: {  	v23 =	vbroadcast v23, $0x0;
	v24 =	vmov s31;
	v11 =	vmul.f32 v11, v4;
	[tilespmem:s28+$0xFFFFFFD0] =	vst v18  }
0x12d: {  	v27 =	vmul.f32 v14, v4;
	v18 =	vshrl.u32 v22, $0x3;
	v24 =	vshrl.u32 v24, $0x3;
	v22 =	vld [tilespmem:s10+$0x0];
	[tilespmem:s28+$0xFFFFFFC0] =	vst v16  }
0x12e: {  	v14 =	vshll.u32 v18, v2;
	v16 =	vshrl.u32 v30, $0x3;
	v18 =	vshll.u32 v31, $0x10;
	v30 =	vld [tilespmem:s26+$0xFFFFFFF0];
	[tilespmem:s25+$0x60] =	vst v20  }
0x12f: {  	v24 =	vshll.u32 v24, v2;
	v16 =	vshll.u32 v16, v2;
	v31 =	vand.u32 $0xFFFF0000, v31;
	v20 =	vld [tilespmem:s10+$0xFFFFFFA0];
	[tilespmem:s25+$0xFFFFFFB0] =	vst v21;
	s25 =	smov.u32 s28;
	s28 =	smov.u32 s8  }
0x130: {  	v14 =	vbroadcast v14, $0x0;
	v16 =	vadd.s32 $0x7, v16;
	v18 =	vmul.f32 v18, v9;
	[tilespmem:s25+$0x50] =	vst v29;
	v21 =	vld [tilespmem:s26+$0x50]  }
0x131: {  	v15 =	vshrl.u32 v15, $0x3;
	v9 =	vmul.f32 v31, v9;
	v16 =	vbroadcast v16, $0x0;
	v29 =	vld [tilespmem:s26+$0x10];
	[tilespmem:s25+$0x40] =	vst v25  }
0x132: {  	v13 =	vmul.f32 v13, v5;
	v24 =	vadd.s32 $0x6, v24;
	v25 =	vld [tilespmem:s26+$0x30];
	[tilespmem:s25+$0xD0] =	vst v12  }
0x133: {  	v12 =	vshll.u32 v15, v2;
	v15 =	vbroadcast v24, $0x0;
	v5 =	vld.idx.msk [tilespmem:v23+s6+$0x0], $0xffff;
	[tilespmem:s25+$0xFFFFFF20] =	vst v18;
	v18 =	vshll.u32 v30, $0x10  }
0x134: {  	v23 =	vshrl.u32 v26, $0x3;
	v12 =	vadd.s32 $0x4, v12;
	[tilespmem:s25+$0xFFFFFF30] =	vst v9;
	v9 =	vand.u32 $0xFFFF0000, v30;
	v24 =	vld [tilespmem:s26+$0x70]  }
0x135: {  	v23 =	vshll.u32 v23, v2;
	v12 =	vbroadcast v12, $0x0;
	v26 =	vld [tilespmem:s10+$0x40];
	[tilespmem:s25+$0xFFFFFF80] =	vst v11;
	v11 =	vmul.f32 v18, v10  }
0x136: {  	v23 =	vadd.s32 $0x3, v23;
	v10 =	vmul.f32 v9, v10;
	v18 =	vld [tilespmem:s10+$0xFFFFFF80];
	[tilespmem:s25+$0xFFFFFF60] =	vst v13;
	v13 =	vshll.u32 v29, $0x10  }
0x137: {  	v23 =	vbroadcast v23, $0x0;
	v9 =	vld.idx.msk [tilespmem:v14+s6+$0x0], $0xffff;
	v14 =	vshrl.u32 v28, $0x3;
	[tilespmem:s25+$0xFFFFFFE0] =	vst v11  }
0x138: {  	v30 =	vand.u32 $0xFFFF0000, v21;
	v11 =	vand.u32 $0xFFFF0000, v20;
	v14 =	vshll.u32 v14, v2;
	v28 =	vld [tilespmem:s10+$0x60];
	[tilespmem:s25+$0xFFFFFFF0] =	vst v10  }
0x139: {  	v10 =	vshll.u32 v20, $0x10;
	v11 =	vmul.f32 v11, v5;
	v20 =	vld.idx.msk [tilespmem:v16+s6+$0x0], $0xffff;
	[tilespmem:s25+$0xFFFFFF70] =	vst v19;
	v16 =	vshll.u32 v24, $0x10  }
0x13a: {  	v19 =	vmul.f32 v10, v5;
	v31 =	vadd.s32 $0x2, v14;
	v32 =	vld.idx.msk [tilespmem:v15+s6+$0x0], $0xffff;
	v16 =	vmul.f32 v16, v6  }
0x13b: {  	v29 =	vand.u32 $0xFFFF0000, v29;
	v33 =	vld.idx.msk [tilespmem:v12+s6+$0x0], $0xffff;
	v12 =	vbroadcast v17, $0x0;
	v17 =	vshll.u32 v21, $0x10  }
0x13c: {  	v34 =	vshll.u32 v25, $0x10;
	v10 =	vshll.u32 v18, $0x10;
	v18 =	vand.u32 $0xFFFF0000, v18;
	[tilespmem:s8+$0xFFFFFF50] =	vst v11;
	v11 =	vld [tilespmem:s10+$0xFFFFFFE0]  }
0x13d: {  	v15 =	vmul.f32 v13, v8;
	v14 =	vmul.f32 v10, v9;
	v10 =	vld.idx.msk [tilespmem:v23+s6+$0x0], $0xffff;
	v23 =	vand.u32 $0xFFFF0000, v28  }
0x13e: {  	v18 =	vmul.f32 v18, v9;
	v13 =	vshll.u32 v28, $0x10;
	v28 =	vmul.f32 v30, v7;
	[tilespmem:s25+$0xE0] =	vst v16  }
0x13f: {  	v35 =	vshll.u32 v26, $0x10;
	v36 =	vmul.f32 v17, v7;
	v21 =	vmul.f32 v13, v20;
	v30 =	vld [tilespmem:s10+$0x20];
	[tilespmem:s25+$0xFFFFFF90] =	vst v27  }
0x140: {  	v17 =	vbroadcast v31, $0x0;
	v13 =	vshll.u32 v22, $0x10;
	v27 =	vand.u32 $0xFFFF0000, v22;
	v7 =	vmovc v32;
	v22 =	vld [tilespmem:s26+$0xFFFFFFD0];
	[tilespmem:s25+$0xB0] =	vst v28;
	s26 =	smov.u32 s10  }
0x141: {  	v29 =	vmul.f32 v29, v8;
	v26 =	vand.u32 $0xFFFF0000, v26;
	v28 =	vmul.f32 v13, v33;
	[tilespmem:s8+$0xFFFFFF40] =	vst v19;
	v13 =	vld.idx.msk [tilespmem:v12+s6+$0x0], $0xffff  }
.Ltmp12:
0x142: {  	v8 =	vmovc v33;
	v16 =	vshll.u32 v11, $0x10;
	v11 =	vand.u32 $0xFFFF0000, v11;
	v12 =	vmul.f32 v23, v20;
	[tilespmem:s8+$0xFFFFFF10] =	vst v18;
	(pc) =	sbr.rel @p1 .LBB2_22-.Ltmp12, $4  }
0x143: {  	v24 =	vand.u32 $0xFFFF0000, v24;
	v31 =	vmul.f32 v26, v7;
	v16 =	vmul.f32 v16, v10;
	v19 =	vld [tilespmem:s10+$0xFFFFFFB0];
	[tilespmem:s8+$0x0] =	vst v28  }
0x144: {  	v26 =	vmul.f32 v27, v8;
	v23 =	vmul.f32 v35, v7;
	v28 =	vand.u32 $0xFFFF0000, v25;
	[tilespmem:s25+$0x30] =	vst v29  }
0x145: {  	v24 =	vmul.f32 v24, v6;
	v6 =	vmovc v20;
	v18 =	vmul.f32 v11, v10;
	v27 =	vshll.u32 v22, $0x10;
	[tilespmem:s25+$0xA0] =	vst v36  }
0x146: {  	v20 =	vmul.f32 v34, v3;
	s10 =	sadd.s32 $0x100, s10;
	v25 =	vshll.u32 v30, $0x10;
	v29 =	vand.u32 $0xFFFF0000, v30;
	v11 =	vld [tilespmem:s26+$0xFFFFFFC0];
	[tilespmem:s8+$0x90] =	vst v31  }
.Ltmp13:
0x147: {  	_ = 	snop;
	(pc) =	sbr.rel .LBB2_23-.Ltmp13, $1  }
0x148: {  	_ =	sdelay $0x3  }
.LBB2_8:
0x149: {  	s8 =	sshll.u32 s24, $0x9  }
0x14a: {  	s8 =	sshrl.u32 s8, $0x2  }
0x14b: {  	s22 =	sadd.s32 $0x18720, s8  }
0x14c: {  	v3 =	vmov s22;
	_ =	sdelay $0x3  }
0x14d: {  	s10 =	simm.s32 $0x0;
	p1 =	por $0x1, $0x1  }
.LBB2_9:
0x14e: {  	v4 =	vld.idx.msk [tilespmem:v3+s10+$0x0 ss:$0x1], $0xffff  }
0x14f: {  	v5 =	vld.idx.msk [tilespmem:v3+s10+$0x10 ss:$0x1], $0xffff  }
0x150: {  	v6 =	vld.idx.msk [tilespmem:v3+s10+$0x20 ss:$0x1], $0xffff  }
0x151: {  	v7 =	vld.idx.msk [tilespmem:v3+s10+$0x30 ss:$0x1], $0xffff;
	p2 =	por p1, p1  }
.Ltmp14:
0x152: {  	_ = 	snop;
	(pc) =	sbr.rel @p2 .LBB2_9-.Ltmp14, $4  }
0x153: {  	[tilespmem:s10+$0x1AC20] =	vst v4  }
0x154: {  	[tilespmem:s10+$0x1AC30] =	vst v5  }
0x155: {  	[tilespmem:s10+$0x1AC40] =	vst v6  }
0x156: {  	p1 =	por $0x0, $0x0;
	[tilespmem:s10+$0x1AC50] =	vst v7;
	s10 =	simm.s32 $0x40  }
0x157: {  	s0 =	sadd.s32 $0x19320, s8  }
0x158: {  	v3 =	vmov s0  }
0x159: {  	[tilespmem:s15], [sflag:$0x1] =	stream.indirect.gather [hbm4b:s7+s9], $0x20, s14, s9, $0xb8;
	[tilespmem:$0x1EE20] =	vst v63  }
0x15a: {  	_ =	swait.ge [sflag:s20], $0x1000  }
0x15b: {  	[sflag:s20] =	ssyncset.done $0x0  }
0x15c: {  	s8 =	simm.s32 $0x0;
	p1 =	por $0x1, $0x1;
	[sflag:s20] =	ssyncadd.s32 $0xFFFFF000  }
.LBB2_11:
0x15d: {  	v4 =	vld.idx.msk [tilespmem:v3+s8+$0x0 ss:$0x1], $0xffff  }
0x15e: {  	v5 =	vld.idx.msk [tilespmem:v3+s8+$0x10 ss:$0x1], $0xffff  }
0x15f: {  	v6 =	vld.idx.msk [tilespmem:v3+s8+$0x20 ss:$0x1], $0xffff  }
0x160: {  	v7 =	vld.idx.msk [tilespmem:v3+s8+$0x30 ss:$0x1], $0xffff  }
0x161: {  	p2 =	por p1, p1  }
.Ltmp15:
0x162: {  	v4 =	vsub.s32 v4, v0;
	(pc) =	sbr.rel @p2 .LBB2_11-.Ltmp15, $4  }
0x163: {  	[tilespmem:s8+$0x1ADA0] =	vst v4;
	v4 =	vsub.s32 v5, v0  }
0x164: {  	[tilespmem:s8+$0x1ADB0] =	vst v4;
	v4 =	vsub.s32 v6, v0  }
0x165: {  	s22 =	simm.s32 $0x1BEA0;
	[tilespmem:s8+$0x1ADC0] =	vst v4;
	v4 =	vsub.s32 v7, v0  }
0x166: {  	s25 =	simm.s32 $0x1CF20;
	p1 =	por $0x0, $0x0;
	[tilespmem:s8+$0x1ADD0] =	vst v4;
	s8 =	simm.s32 $0x40  }
0x167: {  	s0 =	sadd.s32 $0xFFFFFFF8, s23  }
0x168: {  	s1 =	sadd.s32 $0x9, s0  }
0x169: {  	v3 =	vmov s1  }
0x16a: {  	v3 =	vshrl.u32 v3, $0x3  }
0x16b: {  	v3 =	vshll.u32 v3, v2  }
0x16c: {  	v3 =	vadd.s32 $0x1, v3  }
0x16d: {  	s8 =	sadd.s32 $0xC, s0;
	s2 =	sadd.s32 $0x8, s0;
	s10 =	sadd.s32 $0xF, s0;
	v3 =	vbroadcast v3, $0x0  }
0x16e: {  	s26 =	sadd.s32 $0xE, s0;
	v4 =	vmov s8;
	v5 =	vmov s2;
	v6 =	vmov s10  }
0x16f: {  	v8 =	vmov s26;
	v5 =	vshrl.u32 v5, $0x3;
	v6 =	vshrl.u32 v6, $0x3  }
0x170: {  	v8 =	vshrl.u32 v8, $0x3;
	v5 =	vshll.u32 v5, v2;
	v6 =	vshll.u32 v6, v2  }
0x171: {  	v8 =	vshll.u32 v8, v2;
	v5 =	vbroadcast v5, $0x0;
	v6 =	vadd.s32 $0x7, v6  }
0x172: {  	v9 =	vld [tilespmem:s22+$0x0];
	v4 =	vshrl.u32 v4, $0x3;
	v8 =	vadd.s32 $0x6, v8;
	v6 =	vbroadcast v6, $0x0  }
0x173: {  	s3 =	sadd.s32 $0xB, s0;
	s31 =	sadd.s32 $0xD, s0;
	v4 =	vshll.u32 v4, v2;
	v14 =	vld.idx.msk [tilespmem:v3+s6+$0x0], $0xffff;
	v3 =	vbroadcast v8, $0x0  }
0x174: {  	v10 =	vld [tilespmem:s22+$0xFFFFFFA0];
	v7 =	vmov s3;
	v4 =	vadd.s32 $0x4, v4;
	v8 =	vmov s31  }
0x175: {  	v7 =	vshrl.u32 v7, $0x3;
	v4 =	vbroadcast v4, $0x0;
	v8 =	vshrl.u32 v8, $0x3  }
0x176: {  	v16 =	vld [tilespmem:s22+$0xFFFFFF80];
	v7 =	vshll.u32 v7, v2;
	v8 =	vshll.u32 v8, v2  }
0x177: {  	s0 =	sadd.s32 $0xA, s0;
	v7 =	vadd.s32 $0x3, v7;
	v5 =	vld.idx.msk [tilespmem:v5+s6+$0x0], $0xffff;
	v8 =	vadd.s32 $0x5, v8  }
0x178: {  	v21 =	vshll.u32 v9, $0x10;
	v11 =	vld.idx.msk [tilespmem:v6+s6+$0x0], $0xffff;
	v6 =	vbroadcast v8, $0x0;
	v8 =	vmov s0;
	s0 =	sadd.s32 $0x0, s23  }
0x179: {  	v7 =	vbroadcast v7, $0x0;
	s2 =	sadd.s32 $0x9, s0;
	s3 =	sadd.s32 $0xA, s0;
	v13 =	vld.idx.msk [tilespmem:v3+s6+$0x0], $0xffff;
	v3 =	vshrl.u32 v8, $0x3;
	v8 =	vand.u32 $0xFFFF0000, v10  }
0x17a: {  	v17 =	vld [tilespmem:s22+$0x60];
	s5 =	sadd.s32 $0xC, s0;
	s26 =	sadd.s32 $0xF, s0;
	v10 =	vshll.u32 v10, $0x10;
	v27 =	vmov s2;
	v28 =	vmov s3  }
0x17b: {  	v12 =	vld.idx.msk [tilespmem:v4+s6+$0x0], $0xffff;
	v29 =	vmov s5;
	v30 =	vmov s26;
	v3 =	vshll.u32 v3, v2  }
0x17c: {  	v15 =	vld [tilespmem:s22+$0x40];
	v4 =	vmul.f32 v8, v14;
	v8 =	vmul.f32 v10, v14;
	v27 =	vshrl.u32 v27, $0x3  }
0x17d: {  	v24 =	vld [tilespmem:s22+$0xFFFFFFC0];
	v29 =	vshrl.u32 v29, $0x3;
	v18 =	vadd.s32 $0x2, v3;
	v3 =	vshll.u32 v16, $0x10  }
0x17e: {  	v10 =	vld [tilespmem:s22+$0xFFFFFFE0];
	v16 =	vand.u32 $0xFFFF0000, v16;
	v27 =	vshll.u32 v27, v2;
	v19 =	vmul.f32 v3, v5  }
0x17f: {  	v7 =	vld.idx.msk [tilespmem:v7+s6+$0x0], $0xffff;
	v3 =	vshll.u32 v17, $0x10;
	v16 =	vmul.f32 v16, v5;
	[tilespmem:s25+$0xFFFFFF40] =	vst v8;
	v8 =	vbroadcast v18, $0x0  }
0x180: {  	[tilespmem:s25+$0xFFFFFF50] =	vst v4;
	v4 =	vand.u32 $0xFFFF0000, v17;
	v17 =	vld [tilespmem:s22+$0x20];
	v18 =	vmul.f32 v21, v12;
	v20 =	vmul.f32 v3, v11  }
0x181: {  	v3 =	vld.idx.msk [tilespmem:v6+s6+$0x0], $0xffff;
	v6 =	vshll.u32 v15, $0x10;
	v15 =	vand.u32 $0xFFFF0000, v15;
	v23 =	vmul.f32 v4, v11  }
0x182: {  	v4 =	vand.u32 $0xFFFF0000, v9;
	v15 =	vmul.f32 v15, v13;
	v6 =	vmul.f32 v6, v13  }
0x183: {  	v21 =	vld [tilespmem:s22+$0xFFFFFFB0];
	[tilespmem:s25+$0xFFFFFF00] =	vst v19;
	v19 =	vand.u32 $0xFFFF0000, v24;
	v24 =	vshll.u32 v24, $0x10;
	v22 =	vshll.u32 v10, $0x10  }
0x184: {  	s31 =	sadd.s32 $0xB, s0;
	v10 =	vand.u32 $0xFFFF0000, v10;
	[tilespmem:s25+$0xD0] =	vst v23;
	v23 =	vshll.u32 v29, v2;
	v9 =	vmul.f32 v22, v7  }
0x185: {  	v22 =	vmul.f32 v4, v12;
	v10 =	vmul.f32 v10, v7;
	[tilespmem:s25+$0x90] =	vst v15;
	v15 =	vmov s31  }
0x186: {  	[tilespmem:s25+$0xFFFFFF10] =	vst v16;
	v23 =	vadd.s32 $0x4, v23;
	v25 =	vshll.u32 v17, $0x10;
	v4 =	vand.u32 $0xFFFF0000, v17  }
0x187: {  	s8 =	sadd.s32 $0xD, s0;
	[tilespmem:s25+$0x0] =	vst v18;
	v31 =	vld [tilespmem:s22+$0xFFFFFF90];
	v15 =	vshrl.u32 v15, $0x3;
	v23 =	vbroadcast v23, $0x0;
	v17 =	vmul.f32 v4, v3  }
0x188: {  	s10 =	sadd.s32 $0x8, s0;
	s0 =	sadd.s32 $0xE, s0;
	[tilespmem:s25+$0xC0] =	vst v20;
	v26 =	vshll.u32 v21, $0x10;
	v21 =	vand.u32 $0xFFFF0000, v21;
	v4 =	vld.idx.msk [tilespmem:v8+s6+$0x0], $0xffff;
	v8 =	vmov s8  }
0x189: {  	s26 =	simm.s32 $0x1BFA0;
	[tilespmem:s25+$0x80] =	vst v6;
	v18 =	vmul.f32 v25, v3;
	v25 =	vadd.s32 $0x1, v27;
	v27 =	vmov s0  }
0x18a: {  	v6 =	vld [tilespmem:s26+$0xFFFFFFA0];
	[tilespmem:s25+$0xFFFFFFD0] =	vst v10;
	v15 =	vshll.u32 v15, v2;
	v16 =	vmul.f32 v21, v14;
	v21 =	vmov s10  }
0x18b: {  	[tilespmem:s25+$0xFFFFFFC0] =	vst v9;
	v8 =	vshrl.u32 v8, $0x3;
	v25 =	vbroadcast v25, $0x0;
	v14 =	vmul.f32 v26, v14  }
0x18c: {  	v32 =	vld [tilespmem:s26+$0x0];
	[tilespmem:s25+$0x10] =	vst v22;
	v15 =	vadd.s32 $0x3, v15;
	v8 =	vshll.u32 v8, v2;
	v10 =	vshrl.u32 v21, $0x3  }
0x18d: {  	v22 =	vld [tilespmem:s22+$0x50];
	v21 =	vshrl.u32 v27, $0x3;
	v20 =	vshll.u32 v31, $0x10;
	[tilespmem:s25+$0x50] =	vst v17;
	v8 =	vadd.s32 $0x5, v8  }
0x18e: {  	v27 =	vld [tilespmem:s22+$0xFFFFFFF0];
	[tilespmem:s25+$0x40] =	vst v18;
	v9 =	vshll.u32 v10, v2;
	v10 =	vshrl.u32 v30, $0x3;
	v21 =	vshll.u32 v21, v2  }
0x18f: {  	v30 =	vand.u32 $0xFFFF0000, v31;
	v20 =	vmul.f32 v20, v5;
	v29 =	vld [tilespmem:s22+$0x30];
	[tilespmem:s25+$0xFFFFFF60] =	vst v14;
	v14 =	vshll.u32 v6, $0x10  }
0x190: {  	v31 =	vld [tilespmem:s26+$0x40];
	v10 =	vshll.u32 v10, v2;
	v9 =	vbroadcast v9, $0x0;
	v17 =	vmul.f32 v30, v5  }
0x191: {  	v30 =	vld [tilespmem:s22+$0x10];
	v21 =	vadd.s32 $0x6, v21;
	v34 =	vbroadcast v8, $0x0;
	v24 =	vmul.f32 v24, v4  }
0x192: {  	v19 =	vmul.f32 v19, v4;
	v10 =	vadd.s32 $0x7, v10;
	v21 =	vbroadcast v21, $0x0;
	[tilespmem:s25+$0xFFFFFF20] =	vst v20;
	v20 =	vld [tilespmem:s26+$0xFFFFFF80]  }
0x193: {  	v10 =	vbroadcast v10, $0x0;
	v5 =	vld.idx.msk [tilespmem:v25+s6+$0x0], $0xffff;
	v18 =	vshll.u32 v27, $0x10;
	v26 =	vand.u32 $0xFFFF0000, v27  }
0x194: {  	v25 =	vld [tilespmem:s22+$0x70];
	v27 =	vbroadcast v15, $0x0;
	v15 =	vand.u32 $0xFFFF0000, v6;
	[tilespmem:s25+$0xFFFFFF90] =	vst v19;
	v19 =	vand.u32 $0xFFFF0000, v32  }
0x195: {  	[tilespmem:s25+$0xFFFFFF70] =	vst v16;
	v8 =	vld.idx.msk [tilespmem:v23+s6+$0x0], $0xffff;
	v18 =	vmul.f32 v18, v7;
	v7 =	vmul.f32 v26, v7;
	v26 =	vshrl.u32 v28, $0x3  }
0x196: {  	[tilespmem:s25+$0xFFFFFF80] =	vst v24;
	v28 =	vand.u32 $0xFFFF0000, v22;
	v22 =	vshll.u32 v22, $0x10;
	v24 =	vshll.u32 v26, v2;
	v26 =	vld [tilespmem:s26+$0x60]  }
0x197: {  	[tilespmem:s25+$0xFFFFFF30] =	vst v17;
	v17 =	vshll.u32 v30, $0x10;
	v30 =	vand.u32 $0xFFFF0000, v30;
	v62 =	vmul.f32 v22, v13;
	v9 =	vld.idx.msk [tilespmem:v9+s6+$0x0], $0xffff  }
0x198: {  	v24 =	vadd.s32 $0x2, v24;
	[tilespmem:s25+$0xFFFFFFF0] =	vst v7;
	v16 =	vand.u32 $0xFFFF0000, v20;
	v7 =	vld.idx.msk [tilespmem:v21+s6+$0x0], $0xffff;
	v15 =	vmul.f32 v15, v5  }
0x199: {  	[tilespmem:s25+$0xFFFFFFE0] =	vst v18;
	v33 =	vshll.u32 v25, $0x10;
	v6 =	vld.idx.msk [tilespmem:v10+s6+$0x0], $0xffff;
	v18 =	vmul.f32 v14, v5;
	v10 =	vshll.u32 v20, $0x10  }
0x19a: {  	s28 =	simm.s32 $0x1D120;
	v20 =	vshll.u32 v29, $0x10;
	v25 =	vand.u32 $0xFFFF0000, v25;
	v33 =	vmul.f32 v33, v11  }
0x19b: {  	v63 =	vld [tilespmem:s26+$0x20];
	v20 =	vmul.f32 v20, v3;
	[tilespmem:s28+$0xFFFFFF50] =	vst v15;
	v35 =	vand.u32 $0xFFFF0000, v26;
	v15 =	vmul.f32 v17, v12  }
0x19c: {  	v23 =	vld [tilespmem:s26+$0xFFFFFFE0];
	[tilespmem:s25+$0xA0] =	vst v62;
	v17 =	vshll.u32 v26, $0x10;
	v26 =	vmul.f32 v28, v13;
	v13 =	vshll.u32 v32, $0x10  }
0x19d: {  	v22 =	vld [tilespmem:s22+$0xFFFFFFD0];
	[tilespmem:s28+$0xFFFFFF40] =	vst v18;
	v18 =	vand.u32 $0xFFFF0000, v31;
	v14 =	vmul.f32 v10, v9;
	v13 =	vmul.f32 v13, v8  }
0x19e: {  	v10 =	vld.idx.msk [tilespmem:v27+s6+$0x0], $0xffff;
	v16 =	vmul.f32 v16, v9;
	v27 =	vshll.u32 v31, $0x10;
	[tilespmem:s25+$0xB0] =	vst v26;
	v31 =	vmul.f32 v18, v7  }
0x19f: {  	v28 =	vand.u32 $0xFFFF0000, v29;
	v26 =	vmul.f32 v19, v8;
	v21 =	vmul.f32 v17, v6;
	[tilespmem:s28+$0x0] =	vst v13;
	v13 =	vld.idx.msk [tilespmem:v34+s6+$0x0], $0xffff  }
0x1a0: {  	v29 =	vand.u32 $0xFFFF0000, v63;
	[tilespmem:s25+$0xE0] =	vst v33;
	v19 =	vld [tilespmem:s26+$0xFFFFFFB0];
	v17 =	vbroadcast v24, $0x0;
	v24 =	vmul.f32 v30, v12  }
0x1a1: {  	[tilespmem:s28+$0xFFFFFF10] =	vst v16;
	v16 =	vshll.u32 v23, $0x10;
	v30 =	vand.u32 $0xFFFF0000, v23;
	v12 =	vmul.f32 v35, v6  }
0x1a2: {  	v23 =	vmul.f32 v27, v7;
	v27 =	vshll.u32 v22, $0x10;
	[tilespmem:s25+$0x30] =	vst v24;
	v24 =	vmul.f32 v25, v11  }
0x1a3: {  	s8 =	simm.s32 $0x1D120;
	s10 =	simm.s32 $0x1C0A0;
	s22 =	simm.s32 $0x8;
	[tilespmem:s28+$0x90] =	vst v31;
	v11 =	vld [tilespmem:s26+$0xFFFFFFC0];
	v25 =	vshll.u32 v63, $0x10;
	v16 =	vmul.f32 v16, v10;
	v18 =	vmul.f32 v30, v10  }
.LBB2_13:
0x1a4: {  	s0 =	sadd.s32 s22, s23;
	s22 =	sadd.s32 $0x8, s22;
	v29 =	vmul.f32 v29, v13;
	[tilespmem:s28+$0xC0] =	vst v21;
	s8 =	sadd.s32 $0x200, s8;
	v21 =	vand.u32 $0xFFFF0000, v22;
	v22 =	vmul.f32 v28, v3;
	v3 =	vmovc v13  }
0x1a5: {  	s1 =	sadd.s32 $0x9, s0;
	s2 =	sadd.s32 $0xA, s0;
	s3 =	sadd.s32 $0xB, s0;
	v13 =	vshll.u32 v19, $0x10;
	v19 =	vand.u32 $0xFFFF0000, v19;
	[tilespmem:s28+$0x10] =	vst v26;
	v26 =	vmul.f32 v27, v4  }
0x1a6: {  	s5 =	sadd.s32 $0xE, s0;
	v21 =	vmul.f32 v21, v4;
	v27 =	vmov s1;
	v28 =	vmov s2;
	s1 =	sadd.s32 $0xC, s0;
	s2 =	sadd.s32 $0xD, s0;
	v4 =	vld.idx.msk [tilespmem:v17+s6+$0x0], $0xffff;
	[tilespmem:s25+$0x20] =	vst v15  }
0x1a7: {  	s31 =	sadd.s32 $0x8, s0;
	p1 =	slt.u32 s22, $0x78;
	s0 =	sadd.s32 $0xF, s0;
	v19 =	vmul.f32 v19, v5;
	v15 =	vmov s1;
	v17 =	vmov s2;
	[tilespmem:s25+$0x70] =	vst v22  }
0x1a8: {  	v22 =	vmov s31;
	v30 =	vmov s0;
	[tilespmem:s28+$0xFFFFFF00] =	vst v14;
	v14 =	vand.u32 $0xFFFF0000, v11  }
0x1a9: {  	v27 =	vshrl.u32 v27, $0x3;
	v17 =	vshrl.u32 v17, $0x3;
	v11 =	vshll.u32 v11, $0x10;
	v31 =	vld [tilespmem:s26+$0xFFFFFF90];
	[tilespmem:s25+$0xFFFFFFA0] =	vst v26  }
0x1aa: {  	v25 =	vmul.f32 v25, v3;
	v26 =	vshll.u32 v27, v2;
	v17 =	vshll.u32 v17, v2;
	[tilespmem:s28+$0x80] =	vst v23  }
0x1ab: {  	v23 =	vadd.s32 $0x1, v26;
	v26 =	vmov s3;
	v17 =	vadd.s32 $0x5, v17;
	[tilespmem:s25+$0xF0] =	vst v24  }
0x1ac: {  	v23 =	vbroadcast v23, $0x0;
	v24 =	vmov s5;
	v11 =	vmul.f32 v11, v4;
	[tilespmem:s28+$0xFFFFFFD0] =	vst v18  }
0x1ad: {  	v27 =	vmul.f32 v14, v4;
	v18 =	vshrl.u32 v22, $0x3;
	v24 =	vshrl.u32 v24, $0x3;
	v22 =	vld [tilespmem:s10+$0x0];
	[tilespmem:s28+$0xFFFFFFC0] =	vst v16  }
0x1ae: {  	v14 =	vshll.u32 v18, v2;
	v16 =	vshrl.u32 v30, $0x3;
	v18 =	vshll.u32 v31, $0x10;
	v30 =	vld [tilespmem:s26+$0xFFFFFFF0];
	[tilespmem:s25+$0x60] =	vst v20  }
0x1af: {  	v24 =	vshll.u32 v24, v2;
	v16 =	vshll.u32 v16, v2;
	v31 =	vand.u32 $0xFFFF0000, v31;
	v20 =	vld [tilespmem:s10+$0xFFFFFFA0];
	[tilespmem:s25+$0xFFFFFFB0] =	vst v21;
	s25 =	smov.u32 s28;
	s28 =	smov.u32 s8  }
0x1b0: {  	v14 =	vbroadcast v14, $0x0;
	v16 =	vadd.s32 $0x7, v16;
	v18 =	vmul.f32 v18, v9;
	[tilespmem:s25+$0x50] =	vst v29;
	v21 =	vld [tilespmem:s26+$0x50]  }
0x1b1: {  	v15 =	vshrl.u32 v15, $0x3;
	v9 =	vmul.f32 v31, v9;
	v16 =	vbroadcast v16, $0x0;
	v29 =	vld [tilespmem:s26+$0x10];
	[tilespmem:s25+$0x40] =	vst v25  }
0x1b2: {  	v13 =	vmul.f32 v13, v5;
	v24 =	vadd.s32 $0x6, v24;
	v25 =	vld [tilespmem:s26+$0x30];
	[tilespmem:s25+$0xD0] =	vst v12  }
0x1b3: {  	v12 =	vshll.u32 v15, v2;
	v15 =	vbroadcast v24, $0x0;
	v5 =	vld.idx.msk [tilespmem:v23+s6+$0x0], $0xffff;
	[tilespmem:s25+$0xFFFFFF20] =	vst v18;
	v18 =	vshll.u32 v30, $0x10  }
0x1b4: {  	v23 =	vshrl.u32 v26, $0x3;
	v12 =	vadd.s32 $0x4, v12;
	[tilespmem:s25+$0xFFFFFF30] =	vst v9;
	v9 =	vand.u32 $0xFFFF0000, v30;
	v24 =	vld [tilespmem:s26+$0x70]  }
0x1b5: {  	v23 =	vshll.u32 v23, v2;
	v12 =	vbroadcast v12, $0x0;
	v26 =	vld [tilespmem:s10+$0x40];
	[tilespmem:s25+$0xFFFFFF80] =	vst v11;
	v11 =	vmul.f32 v18, v10  }
0x1b6: {  	v23 =	vadd.s32 $0x3, v23;
	v10 =	vmul.f32 v9, v10;
	v18 =	vld [tilespmem:s10+$0xFFFFFF80];
	[tilespmem:s25+$0xFFFFFF60] =	vst v13;
	v13 =	vshll.u32 v29, $0x10  }
0x1b7: {  	v23 =	vbroadcast v23, $0x0;
	v9 =	vld.idx.msk [tilespmem:v14+s6+$0x0], $0xffff;
	v14 =	vshrl.u32 v28, $0x3;
	[tilespmem:s25+$0xFFFFFFE0] =	vst v11  }
0x1b8: {  	v30 =	vand.u32 $0xFFFF0000, v21;
	v11 =	vand.u32 $0xFFFF0000, v20;
	v14 =	vshll.u32 v14, v2;
	v28 =	vld [tilespmem:s10+$0x60];
	[tilespmem:s25+$0xFFFFFFF0] =	vst v10  }
0x1b9: {  	v10 =	vshll.u32 v20, $0x10;
	v11 =	vmul.f32 v11, v5;
	v20 =	vld.idx.msk [tilespmem:v16+s6+$0x0], $0xffff;
	[tilespmem:s25+$0xFFFFFF70] =	vst v19;
	v16 =	vshll.u32 v24, $0x10  }
0x1ba: {  	v19 =	vmul.f32 v10, v5;
	v31 =	vadd.s32 $0x2, v14;
	v32 =	vld.idx.msk [tilespmem:v15+s6+$0x0], $0xffff;
	v16 =	vmul.f32 v16, v6  }
0x1bb: {  	v29 =	vand.u32 $0xFFFF0000, v29;
	v33 =	vld.idx.msk [tilespmem:v12+s6+$0x0], $0xffff;
	v12 =	vbroadcast v17, $0x0;
	v17 =	vshll.u32 v21, $0x10  }
0x1bc: {  	v34 =	vshll.u32 v25, $0x10;
	v10 =	vshll.u32 v18, $0x10;
	v18 =	vand.u32 $0xFFFF0000, v18;
	[tilespmem:s8+$0xFFFFFF50] =	vst v11;
	v11 =	vld [tilespmem:s10+$0xFFFFFFE0]  }
0x1bd: {  	v15 =	vmul.f32 v13, v8;
	v14 =	vmul.f32 v10, v9;
	v10 =	vld.idx.msk [tilespmem:v23+s6+$0x0], $0xffff;
	v23 =	vand.u32 $0xFFFF0000, v28  }
0x1be: {  	v18 =	vmul.f32 v18, v9;
	v13 =	vshll.u32 v28, $0x10;
	v28 =	vmul.f32 v30, v7;
	[tilespmem:s25+$0xE0] =	vst v16  }
0x1bf: {  	v35 =	vshll.u32 v26, $0x10;
	v36 =	vmul.f32 v17, v7;
	v21 =	vmul.f32 v13, v20;
	v30 =	vld [tilespmem:s10+$0x20];
	[tilespmem:s25+$0xFFFFFF90] =	vst v27  }
0x1c0: {  	v17 =	vbroadcast v31, $0x0;
	v13 =	vshll.u32 v22, $0x10;
	v27 =	vand.u32 $0xFFFF0000, v22;
	v7 =	vmovc v32;
	v22 =	vld [tilespmem:s26+$0xFFFFFFD0];
	[tilespmem:s25+$0xB0] =	vst v28;
	s26 =	smov.u32 s10  }
0x1c1: {  	v29 =	vmul.f32 v29, v8;
	v26 =	vand.u32 $0xFFFF0000, v26;
	v28 =	vmul.f32 v13, v33;
	[tilespmem:s8+$0xFFFFFF40] =	vst v19;
	v13 =	vld.idx.msk [tilespmem:v12+s6+$0x0], $0xffff  }
.Ltmp16:
0x1c2: {  	v8 =	vmovc v33;
	v16 =	vshll.u32 v11, $0x10;
	v11 =	vand.u32 $0xFFFF0000, v11;
	v12 =	vmul.f32 v23, v20;
	[tilespmem:s8+$0xFFFFFF10] =	vst v18;
	(pc) =	sbr.rel @p1 .LBB2_13-.Ltmp16, $4  }
0x1c3: {  	v24 =	vand.u32 $0xFFFF0000, v24;
	v31 =	vmul.f32 v26, v7;
	v16 =	vmul.f32 v16, v10;
	v19 =	vld [tilespmem:s10+$0xFFFFFFB0];
	[tilespmem:s8+$0x0] =	vst v28  }
0x1c4: {  	v26 =	vmul.f32 v27, v8;
	v23 =	vmul.f32 v35, v7;
	v28 =	vand.u32 $0xFFFF0000, v25;
	[tilespmem:s25+$0x30] =	vst v29  }
0x1c5: {  	v24 =	vmul.f32 v24, v6;
	v6 =	vmovc v20;
	v18 =	vmul.f32 v11, v10;
	v27 =	vshll.u32 v22, $0x10;
	[tilespmem:s25+$0xA0] =	vst v36  }
0x1c6: {  	v20 =	vmul.f32 v34, v3;
	s10 =	sadd.s32 $0x100, s10;
	v25 =	vshll.u32 v30, $0x10;
	v29 =	vand.u32 $0xFFFF0000, v30;
	v11 =	vld [tilespmem:s26+$0xFFFFFFC0];
	[tilespmem:s8+$0x90] =	vst v31  }
0x1c7: {  	[tilespmem:s28+$0xC0] =	vst v21  }
0x1c8: {  	[tilespmem:s28+$0x10] =	vst v26  }
0x1c9: {  	[tilespmem:s25+$0x20] =	vst v15  }
0x1ca: {  	[tilespmem:s28+$0xFFFFFF00] =	vst v14  }
0x1cb: {  	[tilespmem:s28+$0x80] =	vst v23  }
0x1cc: {  	[tilespmem:s25+$0xF0] =	vst v24  }
0x1cd: {  	[tilespmem:s28+$0xFFFFFFD0] =	vst v18  }
0x1ce: {  	[tilespmem:s28+$0xFFFFFFC0] =	vst v16  }
0x1cf: {  	v3 =	vmul.f32 v28, v3;
	v37 =	vld.idx.msk [tilespmem:v17+s6+$0x0], $0xffff;
	[tilespmem:s28+$0xD0] =	vst v12  }
0x1d0: {  	v33 =	vmul.f32 v27, v4;
	[tilespmem:s25+$0x60] =	vst v20;
	v39 =	vld [tilespmem:s26+$0xFFFFFFF0]  }
0x1d1: {  	v36 =	vmul.f32 v29, v13;
	[tilespmem:s25+$0x70] =	vst v3  }
0x1d2: {  	v34 =	vand.u32 $0xFFFF0000, v22;
	v38 =	vmul.f32 v25, v13;
	[tilespmem:s25+$0xFFFFFFA0] =	vst v33;
	v3 =	vld [tilespmem:s26+$0xFFFFFF90]  }
0x1d3: {  	v35 =	vmul.f32 v34, v4;
	v44 =	vld [tilespmem:s26+$0x70];
	v50 =	vand.u32 $0xFFFF0000, v19;
	[tilespmem:s28+$0x50] =	vst v36  }
0x1d4: {  	v45 =	vld [tilespmem:s26+$0x50];
	[tilespmem:s28+$0x40] =	vst v38;
	v52 =	vmul.f32 v50, v5;
	v41 =	vshll.u32 v11, $0x10  }
0x1d5: {  	[tilespmem:s25+$0xFFFFFFB0] =	vst v35;
	v43 =	vmul.f32 v41, v37;
	v46 =	vshll.u32 v39, $0x10  }
0x1d6: {  	[tilespmem:s28+$0xFFFFFF70] =	vst v52;
	v49 =	vand.u32 $0xFFFF0000, v39;
	v48 =	vmul.f32 v46, v10  }
0x1d7: {  	v40 =	vshll.u32 v3, $0x10;
	v3 =	vand.u32 $0xFFFF0000, v3;
	[tilespmem:s28+$0xFFFFFF80] =	vst v43;
	v51 =	vmul.f32 v49, v10  }
0x1d8: {  	v54 =	vshll.u32 v44, $0x10;
	v3 =	vmul.f32 v3, v9;
	[tilespmem:s28+$0xFFFFFFE0] =	vst v48  }
0x1d9: {  	v47 =	vld [tilespmem:s26+$0x10];
	v14 =	vshll.u32 v45, $0x10;
	v55 =	vmul.f32 v54, v6;
	[tilespmem:s28+$0xFFFFFFF0] =	vst v51  }
0x1da: {  	v59 =	vmul.f32 v14, v7;
	[tilespmem:s28+$0xFFFFFF30] =	vst v3;
	v3 =	vand.u32 $0xFFFF0000, v11  }
0x1db: {  	v53 =	vld [tilespmem:s26+$0x30];
	[tilespmem:s28+$0xE0] =	vst v55;
	v3 =	vmul.f32 v3, v37  }
0x1dc: {  	v42 =	vshll.u32 v19, $0x10;
	v4 =	vmul.f32 v40, v9;
	[tilespmem:s28+$0xA0] =	vst v59  }
0x1dd: {  	v9 =	vmul.f32 v42, v5;
	[tilespmem:s28+$0xFFFFFF90] =	vst v3;
	v3 =	vand.u32 $0xFFFF0000, v45  }
0x1de: {  	v57 =	vand.u32 $0xFFFF0000, v47;
	[tilespmem:s28+$0xFFFFFF20] =	vst v4;
	v56 =	vld [tilespmem:s26+$0xFFFFFFD0];
	v3 =	vmul.f32 v3, v7  }
0x1df: {  	v58 =	vshll.u32 v47, $0x10;
	v5 =	vmul.f32 v57, v8;
	[tilespmem:s28+$0xFFFFFF60] =	vst v9  }
0x1e0: {  	v60 =	vand.u32 $0xFFFF0000, v53;
	[tilespmem:s28+$0xB0] =	vst v3;
	v3 =	vmul.f32 v58, v8  }
0x1e1: {  	[tilespmem:s28+$0x30] =	vst v5;
	v5 =	vmul.f32 v60, v13;
	v4 =	vand.u32 $0xFFFF0000, v44  }
0x1e2: {  	v4 =	vmul.f32 v4, v6;
	[tilespmem:s28+$0x20] =	vst v3;
	v3 =	vshll.u32 v53, $0x10  }
0x1e3: {  	[tilespmem:s28+$0x70] =	vst v5;
	v61 =	vshll.u32 v56, $0x10;
	v3 =	vmul.f32 v3, v13  }
.Ltmp17:
0x1e4: {  	[tilespmem:s28+$0xF0] =	vst v4;
	v63 =	vand.u32 $0xFFFF0000, v56;
	v62 =	vmul.f32 v61, v37;
	(pc) =	sbr.rel .LBB2_24-.Ltmp17, $4  }
0x1e5: {  	v5 =	vmul.f32 v63, v37;
	[tilespmem:s28+$0x60] =	vst v3  }
0x1e6: {  	[tilespmem:s28+$0xFFFFFFA0] =	vst v62  }
0x1e7: {  	s8 =	simm.s32 $0x3;
	[tilespmem:s28+$0xFFFFFFB0] =	vst v5  }
0x1e8: {  	[spmem:s4] =	stream.indirect.scatter.add.f32 [tilespmem:s29], [sflag:$0x3], $0x40, s21, s9, $0xb8;
	[tilespmem:$0x1EE20] =	vst v63  }
.LBB2_27:
0x1e9: {  	_ =	sfence.sel $0x180000  }
0x1ea: {  	[bflag:$0x0] =	sbarrier.arrive $0xFFFF  }
0x1eb: {  	_ =	strace $0x9000004A  }
0x1ec: {  	[bflag:$0x2] =	sbarrier.arrive $0xFFFF  }
0x1ed: {  	s0 =	rddreg [dreg:$0x5]  }
0x1ee: {  	s0 =	sadd.s32 @!p0 $0x100000, s0  }
0x1ef: {  	[sflag:s0] =	ssyncadd.tile.s32 @!p0 $0x1;
	_ =	shalt  }
.Lfunc_end2:
_tile_overlayer_lowered:
.L_overlay_start_2:
0x1f0: {  	(tag) =	ssettag $0x2  }
0x1f1: {  	s0 =	rddreg [dreg:$0x0];
	s2 =	stileid.u32  }
0x1f2: {  	s1 =	rddreg [dreg:$0x1];
	p0 =	sne.s32 s2, $0x0  }
0x1f3: {  	s3 =	rddreg [dreg:$0x2];
	[bflag:$0x3] =	sbarrier.arrive $0xFFFF;
	s2 =	simm.s32 @!p0 $0x1C03  }
0x1f4: {  	[timem:s3], [sflag:s2] =	dma.local @!p0 [hbm:s0], s1  }
0x1f5: {  	s0 =	simm.s32 @!p0 $0x3  }
0x1f6: {  	_ =	swait.ge @!p0 [sflag:s0], s1  }
0x1f7: {  	s1 =	ssub.s32 @!p0 $0x0, s1;
	[sflag:s0] =	ssyncset.done @!p0 $0x0  }
0x1f8: {  	[sflag:s0] =	ssyncadd.s32 @!p0 s1  }
0x1f9: {  	[bflag:$0x3] =	sbarrier.arrive $0xFFFF  }
0x1fa: {  	_ =	shalt  }

// kernel: kernel.16.cloned.1.call-start
scs
__scs_entry_jumppad:
0x0: {  	(pc) =	sbr.rel $0x88, $3  }
0x1: {  	(tag) =	ssettag $0x0;
	lr =	simm.s32 $0x1  }
0x2: {  	[smem:$0x3F99] =	sst lr;
	_ =	strace $0xD0000000  }
0x3: {  	_ = 	snop  }
0x4: {  	_ = 	snop  }
0x5: {  	_ = 	snop  }
0x6: {  	_ = 	snop  }
0x7: {  	_ = 	snop  }
__scs_overlays_trampoline_lowered:
0x8: {  	[smem:$0x3FA8] =	sst s0  }
0x9: {  	[smem:$0x3FA9] =	sst s1  }
0xa: {  	[smem:$0x3FAA] =	sst s2  }
0xb: {  	[smem:$0x3FAB] =	sst s3  }
0xc: {  	[smem:$0x3FAC] =	sst s4  }
0xd: {  	[smem:$0x3FAD] =	sst s5  }
0xe: {  	[smem:$0x3FAE] =	sst s6  }
0xf: {  	[smem:$0x3FAF] =	sst s7  }
0x10: {  	[smem:$0x3FB0] =	sst s8  }
0x11: {  	[smem:$0x3FB1] =	sst s9;
	s0 =	simm.s32 @!p0 $0x0  }
0x12: {  	s1 =	sld [smem:$0x3F97];
	s0 =	simm.s32 @p0 $0x1  }
0x13: {  	[smem:$0x3FB2] =	sst s0;
	s0 =	simm.s32 @!p1 $0x0  }
0x14: {  	s2 =	sld [smem:$0x3F96];
	s0 =	simm.s32 @p1 $0x1  }
0x15: {  	[smem:$0x3FB3] =	sst s0;
	s0 =	simm.s32 @!p2 $0x0  }
0x16: {  	s3 =	sld [smem:$0x3FDB];
	s0 =	simm.s32 @p2 $0x1  }
0x17: {  	s4 =	simm.s32 $0x1BF5;
	[smem:$0x3FB5] =	sst s0  }
0x18: {  	s0 =	sld [smem:$0x3F98];
	_ =	swait.ge [sflag:s4], $0x0  }
0x19: {  	s7 =	sld [smem:$0x3F99]  }
0x1a: {  	s8 =	sadd.s32 $0xFFFFE003, lr  }
0x1b: {  	s9 =	sadd.s32 $0xFFFFFEF7, lr;
	s5 =	simm.s32 $0xFFFFFFFF;
	p2 =	slt.u32 s8, $0xFFFFF086  }
0x1c: {  	p1 =	slt.u32 s9, $0xF7A;
	s5 =	simm.s32 @!p2 $0x0  }
0x1d: {  	s5 =	simm.s32 @p1 $0x1;
	p0 =	seq.s32 s7, s2  }
0x1e: {  	s7 =	smul.u32 @!p0 $0xF7A, s2;
	p2 =	seq.s32 @!p0 s5, $0x0  }
0x1f: {  	s9 =	smul.u32 $0xF7A, s1;
	s8 =	simm.s32 @!p0 $0x1BF5;
	p2 =	por !p2, p0  }
0x20: {  	[sflag:s8] =	ssyncset.s32 @!p0 $0xFFFFF086;
	s6 =	sadd.s32 @!p0 s3, s7;
	s7 =	simm.s32 @!p0 $0x108  }
0x21: {  	s3 =	sadd.s32 s3, s9;
	s6 =	sadd.s32 @!p0 $0x88, s6;
	s7 =	simm.s32 @p2 $0x1082  }
0x22: {  	[simem:s7], [sflag:s8] =	dma.local @!p0 [hbm:s6], $0xF7A  }
0x23: {  	s9 =	sor.u32 $0xD0000000, s2;
	s6 =	simm.s32 $0x108;
	_ =	swait.ge @!p0 [sflag:s8], $0x0  }
0x24: {  	s3 =	sadd.s32 $0x88, s3;
	s6 =	simm.s32 @!p1 $0x1082;
	[sflag:s4] =	ssyncset.s32 $0xFFFFF086  }
0x25: {  	[simem:s6], [sflag:s4] =	dma.local [hbm:s3], $0xF7A  }
0x26: {  	[smem:$0x3F99] =	sst s1;
	(tag) =	ssettag s2;
	_ =	strace s9  }
0x27: {  	s1 =	sld [smem:$0x3FA9]  }
0x28: {  	s2 =	sld [smem:$0x3FAA]  }
0x29: {  	s4 =	sld [smem:$0x3FAC]  }
0x2a: {  	p0 =	seq.s32 s5, $0x0;
	s5 =	sld [smem:$0x3FAD]  }
0x2b: {  	s6 =	sld [smem:$0x3FAE]  }
0x2c: {  	s7 =	sld [smem:$0x3FAF]  }
0x2d: {  	s3 =	simm.s32 $0x108;
	s8 =	sld [smem:$0x3FB0]  }
0x2e: {  	s3 =	simm.s32 @!p0 $0x1082;
	s9 =	sld [smem:$0x3FB1]  }
0x2f: {  	lr =	sadd.s32 s0, s3;
	s0 =	sld [smem:$0x3FA8]  }
0x30: {  	s3 =	sld [smem:$0x3FAB]  }
0x31: {  	[smem:$0x3FB4] =	sst s10  }
0x32: {  	s10 =	sld [smem:$0x3FB2];
	_ =	sdelay $0x3  }
0x33: {  	p0 =	seq.s32 s10, $0x1;
	s10 =	sld [smem:$0x3FB4];
	_ =	sdelay $0x3  }
0x34: {  	[smem:$0x3FB4] =	sst s10  }
0x35: {  	s10 =	sld [smem:$0x3FB3];
	_ =	sdelay $0x3  }
0x36: {  	p1 =	seq.s32 s10, $0x1;
	s10 =	sld [smem:$0x3FB4];
	_ =	sdelay $0x3  }
0x37: {  	[smem:$0x3FB4] =	sst s10  }
0x38: {  	s10 =	sld [smem:$0x3FB5]  }
0x39: {  	_ = 	snop;
	(pc) =	sbr.ind lr, $3  }
0x3a: {  	_ = 	snop  }
0x3b: {  	_ = 	snop  }
0x3c: {  	p2 =	seq.s32 s10, $0x1;
	s10 =	sld [smem:$0x3FB4]  }
0x3d: {  	_ =	shalt  }
0x3e: {  	_ =	shalt  }
0x3f: {  	_ =	shalt  }
0x40: {  	_ =	shalt  }
0x41: {  	_ =	shalt  }
0x42: {  	_ =	shalt  }
0x43: {  	_ =	shalt  }
0x44: {  	_ =	shalt  }
0x45: {  	_ =	shalt  }
0x46: {  	_ =	shalt  }
0x47: {  	_ =	shalt  }
0x48: {  	_ =	shalt  }
0x49: {  	_ =	shalt  }
0x4a: {  	_ =	shalt  }
0x4b: {  	_ =	shalt  }
0x4c: {  	_ =	shalt  }
0x4d: {  	_ =	shalt  }
0x4e: {  	_ =	shalt  }
0x4f: {  	_ =	shalt  }
0x50: {  	_ =	shalt  }
0x51: {  	_ =	shalt  }
0x52: {  	_ =	shalt  }
0x53: {  	_ =	shalt  }
0x54: {  	_ =	shalt  }
0x55: {  	_ =	shalt  }
0x56: {  	_ =	shalt  }
0x57: {  	_ =	shalt  }
0x58: {  	_ =	shalt  }
0x59: {  	_ =	shalt  }
0x5a: {  	_ =	shalt  }
0x5b: {  	_ =	shalt  }
0x5c: {  	_ =	shalt  }
0x5d: {  	_ =	shalt  }
0x5e: {  	_ =	shalt  }
0x5f: {  	_ =	shalt  }
0x60: {  	_ =	shalt  }
0x61: {  	_ =	shalt  }
0x62: {  	_ =	shalt  }
0x63: {  	_ =	shalt  }
0x64: {  	_ =	shalt  }
0x65: {  	_ =	shalt  }
0x66: {  	_ =	shalt  }
0x67: {  	_ =	shalt  }
0x68: {  	_ =	shalt  }
0x69: {  	_ =	shalt  }
0x6a: {  	_ =	shalt  }
0x6b: {  	_ =	shalt  }
0x6c: {  	_ =	shalt  }
0x6d: {  	_ =	shalt  }
0x6e: {  	_ =	shalt  }
0x6f: {  	_ =	shalt  }
0x70: {  	_ =	shalt  }
0x71: {  	_ =	shalt  }
0x72: {  	_ =	shalt  }
0x73: {  	_ =	shalt  }
0x74: {  	_ =	shalt  }
0x75: {  	_ =	shalt  }
0x76: {  	_ =	shalt  }
0x77: {  	_ =	shalt  }
0x78: {  	_ =	shalt  }
0x79: {  	_ =	shalt  }
0x7a: {  	_ =	shalt  }
0x7b: {  	_ =	shalt  }
0x7c: {  	_ =	shalt  }
0x7d: {  	_ =	shalt  }
0x7e: {  	_ =	shalt  }
0x7f: {  	_ =	shalt  }
0x80: {  	_ =	shalt  }
0x81: {  	_ =	shalt  }
0x82: {  	_ =	shalt  }
0x83: {  	_ =	shalt  }
0x84: {  	_ =	shalt  }
0x85: {  	_ =	shalt  }
0x86: {  	_ =	shalt  }
0x87: {  	_ =	shalt  }
.Lfunc_end0:
.L_simem_size_0:
called_computation.2_lowered:
.L_overlay_start_0:
0x88: {  	s2 =	sld [smem:$0x3FD9]  }
0x89: {  	s3 =	sld [smem:$0x3FFE];
	_ =	sdelay $0x1  }
0x8a: {  	s1 =	srdreg.scid  }
0x8b: {  	s0 =	sand.u32 $0x1, s1  }
0x8c: {  	s17 =	sshll.u32 s0, $0xA;
	s2 =	sadd.s32 s3, s2  }
0x8d: {  	s2 =	sadd.s32 s2, s17  }
0x8e: {  	[smem:$0x3FC0] =	sst s2  }
0x8f: {  	_ = 	snop  }
0x90: {  	s2 =	sld [smem:$0x3FC4]  }
0x91: {  	s18 =	sld [smem:$0x3FC3]  }
0x92: {  	s4 =	sld [smem:$0x3FC2];
	(tm) =	ssettm $0x1  }
0x93: {  	s5 =	sld [smem:$0x3FFB];
	_ =	sdelay $0x3  }
0x94: {  	_ =	strace s5  }
0x95: {  	s5 =	sld [smem:$0x3FFC];
	_ =	sdelay $0x3  }
0x96: {  	_ =	strace s5  }
0x97: {  	s5 =	sld [smem:$0x3FFD];
	_ =	sdelay $0x3  }
0x98: {  	_ =	strace s5  }
0x99: {  	_ =	strace $0x8FFFFFFF  }
0x9a: {  	s19 =	sld [smem:$0x3FDB];
	_ =	sdelay $0x1  }
0x9b: {  	s6 =	simm.s32 $_scs_section_size  }
0x9c: {  	s7 =	simm.s32 $_size__tile_overlayer_lowered;
	s8 =	simm.s32 $_tile_overlayer_lowered  }
0x9d: {  	s22 =	simm.s32 $0x1BFF;
	s21 =	sshll.u32 s8, $0x1;
	s5 =	sadd.s32 s6, s19  }
0x9e: {  	s9 =	simm.s32 $0x0;
	s20 =	sshll.u32 s7, $0x1;
	s7 =	sadd.s32 s21, s5  }
0x9f: {  	[timem:s9], [sflag:s22] =	dma.local [hbm:s7], s20  }
0xa0: {  	_ =	swait.ge [sflag:s22], s20  }
0xa1: {  	s6 =	ssub.s32 $0x0, s20;
	[sflag:s22] =	ssyncset.done $0x0  }
0xa2: {  	[sflag:s22] =	ssyncadd.s32 s6;
	_ =	sdelay $0x1  }
0xa3: {  	s23 =	simm.s32 $0x1B8B  }
0xa4: {  	_ =	swait.ge [sflag:s23], $0x1  }
0xa5: {  	[sflag:s23] =	ssyncset.done $0x0  }
0xa6: {  	s25 =	simm.s32 $0x1B8E;
	s24 =	sld [smem:$0x3FFE];
	[sflag:s23] =	ssyncadd.s32 $0xFFFFFFFF  }
0xa7: {  	s26 =	simm.s32 $execute0_lowered;
	[smem:$0x3FD2] =	sst s25  }
0xa8: {  	s7 =	sshll.u32 s26, $0x1;
	_ =	strace $0x8000004C;
	[dreg:$0x1] =	wrdreg $0xFFFFFFFF  }
0xa9: {  	s28 =	simm.s32 $_size_execute0_lowered;
	s5 =	sadd.s32 s5, s7;
	[dreg:$0x0] =	wrdreg $0x0  }
0xaa: {  	s7 =	sshll.u32 s28, $0x1;
	[dreg:$0x2] =	wrdreg s5  }
0xab: {  	[dreg:$0x3] =	wrdreg s7  }
0xac: {  	[dreg:$0x4] =	wrdreg $0xC0  }
0xad: {  	_ =	task [dreg:s9], $0x5FFFF  }
0xae: {  	[dreg:$0x1] =	wrdreg $0xFFFFFFFF  }
0xaf: {  	[dreg:$0x0] =	wrdreg $0x60  }
0xb0: {  	[dreg:$0x2] =	wrdreg s24  }
0xb1: {  	[dreg:$0x3] =	wrdreg s2  }
0xb2: {  	[dreg:$0x4] =	wrdreg s18  }
0xb3: {  	[dreg:$0x5] =	wrdreg s4  }
0xb4: {  	[dreg:$0x6] =	wrdreg $0x0  }
0xb5: {  	[dreg:$0x7] =	wrdreg $0x9  }
0xb6: {  	_ =	task.clear_ibuf [dreg:s9], $0x8FFFF;
	_ =	strace $0x9000004C  }
0xb7: {  	s29 =	simm.s32 $0x9;
	_ =	strace $0x8000004E  }
0xb8: {  	_ =	swait.ge [sflag:s29], $0x1  }
0xb9: {  	[sflag:s29] =	ssyncadd.s32 $0xFFFFFFFF  }
0xba: {  	_ =	strace $0x9000004E  }
0xbb: {  	_ =	sfence  }
0xbc: {  	s30 =	sld [smem:$0x0];
	_ =	sdelay $0x2  }
0xbd: {  	s31 =	sshll.u32 s1, $0xD;
	s1 =	sshrl.u32 s1, $0x2  }
0xbe: {  	s3 =	sand.u32 $0x4000, s31;
	s1 =	sadd.s32 s1, s30  }
0xbf: {  	s0 =	sor.u32 s3, s0;
	s1 =	sshll.u32 s1, $0x11  }
0xc0: {  	s0 =	sor.u32 s1, s0  }
0xc1: {  	s0 =	sadd.s32 $0x8F2B, s0  }
0xc2: {  	[sflag:s0] =	ssyncadd.remote.s32 $0x1  }
0xc3: {  	_ =	sfence.sel $0xFFFF  }
0xc4: {  	[dreg:$0x0] =	wrdreg $0xFFFFFFFF;
	(pc) =	sbr.abs _section_cstart, $3  }
0xc5: {  	[dreg:$0x1] =	wrdreg $0xFFFFFFFF  }
0xc6: {  	_ =	task.clear_ibuf [dreg:s9], $0x2FFFF;
	_ =	strace $0x9FFFFFFF  }
0xc7: {  	(tm) =	ssettm $0x7FFFFFFF  }
tec
execute0_lowered:
.L_overlay_start_1:
0x0: {  	(tag) =	ssettag $0x1  }
0x1: {  	s0 =	rddreg [dreg:$0x0]  }
0x2: {  	s4 =	rddreg [dreg:$0x4];
	s1 =	simm.s32 $0x0;
	s2 =	stileid.u32  }
0x3: {  	s6 =	srdreg.scid;
	s29 =	simm.s32 $0x1CE20;
	s30 =	simm.s32 $0x3  }
0x4: {  	[smem:$0x7FF] =	sst s1;
	s8 =	smul.u32 $0x61800, s2;
	s7 =	sadd.s32 $0x129400, s0  }
0x5: {  	s0 =	sadd.s32 $0x1BBE00, s0;
	s6 =	sand.u32 $0x1, s6;
	s10 =	smul.u32 $0x618, s2  }
0x6: {  	s14 =	smul.u32 $0x7, s2;
	s12 =	smin.u32 s2, $0xD;
	p0 =	slt.u32 s2, $0xD  }
0x7: {  	_ =	strace $0x8000004D;
	s9 =	ssub.s32 $0x2, s6;
	s13 =	smul.u32 $0x186A00, s6  }
0x8: {  	s8 =	sshrl.u32 s8, $0x2;
	s11 =	sshrl.u32 s9, $0x1;
	s12 =	sadd.s32 s12, s14  }
0x9: {  	s14 =	simm.s32 $0x1AC20;
	s3 =	sadd.s32 s8, s4;
	[dreg:$0xa] =	wrdreg s12  }
0xa: {  	s9 =	ssub.s32 s9, s11;
	s5 =	sadd.s32 $0x18000, s3;
	[dreg:$0x7] =	wrdreg s3  }
0xb: {  	s8 =	smul.u32 $0x61A8, s6;
	s17 =	smax.u32 s9, $0x1;
	[dreg:$0x8] =	wrdreg s5  }
0xc: {  	s11 =	simm.s32 $0x8;
	s18 =	sadd.s32 $0x2000, s3;
	[dreg:$0xd] =	wrdreg s17  }
0xd: {  	s13 =	sshrl.u32 s13, $0x3;
	s19 =	sadd.s32 $0x4000, s3;
	[dreg:$0xe] =	wrdreg s18  }
0xe: {  	s11 =	simm.s32 @!p0 $0x7;
	s20 =	sadd.s32 $0x6000, s3;
	[dreg:$0xf] =	wrdreg s19  }
0xf: {  	s15 =	sadd.s32 s0, s13;
	s21 =	sadd.s32 $0x8000, s3;
	[dreg:$0x10] =	wrdreg s20  }
0x10: {  	s13 =	smul.u32 $0x61A80, s6;
	s22 =	sadd.s32 $0xA000, s3;
	[dreg:$0x11] =	wrdreg s21  }
0x11: {  	s23 =	sadd.s32 $0xC000, s3;
	s24 =	sadd.s32 $0xE000, s3;
	[dreg:$0x12] =	wrdreg s22  }
0x12: {  	s25 =	sadd.s32 $0x10000, s3;
	p0 =	sne.s32 s2, $0x0;
	[dreg:$0x13] =	wrdreg s23  }
0x13: {  	s26 =	sadd.s32 $0x12000, s3;
	s28 =	sadd.s32 $0x14000, s3;
	[dreg:$0x14] =	wrdreg s24  }
0x14: {  	s31 =	sadd.s32 $0x16000, s3;
	s6 =	simm.s32 $0x19FA0;
	[dreg:$0x15] =	wrdreg s25  }
0x15: {  	s9 =	simm.s32 $0x80;
	s5 =	sadd.s32 $0x186000, s4;
	[dreg:$0x16] =	wrdreg s26  }
0x16: {  	s10 =	sadd.s32 s10, s8;
	s12 =	sadd.s32 s11, s12;
	[dreg:$0x17] =	wrdreg s28  }
.Ltmp0:
0x17: {  	s16 =	sadd.s32 $0x30C00, s15;
	[dreg:$0x18] =	wrdreg s31;
	(pc) =	sbr.rel .LBB2_1-.Ltmp0, $4  }
0x18: {  	s15 =	simm.s32 $0x1AE20;
	s17 =	simm.s32 $0x1AD20;
	s18 =	simm.s32 $0x1ACA0  }
0x19: {  	s19 =	simm.s32 $0x1BE20;
	s10 =	sshll.u32 s10, $0x3;
	[dreg:$0xc] =	wrdreg s16  }
0x1a: {  	v2 =	vimm.s32 $0x0;
	vm0 =	vcmask $0x300;
	s20 =	simm.s32 $0x2;
	[dreg:$0x9] =	wrdreg s5;
	s0 =	sadd.s32 s0, s10  }
0x1b: {  	v1 =	vimm.f32 $0.0e+00;
	v2 =	vsel vm0, $0x3, v2;
	v0 =	vmov s8;
	s21 =	simm.s32 $0x1ADA0;
	s16 =	simm.s32 $0x1;
	[dreg:$0xb] =	wrdreg s0  }
.LBB2_26:
0x1c: {  	s0 =	stileid.u32;
	[bflag:$0x0] =	sbarrier.arrive $0xFFFF  }
0x1d: {  	s0 =	sshll.u32 s0, $0x6;
	s3 =	rddreg [dreg:$0x7]  }
0x1e: {  	s2 =	rddreg [dreg:$0xb];
	s0 =	sor.u32 $0x1C03, s0;
	s1 =	sshrl.u32 s3, $0x3  }
0x1f: {  	[hbm:s2], [sflag:s0] =	dma.local [spmem:s1], $0x30C0  }
0x20: {  	_ =	swait.ge [sflag:s30], $0x30C0  }
0x21: {  	[sflag:s30] =	ssyncset.done $0x0;
	s5 =	rddreg [dreg:$0x9]  }
0x22: {  	s2 =	rddreg [dreg:$0xc];
	[sflag:s30] =	ssyncadd.s32 $0xFFFFCF40;
	s1 =	sshrl.u32 @!p0 s5, $0x3  }
0x23: {  	[hbm:s2], [sflag:s0] =	dma.local @!p0 [spmem:s1], $0x140  }
0x24: {  	s0 =	simm.s32 @!p0 $0x3  }
0x25: {  	_ =	swait.ge @!p0 [sflag:s0], $0x140  }
0x26: {  	s28 =	rddreg [dreg:$0x6]  }
0x27: {  	s31 =	rddreg [dreg:$0xd];
	s1 =	sadd.s32 $0x1, s28  }
0x28: {  	p1 =	sne.s32 s1, s31  }
.Ltmp1:
0x29: {  	_ = 	snop;
	(pc) =	sbr.rel @!p1 .LBB2_27-.Ltmp1, $3  }
0x2a: {  	_ =	sdelay $0x1  }
0x2b: {  	[sflag:s0] =	ssyncset.done @!p0 $0x0  }
0x2c: {  	[sflag:s0] =	ssyncadd.s32 @!p0 $0xFFFFFEC0  }
.LBB2_1:
0x2d: {  	s10 =	simm.s32 $0x100;
	s8 =	simm.s32 $0x0  }
.LBB2_2:
0x2e: {  	p1 =	sne.s32 s10, $0x7F00;
	[tilespmem:s8+$0x1CE50] =	vst v1;
	s11 =	smov.u32 s10;
	s10 =	sadd.s32 $0x100, s10  }
.Ltmp2:
0x2f: {  	[tilespmem:s8+$0x1CE40] =	vst v1;
	(pc) =	sbr.rel @p1 .LBB2_2-.Ltmp2, $3  }
0x30: {  	[tilespmem:s8+$0x1CE20] =	vst v1  }
0x31: {  	[tilespmem:s8+$0x1CE30] =	vst v1;
	_ =	sdelay $0x1  }
0x32: {  	s8 =	sshra.s32 s11, $0x2  }
0x33: {  	[tilespmem:s8+$0x1CE50] =	vst v1  }
0x34: {  	[tilespmem:s8+$0x1CE40] =	vst v1  }
0x35: {  	[tilespmem:s8+$0x1CE20] =	vst v1  }
0x36: {  	[dreg:$0x6] =	wrdreg s1;
	[tilespmem:s8+$0x1CE30] =	vst v1  }
0x37: {  	[spmem:s3] =	stream.linear.scatter [tilespmem:s29], [sflag:$0x3], $0x2000, $0x38;
	[tilespmem:$0x1EE20] =	vst v63  }
0x38: {  	_ =	swait.ge [sflag:s30], $0x2000  }
0x39: {  	[sflag:s30] =	ssyncset.done $0x0  }
0x3a: {  	s0 =	rddreg [dreg:$0xe];
	[sflag:s30] =	ssyncadd.s32 $0xFFFFE000  }
0x3b: {  	[spmem:s0] =	stream.linear.scatter [tilespmem:s29], [sflag:$0x3], $0x2000, $0x38;
	[tilespmem:$0x1EE20] =	vst v63  }
0x3c: {  	_ =	swait.ge [sflag:s30], $0x2000  }
0x3d: {  	[sflag:s30] =	ssyncset.done $0x0  }
0x3e: {  	s3 =	rddreg [dreg:$0xf];
	[sflag:s30] =	ssyncadd.s32 $0xFFFFE000  }
0x3f: {  	[spmem:s3] =	stream.linear.scatter [tilespmem:s29], [sflag:$0x3], $0x2000, $0x38;
	[tilespmem:$0x1EE20] =	vst v63  }
0x40: {  	_ =	swait.ge [sflag:s30], $0x2000  }
0x41: {  	[sflag:s30] =	ssyncset.done $0x0  }
0x42: {  	s8 =	rddreg [dreg:$0x10];
	[sflag:s30] =	ssyncadd.s32 $0xFFFFE000  }
0x43: {  	[spmem:s8] =	stream.linear.scatter [tilespmem:s29], [sflag:$0x3], $0x2000, $0x38;
	[tilespmem:$0x1EE20] =	vst v63  }
0x44: {  	_ =	swait.ge [sflag:s30], $0x2000  }
0x45: {  	[sflag:s30] =	ssyncset.done $0x0  }
0x46: {  	s10 =	rddreg [dreg:$0x11];
	[sflag:s30] =	ssyncadd.s32 $0xFFFFE000  }
0x47: {  	[spmem:s10] =	stream.linear.scatter [tilespmem:s29], [sflag:$0x3], $0x2000, $0x38;
	[tilespmem:$0x1EE20] =	vst v63  }
0x48: {  	_ =	swait.ge [sflag:s30], $0x2000  }
0x49: {  	[sflag:s30] =	ssyncset.done $0x0  }
0x4a: {  	s11 =	rddreg [dreg:$0x12];
	[sflag:s30] =	ssyncadd.s32 $0xFFFFE000  }
0x4b: {  	[spmem:s11] =	stream.linear.scatter [tilespmem:s29], [sflag:$0x3], $0x2000, $0x38;
	[tilespmem:$0x1EE20] =	vst v63  }
0x4c: {  	_ =	swait.ge [sflag:s30], $0x2000  }
0x4d: {  	[sflag:s30] =	ssyncset.done $0x0  }
0x4e: {  	s22 =	rddreg [dreg:$0x13];
	[sflag:s30] =	ssyncadd.s32 $0xFFFFE000  }
0x4f: {  	[spmem:s22] =	stream.linear.scatter [tilespmem:s29], [sflag:$0x3], $0x2000, $0x38;
	[tilespmem:$0x1EE20] =	vst v63  }
0x50: {  	_ =	swait.ge [sflag:s30], $0x2000  }
0x51: {  	[sflag:s30] =	ssyncset.done $0x0  }
0x52: {  	s23 =	rddreg [dreg:$0x14];
	[sflag:s30] =	ssyncadd.s32 $0xFFFFE000  }
0x53: {  	[spmem:s23] =	stream.linear.scatter [tilespmem:s29], [sflag:$0x3], $0x2000, $0x38;
	[tilespmem:$0x1EE20] =	vst v63  }
0x54: {  	_ =	swait.ge [sflag:s30], $0x2000  }
0x55: {  	[sflag:s30] =	ssyncset.done $0x0  }
0x56: {  	s24 =	rddreg [dreg:$0x15];
	[sflag:s30] =	ssyncadd.s32 $0xFFFFE000  }
0x57: {  	[spmem:s24] =	stream.linear.scatter [tilespmem:s29], [sflag:$0x3], $0x2000, $0x38;
	[tilespmem:$0x1EE20] =	vst v63  }
0x58: {  	_ =	swait.ge [sflag:s30], $0x2000  }
0x59: {  	[sflag:s30] =	ssyncset.done $0x0  }
0x5a: {  	s25 =	rddreg [dreg:$0x16];
	[sflag:s30] =	ssyncadd.s32 $0xFFFFE000  }
0x5b: {  	[spmem:s25] =	stream.linear.scatter [tilespmem:s29], [sflag:$0x3], $0x2000, $0x38;
	[tilespmem:$0x1EE20] =	vst v63  }
0x5c: {  	_ =	swait.ge [sflag:s30], $0x2000  }
0x5d: {  	[sflag:s30] =	ssyncset.done $0x0  }
0x5e: {  	s26 =	rddreg [dreg:$0x17];
	[sflag:s30] =	ssyncadd.s32 $0xFFFFE000  }
0x5f: {  	[spmem:s26] =	stream.linear.scatter [tilespmem:s29], [sflag:$0x3], $0x2000, $0x38;
	[tilespmem:$0x1EE20] =	vst v63  }
0x60: {  	_ =	swait.ge [sflag:s30], $0x2000  }
0x61: {  	[sflag:s30] =	ssyncset.done $0x0  }
0x62: {  	s28 =	rddreg [dreg:$0x18];
	[sflag:s30] =	ssyncadd.s32 $0xFFFFE000  }
0x63: {  	[spmem:s28] =	stream.linear.scatter [tilespmem:s29], [sflag:$0x3], $0x2000, $0x38;
	[tilespmem:$0x1EE20] =	vst v63  }
0x64: {  	_ =	swait.ge [sflag:s30], $0x2000  }
0x65: {  	[sflag:s30] =	ssyncset.done $0x0  }
0x66: {  	s31 =	rddreg [dreg:$0x8];
	[sflag:s30] =	ssyncadd.s32 $0xFFFFE000  }
0x67: {  	[spmem:s31] =	stream.linear.scatter [tilespmem:s29], [sflag:$0x3], $0x600, $0x38;
	[tilespmem:$0x1EE20] =	vst v63  }
0x68: {  	_ =	swait.ge [sflag:s30], $0x600  }
0x69: {  	[sflag:s30] =	ssyncset.done $0x0  }
0x6a: {  	s8 =	simm.s32 @!p0 $0x1CE20;
	[sflag:s30] =	ssyncadd.s32 $0xFFFFFA00  }
0x6b: {  	[spmem:s5] =	stream.linear.scatter @!p0 [tilespmem:s8], [sflag:$0x3], $0xA00, $0x38;
	[tilespmem:$0x1EE20] =	vst v63  }
0x6c: {  	s8 =	simm.s32 @!p0 $0x3  }
.Ltmp3:
0x6d: {  	_ =	swait.ge @!p0 [sflag:s8], $0xA00;
	(pc) =	sbr.rel .LBB2_4-.Ltmp3, $4  }
0x6e: {  	[sflag:s8] =	ssyncset.done @!p0 $0x0  }
0x6f: {  	[sflag:s8] =	ssyncadd.s32 @!p0 $0xFFFFF600  }
0x70: {  	[bflag:$0x0] =	sbarrier.arrive $0xFFFF  }
0x71: {  	s11 =	rddreg [dreg:$0xa]  }
.LBB2_25:
0x72: {  	s11 =	sadd.s32 $0x1, s11  }
0x73: {  	p1 =	slt.u32 s11, s12  }
.Ltmp4:
0x74: {  	_ = 	snop;
	(pc) =	sbr.rel @!p1 .LBB2_26-.Ltmp4, $1  }
0x75: {  	_ =	sdelay $0x3  }
.LBB2_4:
0x76: {  	s8 =	smul.u32 $0xC80, s11;
	_ =	sdelay $0x1  }
0x77: {  	s8 =	sadd.s32 s13, s8  }
0x78: {  	s0 =	rddreg [dreg:$0x2];
	s10 =	sshrl.u32 s8, $0x3  }
0x79: {  	s24 =	simm.s32 $0x186A0;
	s8 =	simm.s32 $0x0;
	s22 =	sadd.s32 s0, s10  }
0x7a: {  	[tilespmem:s24], [sflag:$0x3] =	stream.linear.gather [hbm4b:s22+s8], $0xC80, $0x38;
	[tilespmem:$0x1EE20] =	vst v63  }
0x7b: {  	_ =	swait.ge [sflag:s30], $0xC80  }
0x7c: {  	[sflag:s30] =	ssyncset.done $0x0  }
0x7d: {  	[sflag:s30] =	ssyncadd.s32 $0xFFFFF380  }
0x7e: {  	s25 =	rddreg [dreg:$0x1]  }
0x7f: {  	s28 =	simm.s32 $0x19320;
	s26 =	sadd.s32 s25, s10  }
0x80: {  	[tilespmem:s28], [sflag:$0x3] =	stream.linear.gather [hbm4b:s26+s8], $0xC80, $0x38;
	[tilespmem:$0x1EE20] =	vst v63  }
0x81: {  	_ =	swait.ge [sflag:s30], $0xC80  }
0x82: {  	[sflag:s30] =	ssyncset.done $0x0  }
0x83: {  	[sflag:s30] =	ssyncadd.s32 $0xFFFFF380  }
0x84: {  	s31 =	rddreg [dreg:$0x3]  }
0x85: {  	s10 =	sadd.s32 s31, s10  }
0x86: {  	[tilespmem:s6], [sflag:$0x3] =	stream.linear.gather [hbm4b:s10+s8], $0xC80, $0x38;
	[tilespmem:$0x1EE20] =	vst v63  }
0x87: {  	_ =	swait.ge [sflag:s30], $0xC80  }
0x88: {  	[sflag:s30] =	ssyncset.done $0x0  }
0x89: {  	p1 =	por $0x1, $0x1;
	[sflag:s30] =	ssyncadd.s32 $0xFFFFF380  }
.LBB2_5:
0x8a: {  	v3 =	vld [tilespmem:s8+$0x186A0]  }
0x8b: {  	v4 =	vld [tilespmem:s8+$0x186B0]  }
0x8c: {  	v5 =	vld [tilespmem:s8+$0x186C0]  }
0x8d: {  	v6 =	vld [tilespmem:s8+$0x186D0];
	p2 =	por p1, p1  }
.Ltmp5:
0x8e: {  	_ = 	snop;
	(pc) =	sbr.rel @p2 .LBB2_5-.Ltmp5, $4  }
0x8f: {  	[tilespmem:s8+$0x1AC20] =	vst v3  }
0x90: {  	[tilespmem:s8+$0x1AC30] =	vst v4  }
0x91: {  	[tilespmem:s8+$0x1AC40] =	vst v5  }
0x92: {  	p1 =	por $0x0, $0x0;
	[tilespmem:s8+$0x1AC50] =	vst v6;
	s8 =	simm.s32 $0x40  }
.Ltmp6:
0x93: {  	(pc) =	sbr.rel .LBB2_7-.Ltmp6, $3  }
0x94: {  	_ =	sdelay $0x1  }
0x95: {  	[tilespmem:s15], [sflag:$0x1] =	stream.indirect.gather [hbm4b:s7+s9], $0x20, s14, s9, $0xb8;
	[tilespmem:$0x1EE20] =	vst v63  }
0x96: {  	s23 =	simm.s32 $0x0;
	s24 =	simm.s32 $0x0  }
.LBB2_23:
0x97: {  	[tilespmem:s28+$0xC0] =	vst v21  }
0x98: {  	[tilespmem:s28+$0x10] =	vst v26  }
0x99: {  	[tilespmem:s25+$0x20] =	vst v15  }
0x9a: {  	[tilespmem:s28+$0xFFFFFF00] =	vst v14  }
0x9b: {  	[tilespmem:s28+$0x80] =	vst v23  }
0x9c: {  	[tilespmem:s25+$0xF0] =	vst v24  }
0x9d: {  	[tilespmem:s28+$0xFFFFFFD0] =	vst v18  }
0x9e: {  	[tilespmem:s28+$0xFFFFFFC0] =	vst v16  }
0x9f: {  	v3 =	vmul.f32 v28, v3;
	v37 =	vld.idx.msk [tilespmem:v17+s6+$0x0], $0xffff;
	[tilespmem:s25+$0x60] =	vst v20  }
0xa0: {  	v33 =	vmul.f32 v27, v4;
	[tilespmem:s28+$0xD0] =	vst v12;
	v39 =	vld [tilespmem:s26+$0xFFFFFFF0]  }
0xa1: {  	v36 =	vmul.f32 v29, v13;
	[tilespmem:s25+$0x70] =	vst v3  }
0xa2: {  	v34 =	vand.u32 $0xFFFF0000, v22;
	v38 =	vmul.f32 v25, v13;
	[tilespmem:s25+$0xFFFFFFA0] =	vst v33;
	v3 =	vld [tilespmem:s26+$0xFFFFFF90]  }
0xa3: {  	v50 =	vand.u32 $0xFFFF0000, v19;
	v35 =	vmul.f32 v34, v4;
	v44 =	vld [tilespmem:s26+$0x70];
	[tilespmem:s28+$0x50] =	vst v36  }
0xa4: {  	v41 =	vshll.u32 v11, $0x10;
	v45 =	vld [tilespmem:s26+$0x50];
	v52 =	vmul.f32 v50, v5;
	[tilespmem:s28+$0x40] =	vst v38  }
0xa5: {  	[tilespmem:s25+$0xFFFFFFB0] =	vst v35;
	v43 =	vmul.f32 v41, v37;
	v46 =	vshll.u32 v39, $0x10  }
0xa6: {  	[tilespmem:s28+$0xFFFFFF70] =	vst v52;
	v49 =	vand.u32 $0xFFFF0000, v39;
	v48 =	vmul.f32 v46, v10  }
0xa7: {  	v40 =	vshll.u32 v3, $0x10;
	v3 =	vand.u32 $0xFFFF0000, v3;
	[tilespmem:s28+$0xFFFFFF80] =	vst v43;
	v51 =	vmul.f32 v49, v10  }
0xa8: {  	v54 =	vshll.u32 v44, $0x10;
	v3 =	vmul.f32 v3, v9;
	[tilespmem:s28+$0xFFFFFFE0] =	vst v48  }
0xa9: {  	v47 =	vld [tilespmem:s26+$0x10];
	v14 =	vshll.u32 v45, $0x10;
	v55 =	vmul.f32 v54, v6;
	[tilespmem:s28+$0xFFFFFFF0] =	vst v51  }
0xaa: {  	v59 =	vmul.f32 v14, v7;
	[tilespmem:s28+$0xFFFFFF30] =	vst v3;
	v3 =	vand.u32 $0xFFFF0000, v11  }
0xab: {  	v53 =	vld [tilespmem:s26+$0x30];
	[tilespmem:s28+$0xE0] =	vst v55;
	v3 =	vmul.f32 v3, v37  }
0xac: {  	v42 =	vshll.u32 v19, $0x10;
	v4 =	vmul.f32 v40, v9;
	[tilespmem:s28+$0xA0] =	vst v59  }
0xad: {  	v9 =	vmul.f32 v42, v5;
	[tilespmem:s28+$0xFFFFFF90] =	vst v3;
	v3 =	vand.u32 $0xFFFF0000, v45  }
0xae: {  	v57 =	vand.u32 $0xFFFF0000, v47;
	[tilespmem:s28+$0xFFFFFF20] =	vst v4;
	v56 =	vld [tilespmem:s26+$0xFFFFFFD0];
	v3 =	vmul.f32 v3, v7  }
0xaf: {  	v58 =	vshll.u32 v47, $0x10;
	v5 =	vmul.f32 v57, v8;
	[tilespmem:s28+$0xFFFFFF60] =	vst v9  }
0xb0: {  	v60 =	vand.u32 $0xFFFF0000, v53;
	[tilespmem:s28+$0xB0] =	vst v3;
	v3 =	vmul.f32 v58, v8  }
0xb1: {  	[tilespmem:s28+$0x30] =	vst v5;
	v5 =	vmul.f32 v60, v13;
	v4 =	vand.u32 $0xFFFF0000, v44  }
0xb2: {  	v4 =	vmul.f32 v4, v6;
	[tilespmem:s28+$0x20] =	vst v3;
	v3 =	vshll.u32 v53, $0x10  }
0xb3: {  	[tilespmem:s28+$0x70] =	vst v5;
	v61 =	vshll.u32 v56, $0x10;
	v3 =	vmul.f32 v3, v13  }
0xb4: {  	[tilespmem:s28+$0xF0] =	vst v4;
	v63 =	vand.u32 $0xFFFF0000, v56;
	v62 =	vmul.f32 v61, v37  }
0xb5: {  	v5 =	vmul.f32 v63, v37;
	[tilespmem:s28+$0x60] =	vst v3  }
0xb6: {  	[tilespmem:s28+$0xFFFFFFA0] =	vst v62  }
0xb7: {  	s8 =	simm.s32 $0x4;
	[tilespmem:s28+$0xFFFFFFB0] =	vst v5  }
0xb8: {  	[spmem:s4] =	stream.indirect.scatter.add.f32 [tilespmem:s29], [sflag:$0x4], $0x40, s17, s9, $0xb8;
	[tilespmem:$0x1EE20] =	vst v63  }
.LBB2_24:
0xb9: {  	s24 =	sadd.s32 $0x1, s24  }
0xba: {  	p1 =	sne.s32 s24, $0x19  }
.Ltmp7:
0xbb: {  	_ = 	snop;
	(pc) =	sbr.rel @!p1 .LBB2_25-.Ltmp7, $4  }
0xbc: {  	_ = 	snop  }
0xbd: {  	_ =	swait.ge [sflag:s8], $0x2000  }
0xbe: {  	[sflag:s8] =	ssyncset.done $0x0  }
0xbf: {  	s23 =	sadd.s32 $0x80, s23;
	[sflag:s8] =	ssyncadd.s32 $0xFFFFE000  }
.LBB2_7:
0xc0: {  	s8 =	sand.u32 $0x1, s24  }
0xc1: {  	p1 =	seq.s32 s8, $0x0  }
.Ltmp8:
0xc2: {  	_ = 	snop;
	(pc) =	sbr.rel @!p1 .LBB2_8-.Ltmp8, $1  }
0xc3: {  	_ =	sdelay $0x3  }
0xc4: {  	p1 =	seq.s32 s24, $0x18  }
.Ltmp9:
0xc5: {  	_ = 	snop;
	(pc) =	sbr.rel @p1 .LBB2_19-.Ltmp9, $2  }
0xc6: {  	_ =	sdelay $0x2  }
0xc7: {  	s8 =	simm.s32 $0x3000  }
0xc8: {  	s8 =	sshll.u32 s24, $0x9  }
0xc9: {  	s10 =	sshrl.u32 s8, $0x2  }
0xca: {  	s22 =	sadd.s32 $0x18720, s10  }
0xcb: {  	v3 =	vmov s22;
	_ =	sdelay $0x3  }
0xcc: {  	p1 =	por $0x1, $0x1;
	s10 =	simm.s32 $0x0  }
.LBB2_17:
0xcd: {  	v4 =	vld.idx.msk [tilespmem:v3+s10+$0x0 ss:$0x1], $0xffff  }
0xce: {  	v5 =	vld.idx.msk [tilespmem:v3+s10+$0x10 ss:$0x1], $0xffff  }
0xcf: {  	v6 =	vld.idx.msk [tilespmem:v3+s10+$0x20 ss:$0x1], $0xffff  }
0xd0: {  	v7 =	vld.idx.msk [tilespmem:v3+s10+$0x30 ss:$0x1], $0xffff;
	p2 =	por p1, p1  }
.Ltmp10:
0xd1: {  	_ = 	snop;
	(pc) =	sbr.rel @p2 .LBB2_17-.Ltmp10, $4  }
0xd2: {  	[tilespmem:s10+$0x1ACA0] =	vst v4  }
0xd3: {  	[tilespmem:s10+$0x1ACB0] =	vst v5  }
0xd4: {  	[tilespmem:s10+$0x1ACC0] =	vst v6  }
0xd5: {  	p1 =	por $0x0, $0x0;
	[tilespmem:s10+$0x1ACD0] =	vst v7;
	s10 =	simm.s32 $0x40  }
0xd6: {  	[tilespmem:s19], [sflag:$0x2] =	stream.indirect.gather [hbm4b:s7+s9], $0x20, s18, s9, $0xb8;
	[tilespmem:$0x1EE20] =	vst v63  }
.LBB2_19:
0xd7: {  	s8 =	sshrl.u32 s8, $0x2  }
0xd8: {  	s10 =	sadd.s32 $0x19320, s8  }
0xd9: {  	v3 =	vmov s10;
	_ =	sdelay $0x1  }
0xda: {  	_ =	swait.ge [sflag:s16], $0x1000  }
0xdb: {  	[sflag:s16] =	ssyncset.done $0x0  }
0xdc: {  	p1 =	por $0x1, $0x1;
	s8 =	simm.s32 $0x0;
	[sflag:s16] =	ssyncadd.s32 $0xFFFFF000  }
.LBB2_20:
0xdd: {  	v4 =	vld.idx.msk [tilespmem:v3+s8+$0x0 ss:$0x1], $0xffff  }
0xde: {  	v5 =	vld.idx.msk [tilespmem:v3+s8+$0x10 ss:$0x1], $0xffff  }
0xdf: {  	v6 =	vld.idx.msk [tilespmem:v3+s8+$0x20 ss:$0x1], $0xffff  }
0xe0: {  	v7 =	vld.idx.msk [tilespmem:v3+s8+$0x30 ss:$0x1], $0xffff  }
0xe1: {  	p2 =	por p1, p1  }
.Ltmp11:
0xe2: {  	v4 =	vsub.s32 v4, v0;
	(pc) =	sbr.rel @p2 .LBB2_20-.Ltmp11, $4  }
0xe3: {  	[tilespmem:s8+$0x1AD20] =	vst v4;
	v4 =	vsub.s32 v5, v0  }
0xe4: {  	[tilespmem:s8+$0x1AD30] =	vst v4;
	v4 =	vsub.s32 v6, v0  }
0xe5: {  	s22 =	simm.s32 $0x1AEA0;
	[tilespmem:s8+$0x1AD40] =	vst v4;
	v4 =	vsub.s32 v7, v0  }
0xe6: {  	s25 =	simm.s32 $0x1CF20;
	p1 =	por $0x0, $0x0;
	[tilespmem:s8+$0x1AD50] =	vst v4;
	s8 =	simm.s32 $0x40  }
0xe7: {  	s8 =	sadd.s32 $0xFFFFFFF8, s23  }
0xe8: {  	s10 =	sadd.s32 $0x9, s8  }
0xe9: {  	v3 =	vmov s10  }
0xea: {  	v3 =	vshrl.u32 v3, $0x3  }
0xeb: {  	v3 =	vshll.u32 v3, v2  }
0xec: {  	v3 =	vadd.s32 $0x1, v3  }
0xed: {  	s2 =	sadd.s32 $0xC, s8;
	s26 =	sadd.s32 $0x8, s8;
	s3 =	sadd.s32 $0xF, s8;
	v3 =	vbroadcast v3, $0x0  }
0xee: {  	s5 =	sadd.s32 $0xE, s8;
	v4 =	vmov s2;
	v5 =	vmov s26;
	v6 =	vmov s3  }
0xef: {  	v8 =	vmov s5;
	v5 =	vshrl.u32 v5, $0x3;
	v6 =	vshrl.u32 v6, $0x3  }
0xf0: {  	v8 =	vshrl.u32 v8, $0x3;
	v5 =	vshll.u32 v5, v2;
	v6 =	vshll.u32 v6, v2  }
0xf1: {  	v8 =	vshll.u32 v8, v2;
	v5 =	vbroadcast v5, $0x0;
	v6 =	vadd.s32 $0x7, v6  }
0xf2: {  	v9 =	vld [tilespmem:s22+$0x0];
	v4 =	vshrl.u32 v4, $0x3;
	v8 =	vadd.s32 $0x6, v8;
	v6 =	vbroadcast v6, $0x0  }
0xf3: {  	s28 =	sadd.s32 $0xB, s8;
	s31 =	sadd.s32 $0xD, s8;
	v4 =	vshll.u32 v4, v2;
	v14 =	vld.idx.msk [tilespmem:v3+s6+$0x0], $0xffff;
	v3 =	vbroadcast v8, $0x0  }
0xf4: {  	v10 =	vld [tilespmem:s22+$0xFFFFFFA0];
	v7 =	vmov s28;
	v4 =	vadd.s32 $0x4, v4;
	v8 =	vmov s31  }
0xf5: {  	v7 =	vshrl.u32 v7, $0x3;
	v4 =	vbroadcast v4, $0x0;
	v8 =	vshrl.u32 v8, $0x3  }
0xf6: {  	v16 =	vld [tilespmem:s22+$0xFFFFFF80];
	v7 =	vshll.u32 v7, v2;
	v8 =	vshll.u32 v8, v2  }
0xf7: {  	s8 =	sadd.s32 $0xA, s8;
	v7 =	vadd.s32 $0x3, v7;
	v5 =	vld.idx.msk [tilespmem:v5+s6+$0x0], $0xffff;
	v8 =	vadd.s32 $0x5, v8  }
0xf8: {  	v21 =	vshll.u32 v9, $0x10;
	v11 =	vld.idx.msk [tilespmem:v6+s6+$0x0], $0xffff;
	v6 =	vbroadcast v8, $0x0;
	v8 =	vmov s8;
	s8 =	sadd.s32 $0x0, s23  }
0xf9: {  	v7 =	vbroadcast v7, $0x0;
	s0 =	sadd.s32 $0x9, s8;
	s1 =	sadd.s32 $0xA, s8;
	v13 =	vld.idx.msk [tilespmem:v3+s6+$0x0], $0xffff;
	v3 =	vshrl.u32 v8, $0x3;
	v8 =	vand.u32 $0xFFFF0000, v10  }
0xfa: {  	v17 =	vld [tilespmem:s22+$0x60];
	s28 =	sadd.s32 $0xC, s8;
	s5 =	sadd.s32 $0xF, s8;
	v10 =	vshll.u32 v10, $0x10;
	v27 =	vmov s0;
	v28 =	vmov s1  }
0xfb: {  	v12 =	vld.idx.msk [tilespmem:v4+s6+$0x0], $0xffff;
	v29 =	vmov s28;
	v30 =	vmov s5;
	v3 =	vshll.u32 v3, v2  }
0xfc: {  	v15 =	vld [tilespmem:s22+$0x40];
	v4 =	vmul.f32 v8, v14;
	v8 =	vmul.f32 v10, v14;
	v27 =	vshrl.u32 v27, $0x3  }
0xfd: {  	v24 =	vld [tilespmem:s22+$0xFFFFFFC0];
	v29 =	vshrl.u32 v29, $0x3;
	v18 =	vadd.s32 $0x2, v3;
	v3 =	vshll.u32 v16, $0x10  }
0xfe: {  	v10 =	vld [tilespmem:s22+$0xFFFFFFE0];
	v16 =	vand.u32 $0xFFFF0000, v16;
	v27 =	vshll.u32 v27, v2;
	v19 =	vmul.f32 v3, v5  }
0xff: {  	v7 =	vld.idx.msk [tilespmem:v7+s6+$0x0], $0xffff;
	v3 =	vshll.u32 v17, $0x10;
	v16 =	vmul.f32 v16, v5;
	[tilespmem:s25+$0xFFFFFF40] =	vst v8;
	v8 =	vbroadcast v18, $0x0  }
0x100: {  	[tilespmem:s25+$0xFFFFFF50] =	vst v4;
	v4 =	vand.u32 $0xFFFF0000, v17;
	v17 =	vld [tilespmem:s22+$0x20];
	v18 =	vmul.f32 v21, v12;
	v20 =	vmul.f32 v3, v11  }
0x101: {  	v3 =	vld.idx.msk [tilespmem:v6+s6+$0x0], $0xffff;
	v6 =	vshll.u32 v15, $0x10;
	v15 =	vand.u32 $0xFFFF0000, v15;
	v23 =	vmul.f32 v4, v11  }
0x102: {  	v4 =	vand.u32 $0xFFFF0000, v9;
	v15 =	vmul.f32 v15, v13;
	v6 =	vmul.f32 v6, v13  }
0x103: {  	v21 =	vld [tilespmem:s22+$0xFFFFFFB0];
	[tilespmem:s25+$0xFFFFFF00] =	vst v19;
	v19 =	vand.u32 $0xFFFF0000, v24;
	v24 =	vshll.u32 v24, $0x10;
	v22 =	vshll.u32 v10, $0x10  }
0x104: {  	s31 =	sadd.s32 $0xB, s8;
	v10 =	vand.u32 $0xFFFF0000, v10;
	[tilespmem:s25+$0xD0] =	vst v23;
	v23 =	vshll.u32 v29, v2;
	v9 =	vmul.f32 v22, v7  }
0x105: {  	v22 =	vmul.f32 v4, v12;
	v10 =	vmul.f32 v10, v7;
	[tilespmem:s25+$0x90] =	vst v15;
	v15 =	vmov s31  }
0x106: {  	[tilespmem:s25+$0xFFFFFF10] =	vst v16;
	v23 =	vadd.s32 $0x4, v23;
	v25 =	vshll.u32 v17, $0x10;
	v4 =	vand.u32 $0xFFFF0000, v17  }
0x107: {  	s2 =	sadd.s32 $0xD, s8;
	[tilespmem:s25+$0x0] =	vst v18;
	v31 =	vld [tilespmem:s22+$0xFFFFFF90];
	v15 =	vshrl.u32 v15, $0x3;
	v23 =	vbroadcast v23, $0x0;
	v17 =	vmul.f32 v4, v3  }
0x108: {  	s3 =	sadd.s32 $0x8, s8;
	s8 =	sadd.s32 $0xE, s8;
	[tilespmem:s25+$0xC0] =	vst v20;
	v26 =	vshll.u32 v21, $0x10;
	v21 =	vand.u32 $0xFFFF0000, v21;
	v4 =	vld.idx.msk [tilespmem:v8+s6+$0x0], $0xffff;
	v8 =	vmov s2  }
0x109: {  	s26 =	simm.s32 $0x1AFA0;
	[tilespmem:s25+$0x80] =	vst v6;
	v18 =	vmul.f32 v25, v3;
	v25 =	vadd.s32 $0x1, v27;
	v27 =	vmov s8  }
0x10a: {  	v6 =	vld [tilespmem:s26+$0xFFFFFFA0];
	[tilespmem:s25+$0xFFFFFFD0] =	vst v10;
	v15 =	vshll.u32 v15, v2;
	v16 =	vmul.f32 v21, v14;
	v21 =	vmov s3  }
0x10b: {  	[tilespmem:s25+$0xFFFFFFC0] =	vst v9;
	v8 =	vshrl.u32 v8, $0x3;
	v25 =	vbroadcast v25, $0x0;
	v14 =	vmul.f32 v26, v14  }
0x10c: {  	v32 =	vld [tilespmem:s26+$0x0];
	[tilespmem:s25+$0x10] =	vst v22;
	v15 =	vadd.s32 $0x3, v15;
	v8 =	vshll.u32 v8, v2;
	v10 =	vshrl.u32 v21, $0x3  }
0x10d: {  	v22 =	vld [tilespmem:s22+$0x50];
	v21 =	vshrl.u32 v27, $0x3;
	v20 =	vshll.u32 v31, $0x10;
	[tilespmem:s25+$0x50] =	vst v17;
	v8 =	vadd.s32 $0x5, v8  }
0x10e: {  	v27 =	vld [tilespmem:s22+$0xFFFFFFF0];
	[tilespmem:s25+$0x40] =	vst v18;
	v9 =	vshll.u32 v10, v2;
	v10 =	vshrl.u32 v30, $0x3;
	v21 =	vshll.u32 v21, v2  }
0x10f: {  	v30 =	vand.u32 $0xFFFF0000, v31;
	v20 =	vmul.f32 v20, v5;
	v29 =	vld [tilespmem:s22+$0x30];
	[tilespmem:s25+$0xFFFFFF60] =	vst v14;
	v14 =	vshll.u32 v6, $0x10  }
0x110: {  	v31 =	vld [tilespmem:s26+$0x40];
	v10 =	vshll.u32 v10, v2;
	v9 =	vbroadcast v9, $0x0;
	v17 =	vmul.f32 v30, v5  }
0x111: {  	v30 =	vld [tilespmem:s22+$0x10];
	v21 =	vadd.s32 $0x6, v21;
	v34 =	vbroadcast v8, $0x0;
	v24 =	vmul.f32 v24, v4  }
0x112: {  	v19 =	vmul.f32 v19, v4;
	v10 =	vadd.s32 $0x7, v10;
	v21 =	vbroadcast v21, $0x0;
	[tilespmem:s25+$0xFFFFFF20] =	vst v20;
	v20 =	vld [tilespmem:s26+$0xFFFFFF80]  }
0x113: {  	v10 =	vbroadcast v10, $0x0;
	v5 =	vld.idx.msk [tilespmem:v25+s6+$0x0], $0xffff;
	v18 =	vshll.u32 v27, $0x10;
	v26 =	vand.u32 $0xFFFF0000, v27  }
0x114: {  	v25 =	vld [tilespmem:s22+$0x70];
	v27 =	vbroadcast v15, $0x0;
	v15 =	vand.u32 $0xFFFF0000, v6;
	[tilespmem:s25+$0xFFFFFF90] =	vst v19;
	v19 =	vand.u32 $0xFFFF0000, v32  }
0x115: {  	[tilespmem:s25+$0xFFFFFF70] =	vst v16;
	v8 =	vld.idx.msk [tilespmem:v23+s6+$0x0], $0xffff;
	v18 =	vmul.f32 v18, v7;
	v7 =	vmul.f32 v26, v7;
	v26 =	vshrl.u32 v28, $0x3  }
0x116: {  	[tilespmem:s25+$0xFFFFFF80] =	vst v24;
	v28 =	vand.u32 $0xFFFF0000, v22;
	v22 =	vshll.u32 v22, $0x10;
	v24 =	vshll.u32 v26, v2;
	v26 =	vld [tilespmem:s26+$0x60]  }
0x117: {  	[tilespmem:s25+$0xFFFFFF30] =	vst v17;
	v17 =	vshll.u32 v30, $0x10;
	v30 =	vand.u32 $0xFFFF0000, v30;
	v62 =	vmul.f32 v22, v13;
	v9 =	vld.idx.msk [tilespmem:v9+s6+$0x0], $0xffff  }
0x118: {  	v24 =	vadd.s32 $0x2, v24;
	[tilespmem:s25+$0xFFFFFFF0] =	vst v7;
	v16 =	vand.u32 $0xFFFF0000, v20;
	v7 =	vld.idx.msk [tilespmem:v21+s6+$0x0], $0xffff;
	v15 =	vmul.f32 v15, v5  }
0x119: {  	[tilespmem:s25+$0xFFFFFFE0] =	vst v18;
	v33 =	vshll.u32 v25, $0x10;
	v6 =	vld.idx.msk [tilespmem:v10+s6+$0x0], $0xffff;
	v18 =	vmul.f32 v14, v5;
	v10 =	vshll.u32 v20, $0x10  }
0x11a: {  	s28 =	simm.s32 $0x1D120;
	v20 =	vshll.u32 v29, $0x10;
	v25 =	vand.u32 $0xFFFF0000, v25;
	v33 =	vmul.f32 v33, v11  }
0x11b: {  	v63 =	vld [tilespmem:s26+$0x20];
	v20 =	vmul.f32 v20, v3;
	[tilespmem:s28+$0xFFFFFF50] =	vst v15;
	v35 =	vand.u32 $0xFFFF0000, v26;
	v15 =	vmul.f32 v17, v12  }
0x11c: {  	v23 =	vld [tilespmem:s26+$0xFFFFFFE0];
	[tilespmem:s25+$0xA0] =	vst v62;
	v17 =	vshll.u32 v26, $0x10;
	v26 =	vmul.f32 v28, v13;
	v13 =	vshll.u32 v32, $0x10  }
0x11d: {  	v22 =	vld [tilespmem:s22+$0xFFFFFFD0];
	[tilespmem:s28+$0xFFFFFF40] =	vst v18;
	v18 =	vand.u32 $0xFFFF0000, v31;
	v14 =	vmul.f32 v10, v9;
	v13 =	vmul.f32 v13, v8  }
0x11e: {  	v10 =	vld.idx.msk [tilespmem:v27+s6+$0x0], $0xffff;
	v16 =	vmul.f32 v16, v9;
	v27 =	vshll.u32 v31, $0x10;
	[tilespmem:s25+$0xB0] =	vst v26;
	v31 =	vmul.f32 v18, v7  }
0x11f: {  	v28 =	vand.u32 $0xFFFF0000, v29;
	v26 =	vmul.f32 v19, v8;
	v21 =	vmul.f32 v17, v6;
	[tilespmem:s28+$0x0] =	vst v13;
	v13 =	vld.idx.msk [tilespmem:v34+s6+$0x0], $0xffff  }
0x120: {  	v29 =	vand.u32 $0xFFFF0000, v63;
	[tilespmem:s25+$0xE0] =	vst v33;
	v19 =	vld [tilespmem:s26+$0xFFFFFFB0];
	v17 =	vbroadcast v24, $0x0;
	v24 =	vmul.f32 v30, v12  }
0x121: {  	[tilespmem:s28+$0xFFFFFF10] =	vst v16;
	v16 =	vshll.u32 v23, $0x10;
	v30 =	vand.u32 $0xFFFF0000, v23;
	v12 =	vmul.f32 v35, v6  }
0x122: {  	v23 =	vmul.f32 v27, v7;
	v27 =	vshll.u32 v22, $0x10;
	[tilespmem:s25+$0x30] =	vst v24;
	v24 =	vmul.f32 v25, v11  }
0x123: {  	s10 =	simm.s32 $0x1B0A0;
	s8 =	simm.s32 $0x1D120;
	s22 =	simm.s32 $0x8;
	[tilespmem:s28+$0x90] =	vst v31;
	v11 =	vld [tilespmem:s26+$0xFFFFFFC0];
	v25 =	vshll.u32 v63, $0x10;
	v16 =	vmul.f32 v16, v10;
	v18 =	vmul.f32 v30, v10  }
.LBB2_22:
0x124: {  	s5 =	sadd.s32 s22, s23;
	s22 =	sadd.s32 $0x8, s22;
	v29 =	vmul.f32 v29, v13;
	[tilespmem:s28+$0xC0] =	vst v21;
	s8 =	sadd.s32 $0x200, s8;
	v21 =	vand.u32 $0xFFFF0000, v22;
	v22 =	vmul.f32 v28, v3;
	v3 =	vmovc v13  }
0x125: {  	v13 =	vshll.u32 v19, $0x10;
	v19 =	vand.u32 $0xFFFF0000, v19;
	s1 =	sadd.s32 $0x9, s5;
	s2 =	sadd.s32 $0xA, s5;
	s3 =	sadd.s32 $0xB, s5;
	[tilespmem:s28+$0x10] =	vst v26;
	v26 =	vmul.f32 v27, v4  }
0x126: {  	s31 =	sadd.s32 $0xE, s5;
	v21 =	vmul.f32 v21, v4;
	v27 =	vmov s1;
	v28 =	vmov s2;
	s1 =	sadd.s32 $0xC, s5;
	s2 =	sadd.s32 $0xD, s5;
	v4 =	vld.idx.msk [tilespmem:v17+s6+$0x0], $0xffff;
	[tilespmem:s25+$0x20] =	vst v15  }
0x127: {  	s0 =	sadd.s32 $0x8, s5;
	p1 =	slt.u32 s22, $0x78;
	v19 =	vmul.f32 v19, v5;
	v15 =	vmov s1;
	v17 =	vmov s2;
	s1 =	sadd.s32 $0xF, s5;
	[tilespmem:s25+$0x70] =	vst v22  }
0x128: {  	v22 =	vmov s0;
	v30 =	vmov s1;
	[tilespmem:s28+$0xFFFFFF00] =	vst v14;
	v14 =	vand.u32 $0xFFFF0000, v11  }
0x129: {  	v27 =	vshrl.u32 v27, $0x3;
	v17 =	vshrl.u32 v17, $0x3;
	v11 =	vshll.u32 v11, $0x10;
	v31 =	vld [tilespmem:s26+$0xFFFFFF90];
	[tilespmem:s25+$0xFFFFFFA0] =	vst v26  }
0x12a: {  	v25 =	vmul.f32 v25, v3;
	v26 =	vshll.u32 v27, v2;
	v17 =	vshll.u32 v17, v2;
	[tilespmem:s28+$0x80] =	vst v23  }
0x12b: {  	v23 =	vadd.s32 $0x1, v26;
	v26 =	vmov s3;
	v17 =	vadd.s32 $0x5, v17;
	[tilespmem:s25+$0xF0] =	vst v24  }
0x12c: {  	v23 =	vbroadcast v23, $0x0;
	v24 =	vmov s31;
	v11 =	vmul.f32 v11, v4;
	[tilespmem:s28+$0xFFFFFFD0] =	vst v18  }
0x12d: {  	v27 =	vmul.f32 v14, v4;
	v18 =	vshrl.u32 v22, $0x3;
	v24 =	vshrl.u32 v24, $0x3;
	v22 =	vld [tilespmem:s10+$0x0];
	[tilespmem:s28+$0xFFFFFFC0] =	vst v16  }
0x12e: {  	v14 =	vshll.u32 v18, v2;
	v16 =	vshrl.u32 v30, $0x3;
	v18 =	vshll.u32 v31, $0x10;
	v30 =	vld [tilespmem:s26+$0xFFFFFFF0];
	[tilespmem:s25+$0x60] =	vst v20  }
0x12f: {  	v24 =	vshll.u32 v24, v2;
	v16 =	vshll.u32 v16, v2;
	v31 =	vand.u32 $0xFFFF0000, v31;
	v20 =	vld [tilespmem:s10+$0xFFFFFFA0];
	[tilespmem:s25+$0xFFFFFFB0] =	vst v21;
	s25 =	smov.u32 s28;
	s28 =	smov.u32 s8  }
0x130: {  	v14 =	vbroadcast v14, $0x0;
	v16 =	vadd.s32 $0x7, v16;
	v18 =	vmul.f32 v18, v9;
	[tilespmem:s25+$0x50] =	vst v29;
	v21 =	vld [tilespmem:s26+$0x50]  }
0x131: {  	v15 =	vshrl.u32 v15, $0x3;
	v9 =	vmul.f32 v31, v9;
	v16 =	vbroadcast v16, $0x0;
	v29 =	vld [tilespmem:s26+$0x10];
	[tilespmem:s25+$0x40] =	vst v25  }
0x132: {  	v13 =	vmul.f32 v13, v5;
	v24 =	vadd.s32 $0x6, v24;
	v25 =	vld [tilespmem:s26+$0x30];
	[tilespmem:s25+$0xD0] =	vst v12  }
0x133: {  	v12 =	vshll.u32 v15, v2;
	v15 =	vbroadcast v24, $0x0;
	v5 =	vld.idx.msk [tilespmem:v23+s6+$0x0], $0xffff;
	[tilespmem:s25+$0xFFFFFF20] =	vst v18;
	v18 =	vshll.u32 v30, $0x10  }
0x134: {  	v23 =	vshrl.u32 v26, $0x3;
	v12 =	vadd.s32 $0x4, v12;
	[tilespmem:s25+$0xFFFFFF30] =	vst v9;
	v9 =	vand.u32 $0xFFFF0000, v30;
	v24 =	vld [tilespmem:s26+$0x70]  }
0x135: {  	v23 =	vshll.u32 v23, v2;
	v12 =	vbroadcast v12, $0x0;
	v26 =	vld [tilespmem:s10+$0x40];
	[tilespmem:s25+$0xFFFFFF80] =	vst v11;
	v11 =	vmul.f32 v18, v10  }
0x136: {  	v23 =	vadd.s32 $0x3, v23;
	v10 =	vmul.f32 v9, v10;
	v18 =	vld [tilespmem:s10+$0xFFFFFF80];
	[tilespmem:s25+$0xFFFFFF60] =	vst v13;
	v13 =	vshll.u32 v29, $0x10  }
0x137: {  	v23 =	vbroadcast v23, $0x0;
	v9 =	vld.idx.msk [tilespmem:v14+s6+$0x0], $0xffff;
	v14 =	vshrl.u32 v28, $0x3;
	[tilespmem:s25+$0xFFFFFFE0] =	vst v11  }
0x138: {  	v30 =	vand.u32 $0xFFFF0000, v21;
	v11 =	vand.u32 $0xFFFF0000, v20;
	v14 =	vshll.u32 v14, v2;
	v28 =	vld [tilespmem:s10+$0x60];
	[tilespmem:s25+$0xFFFFFFF0] =	vst v10  }
0x139: {  	v10 =	vshll.u32 v20, $0x10;
	v11 =	vmul.f32 v11, v5;
	v20 =	vld.idx.msk [tilespmem:v16+s6+$0x0], $0xffff;
	[tilespmem:s25+$0xFFFFFF70] =	vst v19;
	v16 =	vshll.u32 v24, $0x10  }
0x13a: {  	v19 =	vmul.f32 v10, v5;
	v31 =	vadd.s32 $0x2, v14;
	v32 =	vld.idx.msk [tilespmem:v15+s6+$0x0], $0xffff;
	v16 =	vmul.f32 v16, v6  }
0x13b: {  	v29 =	vand.u32 $0xFFFF0000, v29;
	v33 =	vld.idx.msk [tilespmem:v12+s6+$0x0], $0xffff;
	v12 =	vbroadcast v17, $0x0;
	v17 =	vshll.u32 v21, $0x10  }
0x13c: {  	v34 =	vshll.u32 v25, $0x10;
	v10 =	vshll.u32 v18, $0x10;
	v18 =	vand.u32 $0xFFFF0000, v18;
	[tilespmem:s8+$0xFFFFFF50] =	vst v11;
	v11 =	vld [tilespmem:s10+$0xFFFFFFE0]  }
0x13d: {  	v15 =	vmul.f32 v13, v8;
	v14 =	vmul.f32 v10, v9;
	v10 =	vld.idx.msk [tilespmem:v23+s6+$0x0], $0xffff;
	v23 =	vand.u32 $0xFFFF0000, v28  }
0x13e: {  	v18 =	vmul.f32 v18, v9;
	v13 =	vshll.u32 v28, $0x10;
	v28 =	vmul.f32 v30, v7;
	[tilespmem:s25+$0xE0] =	vst v16  }
0x13f: {  	v35 =	vshll.u32 v26, $0x10;
	v36 =	vmul.f32 v17, v7;
	v21 =	vmul.f32 v13, v20;
	v30 =	vld [tilespmem:s10+$0x20];
	[tilespmem:s25+$0xFFFFFF90] =	vst v27  }
0x140: {  	v17 =	vbroadcast v31, $0x0;
	v13 =	vshll.u32 v22, $0x10;
	v27 =	vand.u32 $0xFFFF0000, v22;
	v7 =	vmovc v32;
	v22 =	vld [tilespmem:s26+$0xFFFFFFD0];
	[tilespmem:s25+$0xB0] =	vst v28;
	s26 =	smov.u32 s10  }
0x141: {  	v29 =	vmul.f32 v29, v8;
	v26 =	vand.u32 $0xFFFF0000, v26;
	v28 =	vmul.f32 v13, v33;
	[tilespmem:s8+$0xFFFFFF40] =	vst v19;
	v13 =	vld.idx.msk [tilespmem:v12+s6+$0x0], $0xffff  }
.Ltmp12:
0x142: {  	v8 =	vmovc v33;
	v16 =	vshll.u32 v11, $0x10;
	v11 =	vand.u32 $0xFFFF0000, v11;
	v12 =	vmul.f32 v23, v20;
	[tilespmem:s8+$0xFFFFFF10] =	vst v18;
	(pc) =	sbr.rel @p1 .LBB2_22-.Ltmp12, $4  }
0x143: {  	v24 =	vand.u32 $0xFFFF0000, v24;
	v31 =	vmul.f32 v26, v7;
	v16 =	vmul.f32 v16, v10;
	v19 =	vld [tilespmem:s10+$0xFFFFFFB0];
	[tilespmem:s8+$0x0] =	vst v28  }
0x144: {  	v26 =	vmul.f32 v27, v8;
	v23 =	vmul.f32 v35, v7;
	v28 =	vand.u32 $0xFFFF0000, v25;
	[tilespmem:s25+$0x30] =	vst v29  }
0x145: {  	v24 =	vmul.f32 v24, v6;
	v6 =	vmovc v20;
	v18 =	vmul.f32 v11, v10;
	v27 =	vshll.u32 v22, $0x10;
	[tilespmem:s25+$0xA0] =	vst v36  }
0x146: {  	v20 =	vmul.f32 v34, v3;
	s10 =	sadd.s32 $0x100, s10;
	v25 =	vshll.u32 v30, $0x10;
	v29 =	vand.u32 $0xFFFF0000, v30;
	v11 =	vld [tilespmem:s26+$0xFFFFFFC0];
	[tilespmem:s8+$0x90] =	vst v31  }
.Ltmp13:
0x147: {  	_ = 	snop;
	(pc) =	sbr.rel .LBB2_23-.Ltmp13, $1  }
0x148: {  	_ =	sdelay $0x3  }
.LBB2_8:
0x149: {  	s8 =	sshll.u32 s24, $0x9  }
0x14a: {  	s8 =	sshrl.u32 s8, $0x2  }
0x14b: {  	s22 =	sadd.s32 $0x18720, s8  }
0x14c: {  	v3 =	vmov s22;
	_ =	sdelay $0x3  }
0x14d: {  	s10 =	simm.s32 $0x0;
	p1 =	por $0x1, $0x1  }
.LBB2_9:
0x14e: {  	v4 =	vld.idx.msk [tilespmem:v3+s10+$0x0 ss:$0x1], $0xffff  }
0x14f: {  	v5 =	vld.idx.msk [tilespmem:v3+s10+$0x10 ss:$0x1], $0xffff  }
0x150: {  	v6 =	vld.idx.msk [tilespmem:v3+s10+$0x20 ss:$0x1], $0xffff  }
0x151: {  	v7 =	vld.idx.msk [tilespmem:v3+s10+$0x30 ss:$0x1], $0xffff;
	p2 =	por p1, p1  }
.Ltmp14:
0x152: {  	_ = 	snop;
	(pc) =	sbr.rel @p2 .LBB2_9-.Ltmp14, $4  }
0x153: {  	[tilespmem:s10+$0x1AC20] =	vst v4  }
0x154: {  	[tilespmem:s10+$0x1AC30] =	vst v5  }
0x155: {  	[tilespmem:s10+$0x1AC40] =	vst v6  }
0x156: {  	p1 =	por $0x0, $0x0;
	[tilespmem:s10+$0x1AC50] =	vst v7;
	s10 =	simm.s32 $0x40  }
0x157: {  	s0 =	sadd.s32 $0x19320, s8  }
0x158: {  	v3 =	vmov s0  }
0x159: {  	[tilespmem:s15], [sflag:$0x1] =	stream.indirect.gather [hbm4b:s7+s9], $0x20, s14, s9, $0xb8;
	[tilespmem:$0x1EE20] =	vst v63  }
0x15a: {  	_ =	swait.ge [sflag:s20], $0x1000  }
0x15b: {  	[sflag:s20] =	ssyncset.done $0x0  }
0x15c: {  	s8 =	simm.s32 $0x0;
	p1 =	por $0x1, $0x1;
	[sflag:s20] =	ssyncadd.s32 $0xFFFFF000  }
.LBB2_11:
0x15d: {  	v4 =	vld.idx.msk [tilespmem:v3+s8+$0x0 ss:$0x1], $0xffff  }
0x15e: {  	v5 =	vld.idx.msk [tilespmem:v3+s8+$0x10 ss:$0x1], $0xffff  }
0x15f: {  	v6 =	vld.idx.msk [tilespmem:v3+s8+$0x20 ss:$0x1], $0xffff  }
0x160: {  	v7 =	vld.idx.msk [tilespmem:v3+s8+$0x30 ss:$0x1], $0xffff  }
0x161: {  	p2 =	por p1, p1  }
.Ltmp15:
0x162: {  	v4 =	vsub.s32 v4, v0;
	(pc) =	sbr.rel @p2 .LBB2_11-.Ltmp15, $4  }
0x163: {  	[tilespmem:s8+$0x1ADA0] =	vst v4;
	v4 =	vsub.s32 v5, v0  }
0x164: {  	[tilespmem:s8+$0x1ADB0] =	vst v4;
	v4 =	vsub.s32 v6, v0  }
0x165: {  	s22 =	simm.s32 $0x1BEA0;
	[tilespmem:s8+$0x1ADC0] =	vst v4;
	v4 =	vsub.s32 v7, v0  }
0x166: {  	s25 =	simm.s32 $0x1CF20;
	p1 =	por $0x0, $0x0;
	[tilespmem:s8+$0x1ADD0] =	vst v4;
	s8 =	simm.s32 $0x40  }
0x167: {  	s0 =	sadd.s32 $0xFFFFFFF8, s23  }
0x168: {  	s1 =	sadd.s32 $0x9, s0  }
0x169: {  	v3 =	vmov s1  }
0x16a: {  	v3 =	vshrl.u32 v3, $0x3  }
0x16b: {  	v3 =	vshll.u32 v3, v2  }
0x16c: {  	v3 =	vadd.s32 $0x1, v3  }
0x16d: {  	s8 =	sadd.s32 $0xC, s0;
	s2 =	sadd.s32 $0x8, s0;
	s10 =	sadd.s32 $0xF, s0;
	v3 =	vbroadcast v3, $0x0  }
0x16e: {  	s26 =	sadd.s32 $0xE, s0;
	v4 =	vmov s8;
	v5 =	vmov s2;
	v6 =	vmov s10  }
0x16f: {  	v8 =	vmov s26;
	v5 =	vshrl.u32 v5, $0x3;
	v6 =	vshrl.u32 v6, $0x3  }
0x170: {  	v8 =	vshrl.u32 v8, $0x3;
	v5 =	vshll.u32 v5, v2;
	v6 =	vshll.u32 v6, v2  }
0x171: {  	v8 =	vshll.u32 v8, v2;
	v5 =	vbroadcast v5, $0x0;
	v6 =	vadd.s32 $0x7, v6  }
0x172: {  	v9 =	vld [tilespmem:s22+$0x0];
	v4 =	vshrl.u32 v4, $0x3;
	v8 =	vadd.s32 $0x6, v8;
	v6 =	vbroadcast v6, $0x0  }
0x173: {  	s3 =	sadd.s32 $0xB, s0;
	s31 =	sadd.s32 $0xD, s0;
	v4 =	vshll.u32 v4, v2;
	v14 =	vld.idx.msk [tilespmem:v3+s6+$0x0], $0xffff;
	v3 =	vbroadcast v8, $0x0  }
0x174: {  	v10 =	vld [tilespmem:s22+$0xFFFFFFA0];
	v7 =	vmov s3;
	v4 =	vadd.s32 $0x4, v4;
	v8 =	vmov s31  }
0x175: {  	v7 =	vshrl.u32 v7, $0x3;
	v4 =	vbroadcast v4, $0x0;
	v8 =	vshrl.u32 v8, $0x3  }
0x176: {  	v16 =	vld [tilespmem:s22+$0xFFFFFF80];
	v7 =	vshll.u32 v7, v2;
	v8 =	vshll.u32 v8, v2  }
0x177: {  	s0 =	sadd.s32 $0xA, s0;
	v7 =	vadd.s32 $0x3, v7;
	v5 =	vld.idx.msk [tilespmem:v5+s6+$0x0], $0xffff;
	v8 =	vadd.s32 $0x5, v8  }
0x178: {  	v21 =	vshll.u32 v9, $0x10;
	v11 =	vld.idx.msk [tilespmem:v6+s6+$0x0], $0xffff;
	v6 =	vbroadcast v8, $0x0;
	v8 =	vmov s0;
	s0 =	sadd.s32 $0x0, s23  }
0x179: {  	v7 =	vbroadcast v7, $0x0;
	s2 =	sadd.s32 $0x9, s0;
	s3 =	sadd.s32 $0xA, s0;
	v13 =	vld.idx.msk [tilespmem:v3+s6+$0x0], $0xffff;
	v3 =	vshrl.u32 v8, $0x3;
	v8 =	vand.u32 $0xFFFF0000, v10  }
0x17a: {  	v17 =	vld [tilespmem:s22+$0x60];
	s5 =	sadd.s32 $0xC, s0;
	s26 =	sadd.s32 $0xF, s0;
	v10 =	vshll.u32 v10, $0x10;
	v27 =	vmov s2;
	v28 =	vmov s3  }
0x17b: {  	v12 =	vld.idx.msk [tilespmem:v4+s6+$0x0], $0xffff;
	v29 =	vmov s5;
	v30 =	vmov s26;
	v3 =	vshll.u32 v3, v2  }
0x17c: {  	v15 =	vld [tilespmem:s22+$0x40];
	v4 =	vmul.f32 v8, v14;
	v8 =	vmul.f32 v10, v14;
	v27 =	vshrl.u32 v27, $0x3  }
0x17d: {  	v24 =	vld [tilespmem:s22+$0xFFFFFFC0];
	v29 =	vshrl.u32 v29, $0x3;
	v18 =	vadd.s32 $0x2, v3;
	v3 =	vshll.u32 v16, $0x10  }
0x17e: {  	v10 =	vld [tilespmem:s22+$0xFFFFFFE0];
	v16 =	vand.u32 $0xFFFF0000, v16;
	v27 =	vshll.u32 v27, v2;
	v19 =	vmul.f32 v3, v5  }
0x17f: {  	v7 =	vld.idx.msk [tilespmem:v7+s6+$0x0], $0xffff;
	v3 =	vshll.u32 v17, $0x10;
	v16 =	vmul.f32 v16, v5;
	[tilespmem:s25+$0xFFFFFF40] =	vst v8;
	v8 =	vbroadcast v18, $0x0  }
0x180: {  	[tilespmem:s25+$0xFFFFFF50] =	vst v4;
	v4 =	vand.u32 $0xFFFF0000, v17;
	v17 =	vld [tilespmem:s22+$0x20];
	v18 =	vmul.f32 v21, v12;
	v20 =	vmul.f32 v3, v11  }
0x181: {  	v3 =	vld.idx.msk [tilespmem:v6+s6+$0x0], $0xffff;
	v6 =	vshll.u32 v15, $0x10;
	v15 =	vand.u32 $0xFFFF0000, v15;
	v23 =	vmul.f32 v4, v11  }
0x182: {  	v4 =	vand.u32 $0xFFFF0000, v9;
	v15 =	vmul.f32 v15, v13;
	v6 =	vmul.f32 v6, v13  }
0x183: {  	v21 =	vld [tilespmem:s22+$0xFFFFFFB0];
	[tilespmem:s25+$0xFFFFFF00] =	vst v19;
	v19 =	vand.u32 $0xFFFF0000, v24;
	v24 =	vshll.u32 v24, $0x10;
	v22 =	vshll.u32 v10, $0x10  }
0x184: {  	s31 =	sadd.s32 $0xB, s0;
	v10 =	vand.u32 $0xFFFF0000, v10;
	[tilespmem:s25+$0xD0] =	vst v23;
	v23 =	vshll.u32 v29, v2;
	v9 =	vmul.f32 v22, v7  }
0x185: {  	v22 =	vmul.f32 v4, v12;
	v10 =	vmul.f32 v10, v7;
	[tilespmem:s25+$0x90] =	vst v15;
	v15 =	vmov s31  }
0x186: {  	[tilespmem:s25+$0xFFFFFF10] =	vst v16;
	v23 =	vadd.s32 $0x4, v23;
	v25 =	vshll.u32 v17, $0x10;
	v4 =	vand.u32 $0xFFFF0000, v17  }
0x187: {  	s8 =	sadd.s32 $0xD, s0;
	[tilespmem:s25+$0x0] =	vst v18;
	v31 =	vld [tilespmem:s22+$0xFFFFFF90];
	v15 =	vshrl.u32 v15, $0x3;
	v23 =	vbroadcast v23, $0x0;
	v17 =	vmul.f32 v4, v3  }
0x188: {  	s10 =	sadd.s32 $0x8, s0;
	s0 =	sadd.s32 $0xE, s0;
	[tilespmem:s25+$0xC0] =	vst v20;
	v26 =	vshll.u32 v21, $0x10;
	v21 =	vand.u32 $0xFFFF0000, v21;
	v4 =	vld.idx.msk [tilespmem:v8+s6+$0x0], $0xffff;
	v8 =	vmov s8  }
0x189: {  	s26 =	simm.s32 $0x1BFA0;
	[tilespmem:s25+$0x80] =	vst v6;
	v18 =	vmul.f32 v25, v3;
	v25 =	vadd.s32 $0x1, v27;
	v27 =	vmov s0  }
0x18a: {  	v6 =	vld [tilespmem:s26+$0xFFFFFFA0];
	[tilespmem:s25+$0xFFFFFFD0] =	vst v10;
	v15 =	vshll.u32 v15, v2;
	v16 =	vmul.f32 v21, v14;
	v21 =	vmov s10  }
0x18b: {  	[tilespmem:s25+$0xFFFFFFC0] =	vst v9;
	v8 =	vshrl.u32 v8, $0x3;
	v25 =	vbroadcast v25, $0x0;
	v14 =	vmul.f32 v26, v14  }
0x18c: {  	v32 =	vld [tilespmem:s26+$0x0];
	[tilespmem:s25+$0x10] =	vst v22;
	v15 =	vadd.s32 $0x3, v15;
	v8 =	vshll.u32 v8, v2;
	v10 =	vshrl.u32 v21, $0x3  }
0x18d: {  	v22 =	vld [tilespmem:s22+$0x50];
	v21 =	vshrl.u32 v27, $0x3;
	v20 =	vshll.u32 v31, $0x10;
	[tilespmem:s25+$0x50] =	vst v17;
	v8 =	vadd.s32 $0x5, v8  }
0x18e: {  	v27 =	vld [tilespmem:s22+$0xFFFFFFF0];
	[tilespmem:s25+$0x40] =	vst v18;
	v9 =	vshll.u32 v10, v2;
	v10 =	vshrl.u32 v30, $0x3;
	v21 =	vshll.u32 v21, v2  }
0x18f: {  	v30 =	vand.u32 $0xFFFF0000, v31;
	v20 =	vmul.f32 v20, v5;
	v29 =	vld [tilespmem:s22+$0x30];
	[tilespmem:s25+$0xFFFFFF60] =	vst v14;
	v14 =	vshll.u32 v6, $0x10  }
0x190: {  	v31 =	vld [tilespmem:s26+$0x40];
	v10 =	vshll.u32 v10, v2;
	v9 =	vbroadcast v9, $0x0;
	v17 =	vmul.f32 v30, v5  }
0x191: {  	v30 =	vld [tilespmem:s22+$0x10];
	v21 =	vadd.s32 $0x6, v21;
	v34 =	vbroadcast v8, $0x0;
	v24 =	vmul.f32 v24, v4  }
0x192: {  	v19 =	vmul.f32 v19, v4;
	v10 =	vadd.s32 $0x7, v10;
	v21 =	vbroadcast v21, $0x0;
	[tilespmem:s25+$0xFFFFFF20] =	vst v20;
	v20 =	vld [tilespmem:s26+$0xFFFFFF80]  }
0x193: {  	v10 =	vbroadcast v10, $0x0;
	v5 =	vld.idx.msk [tilespmem:v25+s6+$0x0], $0xffff;
	v18 =	vshll.u32 v27, $0x10;
	v26 =	vand.u32 $0xFFFF0000, v27  }
0x194: {  	v25 =	vld [tilespmem:s22+$0x70];
	v27 =	vbroadcast v15, $0x0;
	v15 =	vand.u32 $0xFFFF0000, v6;
	[tilespmem:s25+$0xFFFFFF90] =	vst v19;
	v19 =	vand.u32 $0xFFFF0000, v32  }
0x195: {  	[tilespmem:s25+$0xFFFFFF70] =	vst v16;
	v8 =	vld.idx.msk [tilespmem:v23+s6+$0x0], $0xffff;
	v18 =	vmul.f32 v18, v7;
	v7 =	vmul.f32 v26, v7;
	v26 =	vshrl.u32 v28, $0x3  }
0x196: {  	[tilespmem:s25+$0xFFFFFF80] =	vst v24;
	v28 =	vand.u32 $0xFFFF0000, v22;
	v22 =	vshll.u32 v22, $0x10;
	v24 =	vshll.u32 v26, v2;
	v26 =	vld [tilespmem:s26+$0x60]  }
0x197: {  	[tilespmem:s25+$0xFFFFFF30] =	vst v17;
	v17 =	vshll.u32 v30, $0x10;
	v30 =	vand.u32 $0xFFFF0000, v30;
	v62 =	vmul.f32 v22, v13;
	v9 =	vld.idx.msk [tilespmem:v9+s6+$0x0], $0xffff  }
0x198: {  	v24 =	vadd.s32 $0x2, v24;
	[tilespmem:s25+$0xFFFFFFF0] =	vst v7;
	v16 =	vand.u32 $0xFFFF0000, v20;
	v7 =	vld.idx.msk [tilespmem:v21+s6+$0x0], $0xffff;
	v15 =	vmul.f32 v15, v5  }
0x199: {  	[tilespmem:s25+$0xFFFFFFE0] =	vst v18;
	v33 =	vshll.u32 v25, $0x10;
	v6 =	vld.idx.msk [tilespmem:v10+s6+$0x0], $0xffff;
	v18 =	vmul.f32 v14, v5;
	v10 =	vshll.u32 v20, $0x10  }
0x19a: {  	s28 =	simm.s32 $0x1D120;
	v20 =	vshll.u32 v29, $0x10;
	v25 =	vand.u32 $0xFFFF0000, v25;
	v33 =	vmul.f32 v33, v11  }
0x19b: {  	v63 =	vld [tilespmem:s26+$0x20];
	v20 =	vmul.f32 v20, v3;
	[tilespmem:s28+$0xFFFFFF50] =	vst v15;
	v35 =	vand.u32 $0xFFFF0000, v26;
	v15 =	vmul.f32 v17, v12  }
0x19c: {  	v23 =	vld [tilespmem:s26+$0xFFFFFFE0];
	[tilespmem:s25+$0xA0] =	vst v62;
	v17 =	vshll.u32 v26, $0x10;
	v26 =	vmul.f32 v28, v13;
	v13 =	vshll.u32 v32, $0x10  }
0x19d: {  	v22 =	vld [tilespmem:s22+$0xFFFFFFD0];
	[tilespmem:s28+$0xFFFFFF40] =	vst v18;
	v18 =	vand.u32 $0xFFFF0000, v31;
	v14 =	vmul.f32 v10, v9;
	v13 =	vmul.f32 v13, v8  }
0x19e: {  	v10 =	vld.idx.msk [tilespmem:v27+s6+$0x0], $0xffff;
	v16 =	vmul.f32 v16, v9;
	v27 =	vshll.u32 v31, $0x10;
	[tilespmem:s25+$0xB0] =	vst v26;
	v31 =	vmul.f32 v18, v7  }
0x19f: {  	v28 =	vand.u32 $0xFFFF0000, v29;
	v26 =	vmul.f32 v19, v8;
	v21 =	vmul.f32 v17, v6;
	[tilespmem:s28+$0x0] =	vst v13;
	v13 =	vld.idx.msk [tilespmem:v34+s6+$0x0], $0xffff  }
0x1a0: {  	v29 =	vand.u32 $0xFFFF0000, v63;
	[tilespmem:s25+$0xE0] =	vst v33;
	v19 =	vld [tilespmem:s26+$0xFFFFFFB0];
	v17 =	vbroadcast v24, $0x0;
	v24 =	vmul.f32 v30, v12  }
0x1a1: {  	[tilespmem:s28+$0xFFFFFF10] =	vst v16;
	v16 =	vshll.u32 v23, $0x10;
	v30 =	vand.u32 $0xFFFF0000, v23;
	v12 =	vmul.f32 v35, v6  }
0x1a2: {  	v23 =	vmul.f32 v27, v7;
	v27 =	vshll.u32 v22, $0x10;
	[tilespmem:s25+$0x30] =	vst v24;
	v24 =	vmul.f32 v25, v11  }
0x1a3: {  	s8 =	simm.s32 $0x1D120;
	s10 =	simm.s32 $0x1C0A0;
	s22 =	simm.s32 $0x8;
	[tilespmem:s28+$0x90] =	vst v31;
	v11 =	vld [tilespmem:s26+$0xFFFFFFC0];
	v25 =	vshll.u32 v63, $0x10;
	v16 =	vmul.f32 v16, v10;
	v18 =	vmul.f32 v30, v10  }
.LBB2_13:
0x1a4: {  	s0 =	sadd.s32 s22, s23;
	s22 =	sadd.s32 $0x8, s22;
	v29 =	vmul.f32 v29, v13;
	[tilespmem:s28+$0xC0] =	vst v21;
	s8 =	sadd.s32 $0x200, s8;
	v21 =	vand.u32 $0xFFFF0000, v22;
	v22 =	vmul.f32 v28, v3;
	v3 =	vmovc v13  }
0x1a5: {  	s1 =	sadd.s32 $0x9, s0;
	s2 =	sadd.s32 $0xA, s0;
	s3 =	sadd.s32 $0xB, s0;
	v13 =	vshll.u32 v19, $0x10;
	v19 =	vand.u32 $0xFFFF0000, v19;
	[tilespmem:s28+$0x10] =	vst v26;
	v26 =	vmul.f32 v27, v4  }
0x1a6: {  	s5 =	sadd.s32 $0xE, s0;
	v21 =	vmul.f32 v21, v4;
	v27 =	vmov s1;
	v28 =	vmov s2;
	s1 =	sadd.s32 $0xC, s0;
	s2 =	sadd.s32 $0xD, s0;
	v4 =	vld.idx.msk [tilespmem:v17+s6+$0x0], $0xffff;
	[tilespmem:s25+$0x20] =	vst v15  }
0x1a7: {  	s31 =	sadd.s32 $0x8, s0;
	p1 =	slt.u32 s22, $0x78;
	s0 =	sadd.s32 $0xF, s0;
	v19 =	vmul.f32 v19, v5;
	v15 =	vmov s1;
	v17 =	vmov s2;
	[tilespmem:s25+$0x70] =	vst v22  }
0x1a8: {  	v22 =	vmov s31;
	v30 =	vmov s0;
	[tilespmem:s28+$0xFFFFFF00] =	vst v14;
	v14 =	vand.u32 $0xFFFF0000, v11  }
0x1a9: {  	v27 =	vshrl.u32 v27, $0x3;
	v17 =	vshrl.u32 v17, $0x3;
	v11 =	vshll.u32 v11, $0x10;
	v31 =	vld [tilespmem:s26+$0xFFFFFF90];
	[tilespmem:s25+$0xFFFFFFA0] =	vst v26  }
0x1aa: {  	v25 =	vmul.f32 v25, v3;
	v26 =	vshll.u32 v27, v2;
	v17 =	vshll.u32 v17, v2;
	[tilespmem:s28+$0x80] =	vst v23  }
0x1ab: {  	v23 =	vadd.s32 $0x1, v26;
	v26 =	vmov s3;
	v17 =	vadd.s32 $0x5, v17;
	[tilespmem:s25+$0xF0] =	vst v24  }
0x1ac: {  	v23 =	vbroadcast v23, $0x0;
	v24 =	vmov s5;
	v11 =	vmul.f32 v11, v4;
	[tilespmem:s28+$0xFFFFFFD0] =	vst v18  }
0x1ad: {  	v27 =	vmul.f32 v14, v4;
	v18 =	vshrl.u32 v22, $0x3;
	v24 =	vshrl.u32 v24, $0x3;
	v22 =	vld [tilespmem:s10+$0x0];
	[tilespmem:s28+$0xFFFFFFC0] =	vst v16  }
0x1ae: {  	v14 =	vshll.u32 v18, v2;
	v16 =	vshrl.u32 v30, $0x3;
	v18 =	vshll.u32 v31, $0x10;
	v30 =	vld [tilespmem:s26+$0xFFFFFFF0];
	[tilespmem:s25+$0x60] =	vst v20  }
0x1af: {  	v24 =	vshll.u32 v24, v2;
	v16 =	vshll.u32 v16, v2;
	v31 =	vand.u32 $0xFFFF0000, v31;
	v20 =	vld [tilespmem:s10+$0xFFFFFFA0];
	[tilespmem:s25+$0xFFFFFFB0] =	vst v21;
	s25 =	smov.u32 s28;
	s28 =	smov.u32 s8  }
0x1b0: {  	v14 =	vbroadcast v14, $0x0;
	v16 =	vadd.s32 $0x7, v16;
	v18 =	vmul.f32 v18, v9;
	[tilespmem:s25+$0x50] =	vst v29;
	v21 =	vld [tilespmem:s26+$0x50]  }
0x1b1: {  	v15 =	vshrl.u32 v15, $0x3;
	v9 =	vmul.f32 v31, v9;
	v16 =	vbroadcast v16, $0x0;
	v29 =	vld [tilespmem:s26+$0x10];
	[tilespmem:s25+$0x40] =	vst v25  }
0x1b2: {  	v13 =	vmul.f32 v13, v5;
	v24 =	vadd.s32 $0x6, v24;
	v25 =	vld [tilespmem:s26+$0x30];
	[tilespmem:s25+$0xD0] =	vst v12  }
0x1b3: {  	v12 =	vshll.u32 v15, v2;
	v15 =	vbroadcast v24, $0x0;
	v5 =	vld.idx.msk [tilespmem:v23+s6+$0x0], $0xffff;
	[tilespmem:s25+$0xFFFFFF20] =	vst v18;
	v18 =	vshll.u32 v30, $0x10  }
0x1b4: {  	v23 =	vshrl.u32 v26, $0x3;
	v12 =	vadd.s32 $0x4, v12;
	[tilespmem:s25+$0xFFFFFF30] =	vst v9;
	v9 =	vand.u32 $0xFFFF0000, v30;
	v24 =	vld [tilespmem:s26+$0x70]  }
0x1b5: {  	v23 =	vshll.u32 v23, v2;
	v12 =	vbroadcast v12, $0x0;
	v26 =	vld [tilespmem:s10+$0x40];
	[tilespmem:s25+$0xFFFFFF80] =	vst v11;
	v11 =	vmul.f32 v18, v10  }
0x1b6: {  	v23 =	vadd.s32 $0x3, v23;
	v10 =	vmul.f32 v9, v10;
	v18 =	vld [tilespmem:s10+$0xFFFFFF80];
	[tilespmem:s25+$0xFFFFFF60] =	vst v13;
	v13 =	vshll.u32 v29, $0x10  }
0x1b7: {  	v23 =	vbroadcast v23, $0x0;
	v9 =	vld.idx.msk [tilespmem:v14+s6+$0x0], $0xffff;
	v14 =	vshrl.u32 v28, $0x3;
	[tilespmem:s25+$0xFFFFFFE0] =	vst v11  }
0x1b8: {  	v30 =	vand.u32 $0xFFFF0000, v21;
	v11 =	vand.u32 $0xFFFF0000, v20;
	v14 =	vshll.u32 v14, v2;
	v28 =	vld [tilespmem:s10+$0x60];
	[tilespmem:s25+$0xFFFFFFF0] =	vst v10  }
0x1b9: {  	v10 =	vshll.u32 v20, $0x10;
	v11 =	vmul.f32 v11, v5;
	v20 =	vld.idx.msk [tilespmem:v16+s6+$0x0], $0xffff;
	[tilespmem:s25+$0xFFFFFF70] =	vst v19;
	v16 =	vshll.u32 v24, $0x10  }
0x1ba: {  	v19 =	vmul.f32 v10, v5;
	v31 =	vadd.s32 $0x2, v14;
	v32 =	vld.idx.msk [tilespmem:v15+s6+$0x0], $0xffff;
	v16 =	vmul.f32 v16, v6  }
0x1bb: {  	v29 =	vand.u32 $0xFFFF0000, v29;
	v33 =	vld.idx.msk [tilespmem:v12+s6+$0x0], $0xffff;
	v12 =	vbroadcast v17, $0x0;
	v17 =	vshll.u32 v21, $0x10  }
0x1bc: {  	v34 =	vshll.u32 v25, $0x10;
	v10 =	vshll.u32 v18, $0x10;
	v18 =	vand.u32 $0xFFFF0000, v18;
	[tilespmem:s8+$0xFFFFFF50] =	vst v11;
	v11 =	vld [tilespmem:s10+$0xFFFFFFE0]  }
0x1bd: {  	v15 =	vmul.f32 v13, v8;
	v14 =	vmul.f32 v10, v9;
	v10 =	vld.idx.msk [tilespmem:v23+s6+$0x0], $0xffff;
	v23 =	vand.u32 $0xFFFF0000, v28  }
0x1be: {  	v18 =	vmul.f32 v18, v9;
	v13 =	vshll.u32 v28, $0x10;
	v28 =	vmul.f32 v30, v7;
	[tilespmem:s25+$0xE0] =	vst v16  }
0x1bf: {  	v35 =	vshll.u32 v26, $0x10;
	v36 =	vmul.f32 v17, v7;
	v21 =	vmul.f32 v13, v20;
	v30 =	vld [tilespmem:s10+$0x20];
	[tilespmem:s25+$0xFFFFFF90] =	vst v27  }
0x1c0: {  	v17 =	vbroadcast v31, $0x0;
	v13 =	vshll.u32 v22, $0x10;
	v27 =	vand.u32 $0xFFFF0000, v22;
	v7 =	vmovc v32;
	v22 =	vld [tilespmem:s26+$0xFFFFFFD0];
	[tilespmem:s25+$0xB0] =	vst v28;
	s26 =	smov.u32 s10  }
0x1c1: {  	v29 =	vmul.f32 v29, v8;
	v26 =	vand.u32 $0xFFFF0000, v26;
	v28 =	vmul.f32 v13, v33;
	[tilespmem:s8+$0xFFFFFF40] =	vst v19;
	v13 =	vld.idx.msk [tilespmem:v12+s6+$0x0], $0xffff  }
.Ltmp16:
0x1c2: {  	v8 =	vmovc v33;
	v16 =	vshll.u32 v11, $0x10;
	v11 =	vand.u32 $0xFFFF0000, v11;
	v12 =	vmul.f32 v23, v20;
	[tilespmem:s8+$0xFFFFFF10] =	vst v18;
	(pc) =	sbr.rel @p1 .LBB2_13-.Ltmp16, $4  }
0x1c3: {  	v24 =	vand.u32 $0xFFFF0000, v24;
	v31 =	vmul.f32 v26, v7;
	v16 =	vmul.f32 v16, v10;
	v19 =	vld [tilespmem:s10+$0xFFFFFFB0];
	[tilespmem:s8+$0x0] =	vst v28  }
0x1c4: {  	v26 =	vmul.f32 v27, v8;
	v23 =	vmul.f32 v35, v7;
	v28 =	vand.u32 $0xFFFF0000, v25;
	[tilespmem:s25+$0x30] =	vst v29  }
0x1c5: {  	v24 =	vmul.f32 v24, v6;
	v6 =	vmovc v20;
	v18 =	vmul.f32 v11, v10;
	v27 =	vshll.u32 v22, $0x10;
	[tilespmem:s25+$0xA0] =	vst v36  }
0x1c6: {  	v20 =	vmul.f32 v34, v3;
	s10 =	sadd.s32 $0x100, s10;
	v25 =	vshll.u32 v30, $0x10;
	v29 =	vand.u32 $0xFFFF0000, v30;
	v11 =	vld [tilespmem:s26+$0xFFFFFFC0];
	[tilespmem:s8+$0x90] =	vst v31  }
0x1c7: {  	[tilespmem:s28+$0xC0] =	vst v21  }
0x1c8: {  	[tilespmem:s28+$0x10] =	vst v26  }
0x1c9: {  	[tilespmem:s25+$0x20] =	vst v15  }
0x1ca: {  	[tilespmem:s28+$0xFFFFFF00] =	vst v14  }
0x1cb: {  	[tilespmem:s28+$0x80] =	vst v23  }
0x1cc: {  	[tilespmem:s25+$0xF0] =	vst v24  }
0x1cd: {  	[tilespmem:s28+$0xFFFFFFD0] =	vst v18  }
0x1ce: {  	[tilespmem:s28+$0xFFFFFFC0] =	vst v16  }
0x1cf: {  	v3 =	vmul.f32 v28, v3;
	v37 =	vld.idx.msk [tilespmem:v17+s6+$0x0], $0xffff;
	[tilespmem:s28+$0xD0] =	vst v12  }
0x1d0: {  	v33 =	vmul.f32 v27, v4;
	[tilespmem:s25+$0x60] =	vst v20;
	v39 =	vld [tilespmem:s26+$0xFFFFFFF0]  }
0x1d1: {  	v36 =	vmul.f32 v29, v13;
	[tilespmem:s25+$0x70] =	vst v3  }
0x1d2: {  	v34 =	vand.u32 $0xFFFF0000, v22;
	v38 =	vmul.f32 v25, v13;
	[tilespmem:s25+$0xFFFFFFA0] =	vst v33;
	v3 =	vld [tilespmem:s26+$0xFFFFFF90]  }
0x1d3: {  	v35 =	vmul.f32 v34, v4;
	v44 =	vld [tilespmem:s26+$0x70];
	v50 =	vand.u32 $0xFFFF0000, v19;
	[tilespmem:s28+$0x50] =	vst v36  }
0x1d4: {  	v45 =	vld [tilespmem:s26+$0x50];
	[tilespmem:s28+$0x40] =	vst v38;
	v52 =	vmul.f32 v50, v5;
	v41 =	vshll.u32 v11, $0x10  }
0x1d5: {  	[tilespmem:s25+$0xFFFFFFB0] =	vst v35;
	v43 =	vmul.f32 v41, v37;
	v46 =	vshll.u32 v39, $0x10  }
0x1d6: {  	[tilespmem:s28+$0xFFFFFF70] =	vst v52;
	v49 =	vand.u32 $0xFFFF0000, v39;
	v48 =	vmul.f32 v46, v10  }
0x1d7: {  	v40 =	vshll.u32 v3, $0x10;
	v3 =	vand.u32 $0xFFFF0000, v3;
	[tilespmem:s28+$0xFFFFFF80] =	vst v43;
	v51 =	vmul.f32 v49, v10  }
0x1d8: {  	v54 =	vshll.u32 v44, $0x10;
	v3 =	vmul.f32 v3, v9;
	[tilespmem:s28+$0xFFFFFFE0] =	vst v48  }
0x1d9: {  	v47 =	vld [tilespmem:s26+$0x10];
	v14 =	vshll.u32 v45, $0x10;
	v55 =	vmul.f32 v54, v6;
	[tilespmem:s28+$0xFFFFFFF0] =	vst v51  }
0x1da: {  	v59 =	vmul.f32 v14, v7;
	[tilespmem:s28+$0xFFFFFF30] =	vst v3;
	v3 =	vand.u32 $0xFFFF0000, v11  }
0x1db: {  	v53 =	vld [tilespmem:s26+$0x30];
	[tilespmem:s28+$0xE0] =	vst v55;
	v3 =	vmul.f32 v3, v37  }
0x1dc: {  	v42 =	vshll.u32 v19, $0x10;
	v4 =	vmul.f32 v40, v9;
	[tilespmem:s28+$0xA0] =	vst v59  }
0x1dd: {  	v9 =	vmul.f32 v42, v5;
	[tilespmem:s28+$0xFFFFFF90] =	vst v3;
	v3 =	vand.u32 $0xFFFF0000, v45  }
0x1de: {  	v57 =	vand.u32 $0xFFFF0000, v47;
	[tilespmem:s28+$0xFFFFFF20] =	vst v4;
	v56 =	vld [tilespmem:s26+$0xFFFFFFD0];
	v3 =	vmul.f32 v3, v7  }
0x1df: {  	v58 =	vshll.u32 v47, $0x10;
	v5 =	vmul.f32 v57, v8;
	[tilespmem:s28+$0xFFFFFF60] =	vst v9  }
0x1e0: {  	v60 =	vand.u32 $0xFFFF0000, v53;
	[tilespmem:s28+$0xB0] =	vst v3;
	v3 =	vmul.f32 v58, v8  }
0x1e1: {  	[tilespmem:s28+$0x30] =	vst v5;
	v5 =	vmul.f32 v60, v13;
	v4 =	vand.u32 $0xFFFF0000, v44  }
0x1e2: {  	v4 =	vmul.f32 v4, v6;
	[tilespmem:s28+$0x20] =	vst v3;
	v3 =	vshll.u32 v53, $0x10  }
0x1e3: {  	[tilespmem:s28+$0x70] =	vst v5;
	v61 =	vshll.u32 v56, $0x10;
	v3 =	vmul.f32 v3, v13  }
.Ltmp17:
0x1e4: {  	[tilespmem:s28+$0xF0] =	vst v4;
	v63 =	vand.u32 $0xFFFF0000, v56;
	v62 =	vmul.f32 v61, v37;
	(pc) =	sbr.rel .LBB2_24-.Ltmp17, $4  }
0x1e5: {  	v5 =	vmul.f32 v63, v37;
	[tilespmem:s28+$0x60] =	vst v3  }
0x1e6: {  	[tilespmem:s28+$0xFFFFFFA0] =	vst v62  }
0x1e7: {  	s8 =	simm.s32 $0x3;
	[tilespmem:s28+$0xFFFFFFB0] =	vst v5  }
0x1e8: {  	[spmem:s4] =	stream.indirect.scatter.add.f32 [tilespmem:s29], [sflag:$0x3], $0x40, s21, s9, $0xb8;
	[tilespmem:$0x1EE20] =	vst v63  }
.LBB2_27:
0x1e9: {  	_ =	sfence.sel $0x180000  }
0x1ea: {  	[bflag:$0x0] =	sbarrier.arrive $0xFFFF  }
0x1eb: {  	_ =	strace $0x9000004D  }
0x1ec: {  	[bflag:$0x2] =	sbarrier.arrive $0xFFFF  }
0x1ed: {  	s0 =	rddreg [dreg:$0x5]  }
0x1ee: {  	s0 =	sadd.s32 @!p0 $0x100000, s0  }
0x1ef: {  	[sflag:s0] =	ssyncadd.tile.s32 @!p0 $0x1;
	_ =	shalt  }
.Lfunc_end2:
_tile_overlayer_lowered:
.L_overlay_start_2:
0x1f0: {  	(tag) =	ssettag $0x2  }
0x1f1: {  	s0 =	rddreg [dreg:$0x0];
	s2 =	stileid.u32  }
0x1f2: {  	s1 =	rddreg [dreg:$0x1];
	p0 =	sne.s32 s2, $0x0  }
0x1f3: {  	s3 =	rddreg [dreg:$0x2];
	[bflag:$0x3] =	sbarrier.arrive $0xFFFF;
	s2 =	simm.s32 @!p0 $0x1C03  }
0x1f4: {  	[timem:s3], [sflag:s2] =	dma.local @!p0 [hbm:s0], s1  }
0x1f5: {  	s0 =	simm.s32 @!p0 $0x3  }
0x1f6: {  	_ =	swait.ge @!p0 [sflag:s0], s1  }
0x1f7: {  	s1 =	ssub.s32 @!p0 $0x0, s1;
	[sflag:s0] =	ssyncset.done @!p0 $0x0  }
0x1f8: {  	[sflag:s0] =	ssyncadd.s32 @!p0 s1  }
0x1f9: {  	[bflag:$0x3] =	sbarrier.arrive $0xFFFF  }
0x1fa: {  	_ =	shalt  }

// kernel: kernel.19.cloned.1.call-start
scs
__scs_entry_jumppad:
0x0: {  	(pc) =	sbr.rel $0x88, $3  }
0x1: {  	(tag) =	ssettag $0x0;
	lr =	simm.s32 $0x1  }
0x2: {  	[smem:$0x3F99] =	sst lr;
	_ =	strace $0xD0000000  }
0x3: {  	_ = 	snop  }
0x4: {  	_ = 	snop  }
0x5: {  	_ = 	snop  }
0x6: {  	_ = 	snop  }
0x7: {  	_ = 	snop  }
__scs_overlays_trampoline_lowered:
0x8: {  	[smem:$0x3FA8] =	sst s0  }
0x9: {  	[smem:$0x3FA9] =	sst s1  }
0xa: {  	[smem:$0x3FAA] =	sst s2  }
0xb: {  	[smem:$0x3FAB] =	sst s3  }
0xc: {  	[smem:$0x3FAC] =	sst s4  }
0xd: {  	[smem:$0x3FAD] =	sst s5  }
0xe: {  	[smem:$0x3FAE] =	sst s6  }
0xf: {  	[smem:$0x3FAF] =	sst s7  }
0x10: {  	[smem:$0x3FB0] =	sst s8  }
0x11: {  	[smem:$0x3FB1] =	sst s9;
	s0 =	simm.s32 @!p0 $0x0  }
0x12: {  	s1 =	sld [smem:$0x3F97];
	s0 =	simm.s32 @p0 $0x1  }
0x13: {  	[smem:$0x3FB2] =	sst s0;
	s0 =	simm.s32 @!p1 $0x0  }
0x14: {  	s2 =	sld [smem:$0x3F96];
	s0 =	simm.s32 @p1 $0x1  }
0x15: {  	[smem:$0x3FB3] =	sst s0;
	s0 =	simm.s32 @!p2 $0x0  }
0x16: {  	s3 =	sld [smem:$0x3FDB];
	s0 =	simm.s32 @p2 $0x1  }
0x17: {  	s4 =	simm.s32 $0x1BF5;
	[smem:$0x3FB5] =	sst s0  }
0x18: {  	s0 =	sld [smem:$0x3F98];
	_ =	swait.ge [sflag:s4], $0x0  }
0x19: {  	s7 =	sld [smem:$0x3F99]  }
0x1a: {  	s8 =	sadd.s32 $0xFFFFE003, lr  }
0x1b: {  	s9 =	sadd.s32 $0xFFFFFEF7, lr;
	s5 =	simm.s32 $0xFFFFFFFF;
	p2 =	slt.u32 s8, $0xFFFFF086  }
0x1c: {  	p1 =	slt.u32 s9, $0xF7A;
	s5 =	simm.s32 @!p2 $0x0  }
0x1d: {  	s5 =	simm.s32 @p1 $0x1;
	p0 =	seq.s32 s7, s2  }
0x1e: {  	s7 =	smul.u32 @!p0 $0xF7A, s2;
	p2 =	seq.s32 @!p0 s5, $0x0  }
0x1f: {  	s9 =	smul.u32 $0xF7A, s1;
	s8 =	simm.s32 @!p0 $0x1BF5;
	p2 =	por !p2, p0  }
0x20: {  	[sflag:s8] =	ssyncset.s32 @!p0 $0xFFFFF086;
	s6 =	sadd.s32 @!p0 s3, s7;
	s7 =	simm.s32 @!p0 $0x108  }
0x21: {  	s3 =	sadd.s32 s3, s9;
	s6 =	sadd.s32 @!p0 $0x88, s6;
	s7 =	simm.s32 @p2 $0x1082  }
0x22: {  	[simem:s7], [sflag:s8] =	dma.local @!p0 [hbm:s6], $0xF7A  }
0x23: {  	s9 =	sor.u32 $0xD0000000, s2;
	s6 =	simm.s32 $0x108;
	_ =	swait.ge @!p0 [sflag:s8], $0x0  }
0x24: {  	s3 =	sadd.s32 $0x88, s3;
	s6 =	simm.s32 @!p1 $0x1082;
	[sflag:s4] =	ssyncset.s32 $0xFFFFF086  }
0x25: {  	[simem:s6], [sflag:s4] =	dma.local [hbm:s3], $0xF7A  }
0x26: {  	[smem:$0x3F99] =	sst s1;
	(tag) =	ssettag s2;
	_ =	strace s9  }
0x27: {  	s1 =	sld [smem:$0x3FA9]  }
0x28: {  	s2 =	sld [smem:$0x3FAA]  }
0x29: {  	s4 =	sld [smem:$0x3FAC]  }
0x2a: {  	p0 =	seq.s32 s5, $0x0;
	s5 =	sld [smem:$0x3FAD]  }
0x2b: {  	s6 =	sld [smem:$0x3FAE]  }
0x2c: {  	s7 =	sld [smem:$0x3FAF]  }
0x2d: {  	s3 =	simm.s32 $0x108;
	s8 =	sld [smem:$0x3FB0]  }
0x2e: {  	s3 =	simm.s32 @!p0 $0x1082;
	s9 =	sld [smem:$0x3FB1]  }
0x2f: {  	lr =	sadd.s32 s0, s3;
	s0 =	sld [smem:$0x3FA8]  }
0x30: {  	s3 =	sld [smem:$0x3FAB]  }
0x31: {  	[smem:$0x3FB4] =	sst s10  }
0x32: {  	s10 =	sld [smem:$0x3FB2];
	_ =	sdelay $0x3  }
0x33: {  	p0 =	seq.s32 s10, $0x1;
	s10 =	sld [smem:$0x3FB4];
	_ =	sdelay $0x3  }
0x34: {  	[smem:$0x3FB4] =	sst s10  }
0x35: {  	s10 =	sld [smem:$0x3FB3];
	_ =	sdelay $0x3  }
0x36: {  	p1 =	seq.s32 s10, $0x1;
	s10 =	sld [smem:$0x3FB4];
	_ =	sdelay $0x3  }
0x37: {  	[smem:$0x3FB4] =	sst s10  }
0x38: {  	s10 =	sld [smem:$0x3FB5]  }
0x39: {  	_ = 	snop;
	(pc) =	sbr.ind lr, $3  }
0x3a: {  	_ = 	snop  }
0x3b: {  	_ = 	snop  }
0x3c: {  	p2 =	seq.s32 s10, $0x1;
	s10 =	sld [smem:$0x3FB4]  }
0x3d: {  	_ =	shalt  }
0x3e: {  	_ =	shalt  }
0x3f: {  	_ =	shalt  }
0x40: {  	_ =	shalt  }
0x41: {  	_ =	shalt  }
0x42: {  	_ =	shalt  }
0x43: {  	_ =	shalt  }
0x44: {  	_ =	shalt  }
0x45: {  	_ =	shalt  }
0x46: {  	_ =	shalt  }
0x47: {  	_ =	shalt  }
0x48: {  	_ =	shalt  }
0x49: {  	_ =	shalt  }
0x4a: {  	_ =	shalt  }
0x4b: {  	_ =	shalt  }
0x4c: {  	_ =	shalt  }
0x4d: {  	_ =	shalt  }
0x4e: {  	_ =	shalt  }
0x4f: {  	_ =	shalt  }
0x50: {  	_ =	shalt  }
0x51: {  	_ =	shalt  }
0x52: {  	_ =	shalt  }
0x53: {  	_ =	shalt  }
0x54: {  	_ =	shalt  }
0x55: {  	_ =	shalt  }
0x56: {  	_ =	shalt  }
0x57: {  	_ =	shalt  }
0x58: {  	_ =	shalt  }
0x59: {  	_ =	shalt  }
0x5a: {  	_ =	shalt  }
0x5b: {  	_ =	shalt  }
0x5c: {  	_ =	shalt  }
0x5d: {  	_ =	shalt  }
0x5e: {  	_ =	shalt  }
0x5f: {  	_ =	shalt  }
0x60: {  	_ =	shalt  }
0x61: {  	_ =	shalt  }
0x62: {  	_ =	shalt  }
0x63: {  	_ =	shalt  }
0x64: {  	_ =	shalt  }
0x65: {  	_ =	shalt  }
0x66: {  	_ =	shalt  }
0x67: {  	_ =	shalt  }
0x68: {  	_ =	shalt  }
0x69: {  	_ =	shalt  }
0x6a: {  	_ =	shalt  }
0x6b: {  	_ =	shalt  }
0x6c: {  	_ =	shalt  }
0x6d: {  	_ =	shalt  }
0x6e: {  	_ =	shalt  }
0x6f: {  	_ =	shalt  }
0x70: {  	_ =	shalt  }
0x71: {  	_ =	shalt  }
0x72: {  	_ =	shalt  }
0x73: {  	_ =	shalt  }
0x74: {  	_ =	shalt  }
0x75: {  	_ =	shalt  }
0x76: {  	_ =	shalt  }
0x77: {  	_ =	shalt  }
0x78: {  	_ =	shalt  }
0x79: {  	_ =	shalt  }
0x7a: {  	_ =	shalt  }
0x7b: {  	_ =	shalt  }
0x7c: {  	_ =	shalt  }
0x7d: {  	_ =	shalt  }
0x7e: {  	_ =	shalt  }
0x7f: {  	_ =	shalt  }
0x80: {  	_ =	shalt  }
0x81: {  	_ =	shalt  }
0x82: {  	_ =	shalt  }
0x83: {  	_ =	shalt  }
0x84: {  	_ =	shalt  }
0x85: {  	_ =	shalt  }
0x86: {  	_ =	shalt  }
0x87: {  	_ =	shalt  }
.Lfunc_end0:
.L_simem_size_0:
called_computation.3_lowered:
.L_overlay_start_0:
0x88: {  	s2 =	sld [smem:$0x3FD9]  }
0x89: {  	s3 =	sld [smem:$0x3FFE];
	_ =	sdelay $0x1  }
0x8a: {  	s1 =	srdreg.scid  }
0x8b: {  	s0 =	sand.u32 $0x1, s1  }
0x8c: {  	s16 =	sshll.u32 s0, $0xA;
	s2 =	sadd.s32 s3, s2  }
0x8d: {  	s2 =	sadd.s32 s2, s16  }
0x8e: {  	[smem:$0x3FC0] =	sst s2  }
0x8f: {  	_ = 	snop  }
0x90: {  	(tm) =	ssettm $0x1  }
0x91: {  	s17 =	sld [smem:$0x3FFB];
	_ =	sdelay $0x3  }
0x92: {  	_ =	strace s17  }
0x93: {  	s2 =	sld [smem:$0x3FFC];
	_ =	sdelay $0x3  }
0x94: {  	_ =	strace s2  }
0x95: {  	s2 =	sld [smem:$0x3FFD];
	_ =	sdelay $0x3  }
0x96: {  	_ =	strace s2  }
0x97: {  	_ =	strace $0x8FFFFFFF  }
0x98: {  	s18 =	sld [smem:$0x3FDB];
	_ =	sdelay $0x1  }
0x99: {  	s19 =	simm.s32 $_scs_section_size  }
0x9a: {  	s4 =	simm.s32 $_size__tile_overlayer_lowered;
	s5 =	simm.s32 $_tile_overlayer_lowered  }
0x9b: {  	s22 =	simm.s32 $0x1BFF;
	s21 =	sshll.u32 s5, $0x1;
	s2 =	sadd.s32 s19, s18  }
0x9c: {  	s6 =	simm.s32 $0x0;
	s20 =	sshll.u32 s4, $0x1;
	s4 =	sadd.s32 s21, s2  }
0x9d: {  	[timem:s6], [sflag:s22] =	dma.local [hbm:s4], s20  }
0x9e: {  	_ =	swait.ge [sflag:s22], s20  }
0x9f: {  	s3 =	ssub.s32 $0x0, s20;
	[sflag:s22] =	ssyncset.done $0x0  }
0xa0: {  	[sflag:s22] =	ssyncadd.s32 s3;
	_ =	sdelay $0x1  }
0xa1: {  	s23 =	simm.s32 $0x1B8B  }
0xa2: {  	_ =	swait.ge [sflag:s23], $0x1  }
0xa3: {  	[sflag:s23] =	ssyncset.done $0x0  }
0xa4: {  	s25 =	simm.s32 $0x1B8E;
	s24 =	sld [smem:$0x3FFE];
	[sflag:s23] =	ssyncadd.s32 $0xFFFFFFFF  }
0xa5: {  	s26 =	simm.s32 $execute0_lowered;
	[smem:$0x3FD2] =	sst s25  }
0xa6: {  	s4 =	sshll.u32 s26, $0x1;
	_ =	strace $0x8000004F;
	[dreg:$0x1] =	wrdreg $0xFFFFFFFF  }
0xa7: {  	s28 =	simm.s32 $_size_execute0_lowered;
	s2 =	sadd.s32 s2, s4;
	[dreg:$0x0] =	wrdreg $0x0  }
0xa8: {  	s4 =	sshll.u32 s28, $0x1;
	[dreg:$0x2] =	wrdreg s2  }
0xa9: {  	[dreg:$0x3] =	wrdreg s4  }
0xaa: {  	[dreg:$0x4] =	wrdreg $0xC0  }
0xab: {  	_ =	task [dreg:s6], $0x5FFFF  }
0xac: {  	[dreg:$0x1] =	wrdreg $0xFFFFFFFF  }
0xad: {  	[dreg:$0x0] =	wrdreg $0x60  }
0xae: {  	[dreg:$0x2] =	wrdreg s24  }
0xaf: {  	[dreg:$0x3] =	wrdreg $0x9  }
0xb0: {  	_ =	task.clear_ibuf [dreg:s6], $0x4FFFF;
	_ =	strace $0x9000004F  }
0xb1: {  	s29 =	simm.s32 $0x9;
	_ =	strace $0x80000051  }
0xb2: {  	_ =	swait.ge [sflag:s29], $0x1  }
0xb3: {  	[sflag:s29] =	ssyncadd.s32 $0xFFFFFFFF  }
0xb4: {  	_ =	strace $0x90000051  }
0xb5: {  	_ =	sfence  }
0xb6: {  	s30 =	sld [smem:$0x0];
	_ =	sdelay $0x2  }
0xb7: {  	s31 =	sshll.u32 s1, $0xD;
	s1 =	sshrl.u32 s1, $0x2  }
0xb8: {  	s3 =	sand.u32 $0x4000, s31;
	s1 =	sadd.s32 s1, s30  }
0xb9: {  	s0 =	sor.u32 s3, s0;
	s1 =	sshll.u32 s1, $0x11  }
0xba: {  	s0 =	sor.u32 s1, s0  }
0xbb: {  	s0 =	sadd.s32 $0x8F2B, s0  }
0xbc: {  	[sflag:s0] =	ssyncadd.remote.s32 $0x1  }
0xbd: {  	_ =	sfence.sel $0xFFFF  }
0xbe: {  	[dreg:$0x0] =	wrdreg $0xFFFFFFFF;
	(pc) =	sbr.abs _section_cstart, $3  }
0xbf: {  	[dreg:$0x1] =	wrdreg $0xFFFFFFFF  }
0xc0: {  	_ =	task.clear_ibuf [dreg:s6], $0x2FFFF;
	_ =	strace $0x9FFFFFFF  }
0xc1: {  	(tm) =	ssettm $0x7FFFFFFF  }
tec
execute0_lowered:
.L_overlay_start_1:
0x0: {  	(tag) =	ssettag $0x1  }
0x1: {  	s9 =	rddreg [dreg:$0x0]  }
0x2: {  	s0 =	rddreg [dreg:$0x1];
	s1 =	simm.s32 $0x0  }
0x3: {  	s7 =	srdreg.scid;
	s3 =	stileid.u32;
	s14 =	simm.s32 $0x1  }
0x4: {  	s15 =	simm.s32 $0x2080;
	s16 =	simm.s32 $0x4080;
	s17 =	simm.s32 $0x6080  }
0x5: {  	s18 =	simm.s32 $0x8080;
	s19 =	simm.s32 $0x0;
	[smem:$0x7FF] =	sst s1  }
0x6: {  	s2 =	sadd.s32 $0x4200, s9;
	s4 =	sadd.s32 $0xC7800, s9;
	s5 =	sadd.s32 $0x15A200, s9  }
0x7: {  	s6 =	sadd.s32 $0x1BBE00, s9;
	s10 =	sand.u32 $0x1, s7;
	s7 =	sadd.s32 $0x65E00, s9  }
0x8: {  	s12 =	sshll.u32 s3, $0x1;
	s8 =	sadd.s32 $0x129400, s9;
	s11 =	ssub.s32 $0x2, s10  }
0x9: {  	s9 =	sadd.s32 $0x141400, s9;
	_ =	strace $0x80000050;
	s13 =	sshrl.u32 s11, $0x1  }
0xa: {  	s10 =	sor.u32 s10, s12;
	s12 =	simm.s32 $0x2;
	s11 =	ssub.s32 s11, s13  }
0xb: {  	s10 =	smul.u32 $0x180, s10;
	s13 =	simm.s32 $0x80;
	s11 =	smax.u32 s11, $0x1  }
.LBB2_1:
0xc: {  	s20 =	simm.s32 $0x0  }
.LBB2_2:
0xd: {  	s21 =	sshll.u32 s20, $0x7  }
0xe: {  	s21 =	sadd.s32 s10, s21  }
0xf: {  	s22 =	sshrl.u32 s21, $0x3  }
0x10: {  	s23 =	simm.s32 $0x0;
	s22 =	sadd.s32 s7, s22  }
0x11: {  	[tilespmem:s23], [sflag:$0x2] =	stream.linear.gather [hbm4b:s22+s23], $0x80, $0x38;
	[tilespmem:$0xA080] =	vst v63  }
0x12: {  	_ =	swait.ge [sflag:s12], $0x80  }
0x13: {  	[sflag:s12] =	ssyncset.done $0x0  }
0x14: {  	[sflag:s12] =	ssyncadd.s32 $0xFFFFFF80  }
0x15: {  	[tilespmem:s13], [sflag:$0x1] =	stream.indirect.gather [hbm4b:s2+s13], $0x40, s23, s13, $0xb8;
	[tilespmem:$0xA080] =	vst v63  }
0x16: {  	_ =	swait.ge [sflag:s14], $0x2000  }
0x17: {  	[sflag:s14] =	ssyncset.done $0x0  }
0x18: {  	[sflag:s14] =	ssyncadd.s32 $0xFFFFE000  }
0x19: {  	[tilespmem:s15], [sflag:$0x1] =	stream.indirect.gather [hbm4b:s4+s13], $0x40, s23, s13, $0xb8;
	[tilespmem:$0xA080] =	vst v63  }
0x1a: {  	_ =	swait.ge [sflag:s14], $0x2000  }
0x1b: {  	[sflag:s14] =	ssyncset.done $0x0  }
0x1c: {  	[sflag:s14] =	ssyncadd.s32 $0xFFFFE000  }
0x1d: {  	[tilespmem:s16], [sflag:$0x1] =	stream.indirect.gather [hbm4b:s5+s13], $0x40, s23, s13, $0xb8;
	[tilespmem:$0xA080] =	vst v63  }
0x1e: {  	_ =	swait.ge [sflag:s14], $0x2000  }
0x1f: {  	[sflag:s14] =	ssyncset.done $0x0  }
0x20: {  	[sflag:s14] =	ssyncadd.s32 $0xFFFFE000  }
0x21: {  	[tilespmem:s17], [sflag:$0x1] =	stream.indirect.gather [hbm4b:s6+s13], $0x40, s23, s13, $0xb8;
	[tilespmem:$0xA080] =	vst v63  }
0x22: {  	_ =	swait.ge [sflag:s14], $0x2000  }
0x23: {  	[sflag:s14] =	ssyncset.done $0x0  }
0x24: {  	s22 =	simm.s32 $0x0;
	[sflag:s14] =	ssyncadd.s32 $0xFFFFE000  }
0x25: {  	v0 =	vld [tilespmem:s22+$0x20B0]  }
0x26: {  	v1 =	vld [tilespmem:s22+$0x40B0]  }
0x27: {  	v3 =	vld [tilespmem:s22+$0x2080]  }
0x28: {  	v2 =	vld [tilespmem:s22+$0x60B0]  }
0x29: {  	v5 =	vld [tilespmem:s22+$0x4080]  }
0x2a: {  	v4 =	vld [tilespmem:s22+$0xB0]  }
0x2b: {  	v6 =	vld [tilespmem:s22+$0x2090]  }
0x2c: {  	v7 =	vld [tilespmem:s22+$0x4090];
	v0 =	vadd.f32 v1, v0  }
0x2d: {  	v8 =	vld [tilespmem:s22+$0x20A0]  }
0x2e: {  	v9 =	vld [tilespmem:s22+$0x40A0];
	v0 =	vadd.f32 v2, v0  }
0x2f: {  	v10 =	vld [tilespmem:s22+$0x6080]  }
0x30: {  	v11 =	vld [tilespmem:s22+$0x6090];
	v1 =	vmul.f32 $4.000000060e-01, v4;
	v0 =	vmul.f32 $2.000000030e-01, v0  }
0x31: {  	v2 =	vld [tilespmem:s22+$0x60A0]  }
0x32: {  	v4 =	vld [tilespmem:s22+$0x80];
	v12 =	vadd.f32 v5, v3;
	v0 =	vadd.f32 v0, v1  }
0x33: {  	v6 =	vadd.f32 v7, v6;
	v1 =	vld [tilespmem:s22+$0x90]  }
0x34: {  	s23 =	simm.s32 $0x40;
	v5 =	vadd.f32 v9, v8;
	v3 =	vld [tilespmem:s22+$0xA0];
	v7 =	vadd.f32 v10, v12;
	[tilespmem:s22+$0x80B0] =	vst v0  }
0x35: {  	s24 =	simm.s32 $0x200;
	v6 =	vadd.f32 v11, v6;
	v0 =	vld [tilespmem:s23+$0x20B0]  }
.LBB2_3:
0x36: {  	p0 =	sne.s32 s24, $0x7F00;
	v8 =	vld [tilespmem:s23+$0x40B0];
	v7 =	vmul.f32 $2.000000030e-01, v7;
	v2 =	vadd.f32 v2, v5  }
0x37: {  	v5 =	vld [tilespmem:s23+$0x2080];
	v4 =	vmul.f32 $4.000000060e-01, v4;
	v6 =	vmul.f32 $2.000000030e-01, v6  }
0x38: {  	v9 =	vld [tilespmem:s23+$0x60B0];
	v1 =	vmul.f32 $4.000000060e-01, v1;
	v2 =	vmul.f32 $2.000000030e-01, v2  }
0x39: {  	v10 =	vld [tilespmem:s23+$0x4080];
	v4 =	vadd.f32 v7, v4;
	v3 =	vmul.f32 $4.000000060e-01, v3  }
0x3a: {  	v7 =	vld [tilespmem:s23+$0xB0];
	v1 =	vadd.f32 v6, v1  }
0x3b: {  	v6 =	vld [tilespmem:s23+$0x2090];
	v0 =	vadd.f32 v8, v0;
	[tilespmem:s22+$0x8080] =	vst v4;
	v2 =	vadd.f32 v2, v3  }
0x3c: {  	v3 =	vld [tilespmem:s23+$0x4090];
	[tilespmem:s22+$0x8090] =	vst v1  }
0x3d: {  	v8 =	vld [tilespmem:s23+$0x20A0];
	v0 =	vadd.f32 v9, v0;
	[tilespmem:s22+$0x80A0] =	vst v2;
	s22 =	smov.u32 s23  }
0x3e: {  	v9 =	vadd.f32 v10, v5;
	v5 =	vld [tilespmem:s22+$0x40A0]  }
0x3f: {  	v10 =	vld [tilespmem:s22+$0x6080];
	v1 =	vmul.f32 $4.000000060e-01, v7;
	v0 =	vmul.f32 $2.000000030e-01, v0  }
0x40: {  	v11 =	vld [tilespmem:s22+$0x6090]  }
.Ltmp0:
0x41: {  	v6 =	vadd.f32 v3, v6;
	v2 =	vld [tilespmem:s22+$0x60A0];
	v0 =	vadd.f32 v0, v1;
	(pc) =	sbr.rel @p0 .LBB2_3-.Ltmp0, $4  }
0x42: {  	v4 =	vld [tilespmem:s22+$0x80]  }
0x43: {  	v1 =	vld [tilespmem:s22+$0x90];
	v5 =	vadd.f32 v5, v8;
	[tilespmem:s22+$0x80B0] =	vst v0  }
0x44: {  	s23 =	sshra.s32 s24, $0x2;
	v7 =	vadd.f32 v10, v9;
	v3 =	vld [tilespmem:s22+$0xA0]  }
0x45: {  	s24 =	sadd.s32 $0x100, s24;
	v0 =	vld [tilespmem:s23+$0x20B0];
	v6 =	vadd.f32 v11, v6  }
0x46: {  	v8 =	vld [tilespmem:s23+$0x40B0]  }
0x47: {  	v9 =	vld [tilespmem:s23+$0x2080];
	v7 =	vmul.f32 $2.000000030e-01, v7;
	v2 =	vadd.f32 v2, v5;
	v4 =	vmul.f32 $4.000000060e-01, v4  }
0x48: {  	v10 =	vld [tilespmem:s23+$0x60B0];
	v6 =	vmul.f32 $2.000000030e-01, v6;
	v1 =	vmul.f32 $4.000000060e-01, v1  }
0x49: {  	v50 =	vld [tilespmem:s23+$0x4080];
	v2 =	vmul.f32 $2.000000030e-01, v2;
	v4 =	vadd.f32 v7, v4;
	v3 =	vmul.f32 $4.000000060e-01, v3  }
0x4a: {  	v51 =	vld [tilespmem:s23+$0xB0];
	v1 =	vadd.f32 v6, v1  }
0x4b: {  	v11 =	vld [tilespmem:s23+$0x2090];
	[tilespmem:s22+$0x8080] =	vst v4;
	v2 =	vadd.f32 v2, v3  }
0x4c: {  	v4 =	vld [tilespmem:s23+$0x4090];
	[tilespmem:s22+$0x8090] =	vst v1  }
0x4d: {  	v1 =	vld [tilespmem:s23+$0x20A0];
	[tilespmem:s22+$0x80A0] =	vst v2  }
0x4e: {  	v0 =	vadd.f32 v8, v0;
	v2 =	vld [tilespmem:s23+$0x40A0]  }
0x4f: {  	v52 =	vld [tilespmem:s23+$0x6080]  }
0x50: {  	v0 =	vadd.f32 v10, v0;
	v54 =	vld [tilespmem:s23+$0x6090]  }
0x51: {  	v55 =	vld [tilespmem:s23+$0x60A0]  }
0x52: {  	v53 =	vmul.f32 $4.000000060e-01, v51;
	v56 =	vld [tilespmem:s23+$0x80];
	v0 =	vmul.f32 $2.000000030e-01, v0  }
0x53: {  	v5 =	vadd.f32 v50, v9;
	v57 =	vld [tilespmem:s23+$0x90]  }
0x54: {  	v59 =	vld [tilespmem:s23+$0xA0];
	v0 =	vadd.f32 v0, v53;
	v58 =	vadd.f32 v4, v11  }
0x55: {  	v1 =	vadd.f32 v2, v1;
	v60 =	vadd.f32 v52, v5  }
0x56: {  	[tilespmem:s23+$0x80B0] =	vst v0;
	v0 =	vadd.f32 v54, v58  }
0x57: {  	v61 =	vmul.f32 $4.000000060e-01, v56;
	v2 =	vmul.f32 $2.000000030e-01, v60;
	v1 =	vadd.f32 v55, v1  }
0x58: {  	v62 =	vmul.f32 $4.000000060e-01, v57;
	v0 =	vmul.f32 $2.000000030e-01, v0  }
0x59: {  	v63 =	vmul.f32 $4.000000060e-01, v59;
	v1 =	vmul.f32 $2.000000030e-01, v1;
	v2 =	vadd.f32 v2, v61  }
0x5a: {  	v0 =	vadd.f32 v0, v62  }
0x5b: {  	[tilespmem:s23+$0x8080] =	vst v2;
	v1 =	vadd.f32 v1, v63  }
0x5c: {  	s21 =	sshll.u32 s21, $0x3;
	[tilespmem:s23+$0x8090] =	vst v0  }
0x5d: {  	s31 =	sadd.s32 s8, s21;
	[tilespmem:s23+$0x80A0] =	vst v1  }
0x5e: {  	[hbm4b:s31+s1] =	stream.linear.scatter [tilespmem:s18], [sflag:$0x2], $0x2000, $0x38;
	[tilespmem:$0xA080] =	vst v63  }
0x5f: {  	s20 =	sadd.s32 $0x1, s20;
	_ =	swait.ge [sflag:s12], $0x2000  }
0x60: {  	p0 =	sne.s32 s20, $0x3;
	[sflag:s12] =	ssyncset.done $0x0  }
.Ltmp1:
0x61: {  	s21 =	sadd.s32 s9, s21;
	[sflag:s12] =	ssyncadd.s32 $0xFFFFE000;
	(pc) =	sbr.rel @p0 .LBB2_2-.Ltmp1, $4  }
0x62: {  	[hbm4b:s21+s1] =	stream.linear.scatter [tilespmem:s13], [sflag:$0x2], $0x2000, $0x38;
	[tilespmem:$0xA080] =	vst v63  }
0x63: {  	_ =	swait.ge [sflag:s12], $0x2000  }
0x64: {  	[sflag:s12] =	ssyncset.done $0x0  }
0x65: {  	[sflag:s12] =	ssyncadd.s32 $0xFFFFE000  }
0x66: {  	s19 =	sadd.s32 $0x1, s19  }
0x67: {  	p0 =	sne.s32 s19, s11  }
.Ltmp2:
0x68: {  	_ = 	snop;
	(pc) =	sbr.rel @p0 .LBB2_1-.Ltmp2, $1  }
0x69: {  	_ =	sdelay $0x3  }
0x6a: {  	_ =	sfence.sel $0x180000  }
0x6b: {  	[bflag:$0x0] =	sbarrier.arrive $0xFFFF  }
0x6c: {  	p0 =	sne.s32 s3, $0x0;
	_ =	strace $0x90000050  }
0x6d: {  	s0 =	sadd.s32 @!p0 $0x100000, s0;
	[bflag:$0x2] =	sbarrier.arrive $0xFFFF  }
0x6e: {  	[sflag:s0] =	ssyncadd.tile.s32 @!p0 $0x1;
	_ =	shalt  }
.Lfunc_end2:
_tile_overlayer_lowered:
.L_overlay_start_2:
0x6f: {  	(tag) =	ssettag $0x2  }
0x70: {  	s0 =	rddreg [dreg:$0x0];
	s2 =	stileid.u32  }
0x71: {  	s1 =	rddreg [dreg:$0x1];
	p0 =	sne.s32 s2, $0x0  }
0x72: {  	s3 =	rddreg [dreg:$0x2];
	[bflag:$0x3] =	sbarrier.arrive $0xFFFF;
	s2 =	simm.s32 @!p0 $0x1C02  }
0x73: {  	[timem:s3], [sflag:s2] =	dma.local @!p0 [hbm:s0], s1  }
0x74: {  	s0 =	simm.s32 @!p0 $0x2  }
0x75: {  	_ =	swait.ge @!p0 [sflag:s0], s1  }
0x76: {  	s1 =	ssub.s32 @!p0 $0x0, s1;
	[sflag:s0] =	ssyncset.done @!p0 $0x0  }
0x77: {  	[sflag:s0] =	ssyncadd.s32 @!p0 s1  }
0x78: {  	[bflag:$0x3] =	sbarrier.arrive $0xFFFF  }
0x79: {  	_ =	shalt  }

</sc_bundles>
